<compile_context>
chip_gen: v7x
topology: tpu7x:2x2x1
jax: 0.10.2.dev20260603
libtpu: 0.0.44.dev20260713+nightly
codegen_flags: <defaults>
</compile_context>

<pallas_src>
import jax
import jax.numpy as jnp
from jax import lax
from jax.experimental import pallas as pl
from jax.experimental.pallas import tpu as pltpu
from jax.experimental.pallas import tpu_sc as plsc

N_USERS = 2000
N_NODES = 10000
D = 128
E = 320000
ALPHA = 0.25

NC = 2
NS = 16
LN = 16
NW = NC * NS
NF = D // LN

NP = 10240
PW = NP // NW
PT = NP // NS
EPW = E // NW
CH = 125
NCHK = EPW // CH


def _mesh():
  return plsc.VectorSubcoreMesh(
      core_axis_name="c", subcore_axis_name="s", num_cores=NC, num_subcores=NS)


def _wid():
  return lax.axis_index("s") * NC + lax.axis_index("c")


def _rsqrt16(v):
  i = lax.bitcast_convert_type(v, jnp.int32)
  i = jnp.int32(0x5F3759DF) - lax.shift_right_logical(i, 1)
  y = lax.bitcast_convert_type(i, jnp.float32)
  for _ in range(3):
    y = y * (1.5 - 0.5 * v * y * y)
  return y


def _k1_body(cols, degp, colv, degv):
  w = _wid()

  @pl.loop(0, NP // LN)
  def _zero(g):
    degv[pl.ds(g * LN, LN)] = jnp.zeros((LN,), jnp.float32)

  pltpu.sync_copy(cols.at[pl.ds(w * EPW, EPW)], colv)
  ones = jnp.ones((LN,), jnp.float32)

  @pl.loop(0, EPW // LN)
  def _acc(g):
    idx = colv[pl.ds(g * LN, LN)]
    plsc.addupdate_scatter(degv, [idx], ones)

  pltpu.sync_copy(degv, degp.at[w])


def _k1():
  return pl.kernel(
      _k1_body,
      out_type=jax.ShapeDtypeStruct((NW, NP), jnp.float32),
      mesh=_mesh(),
      compiler_params=pltpu.CompilerParams(needs_layout_passes=False, use_tc_tiling_on_sc=False),
      scratch_types=[
          pltpu.VMEM((EPW,), jnp.int32),
          pltpu.VMEM((NP,), jnp.float32),
      ],
  )


NPB = 1280
NBLK = NP // NPB


def _k2_tc_body(degp_ref, x_ref, dis_ref, g0_ref):
  deg = jnp.sum(degp_ref[...], axis=0)
  rs = lax.rsqrt(jnp.maximum(deg, 1.0))
  dis = jnp.where(deg > 0.0, rs, 0.0)
  dis_ref[...] = dis[:, None]
  g0_ref[...] = (x_ref[...] * dis[:, None]).astype(jnp.bfloat16)


def _k2_tc(degp, xp):
  return pl.pallas_call(
      _k2_tc_body,
      grid=(NBLK,),
      in_specs=[
          pl.BlockSpec((NW, NPB), lambda j: (0, j)),
          pl.BlockSpec((NPB, D), lambda j: (j, 0)),
      ],
      out_specs=(
          pl.BlockSpec((NPB, 1), lambda j: (j, 0)),
          pl.BlockSpec((NPB, D), lambda j: (j, 0)),
      ),
      out_shape=(
          jax.ShapeDtypeStruct((NP, 1), jnp.float32),
          jax.ShapeDtypeStruct((NP, D), jnp.bfloat16),
      ),
  )(degp, xp)


ZR = 64
SB = 20
NSB = NCHK // SB
NB = 5
NGRP = SB // NB


def _k3_body(g, rows3, cols3, p, rowv, colv, zbuf, acc, *bufs_and_sems):
  gbufs = bufs_and_sems[:NB]
  sg = bufs_and_sems[NB:2 * NB]
  ss = bufs_and_sems[2 * NB:3 * NB]
  c = lax.axis_index("c")
  s = lax.axis_index("s")
  w = s * NC + c

  @pl.loop(0, ZR)
  def _zz(i):
    for f in range(D // 32):
      zbuf[i, pl.ds(f * 32, 32)] = jnp.zeros((32,), jnp.bfloat16)

  for r in range(PT // ZR):
    pltpu.sync_copy(zbuf, acc.at[pl.ds(s * PT + r * ZR, ZR)])

  plsc.subcore_barrier()

  def _wait_gather(b, j):
    pltpu.make_async_copy(g.at[rowv.at[j]], gbufs[b], sg[b]).wait()

  def _wait_scatter(b, j):
    pltpu.make_async_copy(gbufs[b], acc.at[colv.at[j]], ss[b]).wait()

  @pl.loop(0, NSB)
  def _slab(js):
    pltpu.sync_copy(rows3.at[w, pl.ds(js * SB, SB)], rowv)
    pltpu.sync_copy(cols3.at[w, pl.ds(js * SB, SB)], colv)

    for b in range(NB):
      pltpu.async_copy(g.at[rowv.at[b]], gbufs[b], sg[b])

    @pl.loop(0, NGRP - 1)
    def _grp(gi):
      base = gi * NB
      for b in range(NB):
        _wait_gather(b, base + b)
        pltpu.async_copy(gbufs[b], acc.at[colv.at[base + b]], ss[b], add=True)
      for b in range(NB):
        _wait_scatter(b, base + b)
        pltpu.async_copy(g.at[rowv.at[base + NB + b]], gbufs[b], sg[b])

    last = (NGRP - 1) * NB
    for b in range(NB):
      _wait_gather(b, last + b)
      pltpu.async_copy(gbufs[b], acc.at[colv.at[last + b]], ss[b], add=True)
    for b in range(NB):
      _wait_scatter(b, last + b)

  plsc.subcore_barrier()
  pltpu.sync_copy(acc.at[pl.ds(s * PT, PT)], p.at[c, pl.ds(s * PT, PT)])


def _k3():
  return pl.kernel(
      _k3_body,
      out_type=jax.ShapeDtypeStruct((NC, NP, D), jnp.bfloat16),
      mesh=_mesh(),
      compiler_params=pltpu.CompilerParams(needs_layout_passes=False, use_tc_tiling_on_sc=False),
      scratch_types=[
          pltpu.VMEM((SB, CH), jnp.int32),
          pltpu.VMEM((SB, CH), jnp.int32),
          pltpu.VMEM((ZR, D), jnp.bfloat16),
          pltpu.VMEM_SHARED((NP, D), jnp.bfloat16),
      ] + [pltpu.VMEM((CH, D), jnp.bfloat16) for _ in range(NB)]
        + [pltpu.SemaphoreType.DMA for _ in range(2 * NB)],
  )


def _k4_tc_body(p_ref, dis_ref, g_ref):
  d2 = dis_ref[...] * dis_ref[...]
  s = p_ref[0].astype(jnp.float32) + p_ref[1].astype(jnp.float32)
  g_ref[...] = (s * d2).astype(jnp.bfloat16)


def _k4_tc(p, dis):
  return pl.pallas_call(
      _k4_tc_body,
      grid=(NBLK,),
      in_specs=[
          pl.BlockSpec((NC, NPB, D), lambda j: (0, j, 0)),
          pl.BlockSpec((NPB, 1), lambda j: (j, 0)),
      ],
      out_specs=pl.BlockSpec((NPB, D), lambda j: (j, 0)),
      out_shape=jax.ShapeDtypeStruct((NP, D), jnp.bfloat16),
  )(p, dis)


def _k5a_tc_body(x_ref, p1_ref, p2_ref, p3_ref, dis_ref, out_ref, stats_ref,
                 acc):
  j = pl.program_id(0)
  s = (p1_ref[0].astype(jnp.float32) + p1_ref[1].astype(jnp.float32)
       + p2_ref[0].astype(jnp.float32) + p2_ref[1].astype(jnp.float32)
       + p3_ref[0].astype(jnp.float32) + p3_ref[1].astype(jnp.float32))
  o = ALPHA * (x_ref[...] + dis_ref[...] * s)
  out_ref[...] = o

  @pl.when(j == 0)
  def _():
    acc[...] = jnp.zeros_like(acc)

  acc[0, :] += jnp.sum(o, axis=0)
  acc[1, :] += jnp.sum(o * o, axis=0)

  @pl.when(j == NBLK - 1)
  def _():
    stats_ref[...] = acc[...]


def _k5a_tc(xp, p1, p2, p3, dis):
  return pl.pallas_call(
      _k5a_tc_body,
      grid=(NBLK,),
      in_specs=[
          pl.BlockSpec((NPB, D), lambda j: (j, 0)),
          pl.BlockSpec((NC, NPB, D), lambda j: (0, j, 0)),
          pl.BlockSpec((NC, NPB, D), lambda j: (0, j, 0)),
          pl.BlockSpec((NC, NPB, D), lambda j: (0, j, 0)),
          pl.BlockSpec((NPB, 1), lambda j: (j, 0)),
      ],
      out_specs=(
          pl.BlockSpec((NPB, D), lambda j: (j, 0)),
          pl.BlockSpec((2, D), lambda j: (0, 0)),
      ),
      out_shape=(
          jax.ShapeDtypeStruct((NP, D), jnp.float32),
          jax.ShapeDtypeStruct((2, D), jnp.float32),
      ),
      scratch_shapes=[pltpu.VMEM((2, D), jnp.float32)],
  )(xp, p1, p2, p3, dis)


def _k5b_tc_body(o_ref, stats_ref, w_ref, b_ref, y_ref):
  inv_n = jnp.float32(1.0 / N_NODES)
  mean = stats_ref[0, :][None, :] * inv_n
  var = stats_ref[1, :][None, :] * inv_n - mean * mean
  scale = w_ref[...] * lax.rsqrt(var + 1e-5)
  y_ref[...] = (o_ref[...] - mean) * scale + b_ref[...]


def _k5b_tc(outb, stats, bnw, bnb):
  return pl.pallas_call(
      _k5b_tc_body,
      grid=(NBLK,),
      in_specs=[
          pl.BlockSpec((NPB, D), lambda j: (j, 0)),
          pl.BlockSpec((2, D), lambda j: (0, 0)),
          pl.BlockSpec((1, D), lambda j: (0, 0)),
          pl.BlockSpec((1, D), lambda j: (0, 0)),
      ],
      out_specs=pl.BlockSpec((NPB, D), lambda j: (j, 0)),
      out_shape=jax.ShapeDtypeStruct((NP, D), jnp.float32),
  )(outb, stats, bnw, bnb)


def kernel(x, edge_index, bn_weight, bn_bias):
  x = x.astype(jnp.float32)
  xp = jnp.zeros((NP, D), jnp.float32).at[:N_NODES].set(x)
  rows3 = edge_index[0].reshape(NW, NCHK, CH)
  cols3 = edge_index[1].reshape(NW, NCHK, CH)
  cols_flat = edge_index[1]

  degp = _k1()(cols_flat)
  dis, g0 = _k2_tc(degp, xp)
  k3 = _k3()
  p1 = k3(g0, rows3, cols3)
  g1 = _k4_tc(p1, dis)
  p2 = k3(g1, rows3, cols3)
  g2 = _k4_tc(p2, dis)
  p3 = k3(g2, rows3, cols3)
  outb, stats = _k5a_tc(xp, p1, p2, p3, dis)
  y = _k5b_tc(outb, stats, bn_weight.reshape(1, D), bn_bias.reshape(1, D))
  return (y[:N_USERS], y[N_USERS:N_NODES])

# --- scband reference (transcript-rebuilt; emitter-appended) ---
"""Pipeline reference for scband-lgn-encoder-19344532701199 (READ-ONLY COPY).

The authoritative reference and input builder live on the scoring server;
editing this copy changes nothing except your own understanding.
"""

import jax, jax.numpy as jnp
import numpy as np

N_USERS = 2000
N_ITEMS = 8000
N_NODES = N_USERS + N_ITEMS
D = 128
N_EDGES = 320000
N_LAYERS = 3


def setup_inputs(seed: int = 0) -> dict:
    key = jax.random.key(seed)
    k1, k2 = jax.random.split(key, 2)
    x = jax.random.normal(k1, (N_NODES, D), dtype=jnp.float32)
    edge_index = jax.random.randint(k2, (2, N_EDGES), 0, N_NODES, dtype=jnp.int32)
    # BatchNorm1d learned parameters over feature dim D
    bn_weight = jnp.ones((D,), dtype=jnp.float32)
    bn_bias = jnp.zeros((D,), dtype=jnp.float32)
    return {"x": x, "edge_index": edge_index, "bn_weight": bn_weight, "bn_bias": bn_bias}


def _lgconv(x, edge_index):
    # PyG LGConv: symmetric gcn_norm without self-loops, then scatter-add aggregation
    row = edge_index[0]
    col = edge_index[1]
    deg = jnp.zeros((N_NODES,), dtype=x.dtype).at[col].add(1.0)
    deg_inv_sqrt = jnp.where(deg > 0, 1.0 / jnp.sqrt(jnp.maximum(deg, 1.0)), 0.0)
    norm = deg_inv_sqrt[row] * deg_inv_sqrt[col]
    msg = x[row] * norm[:, None]
    return jnp.zeros_like(x).at[col].add(msg)


def reference(x, edge_index, bn_weight, bn_bias):
    alpha = 1.0 / (N_LAYERS + 1)
    out = x * alpha
    h = x
    for _ in range(N_LAYERS):
        h = _lgconv(h, edge_index)
        out = out + h * alpha
    # BatchNorm1d (training mode: batch statistics, biased variance)
    mean = jnp.mean(out, axis=0)
    var = jnp.var(out, axis=0)
    out = (out - mean) / jnp.sqrt(var + 1e-5) * bn_weight + bn_bias
    users = out[:N_USERS]
    items = out[N_USERS:]
    return (users, items)

if __name__ == "__main__":
    import jax
    _d = setup_inputs()
    print(jax.jit(kernel)(*tuple(_d.values())))

</pallas_src>

<mosaic_0001>
#map = affine_map<(d0, d1) -> (0, 0)>
#map1 = affine_map<(d0, d1) -> (0, 0, 0)>
module attributes {stable_mosaic.version = 14 : i64} {
  func.func @_k3_body(%arg0: i32, %arg1: i32, %arg2: memref<10240x128xbf16, #tpu.memory_space<hbm>>, %arg3: memref<32x80x125xi32, #tpu.memory_space<hbm>>, %arg4: memref<32x80x125xi32, #tpu.memory_space<hbm>>, %arg5: memref<2x10240x128xbf16, #tpu.memory_space<hbm>>, %arg6: memref<20x125xi32, #tpu.memory_space<vmem>>, %arg7: memref<20x125xi32, #tpu.memory_space<vmem>>, %arg8: memref<64x128xbf16, #tpu.memory_space<vmem>>, %arg9: memref<10240x128xbf16, #tpu.memory_space<vmem_shared>>, %arg10: memref<125x128xbf16, #tpu.memory_space<vmem>>, %arg11: memref<125x128xbf16, #tpu.memory_space<vmem>>, %arg12: memref<125x128xbf16, #tpu.memory_space<vmem>>, %arg13: memref<125x128xbf16, #tpu.memory_space<vmem>>, %arg14: memref<125x128xbf16, #tpu.memory_space<vmem>>, %arg15: memref<!tpu.dma_semaphore, #tpu.memory_space<semaphore_mem>>, %arg16: memref<!tpu.dma_semaphore, #tpu.memory_space<semaphore_mem>>, %arg17: memref<!tpu.dma_semaphore, #tpu.memory_space<semaphore_mem>>, %arg18: memref<!tpu.dma_semaphore, #tpu.memory_space<semaphore_mem>>, %arg19: memref<!tpu.dma_semaphore, #tpu.memory_space<semaphore_mem>>, %arg20: memref<!tpu.dma_semaphore, #tpu.memory_space<semaphore_mem>>, %arg21: memref<!tpu.dma_semaphore, #tpu.memory_space<semaphore_mem>>, %arg22: memref<!tpu.dma_semaphore, #tpu.memory_space<semaphore_mem>>, %arg23: memref<!tpu.dma_semaphore, #tpu.memory_space<semaphore_mem>>, %arg24: memref<!tpu.dma_semaphore, #tpu.memory_space<semaphore_mem>>) attributes {dimension_semantics = [#tpu.dimension_semantics<core_parallel>, #tpu.dimension_semantics<subcore_parallel>], iteration_bounds = array<i64: 2, 16>, scalar_prefetch = 0 : i64, scratch_operands = 19 : i64, tpu.core_type = #tpu.core_type<sc_vector_subcore>, window_params = [{transform_indices = #map}, {transform_indices = #map1}, {transform_indices = #map1}, {transform_indices = #map1}]} {
    %mul3A = arith.constant 2 : i32
    %mul3A_0 = arith.muli %arg1, %mul3A : i32
    %add3A = arith.addi %mul3A_0, %arg0 : i32
    %scan3A = arith.constant 0 : i32
    %scan3A_1 = arith.constant 64 : i32
    %scan3A_2 = arith.addi %scan3A, %scan3A_1 : i32
    %scan3A_3 = arith.constant 1 : i32
    scf.for %scan3A_55 = %scan3A to %scan3A_2 step %scan3A_3  : i32 {
      %mul3A_56 = arith.constant 1 : i32
      %mul3A_57 = arith.muli %scan3A_55, %mul3A_56 : i32
      %add3A_58 = arith.constant 0 : i32
      %add3A_59 = arith.addi %add3A_58, %mul3A_57 : i32
      %broadcast_in_dim3A = arith.constant 0.000000e+00 : bf16
      %broadcast_in_dim3A_60 = vector.broadcast %broadcast_in_dim3A : bf16 to vector<32xbf16>
      %swap3A = arith.index_cast %add3A_59 : i32 to index
      %swap3A_61 = arith.constant 0 : index
      %swap3A_62 = tpu.vector_load %arg8[%swap3A, %swap3A_61] {strides = array<i32>} : memref<64x128xbf16, #tpu.memory_space<vmem>>, vector<32xbf16>,
      tpu.vector_store %arg8[%swap3A, %swap3A_61], %broadcast_in_dim3A_60 {strides = array<i32>} : memref<64x128xbf16, #tpu.memory_space<vmem>>, vector<32xbf16>,
      %broadcast_in_dim3A_63 = arith.constant 0.000000e+00 : bf16
      %broadcast_in_dim3A_64 = vector.broadcast %broadcast_in_dim3A_63 : bf16 to vector<32xbf16>
      %swap3A_65 = arith.index_cast %add3A_59 : i32 to index
      %swap3A_66 = arith.constant 32 : index
      %swap3A_67 = tpu.vector_load %arg8[%swap3A_65, %swap3A_66] {strides = array<i32>} : memref<64x128xbf16, #tpu.memory_space<vmem>>, vector<32xbf16>,
      tpu.vector_store %arg8[%swap3A_65, %swap3A_66], %broadcast_in_dim3A_64 {strides = array<i32>} : memref<64x128xbf16, #tpu.memory_space<vmem>>, vector<32xbf16>,
      %broadcast_in_dim3A_68 = arith.constant 0.000000e+00 : bf16
      %broadcast_in_dim3A_69 = vector.broadcast %broadcast_in_dim3A_68 : bf16 to vector<32xbf16>
      %swap3A_70 = arith.index_cast %add3A_59 : i32 to index
      %swap3A_71 = arith.constant 64 : index
      %swap3A_72 = tpu.vector_load %arg8[%swap3A_70, %swap3A_71] {strides = array<i32>} : memref<64x128xbf16, #tpu.memory_space<vmem>>, vector<32xbf16>,
      tpu.vector_store %arg8[%swap3A_70, %swap3A_71], %broadcast_in_dim3A_69 {strides = array<i32>} : memref<64x128xbf16, #tpu.memory_space<vmem>>, vector<32xbf16>,
      %broadcast_in_dim3A_73 = arith.constant 0.000000e+00 : bf16
      %broadcast_in_dim3A_74 = vector.broadcast %broadcast_in_dim3A_73 : bf16 to vector<32xbf16>
      %swap3A_75 = arith.index_cast %add3A_59 : i32 to index
      %swap3A_76 = arith.constant 96 : index
      %swap3A_77 = tpu.vector_load %arg8[%swap3A_75, %swap3A_76] {strides = array<i32>} : memref<64x128xbf16, #tpu.memory_space<vmem>>, vector<32xbf16>,
      tpu.vector_store %arg8[%swap3A_75, %swap3A_76], %broadcast_in_dim3A_74 {strides = array<i32>} : memref<64x128xbf16, #tpu.memory_space<vmem>>, vector<32xbf16>,
    }
    %scan3A_4 = arith.constant 64 : i32
    %mul3A_5 = arith.constant 640 : i32
    %mul3A_6 = arith.muli %arg1, %mul3A_5 : i32
    %add3A_7 = arith.constant 0 : i32
    %add3A_8 = arith.addi %mul3A_6, %add3A_7 : i32
    "tpu.region"() ({
      %run_scoped3A = tpu.sem_alloc : memref<!tpu.dma_semaphore, #tpu.memory_space<semaphore_mem>>
      %dma_start3A = arith.constant 0 : i32
      %dma_start3A_55 = tpu.memref_slice %arg9[%add3A_8, %dma_start3A] : memref<10240x128xbf16, #tpu.memory_space<vmem_shared>> -> memref<64x128xbf16, #tpu.memory_space<vmem_shared>>
      %dma_start3A_56 = arith.constant 0 : i32
      %dma_start3A_57 = tpu.memref_slice %arg9[%add3A_8, %dma_start3A_56] : memref<10240x128xbf16, #tpu.memory_space<vmem_shared>> -> memref<64x128xbf16, #tpu.memory_space<vmem_shared>>
      tpu.enqueue_dma source(%arg8 : memref<64x128xbf16, #tpu.memory_space<vmem>>) target(%dma_start3A_57 : memref<64x128xbf16, #tpu.memory_space<vmem_shared>>) target_semaphore(%run_scoped3A : memref<!tpu.dma_semaphore, #tpu.memory_space<semaphore_mem>>)
      %dma_wait3A = arith.constant 0 : i32
      %dma_wait3A_58 = tpu.memref_slice %arg9[%add3A_8, %dma_wait3A] : memref<10240x128xbf16, #tpu.memory_space<vmem_shared>> -> memref<64x128xbf16, #tpu.memory_space<vmem_shared>>
      %dma_wait3A_59 = arith.constant 0 : i32
      %dma_wait3A_60 = tpu.memref_slice %arg9[%add3A_8, %dma_wait3A_59] : memref<10240x128xbf16, #tpu.memory_space<vmem_shared>> -> memref<64x128xbf16, #tpu.memory_space<vmem_shared>>
      tpu.wait_dma2 semaphore(%run_scoped3A : memref<!tpu.dma_semaphore, #tpu.memory_space<semaphore_mem>>) src(%arg8 : memref<64x128xbf16, #tpu.memory_space<vmem>>) dst(%dma_wait3A_60 : memref<64x128xbf16, #tpu.memory_space<vmem_shared>>)
      tpu.yield
    }) : () -> ()
    %mul3A_9 = arith.constant 640 : i32
    %mul3A_10 = arith.muli %arg1, %mul3A_9 : i32
    %add3A_11 = arith.constant 64 : i32
    %add3A_12 = arith.addi %mul3A_10, %add3A_11 : i32
    "tpu.region"() ({
      %run_scoped3A = tpu.sem_alloc : memref<!tpu.dma_semaphore, #tpu.memory_space<semaphore_mem>>
      %dma_start3A = arith.constant 0 : i32
      %dma_start3A_55 = tpu.memref_slice %arg9[%add3A_12, %dma_start3A] : memref<10240x128xbf16, #tpu.memory_space<vmem_shared>> -> memref<64x128xbf16, #tpu.memory_space<vmem_shared>>
      %dma_start3A_56 = arith.constant 0 : i32
      %dma_start3A_57 = tpu.memref_slice %arg9[%add3A_12, %dma_start3A_56] : memref<10240x128xbf16, #tpu.memory_space<vmem_shared>> -> memref<64x128xbf16, #tpu.memory_space<vmem_shared>>
      tpu.enqueue_dma source(%arg8 : memref<64x128xbf16, #tpu.memory_space<vmem>>) target(%dma_start3A_57 : memref<64x128xbf16, #tpu.memory_space<vmem_shared>>) target_semaphore(%run_scoped3A : memref<!tpu.dma_semaphore, #tpu.memory_space<semaphore_mem>>)
      %dma_wait3A = arith.constant 0 : i32
      %dma_wait3A_58 = tpu.memref_slice %arg9[%add3A_12, %dma_wait3A] : memref<10240x128xbf16, #tpu.memory_space<vmem_shared>> -> memref<64x128xbf16, #tpu.memory_space<vmem_shared>>
      %dma_wait3A_59 = arith.constant 0 : i32
      %dma_wait3A_60 = tpu.memref_slice %arg9[%add3A_12, %dma_wait3A_59] : memref<10240x128xbf16, #tpu.memory_space<vmem_shared>> -> memref<64x128xbf16, #tpu.memory_space<vmem_shared>>
      tpu.wait_dma2 semaphore(%run_scoped3A : memref<!tpu.dma_semaphore, #tpu.memory_space<semaphore_mem>>) src(%arg8 : memref<64x128xbf16, #tpu.memory_space<vmem>>) dst(%dma_wait3A_60 : memref<64x128xbf16, #tpu.memory_space<vmem_shared>>)
      tpu.yield
    }) : () -> ()
    %mul3A_13 = arith.constant 640 : i32
    %mul3A_14 = arith.muli %arg1, %mul3A_13 : i32
    %add3A_15 = arith.constant 128 : i32
    %add3A_16 = arith.addi %mul3A_14, %add3A_15 : i32
    "tpu.region"() ({
      %run_scoped3A = tpu.sem_alloc : memref<!tpu.dma_semaphore, #tpu.memory_space<semaphore_mem>>
      %dma_start3A = arith.constant 0 : i32
      %dma_start3A_55 = tpu.memref_slice %arg9[%add3A_16, %dma_start3A] : memref<10240x128xbf16, #tpu.memory_space<vmem_shared>> -> memref<64x128xbf16, #tpu.memory_space<vmem_shared>>
      %dma_start3A_56 = arith.constant 0 : i32
      %dma_start3A_57 = tpu.memref_slice %arg9[%add3A_16, %dma_start3A_56] : memref<10240x128xbf16, #tpu.memory_space<vmem_shared>> -> memref<64x128xbf16, #tpu.memory_space<vmem_shared>>
      tpu.enqueue_dma source(%arg8 : memref<64x128xbf16, #tpu.memory_space<vmem>>) target(%dma_start3A_57 : memref<64x128xbf16, #tpu.memory_space<vmem_shared>>) target_semaphore(%run_scoped3A : memref<!tpu.dma_semaphore, #tpu.memory_space<semaphore_mem>>)
      %dma_wait3A = arith.constant 0 : i32
      %dma_wait3A_58 = tpu.memref_slice %arg9[%add3A_16, %dma_wait3A] : memref<10240x128xbf16, #tpu.memory_space<vmem_shared>> -> memref<64x128xbf16, #tpu.memory_space<vmem_shared>>
      %dma_wait3A_59 = arith.constant 0 : i32
      %dma_wait3A_60 = tpu.memref_slice %arg9[%add3A_16, %dma_wait3A_59] : memref<10240x128xbf16, #tpu.memory_space<vmem_shared>> -> memref<64x128xbf16, #tpu.memory_space<vmem_shared>>
      tpu.wait_dma2 semaphore(%run_scoped3A : memref<!tpu.dma_semaphore, #tpu.memory_space<semaphore_mem>>) src(%arg8 : memref<64x128xbf16, #tpu.memory_space<vmem>>) dst(%dma_wait3A_60 : memref<64x128xbf16, #tpu.memory_space<vmem_shared>>)
      tpu.yield
    }) : () -> ()
    %mul3A_17 = arith.constant 640 : i32
    %mul3A_18 = arith.muli %arg1, %mul3A_17 : i32
    %add3A_19 = arith.constant 192 : i32
    %add3A_20 = arith.addi %mul3A_18, %add3A_19 : i32
    "tpu.region"() ({
      %run_scoped3A = tpu.sem_alloc : memref<!tpu.dma_semaphore, #tpu.memory_space<semaphore_mem>>
      %dma_start3A = arith.constant 0 : i32
      %dma_start3A_55 = tpu.memref_slice %arg9[%add3A_20, %dma_start3A] : memref<10240x128xbf16, #tpu.memory_space<vmem_shared>> -> memref<64x128xbf16, #tpu.memory_space<vmem_shared>>
      %dma_start3A_56 = arith.constant 0 : i32
      %dma_start3A_57 = tpu.memref_slice %arg9[%add3A_20, %dma_start3A_56] : memref<10240x128xbf16, #tpu.memory_space<vmem_shared>> -> memref<64x128xbf16, #tpu.memory_space<vmem_shared>>
      tpu.enqueue_dma source(%arg8 : memref<64x128xbf16, #tpu.memory_space<vmem>>) target(%dma_start3A_57 : memref<64x128xbf16, #tpu.memory_space<vmem_shared>>) target_semaphore(%run_scoped3A : memref<!tpu.dma_semaphore, #tpu.memory_space<semaphore_mem>>)
      %dma_wait3A = arith.constant 0 : i32
      %dma_wait3A_58 = tpu.memref_slice %arg9[%add3A_20, %dma_wait3A] : memref<10240x128xbf16, #tpu.memory_space<vmem_shared>> -> memref<64x128xbf16, #tpu.memory_space<vmem_shared>>
      %dma_wait3A_59 = arith.constant 0 : i32
      %dma_wait3A_60 = tpu.memref_slice %arg9[%add3A_20, %dma_wait3A_59] : memref<10240x128xbf16, #tpu.memory_space<vmem_shared>> -> memref<64x128xbf16, #tpu.memory_space<vmem_shared>>
      tpu.wait_dma2 semaphore(%run_scoped3A : memref<!tpu.dma_semaphore, #tpu.memory_space<semaphore_mem>>) src(%arg8 : memref<64x128xbf16, #tpu.memory_space<vmem>>) dst(%dma_wait3A_60 : memref<64x128xbf16, #tpu.memory_space<vmem_shared>>)
      tpu.yield
    }) : () -> ()
    %mul3A_21 = arith.constant 640 : i32
    %mul3A_22 = arith.muli %arg1, %mul3A_21 : i32
    %add3A_23 = arith.constant 256 : i32
    %add3A_24 = arith.addi %mul3A_22, %add3A_23 : i32
    "tpu.region"() ({
      %run_scoped3A = tpu.sem_alloc : memref<!tpu.dma_semaphore, #tpu.memory_space<semaphore_mem>>
      %dma_start3A = arith.constant 0 : i32
      %dma_start3A_55 = tpu.memref_slice %arg9[%add3A_24, %dma_start3A] : memref<10240x128xbf16, #tpu.memory_space<vmem_shared>> -> memref<64x128xbf16, #tpu.memory_space<vmem_shared>>
      %dma_start3A_56 = arith.constant 0 : i32
      %dma_start3A_57 = tpu.memref_slice %arg9[%add3A_24, %dma_start3A_56] : memref<10240x128xbf16, #tpu.memory_space<vmem_shared>> -> memref<64x128xbf16, #tpu.memory_space<vmem_shared>>
      tpu.enqueue_dma source(%arg8 : memref<64x128xbf16, #tpu.memory_space<vmem>>) target(%dma_start3A_57 : memref<64x128xbf16, #tpu.memory_space<vmem_shared>>) target_semaphore(%run_scoped3A : memref<!tpu.dma_semaphore, #tpu.memory_space<semaphore_mem>>)
      %dma_wait3A = arith.constant 0 : i32
      %dma_wait3A_58 = tpu.memref_slice %arg9[%add3A_24, %dma_wait3A] : memref<10240x128xbf16, #tpu.memory_space<vmem_shared>> -> memref<64x128xbf16, #tpu.memory_space<vmem_shared>>
      %dma_wait3A_59 = arith.constant 0 : i32
      %dma_wait3A_60 = tpu.memref_slice %arg9[%add3A_24, %dma_wait3A_59] : memref<10240x128xbf16, #tpu.memory_space<vmem_shared>> -> memref<64x128xbf16, #tpu.memory_space<vmem_shared>>
      tpu.wait_dma2 semaphore(%run_scoped3A : memref<!tpu.dma_semaphore, #tpu.memory_space<semaphore_mem>>) src(%arg8 : memref<64x128xbf16, #tpu.memory_space<vmem>>) dst(%dma_wait3A_60 : memref<64x128xbf16, #tpu.memory_space<vmem_shared>>)
      tpu.yield
    }) : () -> ()
    %mul3A_25 = arith.constant 640 : i32
    %mul3A_26 = arith.muli %arg1, %mul3A_25 : i32
    %add3A_27 = arith.constant 320 : i32
    %add3A_28 = arith.addi %mul3A_26, %add3A_27 : i32
    "tpu.region"() ({
      %run_scoped3A = tpu.sem_alloc : memref<!tpu.dma_semaphore, #tpu.memory_space<semaphore_mem>>
      %dma_start3A = arith.constant 0 : i32
      %dma_start3A_55 = tpu.memref_slice %arg9[%add3A_28, %dma_start3A] : memref<10240x128xbf16, #tpu.memory_space<vmem_shared>> -> memref<64x128xbf16, #tpu.memory_space<vmem_shared>>
      %dma_start3A_56 = arith.constant 0 : i32
      %dma_start3A_57 = tpu.memref_slice %arg9[%add3A_28, %dma_start3A_56] : memref<10240x128xbf16, #tpu.memory_space<vmem_shared>> -> memref<64x128xbf16, #tpu.memory_space<vmem_shared>>
      tpu.enqueue_dma source(%arg8 : memref<64x128xbf16, #tpu.memory_space<vmem>>) target(%dma_start3A_57 : memref<64x128xbf16, #tpu.memory_space<vmem_shared>>) target_semaphore(%run_scoped3A : memref<!tpu.dma_semaphore, #tpu.memory_space<semaphore_mem>>)
      %dma_wait3A = arith.constant 0 : i32
      %dma_wait3A_58 = tpu.memref_slice %arg9[%add3A_28, %dma_wait3A] : memref<10240x128xbf16, #tpu.memory_space<vmem_shared>> -> memref<64x128xbf16, #tpu.memory_space<vmem_shared>>
      %dma_wait3A_59 = arith.constant 0 : i32
      %dma_wait3A_60 = tpu.memref_slice %arg9[%add3A_28, %dma_wait3A_59] : memref<10240x128xbf16, #tpu.memory_space<vmem_shared>> -> memref<64x128xbf16, #tpu.memory_space<vmem_shared>>
      tpu.wait_dma2 semaphore(%run_scoped3A : memref<!tpu.dma_semaphore, #tpu.memory_space<semaphore_mem>>) src(%arg8 : memref<64x128xbf16, #tpu.memory_space<vmem>>) dst(%dma_wait3A_60 : memref<64x128xbf16, #tpu.memory_space<vmem_shared>>)
      tpu.yield
    }) : () -> ()
    %mul3A_29 = arith.constant 640 : i32
    %mul3A_30 = arith.muli %arg1, %mul3A_29 : i32
    %add3A_31 = arith.constant 384 : i32
    %add3A_32 = arith.addi %mul3A_30, %add3A_31 : i32
    "tpu.region"() ({
      %run_scoped3A = tpu.sem_alloc : memref<!tpu.dma_semaphore, #tpu.memory_space<semaphore_mem>>
      %dma_start3A = arith.constant 0 : i32
      %dma_start3A_55 = tpu.memref_slice %arg9[%add3A_32, %dma_start3A] : memref<10240x128xbf16, #tpu.memory_space<vmem_shared>> -> memref<64x128xbf16, #tpu.memory_space<vmem_shared>>
      %dma_start3A_56 = arith.constant 0 : i32
      %dma_start3A_57 = tpu.memref_slice %arg9[%add3A_32, %dma_start3A_56] : memref<10240x128xbf16, #tpu.memory_space<vmem_shared>> -> memref<64x128xbf16, #tpu.memory_space<vmem_shared>>
      tpu.enqueue_dma source(%arg8 : memref<64x128xbf16, #tpu.memory_space<vmem>>) target(%dma_start3A_57 : memref<64x128xbf16, #tpu.memory_space<vmem_shared>>) target_semaphore(%run_scoped3A : memref<!tpu.dma_semaphore, #tpu.memory_space<semaphore_mem>>)
      %dma_wait3A = arith.constant 0 : i32
      %dma_wait3A_58 = tpu.memref_slice %arg9[%add3A_32, %dma_wait3A] : memref<10240x128xbf16, #tpu.memory_space<vmem_shared>> -> memref<64x128xbf16, #tpu.memory_space<vmem_shared>>
      %dma_wait3A_59 = arith.constant 0 : i32
      %dma_wait3A_60 = tpu.memref_slice %arg9[%add3A_32, %dma_wait3A_59] : memref<10240x128xbf16, #tpu.memory_space<vmem_shared>> -> memref<64x128xbf16, #tpu.memory_space<vmem_shared>>
      tpu.wait_dma2 semaphore(%run_scoped3A : memref<!tpu.dma_semaphore, #tpu.memory_space<semaphore_mem>>) src(%arg8 : memref<64x128xbf16, #tpu.memory_space<vmem>>) dst(%dma_wait3A_60 : memref<64x128xbf16, #tpu.memory_space<vmem_shared>>)
      tpu.yield
    }) : () -> ()
    %mul3A_33 = arith.constant 640 : i32
    %mul3A_34 = arith.muli %arg1, %mul3A_33 : i32
    %add3A_35 = arith.constant 448 : i32
    %add3A_36 = arith.addi %mul3A_34, %add3A_35 : i32
    "tpu.region"() ({
      %run_scoped3A = tpu.sem_alloc : memref<!tpu.dma_semaphore, #tpu.memory_space<semaphore_mem>>
      %dma_start3A = arith.constant 0 : i32
      %dma_start3A_55 = tpu.memref_slice %arg9[%add3A_36, %dma_start3A] : memref<10240x128xbf16, #tpu.memory_space<vmem_shared>> -> memref<64x128xbf16, #tpu.memory_space<vmem_shared>>
      %dma_start3A_56 = arith.constant 0 : i32
      %dma_start3A_57 = tpu.memref_slice %arg9[%add3A_36, %dma_start3A_56] : memref<10240x128xbf16, #tpu.memory_space<vmem_shared>> -> memref<64x128xbf16, #tpu.memory_space<vmem_shared>>
      tpu.enqueue_dma source(%arg8 : memref<64x128xbf16, #tpu.memory_space<vmem>>) target(%dma_start3A_57 : memref<64x128xbf16, #tpu.memory_space<vmem_shared>>) target_semaphore(%run_scoped3A : memref<!tpu.dma_semaphore, #tpu.memory_space<semaphore_mem>>)
      %dma_wait3A = arith.constant 0 : i32
      %dma_wait3A_58 = tpu.memref_slice %arg9[%add3A_36, %dma_wait3A] : memref<10240x128xbf16, #tpu.memory_space<vmem_shared>> -> memref<64x128xbf16, #tpu.memory_space<vmem_shared>>
      %dma_wait3A_59 = arith.constant 0 : i32
      %dma_wait3A_60 = tpu.memref_slice %arg9[%add3A_36, %dma_wait3A_59] : memref<10240x128xbf16, #tpu.memory_space<vmem_shared>> -> memref<64x128xbf16, #tpu.memory_space<vmem_shared>>
      tpu.wait_dma2 semaphore(%run_scoped3A : memref<!tpu.dma_semaphore, #tpu.memory_space<semaphore_mem>>) src(%arg8 : memref<64x128xbf16, #tpu.memory_space<vmem>>) dst(%dma_wait3A_60 : memref<64x128xbf16, #tpu.memory_space<vmem_shared>>)
      tpu.yield
    }) : () -> ()
    %mul3A_37 = arith.constant 640 : i32
    %mul3A_38 = arith.muli %arg1, %mul3A_37 : i32
    %add3A_39 = arith.constant 512 : i32
    %add3A_40 = arith.addi %mul3A_38, %add3A_39 : i32
    "tpu.region"() ({
      %run_scoped3A = tpu.sem_alloc : memref<!tpu.dma_semaphore, #tpu.memory_space<semaphore_mem>>
      %dma_start3A = arith.constant 0 : i32
      %dma_start3A_55 = tpu.memref_slice %arg9[%add3A_40, %dma_start3A] : memref<10240x128xbf16, #tpu.memory_space<vmem_shared>> -> memref<64x128xbf16, #tpu.memory_space<vmem_shared>>
      %dma_start3A_56 = arith.constant 0 : i32
      %dma_start3A_57 = tpu.memref_slice %arg9[%add3A_40, %dma_start3A_56] : memref<10240x128xbf16, #tpu.memory_space<vmem_shared>> -> memref<64x128xbf16, #tpu.memory_space<vmem_shared>>
      tpu.enqueue_dma source(%arg8 : memref<64x128xbf16, #tpu.memory_space<vmem>>) target(%dma_start3A_57 : memref<64x128xbf16, #tpu.memory_space<vmem_shared>>) target_semaphore(%run_scoped3A : memref<!tpu.dma_semaphore, #tpu.memory_space<semaphore_mem>>)
      %dma_wait3A = arith.constant 0 : i32
      %dma_wait3A_58 = tpu.memref_slice %arg9[%add3A_40, %dma_wait3A] : memref<10240x128xbf16, #tpu.memory_space<vmem_shared>> -> memref<64x128xbf16, #tpu.memory_space<vmem_shared>>
      %dma_wait3A_59 = arith.constant 0 : i32
      %dma_wait3A_60 = tpu.memref_slice %arg9[%add3A_40, %dma_wait3A_59] : memref<10240x128xbf16, #tpu.memory_space<vmem_shared>> -> memref<64x128xbf16, #tpu.memory_space<vmem_shared>>
      tpu.wait_dma2 semaphore(%run_scoped3A : memref<!tpu.dma_semaphore, #tpu.memory_space<semaphore_mem>>) src(%arg8 : memref<64x128xbf16, #tpu.memory_space<vmem>>) dst(%dma_wait3A_60 : memref<64x128xbf16, #tpu.memory_space<vmem_shared>>)
      tpu.yield
    }) : () -> ()
    %mul3A_41 = arith.constant 640 : i32
    %mul3A_42 = arith.muli %arg1, %mul3A_41 : i32
    %add3A_43 = arith.constant 576 : i32
    %add3A_44 = arith.addi %mul3A_42, %add3A_43 : i32
    "tpu.region"() ({
      %run_scoped3A = tpu.sem_alloc : memref<!tpu.dma_semaphore, #tpu.memory_space<semaphore_mem>>
      %dma_start3A = arith.constant 0 : i32
      %dma_start3A_55 = tpu.memref_slice %arg9[%add3A_44, %dma_start3A] : memref<10240x128xbf16, #tpu.memory_space<vmem_shared>> -> memref<64x128xbf16, #tpu.memory_space<vmem_shared>>
      %dma_start3A_56 = arith.constant 0 : i32
      %dma_start3A_57 = tpu.memref_slice %arg9[%add3A_44, %dma_start3A_56] : memref<10240x128xbf16, #tpu.memory_space<vmem_shared>> -> memref<64x128xbf16, #tpu.memory_space<vmem_shared>>
      tpu.enqueue_dma source(%arg8 : memref<64x128xbf16, #tpu.memory_space<vmem>>) target(%dma_start3A_57 : memref<64x128xbf16, #tpu.memory_space<vmem_shared>>) target_semaphore(%run_scoped3A : memref<!tpu.dma_semaphore, #tpu.memory_space<semaphore_mem>>)
      %dma_wait3A = arith.constant 0 : i32
      %dma_wait3A_58 = tpu.memref_slice %arg9[%add3A_44, %dma_wait3A] : memref<10240x128xbf16, #tpu.memory_space<vmem_shared>> -> memref<64x128xbf16, #tpu.memory_space<vmem_shared>>
      %dma_wait3A_59 = arith.constant 0 : i32
      %dma_wait3A_60 = tpu.memref_slice %arg9[%add3A_44, %dma_wait3A_59] : memref<10240x128xbf16, #tpu.memory_space<vmem_shared>> -> memref<64x128xbf16, #tpu.memory_space<vmem_shared>>
      tpu.wait_dma2 semaphore(%run_scoped3A : memref<!tpu.dma_semaphore, #tpu.memory_space<semaphore_mem>>) src(%arg8 : memref<64x128xbf16, #tpu.memory_space<vmem>>) dst(%dma_wait3A_60 : memref<64x128xbf16, #tpu.memory_space<vmem_shared>>)
      tpu.yield
    }) : () -> ()
    %barrier3A = arith.constant 0 : index
    tpu.barrier barrier_id(%barrier3A)
    %scan3A_45 = arith.constant 0 : i32
    %scan3A_46 = arith.constant 4 : i32
    %scan3A_47 = arith.addi %scan3A_45, %scan3A_46 : i32
    %scan3A_48 = arith.constant 1 : i32
    scf.for %scan3A_55 = %scan3A_45 to %scan3A_47 step %scan3A_48  : i32 {
      %mul3A_56 = arith.constant 1 : i32
      %mul3A_57 = arith.muli %scan3A_55, %mul3A_56 : i32
      %add3A_58 = arith.constant 0 : i32
      %add3A_59 = arith.addi %add3A_58, %mul3A_57 : i32
      %mul3A_60 = arith.constant 20 : i32
      %mul3A_61 = arith.muli %add3A_59, %mul3A_60 : i32
      "tpu.region"() ({
        %run_scoped3A = tpu.sem_alloc : memref<!tpu.dma_semaphore, #tpu.memory_space<semaphore_mem>>
        %dma_start3A_207 = arith.constant 0 : i32
        %dma_start3A_208 = tpu.memref_slice %arg3[%add3A, %mul3A_61, %dma_start3A_207] : memref<32x80x125xi32, #tpu.memory_space<hbm>> -> memref<1x20x125xi32, #tpu.memory_space<hbm>>
        %dma_start3A_209 = tpu.memref_squeeze %dma_start3A_208 : memref<1x20x125xi32, #tpu.memory_space<hbm>> -> memref<20x125xi32, #tpu.memory_space<hbm>>
        %dma_start3A_210 = arith.constant 0 : i32
        %dma_start3A_211 = tpu.memref_slice %arg3[%add3A, %mul3A_61, %dma_start3A_210] : memref<32x80x125xi32, #tpu.memory_space<hbm>> -> memref<1x20x125xi32, #tpu.memory_space<hbm>>
        %dma_start3A_212 = tpu.memref_squeeze %dma_start3A_211 : memref<1x20x125xi32, #tpu.memory_space<hbm>> -> memref<20x125xi32, #tpu.memory_space<hbm>>
        tpu.enqueue_dma source(%dma_start3A_212 : memref<20x125xi32, #tpu.memory_space<hbm>>) target(%arg6 : memref<20x125xi32, #tpu.memory_space<vmem>>) target_semaphore(%run_scoped3A : memref<!tpu.dma_semaphore, #tpu.memory_space<semaphore_mem>>)
        %dma_wait3A_213 = arith.constant 0 : i32
        %dma_wait3A_214 = tpu.memref_slice %arg3[%add3A, %mul3A_61, %dma_wait3A_213] : memref<32x80x125xi32, #tpu.memory_space<hbm>> -> memref<1x20x125xi32, #tpu.memory_space<hbm>>
        %dma_wait3A_215 = tpu.memref_squeeze %dma_wait3A_214 : memref<1x20x125xi32, #tpu.memory_space<hbm>> -> memref<20x125xi32, #tpu.memory_space<hbm>>
        %dma_wait3A_216 = arith.constant 0 : i32
        %dma_wait3A_217 = tpu.memref_slice %arg3[%add3A, %mul3A_61, %dma_wait3A_216] : memref<32x80x125xi32, #tpu.memory_space<hbm>> -> memref<1x20x125xi32, #tpu.memory_space<hbm>>
        %dma_wait3A_218 = tpu.memref_squeeze %dma_wait3A_217 : memref<1x20x125xi32, #tpu.memory_space<hbm>> -> memref<20x125xi32, #tpu.memory_space<hbm>>
        tpu.wait_dma2 semaphore(%run_scoped3A : memref<!tpu.dma_semaphore, #tpu.memory_space<semaphore_mem>>) src(%dma_wait3A_218 : memref<20x125xi32, #tpu.memory_space<hbm>>) dst(%arg6 : memref<20x125xi32, #tpu.memory_space<vmem>>)
        tpu.yield
      }) : () -> ()
      %mul3A_62 = arith.constant 20 : i32
      %mul3A_63 = arith.muli %add3A_59, %mul3A_62 : i32
      "tpu.region"() ({
        %run_scoped3A = tpu.sem_alloc : memref<!tpu.dma_semaphore, #tpu.memory_space<semaphore_mem>>
        %dma_start3A_207 = arith.constant 0 : i32
        %dma_start3A_208 = tpu.memref_slice %arg4[%add3A, %mul3A_63, %dma_start3A_207] : memref<32x80x125xi32, #tpu.memory_space<hbm>> -> memref<1x20x125xi32, #tpu.memory_space<hbm>>
        %dma_start3A_209 = tpu.memref_squeeze %dma_start3A_208 : memref<1x20x125xi32, #tpu.memory_space<hbm>> -> memref<20x125xi32, #tpu.memory_space<hbm>>
        %dma_start3A_210 = arith.constant 0 : i32
        %dma_start3A_211 = tpu.memref_slice %arg4[%add3A, %mul3A_63, %dma_start3A_210] : memref<32x80x125xi32, #tpu.memory_space<hbm>> -> memref<1x20x125xi32, #tpu.memory_space<hbm>>
        %dma_start3A_212 = tpu.memref_squeeze %dma_start3A_211 : memref<1x20x125xi32, #tpu.memory_space<hbm>> -> memref<20x125xi32, #tpu.memory_space<hbm>>
        tpu.enqueue_dma source(%dma_start3A_212 : memref<20x125xi32, #tpu.memory_space<hbm>>) target(%arg7 : memref<20x125xi32, #tpu.memory_space<vmem>>) target_semaphore(%run_scoped3A : memref<!tpu.dma_semaphore, #tpu.memory_space<semaphore_mem>>)
        %dma_wait3A_213 = arith.constant 0 : i32
        %dma_wait3A_214 = tpu.memref_slice %arg4[%add3A, %mul3A_63, %dma_wait3A_213] : memref<32x80x125xi32, #tpu.memory_space<hbm>> -> memref<1x20x125xi32, #tpu.memory_space<hbm>>
        %dma_wait3A_215 = tpu.memref_squeeze %dma_wait3A_214 : memref<1x20x125xi32, #tpu.memory_space<hbm>> -> memref<20x125xi32, #tpu.memory_space<hbm>>
        %dma_wait3A_216 = arith.constant 0 : i32
        %dma_wait3A_217 = tpu.memref_slice %arg4[%add3A, %mul3A_63, %dma_wait3A_216] : memref<32x80x125xi32, #tpu.memory_space<hbm>> -> memref<1x20x125xi32, #tpu.memory_space<hbm>>
        %dma_wait3A_218 = tpu.memref_squeeze %dma_wait3A_217 : memref<1x20x125xi32, #tpu.memory_space<hbm>> -> memref<20x125xi32, #tpu.memory_space<hbm>>
        tpu.wait_dma2 semaphore(%run_scoped3A : memref<!tpu.dma_semaphore, #tpu.memory_space<semaphore_mem>>) src(%dma_wait3A_218 : memref<20x125xi32, #tpu.memory_space<hbm>>) dst(%arg7 : memref<20x125xi32, #tpu.memory_space<vmem>>)
        tpu.yield
      }) : () -> ()
      %dma_start3A = arith.constant 0 : i32
      %dma_start3A_64 = arith.constant 0 : i32
      %dma_start3A_65 = tpu.memref_slice %arg6[%dma_start3A, %dma_start3A_64] : memref<20x125xi32, #tpu.memory_space<vmem>> -> memref<1x125xi32, #tpu.memory_space<vmem>>
      %dma_start3A_66 = tpu.memref_squeeze %dma_start3A_65 : memref<1x125xi32, #tpu.memory_space<vmem>> -> memref<125xi32, #tpu.memory_space<vmem>>
      %dma_start3A_67 = arith.constant 0 : i32
      %dma_start3A_68 = arith.constant 0 : i32
      %dma_start3A_69 = tpu.memref_slice %arg2[%dma_start3A_67, %dma_start3A_68] : memref<10240x128xbf16, #tpu.memory_space<hbm>> -> memref<10240x128xbf16, #tpu.memory_space<hbm>>
      tpu.enqueue_indirect_dma source(%dma_start3A_69 : memref<10240x128xbf16, #tpu.memory_space<hbm>>) target(%arg10 : memref<125x128xbf16, #tpu.memory_space<vmem>>) offsets(%dma_start3A_66 : memref<125xi32, #tpu.memory_space<vmem>>) semaphore(%arg15 : memref<!tpu.dma_semaphore, #tpu.memory_space<semaphore_mem>>)
      %dma_start3A_70 = arith.constant 1 : i32
      %dma_start3A_71 = arith.constant 0 : i32
      %dma_start3A_72 = tpu.memref_slice %arg6[%dma_start3A_70, %dma_start3A_71] : memref<20x125xi32, #tpu.memory_space<vmem>> -> memref<1x125xi32, #tpu.memory_space<vmem>>
      %dma_start3A_73 = tpu.memref_squeeze %dma_start3A_72 : memref<1x125xi32, #tpu.memory_space<vmem>> -> memref<125xi32, #tpu.memory_space<vmem>>
      %dma_start3A_74 = arith.constant 0 : i32
      %dma_start3A_75 = arith.constant 0 : i32
      %dma_start3A_76 = tpu.memref_slice %arg2[%dma_start3A_74, %dma_start3A_75] : memref<10240x128xbf16, #tpu.memory_space<hbm>> -> memref<10240x128xbf16, #tpu.memory_space<hbm>>
      tpu.enqueue_indirect_dma source(%dma_start3A_76 : memref<10240x128xbf16, #tpu.memory_space<hbm>>) target(%arg11 : memref<125x128xbf16, #tpu.memory_space<vmem>>) offsets(%dma_start3A_73 : memref<125xi32, #tpu.memory_space<vmem>>) semaphore(%arg16 : memref<!tpu.dma_semaphore, #tpu.memory_space<semaphore_mem>>)
      %dma_start3A_77 = arith.constant 2 : i32
      %dma_start3A_78 = arith.constant 0 : i32
      %dma_start3A_79 = tpu.memref_slice %arg6[%dma_start3A_77, %dma_start3A_78] : memref<20x125xi32, #tpu.memory_space<vmem>> -> memref<1x125xi32, #tpu.memory_space<vmem>>
      %dma_start3A_80 = tpu.memref_squeeze %dma_start3A_79 : memref<1x125xi32, #tpu.memory_space<vmem>> -> memref<125xi32, #tpu.memory_space<vmem>>
      %dma_start3A_81 = arith.constant 0 : i32
      %dma_start3A_82 = arith.constant 0 : i32
      %dma_start3A_83 = tpu.memref_slice %arg2[%dma_start3A_81, %dma_start3A_82] : memref<10240x128xbf16, #tpu.memory_space<hbm>> -> memref<10240x128xbf16, #tpu.memory_space<hbm>>
      tpu.enqueue_indirect_dma source(%dma_start3A_83 : memref<10240x128xbf16, #tpu.memory_space<hbm>>) target(%arg12 : memref<125x128xbf16, #tpu.memory_space<vmem>>) offsets(%dma_start3A_80 : memref<125xi32, #tpu.memory_space<vmem>>) semaphore(%arg17 : memref<!tpu.dma_semaphore, #tpu.memory_space<semaphore_mem>>)
      %dma_start3A_84 = arith.constant 3 : i32
      %dma_start3A_85 = arith.constant 0 : i32
      %dma_start3A_86 = tpu.memref_slice %arg6[%dma_start3A_84, %dma_start3A_85] : memref<20x125xi32, #tpu.memory_space<vmem>> -> memref<1x125xi32, #tpu.memory_space<vmem>>
      %dma_start3A_87 = tpu.memref_squeeze %dma_start3A_86 : memref<1x125xi32, #tpu.memory_space<vmem>> -> memref<125xi32, #tpu.memory_space<vmem>>
      %dma_start3A_88 = arith.constant 0 : i32
      %dma_start3A_89 = arith.constant 0 : i32
      %dma_start3A_90 = tpu.memref_slice %arg2[%dma_start3A_88, %dma_start3A_89] : memref<10240x128xbf16, #tpu.memory_space<hbm>> -> memref<10240x128xbf16, #tpu.memory_space<hbm>>
      tpu.enqueue_indirect_dma source(%dma_start3A_90 : memref<10240x128xbf16, #tpu.memory_space<hbm>>) target(%arg13 : memref<125x128xbf16, #tpu.memory_space<vmem>>) offsets(%dma_start3A_87 : memref<125xi32, #tpu.memory_space<vmem>>) semaphore(%arg18 : memref<!tpu.dma_semaphore, #tpu.memory_space<semaphore_mem>>)
      %dma_start3A_91 = arith.constant 4 : i32
      %dma_start3A_92 = arith.constant 0 : i32
      %dma_start3A_93 = tpu.memref_slice %arg6[%dma_start3A_91, %dma_start3A_92] : memref<20x125xi32, #tpu.memory_space<vmem>> -> memref<1x125xi32, #tpu.memory_space<vmem>>
      %dma_start3A_94 = tpu.memref_squeeze %dma_start3A_93 : memref<1x125xi32, #tpu.memory_space<vmem>> -> memref<125xi32, #tpu.memory_space<vmem>>
      %dma_start3A_95 = arith.constant 0 : i32
      %dma_start3A_96 = arith.constant 0 : i32
      %dma_start3A_97 = tpu.memref_slice %arg2[%dma_start3A_95, %dma_start3A_96] : memref<10240x128xbf16, #tpu.memory_space<hbm>> -> memref<10240x128xbf16, #tpu.memory_space<hbm>>
      tpu.enqueue_indirect_dma source(%dma_start3A_97 : memref<10240x128xbf16, #tpu.memory_space<hbm>>) target(%arg14 : memref<125x128xbf16, #tpu.memory_space<vmem>>) offsets(%dma_start3A_94 : memref<125xi32, #tpu.memory_space<vmem>>) semaphore(%arg19 : memref<!tpu.dma_semaphore, #tpu.memory_space<semaphore_mem>>)
      %scan3A_98 = arith.constant 0 : i32
      %scan3A_99 = arith.constant 3 : i32
      %scan3A_100 = arith.addi %scan3A_98, %scan3A_99 : i32
      %scan3A_101 = arith.constant 1 : i32
      scf.for %scan3A_207 = %scan3A_98 to %scan3A_100 step %scan3A_101  : i32 {
        %mul3A_208 = arith.constant 1 : i32
        %mul3A_209 = arith.muli %scan3A_207, %mul3A_208 : i32
        %add3A_210 = arith.constant 0 : i32
        %add3A_211 = arith.addi %add3A_210, %mul3A_209 : i32
        %mul3A_212 = arith.constant 5 : i32
        %mul3A_213 = arith.muli %add3A_211, %mul3A_212 : i32
        %add3A_214 = arith.constant 0 : i32
        %add3A_215 = arith.addi %mul3A_213, %add3A_214 : i32
        %dma_wait3A_216 = arith.constant 0 : i32
        %dma_wait3A_217 = tpu.memref_slice %arg6[%add3A_215, %dma_wait3A_216] : memref<20x125xi32, #tpu.memory_space<vmem>> -> memref<1x125xi32, #tpu.memory_space<vmem>>
        %dma_wait3A_218 = tpu.memref_squeeze %dma_wait3A_217 : memref<1x125xi32, #tpu.memory_space<vmem>> -> memref<125xi32, #tpu.memory_space<vmem>>
        %dma_wait3A_219 = arith.constant 0 : i32
        %dma_wait3A_220 = arith.constant 0 : i32
        %dma_wait3A_221 = tpu.memref_slice %arg2[%dma_wait3A_219, %dma_wait3A_220] : memref<10240x128xbf16, #tpu.memory_space<hbm>> -> memref<10240x128xbf16, #tpu.memory_space<hbm>>
        tpu.wait_indirect_dma semaphore(%arg15 : memref<!tpu.dma_semaphore, #tpu.memory_space<semaphore_mem>>) src(%dma_wait3A_221 : memref<10240x128xbf16, #tpu.memory_space<hbm>>) dst(%arg10 : memref<125x128xbf16, #tpu.memory_space<vmem>>)
        %add3A_222 = arith.constant 0 : i32
        %add3A_223 = arith.addi %mul3A_213, %add3A_222 : i32
        %dma_start3A_224 = arith.constant 0 : i32
        %dma_start3A_225 = tpu.memref_slice %arg7[%add3A_223, %dma_start3A_224] : memref<20x125xi32, #tpu.memory_space<vmem>> -> memref<1x125xi32, #tpu.memory_space<vmem>>
        %dma_start3A_226 = tpu.memref_squeeze %dma_start3A_225 : memref<1x125xi32, #tpu.memory_space<vmem>> -> memref<125xi32, #tpu.memory_space<vmem>>
        %dma_start3A_227 = arith.constant 0 : i32
        %dma_start3A_228 = arith.constant 0 : i32
        %dma_start3A_229 = tpu.memref_slice %arg9[%dma_start3A_227, %dma_start3A_228] : memref<10240x128xbf16, #tpu.memory_space<vmem_shared>> -> memref<10240x128xbf16, #tpu.memory_space<vmem_shared>>
        tpu.enqueue_indirect_dma source(%arg10 : memref<125x128xbf16, #tpu.memory_space<vmem>>) target(%dma_start3A_229 : memref<10240x128xbf16, #tpu.memory_space<vmem_shared>>) offsets(%dma_start3A_226 : memref<125xi32, #tpu.memory_space<vmem>>) semaphore(%arg20 : memref<!tpu.dma_semaphore, #tpu.memory_space<semaphore_mem>>) {add = true}
        %add3A_230 = arith.constant 1 : i32
        %add3A_231 = arith.addi %mul3A_213, %add3A_230 : i32
        %dma_wait3A_232 = arith.constant 0 : i32
        %dma_wait3A_233 = tpu.memref_slice %arg6[%add3A_231, %dma_wait3A_232] : memref<20x125xi32, #tpu.memory_space<vmem>> -> memref<1x125xi32, #tpu.memory_space<vmem>>
        %dma_wait3A_234 = tpu.memref_squeeze %dma_wait3A_233 : memref<1x125xi32, #tpu.memory_space<vmem>> -> memref<125xi32, #tpu.memory_space<vmem>>
        %dma_wait3A_235 = arith.constant 0 : i32
        %dma_wait3A_236 = arith.constant 0 : i32
        %dma_wait3A_237 = tpu.memref_slice %arg2[%dma_wait3A_235, %dma_wait3A_236] : memref<10240x128xbf16, #tpu.memory_space<hbm>> -> memref<10240x128xbf16, #tpu.memory_space<hbm>>
        tpu.wait_indirect_dma semaphore(%arg16 : memref<!tpu.dma_semaphore, #tpu.memory_space<semaphore_mem>>) src(%dma_wait3A_237 : memref<10240x128xbf16, #tpu.memory_space<hbm>>) dst(%arg11 : memref<125x128xbf16, #tpu.memory_space<vmem>>)
        %add3A_238 = arith.constant 1 : i32
        %add3A_239 = arith.addi %mul3A_213, %add3A_238 : i32
        %dma_start3A_240 = arith.constant 0 : i32
        %dma_start3A_241 = tpu.memref_slice %arg7[%add3A_239, %dma_start3A_240] : memref<20x125xi32, #tpu.memory_space<vmem>> -> memref<1x125xi32, #tpu.memory_space<vmem>>
        %dma_start3A_242 = tpu.memref_squeeze %dma_start3A_241 : memref<1x125xi32, #tpu.memory_space<vmem>> -> memref<125xi32, #tpu.memory_space<vmem>>
        %dma_start3A_243 = arith.constant 0 : i32
        %dma_start3A_244 = arith.constant 0 : i32
        %dma_start3A_245 = tpu.memref_slice %arg9[%dma_start3A_243, %dma_start3A_244] : memref<10240x128xbf16, #tpu.memory_space<vmem_shared>> -> memref<10240x128xbf16, #tpu.memory_space<vmem_shared>>
        tpu.enqueue_indirect_dma source(%arg11 : memref<125x128xbf16, #tpu.memory_space<vmem>>) target(%dma_start3A_245 : memref<10240x128xbf16, #tpu.memory_space<vmem_shared>>) offsets(%dma_start3A_242 : memref<125xi32, #tpu.memory_space<vmem>>) semaphore(%arg21 : memref<!tpu.dma_semaphore, #tpu.memory_space<semaphore_mem>>) {add = true}
        %add3A_246 = arith.constant 2 : i32
        %add3A_247 = arith.addi %mul3A_213, %add3A_246 : i32
        %dma_wait3A_248 = arith.constant 0 : i32
        %dma_wait3A_249 = tpu.memref_slice %arg6[%add3A_247, %dma_wait3A_248] : memref<20x125xi32, #tpu.memory_space<vmem>> -> memref<1x125xi32, #tpu.memory_space<vmem>>
        %dma_wait3A_250 = tpu.memref_squeeze %dma_wait3A_249 : memref<1x125xi32, #tpu.memory_space<vmem>> -> memref<125xi32, #tpu.memory_space<vmem>>
        %dma_wait3A_251 = arith.constant 0 : i32
        %dma_wait3A_252 = arith.constant 0 : i32
        %dma_wait3A_253 = tpu.memref_slice %arg2[%dma_wait3A_251, %dma_wait3A_252] : memref<10240x128xbf16, #tpu.memory_space<hbm>> -> memref<10240x128xbf16, #tpu.memory_space<hbm>>
        tpu.wait_indirect_dma semaphore(%arg17 : memref<!tpu.dma_semaphore, #tpu.memory_space<semaphore_mem>>) src(%dma_wait3A_253 : memref<10240x128xbf16, #tpu.memory_space<hbm>>) dst(%arg12 : memref<125x128xbf16, #tpu.memory_space<vmem>>)
        %add3A_254 = arith.constant 2 : i32
        %add3A_255 = arith.addi %mul3A_213, %add3A_254 : i32
        %dma_start3A_256 = arith.constant 0 : i32
        %dma_start3A_257 = tpu.memref_slice %arg7[%add3A_255, %dma_start3A_256] : memref<20x125xi32, #tpu.memory_space<vmem>> -> memref<1x125xi32, #tpu.memory_space<vmem>>
        %dma_start3A_258 = tpu.memref_squeeze %dma_start3A_257 : memref<1x125xi32, #tpu.memory_space<vmem>> -> memref<125xi32, #tpu.memory_space<vmem>>
        %dma_start3A_259 = arith.constant 0 : i32
        %dma_start3A_260 = arith.constant 0 : i32
        %dma_start3A_261 = tpu.memref_slice %arg9[%dma_start3A_259, %dma_start3A_260] : memref<10240x128xbf16, #tpu.memory_space<vmem_shared>> -> memref<10240x128xbf16, #tpu.memory_space<vmem_shared>>
        tpu.enqueue_indirect_dma source(%arg12 : memref<125x128xbf16, #tpu.memory_space<vmem>>) target(%dma_start3A_261 : memref<10240x128xbf16, #tpu.memory_space<vmem_shared>>) offsets(%dma_start3A_258 : memref<125xi32, #tpu.memory_space<vmem>>) semaphore(%arg22 : memref<!tpu.dma_semaphore, #tpu.memory_space<semaphore_mem>>) {add = true}
        %add3A_262 = arith.constant 3 : i32
        %add3A_263 = arith.addi %mul3A_213, %add3A_262 : i32
        %dma_wait3A_264 = arith.constant 0 : i32
        %dma_wait3A_265 = tpu.memref_slice %arg6[%add3A_263, %dma_wait3A_264] : memref<20x125xi32, #tpu.memory_space<vmem>> -> memref<1x125xi32, #tpu.memory_space<vmem>>
        %dma_wait3A_266 = tpu.memref_squeeze %dma_wait3A_265 : memref<1x125xi32, #tpu.memory_space<vmem>> -> memref<125xi32, #tpu.memory_space<vmem>>
        %dma_wait3A_267 = arith.constant 0 : i32
        %dma_wait3A_268 = arith.constant 0 : i32
        %dma_wait3A_269 = tpu.memref_slice %arg2[%dma_wait3A_267, %dma_wait3A_268] : memref<10240x128xbf16, #tpu.memory_space<hbm>> -> memref<10240x128xbf16, #tpu.memory_space<hbm>>
        tpu.wait_indirect_dma semaphore(%arg18 : memref<!tpu.dma_semaphore, #tpu.memory_space<semaphore_mem>>) src(%dma_wait3A_269 : memref<10240x128xbf16, #tpu.memory_space<hbm>>) dst(%arg13 : memref<125x128xbf16, #tpu.memory_space<vmem>>)
        %add3A_270 = arith.constant 3 : i32
        %add3A_271 = arith.addi %mul3A_213, %add3A_270 : i32
        %dma_start3A_272 = arith.constant 0 : i32
        %dma_start3A_273 = tpu.memref_slice %arg7[%add3A_271, %dma_start3A_272] : memref<20x125xi32, #tpu.memory_space<vmem>> -> memref<1x125xi32, #tpu.memory_space<vmem>>
        %dma_start3A_274 = tpu.memref_squeeze %dma_start3A_273 : memref<1x125xi32, #tpu.memory_space<vmem>> -> memref<125xi32, #tpu.memory_space<vmem>>
        %dma_start3A_275 = arith.constant 0 : i32
        %dma_start3A_276 = arith.constant 0 : i32
        %dma_start3A_277 = tpu.memref_slice %arg9[%dma_start3A_275, %dma_start3A_276] : memref<10240x128xbf16, #tpu.memory_space<vmem_shared>> -> memref<10240x128xbf16, #tpu.memory_space<vmem_shared>>
        tpu.enqueue_indirect_dma source(%arg13 : memref<125x128xbf16, #tpu.memory_space<vmem>>) target(%dma_start3A_277 : memref<10240x128xbf16, #tpu.memory_space<vmem_shared>>) offsets(%dma_start3A_274 : memref<125xi32, #tpu.memory_space<vmem>>) semaphore(%arg23 : memref<!tpu.dma_semaphore, #tpu.memory_space<semaphore_mem>>) {add = true}
        %add3A_278 = arith.constant 4 : i32
        %add3A_279 = arith.addi %mul3A_213, %add3A_278 : i32
        %dma_wait3A_280 = arith.constant 0 : i32
        %dma_wait3A_281 = tpu.memref_slice %arg6[%add3A_279, %dma_wait3A_280] : memref<20x125xi32, #tpu.memory_space<vmem>> -> memref<1x125xi32, #tpu.memory_space<vmem>>
        %dma_wait3A_282 = tpu.memref_squeeze %dma_wait3A_281 : memref<1x125xi32, #tpu.memory_space<vmem>> -> memref<125xi32, #tpu.memory_space<vmem>>
        %dma_wait3A_283 = arith.constant 0 : i32
        %dma_wait3A_284 = arith.constant 0 : i32
        %dma_wait3A_285 = tpu.memref_slice %arg2[%dma_wait3A_283, %dma_wait3A_284] : memref<10240x128xbf16, #tpu.memory_space<hbm>> -> memref<10240x128xbf16, #tpu.memory_space<hbm>>
        tpu.wait_indirect_dma semaphore(%arg19 : memref<!tpu.dma_semaphore, #tpu.memory_space<semaphore_mem>>) src(%dma_wait3A_285 : memref<10240x128xbf16, #tpu.memory_space<hbm>>) dst(%arg14 : memref<125x128xbf16, #tpu.memory_space<vmem>>)
        %add3A_286 = arith.constant 4 : i32
        %add3A_287 = arith.addi %mul3A_213, %add3A_286 : i32
        %dma_start3A_288 = arith.constant 0 : i32
        %dma_start3A_289 = tpu.memref_slice %arg7[%add3A_287, %dma_start3A_288] : memref<20x125xi32, #tpu.memory_space<vmem>> -> memref<1x125xi32, #tpu.memory_space<vmem>>
        %dma_start3A_290 = tpu.memref_squeeze %dma_start3A_289 : memref<1x125xi32, #tpu.memory_space<vmem>> -> memref<125xi32, #tpu.memory_space<vmem>>
        %dma_start3A_291 = arith.constant 0 : i32
        %dma_start3A_292 = arith.constant 0 : i32
        %dma_start3A_293 = tpu.memref_slice %arg9[%dma_start3A_291, %dma_start3A_292] : memref<10240x128xbf16, #tpu.memory_space<vmem_shared>> -> memref<10240x128xbf16, #tpu.memory_space<vmem_shared>>
        tpu.enqueue_indirect_dma source(%arg14 : memref<125x128xbf16, #tpu.memory_space<vmem>>) target(%dma_start3A_293 : memref<10240x128xbf16, #tpu.memory_space<vmem_shared>>) offsets(%dma_start3A_290 : memref<125xi32, #tpu.memory_space<vmem>>) semaphore(%arg24 : memref<!tpu.dma_semaphore, #tpu.memory_space<semaphore_mem>>) {add = true}
        %add3A_294 = arith.constant 0 : i32
        %add3A_295 = arith.addi %mul3A_213, %add3A_294 : i32
        %dma_wait3A_296 = arith.constant 0 : i32
        %dma_wait3A_297 = tpu.memref_slice %arg7[%add3A_295, %dma_wait3A_296] : memref<20x125xi32, #tpu.memory_space<vmem>> -> memref<1x125xi32, #tpu.memory_space<vmem>>
        %dma_wait3A_298 = tpu.memref_squeeze %dma_wait3A_297 : memref<1x125xi32, #tpu.memory_space<vmem>> -> memref<125xi32, #tpu.memory_space<vmem>>
        %dma_wait3A_299 = arith.constant 0 : i32
        %dma_wait3A_300 = arith.constant 0 : i32
        %dma_wait3A_301 = tpu.memref_slice %arg9[%dma_wait3A_299, %dma_wait3A_300] : memref<10240x128xbf16, #tpu.memory_space<vmem_shared>> -> memref<10240x128xbf16, #tpu.memory_space<vmem_shared>>
        tpu.wait_indirect_dma semaphore(%arg20 : memref<!tpu.dma_semaphore, #tpu.memory_space<semaphore_mem>>) src(%arg10 : memref<125x128xbf16, #tpu.memory_space<vmem>>) dst(%dma_wait3A_301 : memref<10240x128xbf16, #tpu.memory_space<vmem_shared>>)
        %add3A_302 = arith.constant 5 : i32
        %add3A_303 = arith.addi %mul3A_213, %add3A_302 : i32
        %add3A_304 = arith.constant 0 : i32
        %add3A_305 = arith.addi %add3A_303, %add3A_304 : i32
        %dma_start3A_306 = arith.constant 0 : i32
        %dma_start3A_307 = tpu.memref_slice %arg6[%add3A_305, %dma_start3A_306] : memref<20x125xi32, #tpu.memory_space<vmem>> -> memref<1x125xi32, #tpu.memory_space<vmem>>
        %dma_start3A_308 = tpu.memref_squeeze %dma_start3A_307 : memref<1x125xi32, #tpu.memory_space<vmem>> -> memref<125xi32, #tpu.memory_space<vmem>>
        %dma_start3A_309 = arith.constant 0 : i32
        %dma_start3A_310 = arith.constant 0 : i32
        %dma_start3A_311 = tpu.memref_slice %arg2[%dma_start3A_309, %dma_start3A_310] : memref<10240x128xbf16, #tpu.memory_space<hbm>> -> memref<10240x128xbf16, #tpu.memory_space<hbm>>
        tpu.enqueue_indirect_dma source(%dma_start3A_311 : memref<10240x128xbf16, #tpu.memory_space<hbm>>) target(%arg10 : memref<125x128xbf16, #tpu.memory_space<vmem>>) offsets(%dma_start3A_308 : memref<125xi32, #tpu.memory_space<vmem>>) semaphore(%arg15 : memref<!tpu.dma_semaphore, #tpu.memory_space<semaphore_mem>>)
        %add3A_312 = arith.constant 1 : i32
        %add3A_313 = arith.addi %mul3A_213, %add3A_312 : i32
        %dma_wait3A_314 = arith.constant 0 : i32
        %dma_wait3A_315 = tpu.memref_slice %arg7[%add3A_313, %dma_wait3A_314] : memref<20x125xi32, #tpu.memory_space<vmem>> -> memref<1x125xi32, #tpu.memory_space<vmem>>
        %dma_wait3A_316 = tpu.memref_squeeze %dma_wait3A_315 : memref<1x125xi32, #tpu.memory_space<vmem>> -> memref<125xi32, #tpu.memory_space<vmem>>
        %dma_wait3A_317 = arith.constant 0 : i32
        %dma_wait3A_318 = arith.constant 0 : i32
        %dma_wait3A_319 = tpu.memref_slice %arg9[%dma_wait3A_317, %dma_wait3A_318] : memref<10240x128xbf16, #tpu.memory_space<vmem_shared>> -> memref<10240x128xbf16, #tpu.memory_space<vmem_shared>>
        tpu.wait_indirect_dma semaphore(%arg21 : memref<!tpu.dma_semaphore, #tpu.memory_space<semaphore_mem>>) src(%arg11 : memref<125x128xbf16, #tpu.memory_space<vmem>>) dst(%dma_wait3A_319 : memref<10240x128xbf16, #tpu.memory_space<vmem_shared>>)
        %add3A_320 = arith.constant 5 : i32
        %add3A_321 = arith.addi %mul3A_213, %add3A_320 : i32
        %add3A_322 = arith.constant 1 : i32
        %add3A_323 = arith.addi %add3A_321, %add3A_322 : i32
        %dma_start3A_324 = arith.constant 0 : i32
        %dma_start3A_325 = tpu.memref_slice %arg6[%add3A_323, %dma_start3A_324] : memref<20x125xi32, #tpu.memory_space<vmem>> -> memref<1x125xi32, #tpu.memory_space<vmem>>
        %dma_start3A_326 = tpu.memref_squeeze %dma_start3A_325 : memref<1x125xi32, #tpu.memory_space<vmem>> -> memref<125xi32, #tpu.memory_space<vmem>>
        %dma_start3A_327 = arith.constant 0 : i32
        %dma_start3A_328 = arith.constant 0 : i32
        %dma_start3A_329 = tpu.memref_slice %arg2[%dma_start3A_327, %dma_start3A_328] : memref<10240x128xbf16, #tpu.memory_space<hbm>> -> memref<10240x128xbf16, #tpu.memory_space<hbm>>
        tpu.enqueue_indirect_dma source(%dma_start3A_329 : memref<10240x128xbf16, #tpu.memory_space<hbm>>) target(%arg11 : memref<125x128xbf16, #tpu.memory_space<vmem>>) offsets(%dma_start3A_326 : memref<125xi32, #tpu.memory_space<vmem>>) semaphore(%arg16 : memref<!tpu.dma_semaphore, #tpu.memory_space<semaphore_mem>>)
        %add3A_330 = arith.constant 2 : i32
        %add3A_331 = arith.addi %mul3A_213, %add3A_330 : i32
        %dma_wait3A_332 = arith.constant 0 : i32
        %dma_wait3A_333 = tpu.memref_slice %arg7[%add3A_331, %dma_wait3A_332] : memref<20x125xi32, #tpu.memory_space<vmem>> -> memref<1x125xi32, #tpu.memory_space<vmem>>
        %dma_wait3A_334 = tpu.memref_squeeze %dma_wait3A_333 : memref<1x125xi32, #tpu.memory_space<vmem>> -> memref<125xi32, #tpu.memory_space<vmem>>
        %dma_wait3A_335 = arith.constant 0 : i32
        %dma_wait3A_336 = arith.constant 0 : i32
        %dma_wait3A_337 = tpu.memref_slice %arg9[%dma_wait3A_335, %dma_wait3A_336] : memref<10240x128xbf16, #tpu.memory_space<vmem_shared>> -> memref<10240x128xbf16, #tpu.memory_space<vmem_shared>>
        tpu.wait_indirect_dma semaphore(%arg22 : memref<!tpu.dma_semaphore, #tpu.memory_space<semaphore_mem>>) src(%arg12 : memref<125x128xbf16, #tpu.memory_space<vmem>>) dst(%dma_wait3A_337 : memref<10240x128xbf16, #tpu.memory_space<vmem_shared>>)
        %add3A_338 = arith.constant 5 : i32
        %add3A_339 = arith.addi %mul3A_213, %add3A_338 : i32
        %add3A_340 = arith.constant 2 : i32
        %add3A_341 = arith.addi %add3A_339, %add3A_340 : i32
        %dma_start3A_342 = arith.constant 0 : i32
        %dma_start3A_343 = tpu.memref_slice %arg6[%add3A_341, %dma_start3A_342] : memref<20x125xi32, #tpu.memory_space<vmem>> -> memref<1x125xi32, #tpu.memory_space<vmem>>
        %dma_start3A_344 = tpu.memref_squeeze %dma_start3A_343 : memref<1x125xi32, #tpu.memory_space<vmem>> -> memref<125xi32, #tpu.memory_space<vmem>>
        %dma_start3A_345 = arith.constant 0 : i32
        %dma_start3A_346 = arith.constant 0 : i32
        %dma_start3A_347 = tpu.memref_slice %arg2[%dma_start3A_345, %dma_start3A_346] : memref<10240x128xbf16, #tpu.memory_space<hbm>> -> memref<10240x128xbf16, #tpu.memory_space<hbm>>
        tpu.enqueue_indirect_dma source(%dma_start3A_347 : memref<10240x128xbf16, #tpu.memory_space<hbm>>) target(%arg12 : memref<125x128xbf16, #tpu.memory_space<vmem>>) offsets(%dma_start3A_344 : memref<125xi32, #tpu.memory_space<vmem>>) semaphore(%arg17 : memref<!tpu.dma_semaphore, #tpu.memory_space<semaphore_mem>>)
        %add3A_348 = arith.constant 3 : i32
        %add3A_349 = arith.addi %mul3A_213, %add3A_348 : i32
        %dma_wait3A_350 = arith.constant 0 : i32
        %dma_wait3A_351 = tpu.memref_slice %arg7[%add3A_349, %dma_wait3A_350] : memref<20x125xi32, #tpu.memory_space<vmem>> -> memref<1x125xi32, #tpu.memory_space<vmem>>
        %dma_wait3A_352 = tpu.memref_squeeze %dma_wait3A_351 : memref<1x125xi32, #tpu.memory_space<vmem>> -> memref<125xi32, #tpu.memory_space<vmem>>
        %dma_wait3A_353 = arith.constant 0 : i32
        %dma_wait3A_354 = arith.constant 0 : i32
        %dma_wait3A_355 = tpu.memref_slice %arg9[%dma_wait3A_353, %dma_wait3A_354] : memref<10240x128xbf16, #tpu.memory_space<vmem_shared>> -> memref<10240x128xbf16, #tpu.memory_space<vmem_shared>>
        tpu.wait_indirect_dma semaphore(%arg23 : memref<!tpu.dma_semaphore, #tpu.memory_space<semaphore_mem>>) src(%arg13 : memref<125x128xbf16, #tpu.memory_space<vmem>>) dst(%dma_wait3A_355 : memref<10240x128xbf16, #tpu.memory_space<vmem_shared>>)
        %add3A_356 = arith.constant 5 : i32
        %add3A_357 = arith.addi %mul3A_213, %add3A_356 : i32
        %add3A_358 = arith.constant 3 : i32
        %add3A_359 = arith.addi %add3A_357, %add3A_358 : i32
        %dma_start3A_360 = arith.constant 0 : i32
        %dma_start3A_361 = tpu.memref_slice %arg6[%add3A_359, %dma_start3A_360] : memref<20x125xi32, #tpu.memory_space<vmem>> -> memref<1x125xi32, #tpu.memory_space<vmem>>
        %dma_start3A_362 = tpu.memref_squeeze %dma_start3A_361 : memref<1x125xi32, #tpu.memory_space<vmem>> -> memref<125xi32, #tpu.memory_space<vmem>>
        %dma_start3A_363 = arith.constant 0 : i32
        %dma_start3A_364 = arith.constant 0 : i32
        %dma_start3A_365 = tpu.memref_slice %arg2[%dma_start3A_363, %dma_start3A_364] : memref<10240x128xbf16, #tpu.memory_space<hbm>> -> memref<10240x128xbf16, #tpu.memory_space<hbm>>
        tpu.enqueue_indirect_dma source(%dma_start3A_365 : memref<10240x128xbf16, #tpu.memory_space<hbm>>) target(%arg13 : memref<125x128xbf16, #tpu.memory_space<vmem>>) offsets(%dma_start3A_362 : memref<125xi32, #tpu.memory_space<vmem>>) semaphore(%arg18 : memref<!tpu.dma_semaphore, #tpu.memory_space<semaphore_mem>>)
        %add3A_366 = arith.constant 4 : i32
        %add3A_367 = arith.addi %mul3A_213, %add3A_366 : i32
        %dma_wait3A_368 = arith.constant 0 : i32
        %dma_wait3A_369 = tpu.memref_slice %arg7[%add3A_367, %dma_wait3A_368] : memref<20x125xi32, #tpu.memory_space<vmem>> -> memref<1x125xi32, #tpu.memory_space<vmem>>
        %dma_wait3A_370 = tpu.memref_squeeze %dma_wait3A_369 : memref<1x125xi32, #tpu.memory_space<vmem>> -> memref<125xi32, #tpu.memory_space<vmem>>
        %dma_wait3A_371 = arith.constant 0 : i32
        %dma_wait3A_372 = arith.constant 0 : i32
        %dma_wait3A_373 = tpu.memref_slice %arg9[%dma_wait3A_371, %dma_wait3A_372] : memref<10240x128xbf16, #tpu.memory_space<vmem_shared>> -> memref<10240x128xbf16, #tpu.memory_space<vmem_shared>>
        tpu.wait_indirect_dma semaphore(%arg24 : memref<!tpu.dma_semaphore, #tpu.memory_space<semaphore_mem>>) src(%arg14 : memref<125x128xbf16, #tpu.memory_space<vmem>>) dst(%dma_wait3A_373 : memref<10240x128xbf16, #tpu.memory_space<vmem_shared>>)
        %add3A_374 = arith.constant 5 : i32
        %add3A_375 = arith.addi %mul3A_213, %add3A_374 : i32
        %add3A_376 = arith.constant 4 : i32
        %add3A_377 = arith.addi %add3A_375, %add3A_376 : i32
        %dma_start3A_378 = arith.constant 0 : i32
        %dma_start3A_379 = tpu.memref_slice %arg6[%add3A_377, %dma_start3A_378] : memref<20x125xi32, #tpu.memory_space<vmem>> -> memref<1x125xi32, #tpu.memory_space<vmem>>
        %dma_start3A_380 = tpu.memref_squeeze %dma_start3A_379 : memref<1x125xi32, #tpu.memory_space<vmem>> -> memref<125xi32, #tpu.memory_space<vmem>>
        %dma_start3A_381 = arith.constant 0 : i32
        %dma_start3A_382 = arith.constant 0 : i32
        %dma_start3A_383 = tpu.memref_slice %arg2[%dma_start3A_381, %dma_start3A_382] : memref<10240x128xbf16, #tpu.memory_space<hbm>> -> memref<10240x128xbf16, #tpu.memory_space<hbm>>
        tpu.enqueue_indirect_dma source(%dma_start3A_383 : memref<10240x128xbf16, #tpu.memory_space<hbm>>) target(%arg14 : memref<125x128xbf16, #tpu.memory_space<vmem>>) offsets(%dma_start3A_380 : memref<125xi32, #tpu.memory_space<vmem>>) semaphore(%arg19 : memref<!tpu.dma_semaphore, #tpu.memory_space<semaphore_mem>>)
      }
      %scan3A_102 = arith.constant 3 : i32
      %dma_wait3A = arith.constant 15 : i32
      %dma_wait3A_103 = arith.constant 0 : i32
      %dma_wait3A_104 = tpu.memref_slice %arg6[%dma_wait3A, %dma_wait3A_103] : memref<20x125xi32, #tpu.memory_space<vmem>> -> memref<1x125xi32, #tpu.memory_space<vmem>>
      %dma_wait3A_105 = tpu.memref_squeeze %dma_wait3A_104 : memref<1x125xi32, #tpu.memory_space<vmem>> -> memref<125xi32, #tpu.memory_space<vmem>>
      %dma_wait3A_106 = arith.constant 0 : i32
      %dma_wait3A_107 = arith.constant 0 : i32
      %dma_wait3A_108 = tpu.memref_slice %arg2[%dma_wait3A_106, %dma_wait3A_107] : memref<10240x128xbf16, #tpu.memory_space<hbm>> -> memref<10240x128xbf16, #tpu.memory_space<hbm>>
      tpu.wait_indirect_dma semaphore(%arg15 : memref<!tpu.dma_semaphore, #tpu.memory_space<semaphore_mem>>) src(%dma_wait3A_108 : memref<10240x128xbf16, #tpu.memory_space<hbm>>) dst(%arg10 : memref<125x128xbf16, #tpu.memory_space<vmem>>)
      %dma_start3A_109 = arith.constant 15 : i32
      %dma_start3A_110 = arith.constant 0 : i32
      %dma_start3A_111 = tpu.memref_slice %arg7[%dma_start3A_109, %dma_start3A_110] : memref<20x125xi32, #tpu.memory_space<vmem>> -> memref<1x125xi32, #tpu.memory_space<vmem>>
      %dma_start3A_112 = tpu.memref_squeeze %dma_start3A_111 : memref<1x125xi32, #tpu.memory_space<vmem>> -> memref<125xi32, #tpu.memory_space<vmem>>
      %dma_start3A_113 = arith.constant 0 : i32
      %dma_start3A_114 = arith.constant 0 : i32
      %dma_start3A_115 = tpu.memref_slice %arg9[%dma_start3A_113, %dma_start3A_114] : memref<10240x128xbf16, #tpu.memory_space<vmem_shared>> -> memref<10240x128xbf16, #tpu.memory_space<vmem_shared>>
      tpu.enqueue_indirect_dma source(%arg10 : memref<125x128xbf16, #tpu.memory_space<vmem>>) target(%dma_start3A_115 : memref<10240x128xbf16, #tpu.memory_space<vmem_shared>>) offsets(%dma_start3A_112 : memref<125xi32, #tpu.memory_space<vmem>>) semaphore(%arg20 : memref<!tpu.dma_semaphore, #tpu.memory_space<semaphore_mem>>) {add = true}
      %dma_wait3A_116 = arith.constant 16 : i32
      %dma_wait3A_117 = arith.constant 0 : i32
      %dma_wait3A_118 = tpu.memref_slice %arg6[%dma_wait3A_116, %dma_wait3A_117] : memref<20x125xi32, #tpu.memory_space<vmem>> -> memref<1x125xi32, #tpu.memory_space<vmem>>
      %dma_wait3A_119 = tpu.memref_squeeze %dma_wait3A_118 : memref<1x125xi32, #tpu.memory_space<vmem>> -> memref<125xi32, #tpu.memory_space<vmem>>
      %dma_wait3A_120 = arith.constant 0 : i32
      %dma_wait3A_121 = arith.constant 0 : i32
      %dma_wait3A_122 = tpu.memref_slice %arg2[%dma_wait3A_120, %dma_wait3A_121] : memref<10240x128xbf16, #tpu.memory_space<hbm>> -> memref<10240x128xbf16, #tpu.memory_space<hbm>>
      tpu.wait_indirect_dma semaphore(%arg16 : memref<!tpu.dma_semaphore, #tpu.memory_space<semaphore_mem>>) src(%dma_wait3A_122 : memref<10240x128xbf16, #tpu.memory_space<hbm>>) dst(%arg11 : memref<125x128xbf16, #tpu.memory_space<vmem>>)
      %dma_start3A_123 = arith.constant 16 : i32
      %dma_start3A_124 = arith.constant 0 : i32
      %dma_start3A_125 = tpu.memref_slice %arg7[%dma_start3A_123, %dma_start3A_124] : memref<20x125xi32, #tpu.memory_space<vmem>> -> memref<1x125xi32, #tpu.memory_space<vmem>>
      %dma_start3A_126 = tpu.memref_squeeze %dma_start3A_125 : memref<1x125xi32, #tpu.memory_space<vmem>> -> memref<125xi32, #tpu.memory_space<vmem>>
      %dma_start3A_127 = arith.constant 0 : i32
      %dma_start3A_128 = arith.constant 0 : i32
      %dma_start3A_129 = tpu.memref_slice %arg9[%dma_start3A_127, %dma_start3A_128] : memref<10240x128xbf16, #tpu.memory_space<vmem_shared>> -> memref<10240x128xbf16, #tpu.memory_space<vmem_shared>>
      tpu.enqueue_indirect_dma source(%arg11 : memref<125x128xbf16, #tpu.memory_space<vmem>>) target(%dma_start3A_129 : memref<10240x128xbf16, #tpu.memory_space<vmem_shared>>) offsets(%dma_start3A_126 : memref<125xi32, #tpu.memory_space<vmem>>) semaphore(%arg21 : memref<!tpu.dma_semaphore, #tpu.memory_space<semaphore_mem>>) {add = true}
      %dma_wait3A_130 = arith.constant 17 : i32
      %dma_wait3A_131 = arith.constant 0 : i32
      %dma_wait3A_132 = tpu.memref_slice %arg6[%dma_wait3A_130, %dma_wait3A_131] : memref<20x125xi32, #tpu.memory_space<vmem>> -> memref<1x125xi32, #tpu.memory_space<vmem>>
      %dma_wait3A_133 = tpu.memref_squeeze %dma_wait3A_132 : memref<1x125xi32, #tpu.memory_space<vmem>> -> memref<125xi32, #tpu.memory_space<vmem>>
      %dma_wait3A_134 = arith.constant 0 : i32
      %dma_wait3A_135 = arith.constant 0 : i32
      %dma_wait3A_136 = tpu.memref_slice %arg2[%dma_wait3A_134, %dma_wait3A_135] : memref<10240x128xbf16, #tpu.memory_space<hbm>> -> memref<10240x128xbf16, #tpu.memory_space<hbm>>
      tpu.wait_indirect_dma semaphore(%arg17 : memref<!tpu.dma_semaphore, #tpu.memory_space<semaphore_mem>>) src(%dma_wait3A_136 : memref<10240x128xbf16, #tpu.memory_space<hbm>>) dst(%arg12 : memref<125x128xbf16, #tpu.memory_space<vmem>>)
      %dma_start3A_137 = arith.constant 17 : i32
      %dma_start3A_138 = arith.constant 0 : i32
      %dma_start3A_139 = tpu.memref_slice %arg7[%dma_start3A_137, %dma_start3A_138] : memref<20x125xi32, #tpu.memory_space<vmem>> -> memref<1x125xi32, #tpu.memory_space<vmem>>
      %dma_start3A_140 = tpu.memref_squeeze %dma_start3A_139 : memref<1x125xi32, #tpu.memory_space<vmem>> -> memref<125xi32, #tpu.memory_space<vmem>>
      %dma_start3A_141 = arith.constant 0 : i32
      %dma_start3A_142 = arith.constant 0 : i32
      %dma_start3A_143 = tpu.memref_slice %arg9[%dma_start3A_141, %dma_start3A_142] : memref<10240x128xbf16, #tpu.memory_space<vmem_shared>> -> memref<10240x128xbf16, #tpu.memory_space<vmem_shared>>
      tpu.enqueue_indirect_dma source(%arg12 : memref<125x128xbf16, #tpu.memory_space<vmem>>) target(%dma_start3A_143 : memref<10240x128xbf16, #tpu.memory_space<vmem_shared>>) offsets(%dma_start3A_140 : memref<125xi32, #tpu.memory_space<vmem>>) semaphore(%arg22 : memref<!tpu.dma_semaphore, #tpu.memory_space<semaphore_mem>>) {add = true}
      %dma_wait3A_144 = arith.constant 18 : i32
      %dma_wait3A_145 = arith.constant 0 : i32
      %dma_wait3A_146 = tpu.memref_slice %arg6[%dma_wait3A_144, %dma_wait3A_145] : memref<20x125xi32, #tpu.memory_space<vmem>> -> memref<1x125xi32, #tpu.memory_space<vmem>>
      %dma_wait3A_147 = tpu.memref_squeeze %dma_wait3A_146 : memref<1x125xi32, #tpu.memory_space<vmem>> -> memref<125xi32, #tpu.memory_space<vmem>>
      %dma_wait3A_148 = arith.constant 0 : i32
      %dma_wait3A_149 = arith.constant 0 : i32
      %dma_wait3A_150 = tpu.memref_slice %arg2[%dma_wait3A_148, %dma_wait3A_149] : memref<10240x128xbf16, #tpu.memory_space<hbm>> -> memref<10240x128xbf16, #tpu.memory_space<hbm>>
      tpu.wait_indirect_dma semaphore(%arg18 : memref<!tpu.dma_semaphore, #tpu.memory_space<semaphore_mem>>) src(%dma_wait3A_150 : memref<10240x128xbf16, #tpu.memory_space<hbm>>) dst(%arg13 : memref<125x128xbf16, #tpu.memory_space<vmem>>)
      %dma_start3A_151 = arith.constant 18 : i32
      %dma_start3A_152 = arith.constant 0 : i32
      %dma_start3A_153 = tpu.memref_slice %arg7[%dma_start3A_151, %dma_start3A_152] : memref<20x125xi32, #tpu.memory_space<vmem>> -> memref<1x125xi32, #tpu.memory_space<vmem>>
      %dma_start3A_154 = tpu.memref_squeeze %dma_start3A_153 : memref<1x125xi32, #tpu.memory_space<vmem>> -> memref<125xi32, #tpu.memory_space<vmem>>
      %dma_start3A_155 = arith.constant 0 : i32
      %dma_start3A_156 = arith.constant 0 : i32
      %dma_start3A_157 = tpu.memref_slice %arg9[%dma_start3A_155, %dma_start3A_156] : memref<10240x128xbf16, #tpu.memory_space<vmem_shared>> -> memref<10240x128xbf16, #tpu.memory_space<vmem_shared>>
      tpu.enqueue_indirect_dma source(%arg13 : memref<125x128xbf16, #tpu.memory_space<vmem>>) target(%dma_start3A_157 : memref<10240x128xbf16, #tpu.memory_space<vmem_shared>>) offsets(%dma_start3A_154 : memref<125xi32, #tpu.memory_space<vmem>>) semaphore(%arg23 : memref<!tpu.dma_semaphore, #tpu.memory_space<semaphore_mem>>) {add = true}
      %dma_wait3A_158 = arith.constant 19 : i32
      %dma_wait3A_159 = arith.constant 0 : i32
      %dma_wait3A_160 = tpu.memref_slice %arg6[%dma_wait3A_158, %dma_wait3A_159] : memref<20x125xi32, #tpu.memory_space<vmem>> -> memref<1x125xi32, #tpu.memory_space<vmem>>
      %dma_wait3A_161 = tpu.memref_squeeze %dma_wait3A_160 : memref<1x125xi32, #tpu.memory_space<vmem>> -> memref<125xi32, #tpu.memory_space<vmem>>
      %dma_wait3A_162 = arith.constant 0 : i32
      %dma_wait3A_163 = arith.constant 0 : i32
      %dma_wait3A_164 = tpu.memref_slice %arg2[%dma_wait3A_162, %dma_wait3A_163] : memref<10240x128xbf16, #tpu.memory_space<hbm>> -> memref<10240x128xbf16, #tpu.memory_space<hbm>>
      tpu.wait_indirect_dma semaphore(%arg19 : memref<!tpu.dma_semaphore, #tpu.memory_space<semaphore_mem>>) src(%dma_wait3A_164 : memref<10240x128xbf16, #tpu.memory_space<hbm>>) dst(%arg14 : memref<125x128xbf16, #tpu.memory_space<vmem>>)
      %dma_start3A_165 = arith.constant 19 : i32
      %dma_start3A_166 = arith.constant 0 : i32
      %dma_start3A_167 = tpu.memref_slice %arg7[%dma_start3A_165, %dma_start3A_166] : memref<20x125xi32, #tpu.memory_space<vmem>> -> memref<1x125xi32, #tpu.memory_space<vmem>>
      %dma_start3A_168 = tpu.memref_squeeze %dma_start3A_167 : memref<1x125xi32, #tpu.memory_space<vmem>> -> memref<125xi32, #tpu.memory_space<vmem>>
      %dma_start3A_169 = arith.constant 0 : i32
      %dma_start3A_170 = arith.constant 0 : i32
      %dma_start3A_171 = tpu.memref_slice %arg9[%dma_start3A_169, %dma_start3A_170] : memref<10240x128xbf16, #tpu.memory_space<vmem_shared>> -> memref<10240x128xbf16, #tpu.memory_space<vmem_shared>>
      tpu.enqueue_indirect_dma source(%arg14 : memref<125x128xbf16, #tpu.memory_space<vmem>>) target(%dma_start3A_171 : memref<10240x128xbf16, #tpu.memory_space<vmem_shared>>) offsets(%dma_start3A_168 : memref<125xi32, #tpu.memory_space<vmem>>) semaphore(%arg24 : memref<!tpu.dma_semaphore, #tpu.memory_space<semaphore_mem>>) {add = true}
      %dma_wait3A_172 = arith.constant 15 : i32
      %dma_wait3A_173 = arith.constant 0 : i32
      %dma_wait3A_174 = tpu.memref_slice %arg7[%dma_wait3A_172, %dma_wait3A_173] : memref<20x125xi32, #tpu.memory_space<vmem>> -> memref<1x125xi32, #tpu.memory_space<vmem>>
      %dma_wait3A_175 = tpu.memref_squeeze %dma_wait3A_174 : memref<1x125xi32, #tpu.memory_space<vmem>> -> memref<125xi32, #tpu.memory_space<vmem>>
      %dma_wait3A_176 = arith.constant 0 : i32
      %dma_wait3A_177 = arith.constant 0 : i32
      %dma_wait3A_178 = tpu.memref_slice %arg9[%dma_wait3A_176, %dma_wait3A_177] : memref<10240x128xbf16, #tpu.memory_space<vmem_shared>> -> memref<10240x128xbf16, #tpu.memory_space<vmem_shared>>
      tpu.wait_indirect_dma semaphore(%arg20 : memref<!tpu.dma_semaphore, #tpu.memory_space<semaphore_mem>>) src(%arg10 : memref<125x128xbf16, #tpu.memory_space<vmem>>) dst(%dma_wait3A_178 : memref<10240x128xbf16, #tpu.memory_space<vmem_shared>>)
      %dma_wait3A_179 = arith.constant 16 : i32
      %dma_wait3A_180 = arith.constant 0 : i32
      %dma_wait3A_181 = tpu.memref_slice %arg7[%dma_wait3A_179, %dma_wait3A_180] : memref<20x125xi32, #tpu.memory_space<vmem>> -> memref<1x125xi32, #tpu.memory_space<vmem>>
      %dma_wait3A_182 = tpu.memref_squeeze %dma_wait3A_181 : memref<1x125xi32, #tpu.memory_space<vmem>> -> memref<125xi32, #tpu.memory_space<vmem>>
      %dma_wait3A_183 = arith.constant 0 : i32
      %dma_wait3A_184 = arith.constant 0 : i32
      %dma_wait3A_185 = tpu.memref_slice %arg9[%dma_wait3A_183, %dma_wait3A_184] : memref<10240x128xbf16, #tpu.memory_space<vmem_shared>> -> memref<10240x128xbf16, #tpu.memory_space<vmem_shared>>
      tpu.wait_indirect_dma semaphore(%arg21 : memref<!tpu.dma_semaphore, #tpu.memory_space<semaphore_mem>>) src(%arg11 : memref<125x128xbf16, #tpu.memory_space<vmem>>) dst(%dma_wait3A_185 : memref<10240x128xbf16, #tpu.memory_space<vmem_shared>>)
      %dma_wait3A_186 = arith.constant 17 : i32
      %dma_wait3A_187 = arith.constant 0 : i32
      %dma_wait3A_188 = tpu.memref_slice %arg7[%dma_wait3A_186, %dma_wait3A_187] : memref<20x125xi32, #tpu.memory_space<vmem>> -> memref<1x125xi32, #tpu.memory_space<vmem>>
      %dma_wait3A_189 = tpu.memref_squeeze %dma_wait3A_188 : memref<1x125xi32, #tpu.memory_space<vmem>> -> memref<125xi32, #tpu.memory_space<vmem>>
      %dma_wait3A_190 = arith.constant 0 : i32
      %dma_wait3A_191 = arith.constant 0 : i32
      %dma_wait3A_192 = tpu.memref_slice %arg9[%dma_wait3A_190, %dma_wait3A_191] : memref<10240x128xbf16, #tpu.memory_space<vmem_shared>> -> memref<10240x128xbf16, #tpu.memory_space<vmem_shared>>
      tpu.wait_indirect_dma semaphore(%arg22 : memref<!tpu.dma_semaphore, #tpu.memory_space<semaphore_mem>>) src(%arg12 : memref<125x128xbf16, #tpu.memory_space<vmem>>) dst(%dma_wait3A_192 : memref<10240x128xbf16, #tpu.memory_space<vmem_shared>>)
      %dma_wait3A_193 = arith.constant 18 : i32
      %dma_wait3A_194 = arith.constant 0 : i32
      %dma_wait3A_195 = tpu.memref_slice %arg7[%dma_wait3A_193, %dma_wait3A_194] : memref<20x125xi32, #tpu.memory_space<vmem>> -> memref<1x125xi32, #tpu.memory_space<vmem>>
      %dma_wait3A_196 = tpu.memref_squeeze %dma_wait3A_195 : memref<1x125xi32, #tpu.memory_space<vmem>> -> memref<125xi32, #tpu.memory_space<vmem>>
      %dma_wait3A_197 = arith.constant 0 : i32
      %dma_wait3A_198 = arith.constant 0 : i32
      %dma_wait3A_199 = tpu.memref_slice %arg9[%dma_wait3A_197, %dma_wait3A_198] : memref<10240x128xbf16, #tpu.memory_space<vmem_shared>> -> memref<10240x128xbf16, #tpu.memory_space<vmem_shared>>
      tpu.wait_indirect_dma semaphore(%arg23 : memref<!tpu.dma_semaphore, #tpu.memory_space<semaphore_mem>>) src(%arg13 : memref<125x128xbf16, #tpu.memory_space<vmem>>) dst(%dma_wait3A_199 : memref<10240x128xbf16, #tpu.memory_space<vmem_shared>>)
      %dma_wait3A_200 = arith.constant 19 : i32
      %dma_wait3A_201 = arith.constant 0 : i32
      %dma_wait3A_202 = tpu.memref_slice %arg7[%dma_wait3A_200, %dma_wait3A_201] : memref<20x125xi32, #tpu.memory_space<vmem>> -> memref<1x125xi32, #tpu.memory_space<vmem>>
      %dma_wait3A_203 = tpu.memref_squeeze %dma_wait3A_202 : memref<1x125xi32, #tpu.memory_space<vmem>> -> memref<125xi32, #tpu.memory_space<vmem>>
      %dma_wait3A_204 = arith.constant 0 : i32
      %dma_wait3A_205 = arith.constant 0 : i32
      %dma_wait3A_206 = tpu.memref_slice %arg9[%dma_wait3A_204, %dma_wait3A_205] : memref<10240x128xbf16, #tpu.memory_space<vmem_shared>> -> memref<10240x128xbf16, #tpu.memory_space<vmem_shared>>
      tpu.wait_indirect_dma semaphore(%arg24 : memref<!tpu.dma_semaphore, #tpu.memory_space<semaphore_mem>>) src(%arg14 : memref<125x128xbf16, #tpu.memory_space<vmem>>) dst(%dma_wait3A_206 : memref<10240x128xbf16, #tpu.memory_space<vmem_shared>>)
    }
    %scan3A_49 = arith.constant 4 : i32
    %barrier3A_50 = arith.constant 0 : index
    tpu.barrier barrier_id(%barrier3A_50)
    %mul3A_51 = arith.constant 640 : i32
    %mul3A_52 = arith.muli %arg1, %mul3A_51 : i32
    %mul3A_53 = arith.constant 640 : i32
    %mul3A_54 = arith.muli %arg1, %mul3A_53 : i32
    "tpu.region"() ({
      %run_scoped3A = tpu.sem_alloc : memref<!tpu.dma_semaphore, #tpu.memory_space<semaphore_mem>>
      %dma_start3A = arith.constant 0 : i32
      %dma_start3A_55 = tpu.memref_slice %arg5[%arg0, %mul3A_54, %dma_start3A] : memref<2x10240x128xbf16, #tpu.memory_space<hbm>> -> memref<1x640x128xbf16, #tpu.memory_space<hbm>>
      %dma_start3A_56 = tpu.memref_squeeze %dma_start3A_55 : memref<1x640x128xbf16, #tpu.memory_space<hbm>> -> memref<640x128xbf16, #tpu.memory_space<hbm>>
      %dma_start3A_57 = arith.constant 0 : i32
      %dma_start3A_58 = tpu.memref_slice %arg9[%mul3A_52, %dma_start3A_57] : memref<10240x128xbf16, #tpu.memory_space<vmem_shared>> -> memref<640x128xbf16, #tpu.memory_space<vmem_shared>>
      tpu.enqueue_dma source(%dma_start3A_58 : memref<640x128xbf16, #tpu.memory_space<vmem_shared>>) target(%dma_start3A_56 : memref<640x128xbf16, #tpu.memory_space<hbm>>) target_semaphore(%run_scoped3A : memref<!tpu.dma_semaphore, #tpu.memory_space<semaphore_mem>>)
      %dma_wait3A = arith.constant 0 : i32
      %dma_wait3A_59 = tpu.memref_slice %arg5[%arg0, %mul3A_54, %dma_wait3A] : memref<2x10240x128xbf16, #tpu.memory_space<hbm>> -> memref<1x640x128xbf16, #tpu.memory_space<hbm>>
      %dma_wait3A_60 = tpu.memref_squeeze %dma_wait3A_59 : memref<1x640x128xbf16, #tpu.memory_space<hbm>> -> memref<640x128xbf16, #tpu.memory_space<hbm>>
      %dma_wait3A_61 = arith.constant 0 : i32
      %dma_wait3A_62 = tpu.memref_slice %arg9[%mul3A_52, %dma_wait3A_61] : memref<10240x128xbf16, #tpu.memory_space<vmem_shared>> -> memref<640x128xbf16, #tpu.memory_space<vmem_shared>>
      tpu.wait_dma2 semaphore(%run_scoped3A : memref<!tpu.dma_semaphore, #tpu.memory_space<semaphore_mem>>) src(%dma_wait3A_62 : memref<640x128xbf16, #tpu.memory_space<vmem_shared>>) dst(%dma_wait3A_60 : memref<640x128xbf16, #tpu.memory_space<hbm>>)
      tpu.yield
    }) : () -> ()
    return
  }
}

#map = affine_map<(d0, d1) -> (0, 0)>
#map1 = affine_map<(d0, d1) -> (0, 0, 0)>
module attributes {stable_mosaic.version = 14 : i64} {
  func.func @_k3_body(%arg0: i32, %arg1: i32, %arg2: memref<10240x128xbf16, #tpu.memory_space<hbm>>, %arg3: memref<32x80x125xi32, #tpu.memory_space<hbm>>, %arg4: memref<32x80x125xi32, #tpu.memory_space<hbm>>, %arg5: memref<2x10240x128xbf16, #tpu.memory_space<hbm>>, %arg6: memref<20x125xi32, #tpu.memory_space<vmem>>, %arg7: memref<20x125xi32, #tpu.memory_space<vmem>>, %arg8: memref<64x128xbf16, #tpu.memory_space<vmem>>, %arg9: memref<10240x128xbf16, #tpu.memory_space<vmem_shared>>, %arg10: memref<125x128xbf16, #tpu.memory_space<vmem>>, %arg11: memref<125x128xbf16, #tpu.memory_space<vmem>>, %arg12: memref<125x128xbf16, #tpu.memory_space<vmem>>, %arg13: memref<125x128xbf16, #tpu.memory_space<vmem>>, %arg14: memref<125x128xbf16, #tpu.memory_space<vmem>>, %arg15: memref<!tpu.dma_semaphore, #tpu.memory_space<semaphore_mem>>, %arg16: memref<!tpu.dma_semaphore, #tpu.memory_space<semaphore_mem>>, %arg17: memref<!tpu.dma_semaphore, #tpu.memory_space<semaphore_mem>>, %arg18: memref<!tpu.dma_semaphore, #tpu.memory_space<semaphore_mem>>, %arg19: memref<!tpu.dma_semaphore, #tpu.memory_space<semaphore_mem>>, %arg20: memref<!tpu.dma_semaphore, #tpu.memory_space<semaphore_mem>>, %arg21: memref<!tpu.dma_semaphore, #tpu.memory_space<semaphore_mem>>, %arg22: memref<!tpu.dma_semaphore, #tpu.memory_space<semaphore_mem>>, %arg23: memref<!tpu.dma_semaphore, #tpu.memory_space<semaphore_mem>>, %arg24: memref<!tpu.dma_semaphore, #tpu.memory_space<semaphore_mem>>) attributes {dimension_semantics = [#tpu.dimension_semantics<core_parallel>, #tpu.dimension_semantics<subcore_parallel>], iteration_bounds = array<i64: 2, 16>, scalar_prefetch = 0 : i64, scratch_operands = 19 : i64, tpu.core_type = #tpu.core_type<sc_vector_subcore>, window_params = [{transform_indices = #map}, {transform_indices = #map1}, {transform_indices = #map1}, {transform_indices = #map1}]} {
    %mul3A = arith.constant 2 : i32
    %mul3A_0 = arith.muli %arg1, %mul3A : i32
    %add3A = arith.addi %mul3A_0, %arg0 : i32
    %scan3A = arith.constant 0 : i32
    %scan3A_1 = arith.constant 64 : i32
    %scan3A_2 = arith.addi %scan3A, %scan3A_1 : i32
    %scan3A_3 = arith.constant 1 : i32
    scf.for %scan3A_55 = %scan3A to %scan3A_2 step %scan3A_3  : i32 {
      %mul3A_56 = arith.constant 1 : i32
      %mul3A_57 = arith.muli %scan3A_55, %mul3A_56 : i32
      %add3A_58 = arith.constant 0 : i32
      %add3A_59 = arith.addi %add3A_58, %mul3A_57 : i32
      %broadcast_in_dim3A = arith.constant 0.000000e+00 : bf16
      %broadcast_in_dim3A_60 = vector.broadcast %broadcast_in_dim3A : bf16 to vector<32xbf16>
      %swap3A = arith.index_cast %add3A_59 : i32 to index
      %swap3A_61 = arith.constant 0 : index
      %swap3A_62 = tpu.vector_load %arg8[%swap3A, %swap3A_61] {strides = array<i32>} : memref<64x128xbf16, #tpu.memory_space<vmem>>, vector<32xbf16>,
      tpu.vector_store %arg8[%swap3A, %swap3A_61], %broadcast_in_dim3A_60 {strides = array<i32>} : memref<64x128xbf16, #tpu.memory_space<vmem>>, vector<32xbf16>,
      %broadcast_in_dim3A_63 = arith.constant 0.000000e+00 : bf16
      %broadcast_in_dim3A_64 = vector.broadcast %broadcast_in_dim3A_63 : bf16 to vector<32xbf16>
      %swap3A_65 = arith.index_cast %add3A_59 : i32 to index
      %swap3A_66 = arith.constant 32 : index
      %swap3A_67 = tpu.vector_load %arg8[%swap3A_65, %swap3A_66] {strides = array<i32>} : memref<64x128xbf16, #tpu.memory_space<vmem>>, vector<32xbf16>,
      tpu.vector_store %arg8[%swap3A_65, %swap3A_66], %broadcast_in_dim3A_64 {strides = array<i32>} : memref<64x128xbf16, #tpu.memory_space<vmem>>, vector<32xbf16>,
      %broadcast_in_dim3A_68 = arith.constant 0.000000e+00 : bf16
      %broadcast_in_dim3A_69 = vector.broadcast %broadcast_in_dim3A_68 : bf16 to vector<32xbf16>
      %swap3A_70 = arith.index_cast %add3A_59 : i32 to index
      %swap3A_71 = arith.constant 64 : index
      %swap3A_72 = tpu.vector_load %arg8[%swap3A_70, %swap3A_71] {strides = array<i32>} : memref<64x128xbf16, #tpu.memory_space<vmem>>, vector<32xbf16>,
      tpu.vector_store %arg8[%swap3A_70, %swap3A_71], %broadcast_in_dim3A_69 {strides = array<i32>} : memref<64x128xbf16, #tpu.memory_space<vmem>>, vector<32xbf16>,
      %broadcast_in_dim3A_73 = arith.constant 0.000000e+00 : bf16
      %broadcast_in_dim3A_74 = vector.broadcast %broadcast_in_dim3A_73 : bf16 to vector<32xbf16>
      %swap3A_75 = arith.index_cast %add3A_59 : i32 to index
      %swap3A_76 = arith.constant 96 : index
      %swap3A_77 = tpu.vector_load %arg8[%swap3A_75, %swap3A_76] {strides = array<i32>} : memref<64x128xbf16, #tpu.memory_space<vmem>>, vector<32xbf16>,
      tpu.vector_store %arg8[%swap3A_75, %swap3A_76], %broadcast_in_dim3A_74 {strides = array<i32>} : memref<64x128xbf16, #tpu.memory_space<vmem>>, vector<32xbf16>,
    }
    %scan3A_4 = arith.constant 64 : i32
    %mul3A_5 = arith.constant 640 : i32
    %mul3A_6 = arith.muli %arg1, %mul3A_5 : i32
    %add3A_7 = arith.constant 0 : i32
    %add3A_8 = arith.addi %mul3A_6, %add3A_7 : i32
    "tpu.region"() ({
      %run_scoped3A = tpu.sem_alloc : memref<!tpu.dma_semaphore, #tpu.memory_space<semaphore_mem>>
      %dma_start3A = arith.constant 0 : i32
      %dma_start3A_55 = tpu.memref_slice %arg9[%add3A_8, %dma_start3A] : memref<10240x128xbf16, #tpu.memory_space<vmem_shared>> -> memref<64x128xbf16, #tpu.memory_space<vmem_shared>>
      %dma_start3A_56 = arith.constant 0 : i32
      %dma_start3A_57 = tpu.memref_slice %arg9[%add3A_8, %dma_start3A_56] : memref<10240x128xbf16, #tpu.memory_space<vmem_shared>> -> memref<64x128xbf16, #tpu.memory_space<vmem_shared>>
      tpu.enqueue_dma source(%arg8 : memref<64x128xbf16, #tpu.memory_space<vmem>>) target(%dma_start3A_57 : memref<64x128xbf16, #tpu.memory_space<vmem_shared>>) target_semaphore(%run_scoped3A : memref<!tpu.dma_semaphore, #tpu.memory_space<semaphore_mem>>)
      %dma_wait3A = arith.constant 0 : i32
      %dma_wait3A_58 = tpu.memref_slice %arg9[%add3A_8, %dma_wait3A] : memref<10240x128xbf16, #tpu.memory_space<vmem_shared>> -> memref<64x128xbf16, #tpu.memory_space<vmem_shared>>
      %dma_wait3A_59 = arith.constant 0 : i32
      %dma_wait3A_60 = tpu.memref_slice %arg9[%add3A_8, %dma_wait3A_59] : memref<10240x128xbf16, #tpu.memory_space<vmem_shared>> -> memref<64x128xbf16, #tpu.memory_space<vmem_shared>>
      tpu.wait_dma2 semaphore(%run_scoped3A : memref<!tpu.dma_semaphore, #tpu.memory_space<semaphore_mem>>) src(%arg8 : memref<64x128xbf16, #tpu.memory_space<vmem>>) dst(%dma_wait3A_60 : memref<64x128xbf16, #tpu.memory_space<vmem_shared>>)
      tpu.yield
    }) : () -> ()
    %mul3A_9 = arith.constant 640 : i32
    %mul3A_10 = arith.muli %arg1, %mul3A_9 : i32
    %add3A_11 = arith.constant 64 : i32
    %add3A_12 = arith.addi %mul3A_10, %add3A_11 : i32
    "tpu.region"() ({
      %run_scoped3A = tpu.sem_alloc : memref<!tpu.dma_semaphore, #tpu.memory_space<semaphore_mem>>
      %dma_start3A = arith.constant 0 : i32
      %dma_start3A_55 = tpu.memref_slice %arg9[%add3A_12, %dma_start3A] : memref<10240x128xbf16, #tpu.memory_space<vmem_shared>> -> memref<64x128xbf16, #tpu.memory_space<vmem_shared>>
      %dma_start3A_56 = arith.constant 0 : i32
      %dma_start3A_57 = tpu.memref_slice %arg9[%add3A_12, %dma_start3A_56] : memref<10240x128xbf16, #tpu.memory_space<vmem_shared>> -> memref<64x128xbf16, #tpu.memory_space<vmem_shared>>
      tpu.enqueue_dma source(%arg8 : memref<64x128xbf16, #tpu.memory_space<vmem>>) target(%dma_start3A_57 : memref<64x128xbf16, #tpu.memory_space<vmem_shared>>) target_semaphore(%run_scoped3A : memref<!tpu.dma_semaphore, #tpu.memory_space<semaphore_mem>>)
      %dma_wait3A = arith.constant 0 : i32
      %dma_wait3A_58 = tpu.memref_slice %arg9[%add3A_12, %dma_wait3A] : memref<10240x128xbf16, #tpu.memory_space<vmem_shared>> -> memref<64x128xbf16, #tpu.memory_space<vmem_shared>>
      %dma_wait3A_59 = arith.constant 0 : i32
      %dma_wait3A_60 = tpu.memref_slice %arg9[%add3A_12, %dma_wait3A_59] : memref<10240x128xbf16, #tpu.memory_space<vmem_shared>> -> memref<64x128xbf16, #tpu.memory_space<vmem_shared>>
      tpu.wait_dma2 semaphore(%run_scoped3A : memref<!tpu.dma_semaphore, #tpu.memory_space<semaphore_mem>>) src(%arg8 : memref<64x128xbf16, #tpu.memory_space<vmem>>) dst(%dma_wait3A_60 : memref<64x128xbf16, #tpu.memory_space<vmem_shared>>)
      tpu.yield
    }) : () -> ()
    %mul3A_13 = arith.constant 640 : i32
    %mul3A_14 = arith.muli %arg1, %mul3A_13 : i32
    %add3A_15 = arith.constant 128 : i32
    %add3A_16 = arith.addi %mul3A_14, %add3A_15 : i32
    "tpu.region"() ({
      %run_scoped3A = tpu.sem_alloc : memref<!tpu.dma_semaphore, #tpu.memory_space<semaphore_mem>>
      %dma_start3A = arith.constant 0 : i32
      %dma_start3A_55 = tpu.memref_slice %arg9[%add3A_16, %dma_start3A] : memref<10240x128xbf16, #tpu.memory_space<vmem_shared>> -> memref<64x128xbf16, #tpu.memory_space<vmem_shared>>
      %dma_start3A_56 = arith.constant 0 : i32
      %dma_start3A_57 = tpu.memref_slice %arg9[%add3A_16, %dma_start3A_56] : memref<10240x128xbf16, #tpu.memory_space<vmem_shared>> -> memref<64x128xbf16, #tpu.memory_space<vmem_shared>>
      tpu.enqueue_dma source(%arg8 : memref<64x128xbf16, #tpu.memory_space<vmem>>) target(%dma_start3A_57 : memref<64x128xbf16, #tpu.memory_space<vmem_shared>>) target_semaphore(%run_scoped3A : memref<!tpu.dma_semaphore, #tpu.memory_space<semaphore_mem>>)
      %dma_wait3A = arith.constant 0 : i32
      %dma_wait3A_58 = tpu.memref_slice %arg9[%add3A_16, %dma_wait3A] : memref<10240x128xbf16, #tpu.memory_space<vmem_shared>> -> memref<64x128xbf16, #tpu.memory_space<vmem_shared>>
      %dma_wait3A_59 = arith.constant 0 : i32
      %dma_wait3A_60 = tpu.memref_slice %arg9[%add3A_16, %dma_wait3A_59] : memref<10240x128xbf16, #tpu.memory_space<vmem_shared>> -> memref<64x128xbf16, #tpu.memory_space<vmem_shared>>
      tpu.wait_dma2 semaphore(%run_scoped3A : memref<!tpu.dma_semaphore, #tpu.memory_space<semaphore_mem>>) src(%arg8 : memref<64x128xbf16, #tpu.memory_space<vmem>>) dst(%dma_wait3A_60 : memref<64x128xbf16, #tpu.memory_space<vmem_shared>>)
      tpu.yield
    }) : () -> ()
    %mul3A_17 = arith.constant 640 : i32
    %mul3A_18 = arith.muli %arg1, %mul3A_17 : i32
    %add3A_19 = arith.constant 192 : i32
    %add3A_20 = arith.addi %mul3A_18, %add3A_19 : i32
    "tpu.region"() ({
      %run_scoped3A = tpu.sem_alloc : memref<!tpu.dma_semaphore, #tpu.memory_space<semaphore_mem>>
      %dma_start3A = arith.constant 0 : i32
      %dma_start3A_55 = tpu.memref_slice %arg9[%add3A_20, %dma_start3A] : memref<10240x128xbf16, #tpu.memory_space<vmem_shared>> -> memref<64x128xbf16, #tpu.memory_space<vmem_shared>>
      %dma_start3A_56 = arith.constant 0 : i32
      %dma_start3A_57 = tpu.memref_slice %arg9[%add3A_20, %dma_start3A_56] : memref<10240x128xbf16, #tpu.memory_space<vmem_shared>> -> memref<64x128xbf16, #tpu.memory_space<vmem_shared>>
      tpu.enqueue_dma source(%arg8 : memref<64x128xbf16, #tpu.memory_space<vmem>>) target(%dma_start3A_57 : memref<64x128xbf16, #tpu.memory_space<vmem_shared>>) target_semaphore(%run_scoped3A : memref<!tpu.dma_semaphore, #tpu.memory_space<semaphore_mem>>)
      %dma_wait3A = arith.constant 0 : i32
      %dma_wait3A_58 = tpu.memref_slice %arg9[%add3A_20, %dma_wait3A] : memref<10240x128xbf16, #tpu.memory_space<vmem_shared>> -> memref<64x128xbf16, #tpu.memory_space<vmem_shared>>
      %dma_wait3A_59 = arith.constant 0 : i32
      %dma_wait3A_60 = tpu.memref_slice %arg9[%add3A_20, %dma_wait3A_59] : memref<10240x128xbf16, #tpu.memory_space<vmem_shared>> -> memref<64x128xbf16, #tpu.memory_space<vmem_shared>>
      tpu.wait_dma2 semaphore(%run_scoped3A : memref<!tpu.dma_semaphore, #tpu.memory_space<semaphore_mem>>) src(%arg8 : memref<64x128xbf16, #tpu.memory_space<vmem>>) dst(%dma_wait3A_60 : memref<64x128xbf16, #tpu.memory_space<vmem_shared>>)
      tpu.yield
    }) : () -> ()
    %mul3A_21 = arith.constant 640 : i32
    %mul3A_22 = arith.muli %arg1, %mul3A_21 : i32
    %add3A_23 = arith.constant 256 : i32
    %add3A_24 = arith.addi %mul3A_22, %add3A_23 : i32
    "tpu.region"() ({
      %run_scoped3A = tpu.sem_alloc : memref<!tpu.dma_semaphore, #tpu.memory_space<semaphore_mem>>
      %dma_start3A = arith.constant 0 : i32
      %dma_start3A_55 = tpu.memref_slice %arg9[%add3A_24, %dma_start3A] : memref<10240x128xbf16, #tpu.memory_space<vmem_shared>> -> memref<64x128xbf16, #tpu.memory_space<vmem_shared>>
      %dma_start3A_56 = arith.constant 0 : i32
      %dma_start3A_57 = tpu.memref_slice %arg9[%add3A_24, %dma_start3A_56] : memref<10240x128xbf16, #tpu.memory_space<vmem_shared>> -> memref<64x128xbf16, #tpu.memory_space<vmem_shared>>
      tpu.enqueue_dma source(%arg8 : memref<64x128xbf16, #tpu.memory_space<vmem>>) target(%dma_start3A_57 : memref<64x128xbf16, #tpu.memory_space<vmem_shared>>) target_semaphore(%run_scoped3A : memref<!tpu.dma_semaphore, #tpu.memory_space<semaphore_mem>>)
      %dma_wait3A = arith.constant 0 : i32
      %dma_wait3A_58 = tpu.memref_slice %arg9[%add3A_24, %dma_wait3A] : memref<10240x128xbf16, #tpu.memory_space<vmem_shared>> -> memref<64x128xbf16, #tpu.memory_space<vmem_shared>>
      %dma_wait3A_59 = arith.constant 0 : i32
      %dma_wait3A_60 = tpu.memref_slice %arg9[%add3A_24, %dma_wait3A_59] : memref<10240x128xbf16, #tpu.memory_space<vmem_shared>> -> memref<64x128xbf16, #tpu.memory_space<vmem_shared>>
      tpu.wait_dma2 semaphore(%run_scoped3A : memref<!tpu.dma_semaphore, #tpu.memory_space<semaphore_mem>>) src(%arg8 : memref<64x128xbf16, #tpu.memory_space<vmem>>) dst(%dma_wait3A_60 : memref<64x128xbf16, #tpu.memory_space<vmem_shared>>)
      tpu.yield
    }) : () -> ()
    %mul3A_25 = arith.constant 640 : i32
    %mul3A_26 = arith.muli %arg1, %mul3A_25 : i32
    %add3A_27 = arith.constant 320 : i32
    %add3A_28 = arith.addi %mul3A_26, %add3A_27 : i32
    "tpu.region"() ({
      %run_scoped3A = tpu.sem_alloc : memref<!tpu.dma_semaphore, #tpu.memory_space<semaphore_mem>>
      %dma_start3A = arith.constant 0 : i32
      %dma_start3A_55 = tpu.memref_slice %arg9[%add3A_28, %dma_start3A] : memref<10240x128xbf16, #tpu.memory_space<vmem_shared>> -> memref<64x128xbf16, #tpu.memory_space<vmem_shared>>
      %dma_start3A_56 = arith.constant 0 : i32
      %dma_start3A_57 = tpu.memref_slice %arg9[%add3A_28, %dma_start3A_56] : memref<10240x128xbf16, #tpu.memory_space<vmem_shared>> -> memref<64x128xbf16, #tpu.memory_space<vmem_shared>>
      tpu.enqueue_dma source(%arg8 : memref<64x128xbf16, #tpu.memory_space<vmem>>) target(%dma_start3A_57 : memref<64x128xbf16, #tpu.memory_space<vmem_shared>>) target_semaphore(%run_scoped3A : memref<!tpu.dma_semaphore, #tpu.memory_space<semaphore_mem>>)
      %dma_wait3A = arith.constant 0 : i32
      %dma_wait3A_58 = tpu.memref_slice %arg9[%add3A_28, %dma_wait3A] : memref<10240x128xbf16, #tpu.memory_space<vmem_shared>> -> memref<64x128xbf16, #tpu.memory_space<vmem_shared>>
      %dma_wait3A_59 = arith.constant 0 : i32
      %dma_wait3A_60 = tpu.memref_slice %arg9[%add3A_28, %dma_wait3A_59] : memref<10240x128xbf16, #tpu.memory_space<vmem_shared>> -> memref<64x128xbf16, #tpu.memory_space<vmem_shared>>
      tpu.wait_dma2 semaphore(%run_scoped3A : memref<!tpu.dma_semaphore, #tpu.memory_space<semaphore_mem>>) src(%arg8 : memref<64x128xbf16, #tpu.memory_space<vmem>>) dst(%dma_wait3A_60 : memref<64x128xbf16, #tpu.memory_space<vmem_shared>>)
      tpu.yield
    }) : () -> ()
    %mul3A_29 = arith.constant 640 : i32
    %mul3A_30 = arith.muli %arg1, %mul3A_29 : i32
    %add3A_31 = arith.constant 384 : i32
    %add3A_32 = arith.addi %mul3A_30, %add3A_31 : i32
    "tpu.region"() ({
      %run_scoped3A = tpu.sem_alloc : memref<!tpu.dma_semaphore, #tpu.memory_space<semaphore_mem>>
      %dma_start3A = arith.constant 0 : i32
      %dma_start3A_55 = tpu.memref_slice %arg9[%add3A_32, %dma_start3A] : memref<10240x128xbf16, #tpu.memory_space<vmem_shared>> -> memref<64x128xbf16, #tpu.memory_space<vmem_shared>>
      %dma_start3A_56 = arith.constant 0 : i32
      %dma_start3A_57 = tpu.memref_slice %arg9[%add3A_32, %dma_start3A_56] : memref<10240x128xbf16, #tpu.memory_space<vmem_shared>> -> memref<64x128xbf16, #tpu.memory_space<vmem_shared>>
      tpu.enqueue_dma source(%arg8 : memref<64x128xbf16, #tpu.memory_space<vmem>>) target(%dma_start3A_57 : memref<64x128xbf16, #tpu.memory_space<vmem_shared>>) target_semaphore(%run_scoped3A : memref<!tpu.dma_semaphore, #tpu.memory_space<semaphore_mem>>)
      %dma_wait3A = arith.constant 0 : i32
      %dma_wait3A_58 = tpu.memref_slice %arg9[%add3A_32, %dma_wait3A] : memref<10240x128xbf16, #tpu.memory_space<vmem_shared>> -> memref<64x128xbf16, #tpu.memory_space<vmem_shared>>
      %dma_wait3A_59 = arith.constant 0 : i32
      %dma_wait3A_60 = tpu.memref_slice %arg9[%add3A_32, %dma_wait3A_59] : memref<10240x128xbf16, #tpu.memory_space<vmem_shared>> -> memref<64x128xbf16, #tpu.memory_space<vmem_shared>>
      tpu.wait_dma2 semaphore(%run_scoped3A : memref<!tpu.dma_semaphore, #tpu.memory_space<semaphore_mem>>) src(%arg8 : memref<64x128xbf16, #tpu.memory_space<vmem>>) dst(%dma_wait3A_60 : memref<64x128xbf16, #tpu.memory_space<vmem_shared>>)
      tpu.yield
    }) : () -> ()
    %mul3A_33 = arith.constant 640 : i32
    %mul3A_34 = arith.muli %arg1, %mul3A_33 : i32
    %add3A_35 = arith.constant 448 : i32
    %add3A_36 = arith.addi %mul3A_34, %add3A_35 : i32
    "tpu.region"() ({
      %run_scoped3A = tpu.sem_alloc : memref<!tpu.dma_semaphore, #tpu.memory_space<semaphore_mem>>
      %dma_start3A = arith.constant 0 : i32
      %dma_start3A_55 = tpu.memref_slice %arg9[%add3A_36, %dma_start3A] : memref<10240x128xbf16, #tpu.memory_space<vmem_shared>> -> memref<64x128xbf16, #tpu.memory_space<vmem_shared>>
      %dma_start3A_56 = arith.constant 0 : i32
      %dma_start3A_57 = tpu.memref_slice %arg9[%add3A_36, %dma_start3A_56] : memref<10240x128xbf16, #tpu.memory_space<vmem_shared>> -> memref<64x128xbf16, #tpu.memory_space<vmem_shared>>
      tpu.enqueue_dma source(%arg8 : memref<64x128xbf16, #tpu.memory_space<vmem>>) target(%dma_start3A_57 : memref<64x128xbf16, #tpu.memory_space<vmem_shared>>) target_semaphore(%run_scoped3A : memref<!tpu.dma_semaphore, #tpu.memory_space<semaphore_mem>>)
      %dma_wait3A = arith.constant 0 : i32
      %dma_wait3A_58 = tpu.memref_slice %arg9[%add3A_36, %dma_wait3A] : memref<10240x128xbf16, #tpu.memory_space<vmem_shared>> -> memref<64x128xbf16, #tpu.memory_space<vmem_shared>>
      %dma_wait3A_59 = arith.constant 0 : i32
      %dma_wait3A_60 = tpu.memref_slice %arg9[%add3A_36, %dma_wait3A_59] : memref<10240x128xbf16, #tpu.memory_space<vmem_shared>> -> memref<64x128xbf16, #tpu.memory_space<vmem_shared>>
      tpu.wait_dma2 semaphore(%run_scoped3A : memref<!tpu.dma_semaphore, #tpu.memory_space<semaphore_mem>>) src(%arg8 : memref<64x128xbf16, #tpu.memory_space<vmem>>) dst(%dma_wait3A_60 : memref<64x128xbf16, #tpu.memory_space<vmem_shared>>)
      tpu.yield
    }) : () -> ()
    %mul3A_37 = arith.constant 640 : i32
    %mul3A_38 = arith.muli %arg1, %mul3A_37 : i32
    %add3A_39 = arith.constant 512 : i32
    %add3A_40 = arith.addi %mul3A_38, %add3A_39 : i32
    "tpu.region"() ({
      %run_scoped3A = tpu.sem_alloc : memref<!tpu.dma_semaphore, #tpu.memory_space<semaphore_mem>>
      %dma_start3A = arith.constant 0 : i32
      %dma_start3A_55 = tpu.memref_slice %arg9[%add3A_40, %dma_start3A] : memref<10240x128xbf16, #tpu.memory_space<vmem_shared>> -> memref<64x128xbf16, #tpu.memory_space<vmem_shared>>
      %dma_start3A_56 = arith.constant 0 : i32
      %dma_start3A_57 = tpu.memref_slice %arg9[%add3A_40, %dma_start3A_56] : memref<10240x128xbf16, #tpu.memory_space<vmem_shared>> -> memref<64x128xbf16, #tpu.memory_space<vmem_shared>>
      tpu.enqueue_dma source(%arg8 : memref<64x128xbf16, #tpu.memory_space<vmem>>) target(%dma_start3A_57 : memref<64x128xbf16, #tpu.memory_space<vmem_shared>>) target_semaphore(%run_scoped3A : memref<!tpu.dma_semaphore, #tpu.memory_space<semaphore_mem>>)
      %dma_wait3A = arith.constant 0 : i32
      %dma_wait3A_58 = tpu.memref_slice %arg9[%add3A_40, %dma_wait3A] : memref<10240x128xbf16, #tpu.memory_space<vmem_shared>> -> memref<64x128xbf16, #tpu.memory_space<vmem_shared>>
      %dma_wait3A_59 = arith.constant 0 : i32
      %dma_wait3A_60 = tpu.memref_slice %arg9[%add3A_40, %dma_wait3A_59] : memref<10240x128xbf16, #tpu.memory_space<vmem_shared>> -> memref<64x128xbf16, #tpu.memory_space<vmem_shared>>
      tpu.wait_dma2 semaphore(%run_scoped3A : memref<!tpu.dma_semaphore, #tpu.memory_space<semaphore_mem>>) src(%arg8 : memref<64x128xbf16, #tpu.memory_space<vmem>>) dst(%dma_wait3A_60 : memref<64x128xbf16, #tpu.memory_space<vmem_shared>>)
      tpu.yield
    }) : () -> ()
    %mul3A_41 = arith.constant 640 : i32
    %mul3A_42 = arith.muli %arg1, %mul3A_41 : i32
    %add3A_43 = arith.constant 576 : i32
    %add3A_44 = arith.addi %mul3A_42, %add3A_43 : i32
    "tpu.region"() ({
      %run_scoped3A = tpu.sem_alloc : memref<!tpu.dma_semaphore, #tpu.memory_space<semaphore_mem>>
      %dma_start3A = arith.constant 0 : i32
      %dma_start3A_55 = tpu.memref_slice %arg9[%add3A_44, %dma_start3A] : memref<10240x128xbf16, #tpu.memory_space<vmem_shared>> -> memref<64x128xbf16, #tpu.memory_space<vmem_shared>>
      %dma_start3A_56 = arith.constant 0 : i32
      %dma_start3A_57 = tpu.memref_slice %arg9[%add3A_44, %dma_start3A_56] : memref<10240x128xbf16, #tpu.memory_space<vmem_shared>> -> memref<64x128xbf16, #tpu.memory_space<vmem_shared>>
      tpu.enqueue_dma source(%arg8 : memref<64x128xbf16, #tpu.memory_space<vmem>>) target(%dma_start3A_57 : memref<64x128xbf16, #tpu.memory_space<vmem_shared>>) target_semaphore(%run_scoped3A : memref<!tpu.dma_semaphore, #tpu.memory_space<semaphore_mem>>)
      %dma_wait3A = arith.constant 0 : i32
      %dma_wait3A_58 = tpu.memref_slice %arg9[%add3A_44, %dma_wait3A] : memref<10240x128xbf16, #tpu.memory_space<vmem_shared>> -> memref<64x128xbf16, #tpu.memory_space<vmem_shared>>
      %dma_wait3A_59 = arith.constant 0 : i32
      %dma_wait3A_60 = tpu.memref_slice %arg9[%add3A_44, %dma_wait3A_59] : memref<10240x128xbf16, #tpu.memory_space<vmem_shared>> -> memref<64x128xbf16, #tpu.memory_space<vmem_shared>>
      tpu.wait_dma2 semaphore(%run_scoped3A : memref<!tpu.dma_semaphore, #tpu.memory_space<semaphore_mem>>) src(%arg8 : memref<64x128xbf16, #tpu.memory_space<vmem>>) dst(%dma_wait3A_60 : memref<64x128xbf16, #tpu.memory_space<vmem_shared>>)
      tpu.yield
    }) : () -> ()
    %barrier3A = arith.constant 0 : index
    tpu.barrier barrier_id(%barrier3A)
    %scan3A_45 = arith.constant 0 : i32
    %scan3A_46 = arith.constant 4 : i32
    %scan3A_47 = arith.addi %scan3A_45, %scan3A_46 : i32
    %scan3A_48 = arith.constant 1 : i32
    scf.for %scan3A_55 = %scan3A_45 to %scan3A_47 step %scan3A_48  : i32 {
      %mul3A_56 = arith.constant 1 : i32
      %mul3A_57 = arith.muli %scan3A_55, %mul3A_56 : i32
      %add3A_58 = arith.constant 0 : i32
      %add3A_59 = arith.addi %add3A_58, %mul3A_57 : i32
      %mul3A_60 = arith.constant 20 : i32
      %mul3A_61 = arith.muli %add3A_59, %mul3A_60 : i32
      "tpu.region"() ({
        %run_scoped3A = tpu.sem_alloc : memref<!tpu.dma_semaphore, #tpu.memory_space<semaphore_mem>>
        %dma_start3A_207 = arith.constant 0 : i32
        %dma_start3A_208 = tpu.memref_slice %arg3[%add3A, %mul3A_61, %dma_start3A_207] : memref<32x80x125xi32, #tpu.memory_space<hbm>> -> memref<1x20x125xi32, #tpu.memory_space<hbm>>
        %dma_start3A_209 = tpu.memref_squeeze %dma_start3A_208 : memref<1x20x125xi32, #tpu.memory_space<hbm>> -> memref<20x125xi32, #tpu.memory_space<hbm>>
        %dma_start3A_210 = arith.constant 0 : i32
        %dma_start3A_211 = tpu.memref_slice %arg3[%add3A, %mul3A_61, %dma_start3A_210] : memref<32x80x125xi32, #tpu.memory_space<hbm>> -> memref<1x20x125xi32, #tpu.memory_space<hbm>>
        %dma_start3A_212 = tpu.memref_squeeze %dma_start3A_211 : memref<1x20x125xi32, #tpu.memory_space<hbm>> -> memref<20x125xi32, #tpu.memory_space<hbm>>
        tpu.enqueue_dma source(%dma_start3A_212 : memref<20x125xi32, #tpu.memory_space<hbm>>) target(%arg6 : memref<20x125xi32, #tpu.memory_space<vmem>>) target_semaphore(%run_scoped3A : memref<!tpu.dma_semaphore, #tpu.memory_space<semaphore_mem>>)
        %dma_wait3A_213 = arith.constant 0 : i32
        %dma_wait3A_214 = tpu.memref_slice %arg3[%add3A, %mul3A_61, %dma_wait3A_213] : memref<32x80x125xi32, #tpu.memory_space<hbm>> -> memref<1x20x125xi32, #tpu.memory_space<hbm>>
        %dma_wait3A_215 = tpu.memref_squeeze %dma_wait3A_214 : memref<1x20x125xi32, #tpu.memory_space<hbm>> -> memref<20x125xi32, #tpu.memory_space<hbm>>
        %dma_wait3A_216 = arith.constant 0 : i32
        %dma_wait3A_217 = tpu.memref_slice %arg3[%add3A, %mul3A_61, %dma_wait3A_216] : memref<32x80x125xi32, #tpu.memory_space<hbm>> -> memref<1x20x125xi32, #tpu.memory_space<hbm>>
        %dma_wait3A_218 = tpu.memref_squeeze %dma_wait3A_217 : memref<1x20x125xi32, #tpu.memory_space<hbm>> -> memref<20x125xi32, #tpu.memory_space<hbm>>
        tpu.wait_dma2 semaphore(%run_scoped3A : memref<!tpu.dma_semaphore, #tpu.memory_space<semaphore_mem>>) src(%dma_wait3A_218 : memref<20x125xi32, #tpu.memory_space<hbm>>) dst(%arg6 : memref<20x125xi32, #tpu.memory_space<vmem>>)
        tpu.yield
      }) : () -> ()
      %mul3A_62 = arith.constant 20 : i32
      %mul3A_63 = arith.muli %add3A_59, %mul3A_62 : i32
      "tpu.region"() ({
        %run_scoped3A = tpu.sem_alloc : memref<!tpu.dma_semaphore, #tpu.memory_space<semaphore_mem>>
        %dma_start3A_207 = arith.constant 0 : i32
        %dma_start3A_208 = tpu.memref_slice %arg4[%add3A, %mul3A_63, %dma_start3A_207] : memref<32x80x125xi32, #tpu.memory_space<hbm>> -> memref<1x20x125xi32, #tpu.memory_space<hbm>>
        %dma_start3A_209 = tpu.memref_squeeze %dma_start3A_208 : memref<1x20x125xi32, #tpu.memory_space<hbm>> -> memref<20x125xi32, #tpu.memory_space<hbm>>
        %dma_start3A_210 = arith.constant 0 : i32
        %dma_start3A_211 = tpu.memref_slice %arg4[%add3A, %mul3A_63, %dma_start3A_210] : memref<32x80x125xi32, #tpu.memory_space<hbm>> -> memref<1x20x125xi32, #tpu.memory_space<hbm>>
        %dma_start3A_212 = tpu.memref_squeeze %dma_start3A_211 : memref<1x20x125xi32, #tpu.memory_space<hbm>> -> memref<20x125xi32, #tpu.memory_space<hbm>>
        tpu.enqueue_dma source(%dma_start3A_212 : memref<20x125xi32, #tpu.memory_space<hbm>>) target(%arg7 : memref<20x125xi32, #tpu.memory_space<vmem>>) target_semaphore(%run_scoped3A : memref<!tpu.dma_semaphore, #tpu.memory_space<semaphore_mem>>)
        %dma_wait3A_213 = arith.constant 0 : i32
        %dma_wait3A_214 = tpu.memref_slice %arg4[%add3A, %mul3A_63, %dma_wait3A_213] : memref<32x80x125xi32, #tpu.memory_space<hbm>> -> memref<1x20x125xi32, #tpu.memory_space<hbm>>
        %dma_wait3A_215 = tpu.memref_squeeze %dma_wait3A_214 : memref<1x20x125xi32, #tpu.memory_space<hbm>> -> memref<20x125xi32, #tpu.memory_space<hbm>>
        %dma_wait3A_216 = arith.constant 0 : i32
        %dma_wait3A_217 = tpu.memref_slice %arg4[%add3A, %mul3A_63, %dma_wait3A_216] : memref<32x80x125xi32, #tpu.memory_space<hbm>> -> memref<1x20x125xi32, #tpu.memory_space<hbm>>
        %dma_wait3A_218 = tpu.memref_squeeze %dma_wait3A_217 : memref<1x20x125xi32, #tpu.memory_space<hbm>> -> memref<20x125xi32, #tpu.memory_space<hbm>>
        tpu.wait_dma2 semaphore(%run_scoped3A : memref<!tpu.dma_semaphore, #tpu.memory_space<semaphore_mem>>) src(%dma_wait3A_218 : memref<20x125xi32, #tpu.memory_space<hbm>>) dst(%arg7 : memref<20x125xi32, #tpu.memory_space<vmem>>)
        tpu.yield
      }) : () -> ()
      %dma_start3A = arith.constant 0 : i32
      %dma_start3A_64 = arith.constant 0 : i32
      %dma_start3A_65 = tpu.memref_slice %arg6[%dma_start3A, %dma_start3A_64] : memref<20x125xi32, #tpu.memory_space<vmem>> -> memref<1x125xi32, #tpu.memory_space<vmem>>
      %dma_start3A_66 = tpu.memref_squeeze %dma_start3A_65 : memref<1x125xi32, #tpu.memory_space<vmem>> -> memref<125xi32, #tpu.memory_space<vmem>>
      %dma_start3A_67 = arith.constant 0 : i32
      %dma_start3A_68 = arith.constant 0 : i32
      %dma_start3A_69 = tpu.memref_slice %arg2[%dma_start3A_67, %dma_start3A_68] : memref<10240x128xbf16, #tpu.memory_space<hbm>> -> memref<10240x128xbf16, #tpu.memory_space<hbm>>
      tpu.enqueue_indirect_dma source(%dma_start3A_69 : memref<10240x128xbf16, #tpu.memory_space<hbm>>) target(%arg10 : memref<125x128xbf16, #tpu.memory_space<vmem>>) offsets(%dma_start3A_66 : memref<125xi32, #tpu.memory_space<vmem>>) semaphore(%arg15 : memref<!tpu.dma_semaphore, #tpu.memory_space<semaphore_mem>>)
      %dma_start3A_70 = arith.constant 1 : i32
      %dma_start3A_71 = arith.constant 0 : i32
      %dma_start3A_72 = tpu.memref_slice %arg6[%dma_start3A_70, %dma_start3A_71] : memref<20x125xi32, #tpu.memory_space<vmem>> -> memref<1x125xi32, #tpu.memory_space<vmem>>
      %dma_start3A_73 = tpu.memref_squeeze %dma_start3A_72 : memref<1x125xi32, #tpu.memory_space<vmem>> -> memref<125xi32, #tpu.memory_space<vmem>>
      %dma_start3A_74 = arith.constant 0 : i32
      %dma_start3A_75 = arith.constant 0 : i32
      %dma_start3A_76 = tpu.memref_slice %arg2[%dma_start3A_74, %dma_start3A_75] : memref<10240x128xbf16, #tpu.memory_space<hbm>> -> memref<10240x128xbf16, #tpu.memory_space<hbm>>
      tpu.enqueue_indirect_dma source(%dma_start3A_76 : memref<10240x128xbf16, #tpu.memory_space<hbm>>) target(%arg11 : memref<125x128xbf16, #tpu.memory_space<vmem>>) offsets(%dma_start3A_73 : memref<125xi32, #tpu.memory_space<vmem>>) semaphore(%arg16 : memref<!tpu.dma_semaphore, #tpu.memory_space<semaphore_mem>>)
      %dma_start3A_77 = arith.constant 2 : i32
      %dma_start3A_78 = arith.constant 0 : i32
      %dma_start3A_79 = tpu.memref_slice %arg6[%dma_start3A_77, %dma_start3A_78] : memref<20x125xi32, #tpu.memory_space<vmem>> -> memref<1x125xi32, #tpu.memory_space<vmem>>
      %dma_start3A_80 = tpu.memref_squeeze %dma_start3A_79 : memref<1x125xi32, #tpu.memory_space<vmem>> -> memref<125xi32, #tpu.memory_space<vmem>>
      %dma_start3A_81 = arith.constant 0 : i32
      %dma_start3A_82 = arith.constant 0 : i32
      %dma_start3A_83 = tpu.memref_slice %arg2[%dma_start3A_81, %dma_start3A_82] : memref<10240x128xbf16, #tpu.memory_space<hbm>> -> memref<10240x128xbf16, #tpu.memory_space<hbm>>
      tpu.enqueue_indirect_dma source(%dma_start3A_83 : memref<10240x128xbf16, #tpu.memory_space<hbm>>) target(%arg12 : memref<125x128xbf16, #tpu.memory_space<vmem>>) offsets(%dma_start3A_80 : memref<125xi32, #tpu.memory_space<vmem>>) semaphore(%arg17 : memref<!tpu.dma_semaphore, #tpu.memory_space<semaphore_mem>>)
      %dma_start3A_84 = arith.constant 3 : i32
      %dma_start3A_85 = arith.constant 0 : i32
      %dma_start3A_86 = tpu.memref_slice %arg6[%dma_start3A_84, %dma_start3A_85] : memref<20x125xi32, #tpu.memory_space<vmem>> -> memref<1x125xi32, #tpu.memory_space<vmem>>
      %dma_start3A_87 = tpu.memref_squeeze %dma_start3A_86 : memref<1x125xi32, #tpu.memory_space<vmem>> -> memref<125xi32, #tpu.memory_space<vmem>>
      %dma_start3A_88 = arith.constant 0 : i32
      %dma_start3A_89 = arith.constant 0 : i32
      %dma_start3A_90 = tpu.memref_slice %arg2[%dma_start3A_88, %dma_start3A_89] : memref<10240x128xbf16, #tpu.memory_space<hbm>> -> memref<10240x128xbf16, #tpu.memory_space<hbm>>
      tpu.enqueue_indirect_dma source(%dma_start3A_90 : memref<10240x128xbf16, #tpu.memory_space<hbm>>) target(%arg13 : memref<125x128xbf16, #tpu.memory_space<vmem>>) offsets(%dma_start3A_87 : memref<125xi32, #tpu.memory_space<vmem>>) semaphore(%arg18 : memref<!tpu.dma_semaphore, #tpu.memory_space<semaphore_mem>>)
      %dma_start3A_91 = arith.constant 4 : i32
      %dma_start3A_92 = arith.constant 0 : i32
      %dma_start3A_93 = tpu.memref_slice %arg6[%dma_start3A_91, %dma_start3A_92] : memref<20x125xi32, #tpu.memory_space<vmem>> -> memref<1x125xi32, #tpu.memory_space<vmem>>
      %dma_start3A_94 = tpu.memref_squeeze %dma_start3A_93 : memref<1x125xi32, #tpu.memory_space<vmem>> -> memref<125xi32, #tpu.memory_space<vmem>>
      %dma_start3A_95 = arith.constant 0 : i32
      %dma_start3A_96 = arith.constant 0 : i32
      %dma_start3A_97 = tpu.memref_slice %arg2[%dma_start3A_95, %dma_start3A_96] : memref<10240x128xbf16, #tpu.memory_space<hbm>> -> memref<10240x128xbf16, #tpu.memory_space<hbm>>
      tpu.enqueue_indirect_dma source(%dma_start3A_97 : memref<10240x128xbf16, #tpu.memory_space<hbm>>) target(%arg14 : memref<125x128xbf16, #tpu.memory_space<vmem>>) offsets(%dma_start3A_94 : memref<125xi32, #tpu.memory_space<vmem>>) semaphore(%arg19 : memref<!tpu.dma_semaphore, #tpu.memory_space<semaphore_mem>>)
      %scan3A_98 = arith.constant 0 : i32
      %scan3A_99 = arith.constant 3 : i32
      %scan3A_100 = arith.addi %scan3A_98, %scan3A_99 : i32
      %scan3A_101 = arith.constant 1 : i32
      scf.for %scan3A_207 = %scan3A_98 to %scan3A_100 step %scan3A_101  : i32 {
        %mul3A_208 = arith.constant 1 : i32
        %mul3A_209 = arith.muli %scan3A_207, %mul3A_208 : i32
        %add3A_210 = arith.constant 0 : i32
        %add3A_211 = arith.addi %add3A_210, %mul3A_209 : i32
        %mul3A_212 = arith.constant 5 : i32
        %mul3A_213 = arith.muli %add3A_211, %mul3A_212 : i32
        %add3A_214 = arith.constant 0 : i32
        %add3A_215 = arith.addi %mul3A_213, %add3A_214 : i32
        %dma_wait3A_216 = arith.constant 0 : i32
        %dma_wait3A_217 = tpu.memref_slice %arg6[%add3A_215, %dma_wait3A_216] : memref<20x125xi32, #tpu.memory_space<vmem>> -> memref<1x125xi32, #tpu.memory_space<vmem>>
        %dma_wait3A_218 = tpu.memref_squeeze %dma_wait3A_217 : memref<1x125xi32, #tpu.memory_space<vmem>> -> memref<125xi32, #tpu.memory_space<vmem>>
        %dma_wait3A_219 = arith.constant 0 : i32
        %dma_wait3A_220 = arith.constant 0 : i32
        %dma_wait3A_221 = tpu.memref_slice %arg2[%dma_wait3A_219, %dma_wait3A_220] : memref<10240x128xbf16, #tpu.memory_space<hbm>> -> memref<10240x128xbf16, #tpu.memory_space<hbm>>
        tpu.wait_indirect_dma semaphore(%arg15 : memref<!tpu.dma_semaphore, #tpu.memory_space<semaphore_mem>>) src(%dma_wait3A_221 : memref<10240x128xbf16, #tpu.memory_space<hbm>>) dst(%arg10 : memref<125x128xbf16, #tpu.memory_space<vmem>>)
        %add3A_222 = arith.constant 0 : i32
        %add3A_223 = arith.addi %mul3A_213, %add3A_222 : i32
        %dma_start3A_224 = arith.constant 0 : i32
        %dma_start3A_225 = tpu.memref_slice %arg7[%add3A_223, %dma_start3A_224] : memref<20x125xi32, #tpu.memory_space<vmem>> -> memref<1x125xi32, #tpu.memory_space<vmem>>
        %dma_start3A_226 = tpu.memref_squeeze %dma_start3A_225 : memref<1x125xi32, #tpu.memory_space<vmem>> -> memref<125xi32, #tpu.memory_space<vmem>>
        %dma_start3A_227 = arith.constant 0 : i32
        %dma_start3A_228 = arith.constant 0 : i32
        %dma_start3A_229 = tpu.memref_slice %arg9[%dma_start3A_227, %dma_start3A_228] : memref<10240x128xbf16, #tpu.memory_space<vmem_shared>> -> memref<10240x128xbf16, #tpu.memory_space<vmem_shared>>
        tpu.enqueue_indirect_dma source(%arg10 : memref<125x128xbf16, #tpu.memory_space<vmem>>) target(%dma_start3A_229 : memref<10240x128xbf16, #tpu.memory_space<vmem_shared>>) offsets(%dma_start3A_226 : memref<125xi32, #tpu.memory_space<vmem>>) semaphore(%arg20 : memref<!tpu.dma_semaphore, #tpu.memory_space<semaphore_mem>>) {add = true}
        %add3A_230 = arith.constant 1 : i32
        %add3A_231 = arith.addi %mul3A_213, %add3A_230 : i32
        %dma_wait3A_232 = arith.constant 0 : i32
        %dma_wait3A_233 = tpu.memref_slice %arg6[%add3A_231, %dma_wait3A_232] : memref<20x125xi32, #tpu.memory_space<vmem>> -> memref<1x125xi32, #tpu.memory_space<vmem>>
        %dma_wait3A_234 = tpu.memref_squeeze %dma_wait3A_233 : memref<1x125xi32, #tpu.memory_space<vmem>> -> memref<125xi32, #tpu.memory_space<vmem>>
        %dma_wait3A_235 = arith.constant 0 : i32
        %dma_wait3A_236 = arith.constant 0 : i32
        %dma_wait3A_237 = tpu.memref_slice %arg2[%dma_wait3A_235, %dma_wait3A_236] : memref<10240x128xbf16, #tpu.memory_space<hbm>> -> memref<10240x128xbf16, #tpu.memory_space<hbm>>
        tpu.wait_indirect_dma semaphore(%arg16 : memref<!tpu.dma_semaphore, #tpu.memory_space<semaphore_mem>>) src(%dma_wait3A_237 : memref<10240x128xbf16, #tpu.memory_space<hbm>>) dst(%arg11 : memref<125x128xbf16, #tpu.memory_space<vmem>>)
        %add3A_238 = arith.constant 1 : i32
        %add3A_239 = arith.addi %mul3A_213, %add3A_238 : i32
        %dma_start3A_240 = arith.constant 0 : i32
        %dma_start3A_241 = tpu.memref_slice %arg7[%add3A_239, %dma_start3A_240] : memref<20x125xi32, #tpu.memory_space<vmem>> -> memref<1x125xi32, #tpu.memory_space<vmem>>
        %dma_start3A_242 = tpu.memref_squeeze %dma_start3A_241 : memref<1x125xi32, #tpu.memory_space<vmem>> -> memref<125xi32, #tpu.memory_space<vmem>>
        %dma_start3A_243 = arith.constant 0 : i32
        %dma_start3A_244 = arith.constant 0 : i32
        %dma_start3A_245 = tpu.memref_slice %arg9[%dma_start3A_243, %dma_start3A_244] : memref<10240x128xbf16, #tpu.memory_space<vmem_shared>> -> memref<10240x128xbf16, #tpu.memory_space<vmem_shared>>
        tpu.enqueue_indirect_dma source(%arg11 : memref<125x128xbf16, #tpu.memory_space<vmem>>) target(%dma_start3A_245 : memref<10240x128xbf16, #tpu.memory_space<vmem_shared>>) offsets(%dma_start3A_242 : memref<125xi32, #tpu.memory_space<vmem>>) semaphore(%arg21 : memref<!tpu.dma_semaphore, #tpu.memory_space<semaphore_mem>>) {add = true}
        %add3A_246 = arith.constant 2 : i32
        %add3A_247 = arith.addi %mul3A_213, %add3A_246 : i32
        %dma_wait3A_248 = arith.constant 0 : i32
        %dma_wait3A_249 = tpu.memref_slice %arg6[%add3A_247, %dma_wait3A_248] : memref<20x125xi32, #tpu.memory_space<vmem>> -> memref<1x125xi32, #tpu.memory_space<vmem>>
        %dma_wait3A_250 = tpu.memref_squeeze %dma_wait3A_249 : memref<1x125xi32, #tpu.memory_space<vmem>> -> memref<125xi32, #tpu.memory_space<vmem>>
        %dma_wait3A_251 = arith.constant 0 : i32
        %dma_wait3A_252 = arith.constant 0 : i32
        %dma_wait3A_253 = tpu.memref_slice %arg2[%dma_wait3A_251, %dma_wait3A_252] : memref<10240x128xbf16, #tpu.memory_space<hbm>> -> memref<10240x128xbf16, #tpu.memory_space<hbm>>
        tpu.wait_indirect_dma semaphore(%arg17 : memref<!tpu.dma_semaphore, #tpu.memory_space<semaphore_mem>>) src(%dma_wait3A_253 : memref<10240x128xbf16, #tpu.memory_space<hbm>>) dst(%arg12 : memref<125x128xbf16, #tpu.memory_space<vmem>>)
        %add3A_254 = arith.constant 2 : i32
        %add3A_255 = arith.addi %mul3A_213, %add3A_254 : i32
        %dma_start3A_256 = arith.constant 0 : i32
        %dma_start3A_257 = tpu.memref_slice %arg7[%add3A_255, %dma_start3A_256] : memref<20x125xi32, #tpu.memory_space<vmem>> -> memref<1x125xi32, #tpu.memory_space<vmem>>
        %dma_start3A_258 = tpu.memref_squeeze %dma_start3A_257 : memref<1x125xi32, #tpu.memory_space<vmem>> -> memref<125xi32, #tpu.memory_space<vmem>>
        %dma_start3A_259 = arith.constant 0 : i32
        %dma_start3A_260 = arith.constant 0 : i32
        %dma_start3A_261 = tpu.memref_slice %arg9[%dma_start3A_259, %dma_start3A_260] : memref<10240x128xbf16, #tpu.memory_space<vmem_shared>> -> memref<10240x128xbf16, #tpu.memory_space<vmem_shared>>
        tpu.enqueue_indirect_dma source(%arg12 : memref<125x128xbf16, #tpu.memory_space<vmem>>) target(%dma_start3A_261 : memref<10240x128xbf16, #tpu.memory_space<vmem_shared>>) offsets(%dma_start3A_258 : memref<125xi32, #tpu.memory_space<vmem>>) semaphore(%arg22 : memref<!tpu.dma_semaphore, #tpu.memory_space<semaphore_mem>>) {add = true}
        %add3A_262 = arith.constant 3 : i32
        %add3A_263 = arith.addi %mul3A_213, %add3A_262 : i32
        %dma_wait3A_264 = arith.constant 0 : i32
        %dma_wait3A_265 = tpu.memref_slice %arg6[%add3A_263, %dma_wait3A_264] : memref<20x125xi32, #tpu.memory_space<vmem>> -> memref<1x125xi32, #tpu.memory_space<vmem>>
        %dma_wait3A_266 = tpu.memref_squeeze %dma_wait3A_265 : memref<1x125xi32, #tpu.memory_space<vmem>> -> memref<125xi32, #tpu.memory_space<vmem>>
        %dma_wait3A_267 = arith.constant 0 : i32
        %dma_wait3A_268 = arith.constant 0 : i32
        %dma_wait3A_269 = tpu.memref_slice %arg2[%dma_wait3A_267, %dma_wait3A_268] : memref<10240x128xbf16, #tpu.memory_space<hbm>> -> memref<10240x128xbf16, #tpu.memory_space<hbm>>
        tpu.wait_indirect_dma semaphore(%arg18 : memref<!tpu.dma_semaphore, #tpu.memory_space<semaphore_mem>>) src(%dma_wait3A_269 : memref<10240x128xbf16, #tpu.memory_space<hbm>>) dst(%arg13 : memref<125x128xbf16, #tpu.memory_space<vmem>>)
        %add3A_270 = arith.constant 3 : i32
        %add3A_271 = arith.addi %mul3A_213, %add3A_270 : i32
        %dma_start3A_272 = arith.constant 0 : i32
        %dma_start3A_273 = tpu.memref_slice %arg7[%add3A_271, %dma_start3A_272] : memref<20x125xi32, #tpu.memory_space<vmem>> -> memref<1x125xi32, #tpu.memory_space<vmem>>
        %dma_start3A_274 = tpu.memref_squeeze %dma_start3A_273 : memref<1x125xi32, #tpu.memory_space<vmem>> -> memref<125xi32, #tpu.memory_space<vmem>>
        %dma_start3A_275 = arith.constant 0 : i32
        %dma_start3A_276 = arith.constant 0 : i32
        %dma_start3A_277 = tpu.memref_slice %arg9[%dma_start3A_275, %dma_start3A_276] : memref<10240x128xbf16, #tpu.memory_space<vmem_shared>> -> memref<10240x128xbf16, #tpu.memory_space<vmem_shared>>
        tpu.enqueue_indirect_dma source(%arg13 : memref<125x128xbf16, #tpu.memory_space<vmem>>) target(%dma_start3A_277 : memref<10240x128xbf16, #tpu.memory_space<vmem_shared>>) offsets(%dma_start3A_274 : memref<125xi32, #tpu.memory_space<vmem>>) semaphore(%arg23 : memref<!tpu.dma_semaphore, #tpu.memory_space<semaphore_mem>>) {add = true}
        %add3A_278 = arith.constant 4 : i32
        %add3A_279 = arith.addi %mul3A_213, %add3A_278 : i32
        %dma_wait3A_280 = arith.constant 0 : i32
        %dma_wait3A_281 = tpu.memref_slice %arg6[%add3A_279, %dma_wait3A_280] : memref<20x125xi32, #tpu.memory_space<vmem>> -> memref<1x125xi32, #tpu.memory_space<vmem>>
        %dma_wait3A_282 = tpu.memref_squeeze %dma_wait3A_281 : memref<1x125xi32, #tpu.memory_space<vmem>> -> memref<125xi32, #tpu.memory_space<vmem>>
        %dma_wait3A_283 = arith.constant 0 : i32
        %dma_wait3A_284 = arith.constant 0 : i32
        %dma_wait3A_285 = tpu.memref_slice %arg2[%dma_wait3A_283, %dma_wait3A_284] : memref<10240x128xbf16, #tpu.memory_space<hbm>> -> memref<10240x128xbf16, #tpu.memory_space<hbm>>
        tpu.wait_indirect_dma semaphore(%arg19 : memref<!tpu.dma_semaphore, #tpu.memory_space<semaphore_mem>>) src(%dma_wait3A_285 : memref<10240x128xbf16, #tpu.memory_space<hbm>>) dst(%arg14 : memref<125x128xbf16, #tpu.memory_space<vmem>>)
        %add3A_286 = arith.constant 4 : i32
        %add3A_287 = arith.addi %mul3A_213, %add3A_286 : i32
        %dma_start3A_288 = arith.constant 0 : i32
        %dma_start3A_289 = tpu.memref_slice %arg7[%add3A_287, %dma_start3A_288] : memref<20x125xi32, #tpu.memory_space<vmem>> -> memref<1x125xi32, #tpu.memory_space<vmem>>
        %dma_start3A_290 = tpu.memref_squeeze %dma_start3A_289 : memref<1x125xi32, #tpu.memory_space<vmem>> -> memref<125xi32, #tpu.memory_space<vmem>>
        %dma_start3A_291 = arith.constant 0 : i32
        %dma_start3A_292 = arith.constant 0 : i32
        %dma_start3A_293 = tpu.memref_slice %arg9[%dma_start3A_291, %dma_start3A_292] : memref<10240x128xbf16, #tpu.memory_space<vmem_shared>> -> memref<10240x128xbf16, #tpu.memory_space<vmem_shared>>
        tpu.enqueue_indirect_dma source(%arg14 : memref<125x128xbf16, #tpu.memory_space<vmem>>) target(%dma_start3A_293 : memref<10240x128xbf16, #tpu.memory_space<vmem_shared>>) offsets(%dma_start3A_290 : memref<125xi32, #tpu.memory_space<vmem>>) semaphore(%arg24 : memref<!tpu.dma_semaphore, #tpu.memory_space<semaphore_mem>>) {add = true}
        %add3A_294 = arith.constant 0 : i32
        %add3A_295 = arith.addi %mul3A_213, %add3A_294 : i32
        %dma_wait3A_296 = arith.constant 0 : i32
        %dma_wait3A_297 = tpu.memref_slice %arg7[%add3A_295, %dma_wait3A_296] : memref<20x125xi32, #tpu.memory_space<vmem>> -> memref<1x125xi32, #tpu.memory_space<vmem>>
        %dma_wait3A_298 = tpu.memref_squeeze %dma_wait3A_297 : memref<1x125xi32, #tpu.memory_space<vmem>> -> memref<125xi32, #tpu.memory_space<vmem>>
        %dma_wait3A_299 = arith.constant 0 : i32
        %dma_wait3A_300 = arith.constant 0 : i32
        %dma_wait3A_301 = tpu.memref_slice %arg9[%dma_wait3A_299, %dma_wait3A_300] : memref<10240x128xbf16, #tpu.memory_space<vmem_shared>> -> memref<10240x128xbf16, #tpu.memory_space<vmem_shared>>
        tpu.wait_indirect_dma semaphore(%arg20 : memref<!tpu.dma_semaphore, #tpu.memory_space<semaphore_mem>>) src(%arg10 : memref<125x128xbf16, #tpu.memory_space<vmem>>) dst(%dma_wait3A_301 : memref<10240x128xbf16, #tpu.memory_space<vmem_shared>>)
        %add3A_302 = arith.constant 5 : i32
        %add3A_303 = arith.addi %mul3A_213, %add3A_302 : i32
        %add3A_304 = arith.constant 0 : i32
        %add3A_305 = arith.addi %add3A_303, %add3A_304 : i32
        %dma_start3A_306 = arith.constant 0 : i32
        %dma_start3A_307 = tpu.memref_slice %arg6[%add3A_305, %dma_start3A_306] : memref<20x125xi32, #tpu.memory_space<vmem>> -> memref<1x125xi32, #tpu.memory_space<vmem>>
        %dma_start3A_308 = tpu.memref_squeeze %dma_start3A_307 : memref<1x125xi32, #tpu.memory_space<vmem>> -> memref<125xi32, #tpu.memory_space<vmem>>
        %dma_start3A_309 = arith.constant 0 : i32
        %dma_start3A_310 = arith.constant 0 : i32
        %dma_start3A_311 = tpu.memref_slice %arg2[%dma_start3A_309, %dma_start3A_310] : memref<10240x128xbf16, #tpu.memory_space<hbm>> -> memref<10240x128xbf16, #tpu.memory_space<hbm>>
        tpu.enqueue_indirect_dma source(%dma_start3A_311 : memref<10240x128xbf16, #tpu.memory_space<hbm>>) target(%arg10 : memref<125x128xbf16, #tpu.memory_space<vmem>>) offsets(%dma_start3A_308 : memref<125xi32, #tpu.memory_space<vmem>>) semaphore(%arg15 : memref<!tpu.dma_semaphore, #tpu.memory_space<semaphore_mem>>)
        %add3A_312 = arith.constant 1 : i32
        %add3A_313 = arith.addi %mul3A_213, %add3A_312 : i32
        %dma_wait3A_314 = arith.constant 0 : i32
        %dma_wait3A_315 = tpu.memref_slice %arg7[%add3A_313, %dma_wait3A_314] : memref<20x125xi32, #tpu.memory_space<vmem>> -> memref<1x125xi32, #tpu.memory_space<vmem>>
        %dma_wait3A_316 = tpu.memref_squeeze %dma_wait3A_315 : memref<1x125xi32, #tpu.memory_space<vmem>> -> memref<125xi32, #tpu.memory_space<vmem>>
        %dma_wait3A_317 = arith.constant 0 : i32
        %dma_wait3A_318 = arith.constant 0 : i32
        %dma_wait3A_319 = tpu.memref_slice %arg9[%dma_wait3A_317, %dma_wait3A_318] : memref<10240x128xbf16, #tpu.memory_space<vmem_shared>> -> memref<10240x128xbf16, #tpu.memory_space<vmem_shared>>
        tpu.wait_indirect_dma semaphore(%arg21 : memref<!tpu.dma_semaphore, #tpu.memory_space<semaphore_mem>>) src(%arg11 : memref<125x128xbf16, #tpu.memory_space<vmem>>) dst(%dma_wait3A_319 : memref<10240x128xbf16, #tpu.memory_space<vmem_shared>>)
        %add3A_320 = arith.constant 5 : i32
        %add3A_321 = arith.addi %mul3A_213, %add3A_320 : i32
        %add3A_322 = arith.constant 1 : i32
        %add3A_323 = arith.addi %add3A_321, %add3A_322 : i32
        %dma_start3A_324 = arith.constant 0 : i32
        %dma_start3A_325 = tpu.memref_slice %arg6[%add3A_323, %dma_start3A_324] : memref<20x125xi32, #tpu.memory_space<vmem>> -> memref<1x125xi32, #tpu.memory_space<vmem>>
        %dma_start3A_326 = tpu.memref_squeeze %dma_start3A_325 : memref<1x125xi32, #tpu.memory_space<vmem>> -> memref<125xi32, #tpu.memory_space<vmem>>
        %dma_start3A_327 = arith.constant 0 : i32
        %dma_start3A_328 = arith.constant 0 : i32
        %dma_start3A_329 = tpu.memref_slice %arg2[%dma_start3A_327, %dma_start3A_328] : memref<10240x128xbf16, #tpu.memory_space<hbm>> -> memref<10240x128xbf16, #tpu.memory_space<hbm>>
        tpu.enqueue_indirect_dma source(%dma_start3A_329 : memref<10240x128xbf16, #tpu.memory_space<hbm>>) target(%arg11 : memref<125x128xbf16, #tpu.memory_space<vmem>>) offsets(%dma_start3A_326 : memref<125xi32, #tpu.memory_space<vmem>>) semaphore(%arg16 : memref<!tpu.dma_semaphore, #tpu.memory_space<semaphore_mem>>)
        %add3A_330 = arith.constant 2 : i32
        %add3A_331 = arith.addi %mul3A_213, %add3A_330 : i32
        %dma_wait3A_332 = arith.constant 0 : i32
        %dma_wait3A_333 = tpu.memref_slice %arg7[%add3A_331, %dma_wait3A_332] : memref<20x125xi32, #tpu.memory_space<vmem>> -> memref<1x125xi32, #tpu.memory_space<vmem>>
        %dma_wait3A_334 = tpu.memref_squeeze %dma_wait3A_333 : memref<1x125xi32, #tpu.memory_space<vmem>> -> memref<125xi32, #tpu.memory_space<vmem>>
        %dma_wait3A_335 = arith.constant 0 : i32
        %dma_wait3A_336 = arith.constant 0 : i32
        %dma_wait3A_337 = tpu.memref_slice %arg9[%dma_wait3A_335, %dma_wait3A_336] : memref<10240x128xbf16, #tpu.memory_space<vmem_shared>> -> memref<10240x128xbf16, #tpu.memory_space<vmem_shared>>
        tpu.wait_indirect_dma semaphore(%arg22 : memref<!tpu.dma_semaphore, #tpu.memory_space<semaphore_mem>>) src(%arg12 : memref<125x128xbf16, #tpu.memory_space<vmem>>) dst(%dma_wait3A_337 : memref<10240x128xbf16, #tpu.memory_space<vmem_shared>>)
        %add3A_338 = arith.constant 5 : i32
        %add3A_339 = arith.addi %mul3A_213, %add3A_338 : i32
        %add3A_340 = arith.constant 2 : i32
        %add3A_341 = arith.addi %add3A_339, %add3A_340 : i32
        %dma_start3A_342 = arith.constant 0 : i32
        %dma_start3A_343 = tpu.memref_slice %arg6[%add3A_341, %dma_start3A_342] : memref<20x125xi32, #tpu.memory_space<vmem>> -> memref<1x125xi32, #tpu.memory_space<vmem>>
        %dma_start3A_344 = tpu.memref_squeeze %dma_start3A_343 : memref<1x125xi32, #tpu.memory_space<vmem>> -> memref<125xi32, #tpu.memory_space<vmem>>
        %dma_start3A_345 = arith.constant 0 : i32
        %dma_start3A_346 = arith.constant 0 : i32
        %dma_start3A_347 = tpu.memref_slice %arg2[%dma_start3A_345, %dma_start3A_346] : memref<10240x128xbf16, #tpu.memory_space<hbm>> -> memref<10240x128xbf16, #tpu.memory_space<hbm>>
        tpu.enqueue_indirect_dma source(%dma_start3A_347 : memref<10240x128xbf16, #tpu.memory_space<hbm>>) target(%arg12 : memref<125x128xbf16, #tpu.memory_space<vmem>>) offsets(%dma_start3A_344 : memref<125xi32, #tpu.memory_space<vmem>>) semaphore(%arg17 : memref<!tpu.dma_semaphore, #tpu.memory_space<semaphore_mem>>)
        %add3A_348 = arith.constant 3 : i32
        %add3A_349 = arith.addi %mul3A_213, %add3A_348 : i32
        %dma_wait3A_350 = arith.constant 0 : i32
        %dma_wait3A_351 = tpu.memref_slice %arg7[%add3A_349, %dma_wait3A_350] : memref<20x125xi32, #tpu.memory_space<vmem>> -> memref<1x125xi32, #tpu.memory_space<vmem>>
        %dma_wait3A_352 = tpu.memref_squeeze %dma_wait3A_351 : memref<1x125xi32, #tpu.memory_space<vmem>> -> memref<125xi32, #tpu.memory_space<vmem>>
        %dma_wait3A_353 = arith.constant 0 : i32
        %dma_wait3A_354 = arith.constant 0 : i32
        %dma_wait3A_355 = tpu.memref_slice %arg9[%dma_wait3A_353, %dma_wait3A_354] : memref<10240x128xbf16, #tpu.memory_space<vmem_shared>> -> memref<10240x128xbf16, #tpu.memory_space<vmem_shared>>
        tpu.wait_indirect_dma semaphore(%arg23 : memref<!tpu.dma_semaphore, #tpu.memory_space<semaphore_mem>>) src(%arg13 : memref<125x128xbf16, #tpu.memory_space<vmem>>) dst(%dma_wait3A_355 : memref<10240x128xbf16, #tpu.memory_space<vmem_shared>>)
        %add3A_356 = arith.constant 5 : i32
        %add3A_357 = arith.addi %mul3A_213, %add3A_356 : i32
        %add3A_358 = arith.constant 3 : i32
        %add3A_359 = arith.addi %add3A_357, %add3A_358 : i32
        %dma_start3A_360 = arith.constant 0 : i32
        %dma_start3A_361 = tpu.memref_slice %arg6[%add3A_359, %dma_start3A_360] : memref<20x125xi32, #tpu.memory_space<vmem>> -> memref<1x125xi32, #tpu.memory_space<vmem>>
        %dma_start3A_362 = tpu.memref_squeeze %dma_start3A_361 : memref<1x125xi32, #tpu.memory_space<vmem>> -> memref<125xi32, #tpu.memory_space<vmem>>
        %dma_start3A_363 = arith.constant 0 : i32
        %dma_start3A_364 = arith.constant 0 : i32
        %dma_start3A_365 = tpu.memref_slice %arg2[%dma_start3A_363, %dma_start3A_364] : memref<10240x128xbf16, #tpu.memory_space<hbm>> -> memref<10240x128xbf16, #tpu.memory_space<hbm>>
        tpu.enqueue_indirect_dma source(%dma_start3A_365 : memref<10240x128xbf16, #tpu.memory_space<hbm>>) target(%arg13 : memref<125x128xbf16, #tpu.memory_space<vmem>>) offsets(%dma_start3A_362 : memref<125xi32, #tpu.memory_space<vmem>>) semaphore(%arg18 : memref<!tpu.dma_semaphore, #tpu.memory_space<semaphore_mem>>)
        %add3A_366 = arith.constant 4 : i32
        %add3A_367 = arith.addi %mul3A_213, %add3A_366 : i32
        %dma_wait3A_368 = arith.constant 0 : i32
        %dma_wait3A_369 = tpu.memref_slice %arg7[%add3A_367, %dma_wait3A_368] : memref<20x125xi32, #tpu.memory_space<vmem>> -> memref<1x125xi32, #tpu.memory_space<vmem>>
        %dma_wait3A_370 = tpu.memref_squeeze %dma_wait3A_369 : memref<1x125xi32, #tpu.memory_space<vmem>> -> memref<125xi32, #tpu.memory_space<vmem>>
        %dma_wait3A_371 = arith.constant 0 : i32
        %dma_wait3A_372 = arith.constant 0 : i32
        %dma_wait3A_373 = tpu.memref_slice %arg9[%dma_wait3A_371, %dma_wait3A_372] : memref<10240x128xbf16, #tpu.memory_space<vmem_shared>> -> memref<10240x128xbf16, #tpu.memory_space<vmem_shared>>
        tpu.wait_indirect_dma semaphore(%arg24 : memref<!tpu.dma_semaphore, #tpu.memory_space<semaphore_mem>>) src(%arg14 : memref<125x128xbf16, #tpu.memory_space<vmem>>) dst(%dma_wait3A_373 : memref<10240x128xbf16, #tpu.memory_space<vmem_shared>>)
        %add3A_374 = arith.constant 5 : i32
        %add3A_375 = arith.addi %mul3A_213, %add3A_374 : i32
        %add3A_376 = arith.constant 4 : i32
        %add3A_377 = arith.addi %add3A_375, %add3A_376 : i32
        %dma_start3A_378 = arith.constant 0 : i32
        %dma_start3A_379 = tpu.memref_slice %arg6[%add3A_377, %dma_start3A_378] : memref<20x125xi32, #tpu.memory_space<vmem>> -> memref<1x125xi32, #tpu.memory_space<vmem>>
        %dma_start3A_380 = tpu.memref_squeeze %dma_start3A_379 : memref<1x125xi32, #tpu.memory_space<vmem>> -> memref<125xi32, #tpu.memory_space<vmem>>
        %dma_start3A_381 = arith.constant 0 : i32
        %dma_start3A_382 = arith.constant 0 : i32
        %dma_start3A_383 = tpu.memref_slice %arg2[%dma_start3A_381, %dma_start3A_382] : memref<10240x128xbf16, #tpu.memory_space<hbm>> -> memref<10240x128xbf16, #tpu.memory_space<hbm>>
        tpu.enqueue_indirect_dma source(%dma_start3A_383 : memref<10240x128xbf16, #tpu.memory_space<hbm>>) target(%arg14 : memref<125x128xbf16, #tpu.memory_space<vmem>>) offsets(%dma_start3A_380 : memref<125xi32, #tpu.memory_space<vmem>>) semaphore(%arg19 : memref<!tpu.dma_semaphore, #tpu.memory_space<semaphore_mem>>)
      }
      %scan3A_102 = arith.constant 3 : i32
      %dma_wait3A = arith.constant 15 : i32
      %dma_wait3A_103 = arith.constant 0 : i32
      %dma_wait3A_104 = tpu.memref_slice %arg6[%dma_wait3A, %dma_wait3A_103] : memref<20x125xi32, #tpu.memory_space<vmem>> -> memref<1x125xi32, #tpu.memory_space<vmem>>
      %dma_wait3A_105 = tpu.memref_squeeze %dma_wait3A_104 : memref<1x125xi32, #tpu.memory_space<vmem>> -> memref<125xi32, #tpu.memory_space<vmem>>
      %dma_wait3A_106 = arith.constant 0 : i32
      %dma_wait3A_107 = arith.constant 0 : i32
      %dma_wait3A_108 = tpu.memref_slice %arg2[%dma_wait3A_106, %dma_wait3A_107] : memref<10240x128xbf16, #tpu.memory_space<hbm>> -> memref<10240x128xbf16, #tpu.memory_space<hbm>>
      tpu.wait_indirect_dma semaphore(%arg15 : memref<!tpu.dma_semaphore, #tpu.memory_space<semaphore_mem>>) src(%dma_wait3A_108 : memref<10240x128xbf16, #tpu.memory_space<hbm>>) dst(%arg10 : memref<125x128xbf16, #tpu.memory_space<vmem>>)
      %dma_start3A_109 = arith.constant 15 : i32
      %dma_start3A_110 = arith.constant 0 : i32
      %dma_start3A_111 = tpu.memref_slice %arg7[%dma_start3A_109, %dma_start3A_110] : memref<20x125xi32, #tpu.memory_space<vmem>> -> memref<1x125xi32, #tpu.memory_space<vmem>>
      %dma_start3A_112 = tpu.memref_squeeze %dma_start3A_111 : memref<1x125xi32, #tpu.memory_space<vmem>> -> memref<125xi32, #tpu.memory_space<vmem>>
      %dma_start3A_113 = arith.constant 0 : i32
      %dma_start3A_114 = arith.constant 0 : i32
      %dma_start3A_115 = tpu.memref_slice %arg9[%dma_start3A_113, %dma_start3A_114] : memref<10240x128xbf16, #tpu.memory_space<vmem_shared>> -> memref<10240x128xbf16, #tpu.memory_space<vmem_shared>>
      tpu.enqueue_indirect_dma source(%arg10 : memref<125x128xbf16, #tpu.memory_space<vmem>>) target(%dma_start3A_115 : memref<10240x128xbf16, #tpu.memory_space<vmem_shared>>) offsets(%dma_start3A_112 : memref<125xi32, #tpu.memory_space<vmem>>) semaphore(%arg20 : memref<!tpu.dma_semaphore, #tpu.memory_space<semaphore_mem>>) {add = true}
      %dma_wait3A_116 = arith.constant 16 : i32
      %dma_wait3A_117 = arith.constant 0 : i32
      %dma_wait3A_118 = tpu.memref_slice %arg6[%dma_wait3A_116, %dma_wait3A_117] : memref<20x125xi32, #tpu.memory_space<vmem>> -> memref<1x125xi32, #tpu.memory_space<vmem>>
      %dma_wait3A_119 = tpu.memref_squeeze %dma_wait3A_118 : memref<1x125xi32, #tpu.memory_space<vmem>> -> memref<125xi32, #tpu.memory_space<vmem>>
      %dma_wait3A_120 = arith.constant 0 : i32
      %dma_wait3A_121 = arith.constant 0 : i32
      %dma_wait3A_122 = tpu.memref_slice %arg2[%dma_wait3A_120, %dma_wait3A_121] : memref<10240x128xbf16, #tpu.memory_space<hbm>> -> memref<10240x128xbf16, #tpu.memory_space<hbm>>
      tpu.wait_indirect_dma semaphore(%arg16 : memref<!tpu.dma_semaphore, #tpu.memory_space<semaphore_mem>>) src(%dma_wait3A_122 : memref<10240x128xbf16, #tpu.memory_space<hbm>>) dst(%arg11 : memref<125x128xbf16, #tpu.memory_space<vmem>>)
      %dma_start3A_123 = arith.constant 16 : i32
      %dma_start3A_124 = arith.constant 0 : i32
      %dma_start3A_125 = tpu.memref_slice %arg7[%dma_start3A_123, %dma_start3A_124] : memref<20x125xi32, #tpu.memory_space<vmem>> -> memref<1x125xi32, #tpu.memory_space<vmem>>
      %dma_start3A_126 = tpu.memref_squeeze %dma_start3A_125 : memref<1x125xi32, #tpu.memory_space<vmem>> -> memref<125xi32, #tpu.memory_space<vmem>>
      %dma_start3A_127 = arith.constant 0 : i32
      %dma_start3A_128 = arith.constant 0 : i32
      %dma_start3A_129 = tpu.memref_slice %arg9[%dma_start3A_127, %dma_start3A_128] : memref<10240x128xbf16, #tpu.memory_space<vmem_shared>> -> memref<10240x128xbf16, #tpu.memory_space<vmem_shared>>
      tpu.enqueue_indirect_dma source(%arg11 : memref<125x128xbf16, #tpu.memory_space<vmem>>) target(%dma_start3A_129 : memref<10240x128xbf16, #tpu.memory_space<vmem_shared>>) offsets(%dma_start3A_126 : memref<125xi32, #tpu.memory_space<vmem>>) semaphore(%arg21 : memref<!tpu.dma_semaphore, #tpu.memory_space<semaphore_mem>>) {add = true}
      %dma_wait3A_130 = arith.constant 17 : i32
      %dma_wait3A_131 = arith.constant 0 : i32
      %dma_wait3A_132 = tpu.memref_slice %arg6[%dma_wait3A_130, %dma_wait3A_131] : memref<20x125xi32, #tpu.memory_space<vmem>> -> memref<1x125xi32, #tpu.memory_space<vmem>>
      %dma_wait3A_133 = tpu.memref_squeeze %dma_wait3A_132 : memref<1x125xi32, #tpu.memory_space<vmem>> -> memref<125xi32, #tpu.memory_space<vmem>>
      %dma_wait3A_134 = arith.constant 0 : i32
      %dma_wait3A_135 = arith.constant 0 : i32
      %dma_wait3A_136 = tpu.memref_slice %arg2[%dma_wait3A_134, %dma_wait3A_135] : memref<10240x128xbf16, #tpu.memory_space<hbm>> -> memref<10240x128xbf16, #tpu.memory_space<hbm>>
      tpu.wait_indirect_dma semaphore(%arg17 : memref<!tpu.dma_semaphore, #tpu.memory_space<semaphore_mem>>) src(%dma_wait3A_136 : memref<10240x128xbf16, #tpu.memory_space<hbm>>) dst(%arg12 : memref<125x128xbf16, #tpu.memory_space<vmem>>)
      %dma_start3A_137 = arith.constant 17 : i32
      %dma_start3A_138 = arith.constant 0 : i32
      %dma_start3A_139 = tpu.memref_slice %arg7[%dma_start3A_137, %dma_start3A_138] : memref<20x125xi32, #tpu.memory_space<vmem>> -> memref<1x125xi32, #tpu.memory_space<vmem>>
      %dma_start3A_140 = tpu.memref_squeeze %dma_start3A_139 : memref<1x125xi32, #tpu.memory_space<vmem>> -> memref<125xi32, #tpu.memory_space<vmem>>
      %dma_start3A_141 = arith.constant 0 : i32
      %dma_start3A_142 = arith.constant 0 : i32
      %dma_start3A_143 = tpu.memref_slice %arg9[%dma_start3A_141, %dma_start3A_142] : memref<10240x128xbf16, #tpu.memory_space<vmem_shared>> -> memref<10240x128xbf16, #tpu.memory_space<vmem_shared>>
      tpu.enqueue_indirect_dma source(%arg12 : memref<125x128xbf16, #tpu.memory_space<vmem>>) target(%dma_start3A_143 : memref<10240x128xbf16, #tpu.memory_space<vmem_shared>>) offsets(%dma_start3A_140 : memref<125xi32, #tpu.memory_space<vmem>>) semaphore(%arg22 : memref<!tpu.dma_semaphore, #tpu.memory_space<semaphore_mem>>) {add = true}
      %dma_wait3A_144 = arith.constant 18 : i32
      %dma_wait3A_145 = arith.constant 0 : i32
      %dma_wait3A_146 = tpu.memref_slice %arg6[%dma_wait3A_144, %dma_wait3A_145] : memref<20x125xi32, #tpu.memory_space<vmem>> -> memref<1x125xi32, #tpu.memory_space<vmem>>
      %dma_wait3A_147 = tpu.memref_squeeze %dma_wait3A_146 : memref<1x125xi32, #tpu.memory_space<vmem>> -> memref<125xi32, #tpu.memory_space<vmem>>
      %dma_wait3A_148 = arith.constant 0 : i32
      %dma_wait3A_149 = arith.constant 0 : i32
      %dma_wait3A_150 = tpu.memref_slice %arg2[%dma_wait3A_148, %dma_wait3A_149] : memref<10240x128xbf16, #tpu.memory_space<hbm>> -> memref<10240x128xbf16, #tpu.memory_space<hbm>>
      tpu.wait_indirect_dma semaphore(%arg18 : memref<!tpu.dma_semaphore, #tpu.memory_space<semaphore_mem>>) src(%dma_wait3A_150 : memref<10240x128xbf16, #tpu.memory_space<hbm>>) dst(%arg13 : memref<125x128xbf16, #tpu.memory_space<vmem>>)
      %dma_start3A_151 = arith.constant 18 : i32
      %dma_start3A_152 = arith.constant 0 : i32
      %dma_start3A_153 = tpu.memref_slice %arg7[%dma_start3A_151, %dma_start3A_152] : memref<20x125xi32, #tpu.memory_space<vmem>> -> memref<1x125xi32, #tpu.memory_space<vmem>>
      %dma_start3A_154 = tpu.memref_squeeze %dma_start3A_153 : memref<1x125xi32, #tpu.memory_space<vmem>> -> memref<125xi32, #tpu.memory_space<vmem>>
      %dma_start3A_155 = arith.constant 0 : i32
      %dma_start3A_156 = arith.constant 0 : i32
      %dma_start3A_157 = tpu.memref_slice %arg9[%dma_start3A_155, %dma_start3A_156] : memref<10240x128xbf16, #tpu.memory_space<vmem_shared>> -> memref<10240x128xbf16, #tpu.memory_space<vmem_shared>>
      tpu.enqueue_indirect_dma source(%arg13 : memref<125x128xbf16, #tpu.memory_space<vmem>>) target(%dma_start3A_157 : memref<10240x128xbf16, #tpu.memory_space<vmem_shared>>) offsets(%dma_start3A_154 : memref<125xi32, #tpu.memory_space<vmem>>) semaphore(%arg23 : memref<!tpu.dma_semaphore, #tpu.memory_space<semaphore_mem>>) {add = true}
      %dma_wait3A_158 = arith.constant 19 : i32
      %dma_wait3A_159 = arith.constant 0 : i32
      %dma_wait3A_160 = tpu.memref_slice %arg6[%dma_wait3A_158, %dma_wait3A_159] : memref<20x125xi32, #tpu.memory_space<vmem>> -> memref<1x125xi32, #tpu.memory_space<vmem>>
      %dma_wait3A_161 = tpu.memref_squeeze %dma_wait3A_160 : memref<1x125xi32, #tpu.memory_space<vmem>> -> memref<125xi32, #tpu.memory_space<vmem>>
      %dma_wait3A_162 = arith.constant 0 : i32
      %dma_wait3A_163 = arith.constant 0 : i32
      %dma_wait3A_164 = tpu.memref_slice %arg2[%dma_wait3A_162, %dma_wait3A_163] : memref<10240x128xbf16, #tpu.memory_space<hbm>> -> memref<10240x128xbf16, #tpu.memory_space<hbm>>
      tpu.wait_indirect_dma semaphore(%arg19 : memref<!tpu.dma_semaphore, #tpu.memory_space<semaphore_mem>>) src(%dma_wait3A_164 : memref<10240x128xbf16, #tpu.memory_space<hbm>>) dst(%arg14 : memref<125x128xbf16, #tpu.memory_space<vmem>>)
      %dma_start3A_165 = arith.constant 19 : i32
      %dma_start3A_166 = arith.constant 0 : i32
      %dma_start3A_167 = tpu.memref_slice %arg7[%dma_start3A_165, %dma_start3A_166] : memref<20x125xi32, #tpu.memory_space<vmem>> -> memref<1x125xi32, #tpu.memory_space<vmem>>
      %dma_start3A_168 = tpu.memref_squeeze %dma_start3A_167 : memref<1x125xi32, #tpu.memory_space<vmem>> -> memref<125xi32, #tpu.memory_space<vmem>>
      %dma_start3A_169 = arith.constant 0 : i32
      %dma_start3A_170 = arith.constant 0 : i32
      %dma_start3A_171 = tpu.memref_slice %arg9[%dma_start3A_169, %dma_start3A_170] : memref<10240x128xbf16, #tpu.memory_space<vmem_shared>> -> memref<10240x128xbf16, #tpu.memory_space<vmem_shared>>
      tpu.enqueue_indirect_dma source(%arg14 : memref<125x128xbf16, #tpu.memory_space<vmem>>) target(%dma_start3A_171 : memref<10240x128xbf16, #tpu.memory_space<vmem_shared>>) offsets(%dma_start3A_168 : memref<125xi32, #tpu.memory_space<vmem>>) semaphore(%arg24 : memref<!tpu.dma_semaphore, #tpu.memory_space<semaphore_mem>>) {add = true}
      %dma_wait3A_172 = arith.constant 15 : i32
      %dma_wait3A_173 = arith.constant 0 : i32
      %dma_wait3A_174 = tpu.memref_slice %arg7[%dma_wait3A_172, %dma_wait3A_173] : memref<20x125xi32, #tpu.memory_space<vmem>> -> memref<1x125xi32, #tpu.memory_space<vmem>>
      %dma_wait3A_175 = tpu.memref_squeeze %dma_wait3A_174 : memref<1x125xi32, #tpu.memory_space<vmem>> -> memref<125xi32, #tpu.memory_space<vmem>>
      %dma_wait3A_176 = arith.constant 0 : i32
      %dma_wait3A_177 = arith.constant 0 : i32
      %dma_wait3A_178 = tpu.memref_slice %arg9[%dma_wait3A_176, %dma_wait3A_177] : memref<10240x128xbf16, #tpu.memory_space<vmem_shared>> -> memref<10240x128xbf16, #tpu.memory_space<vmem_shared>>
      tpu.wait_indirect_dma semaphore(%arg20 : memref<!tpu.dma_semaphore, #tpu.memory_space<semaphore_mem>>) src(%arg10 : memref<125x128xbf16, #tpu.memory_space<vmem>>) dst(%dma_wait3A_178 : memref<10240x128xbf16, #tpu.memory_space<vmem_shared>>)
      %dma_wait3A_179 = arith.constant 16 : i32
      %dma_wait3A_180 = arith.constant 0 : i32
      %dma_wait3A_181 = tpu.memref_slice %arg7[%dma_wait3A_179, %dma_wait3A_180] : memref<20x125xi32, #tpu.memory_space<vmem>> -> memref<1x125xi32, #tpu.memory_space<vmem>>
      %dma_wait3A_182 = tpu.memref_squeeze %dma_wait3A_181 : memref<1x125xi32, #tpu.memory_space<vmem>> -> memref<125xi32, #tpu.memory_space<vmem>>
      %dma_wait3A_183 = arith.constant 0 : i32
      %dma_wait3A_184 = arith.constant 0 : i32
      %dma_wait3A_185 = tpu.memref_slice %arg9[%dma_wait3A_183, %dma_wait3A_184] : memref<10240x128xbf16, #tpu.memory_space<vmem_shared>> -> memref<10240x128xbf16, #tpu.memory_space<vmem_shared>>
      tpu.wait_indirect_dma semaphore(%arg21 : memref<!tpu.dma_semaphore, #tpu.memory_space<semaphore_mem>>) src(%arg11 : memref<125x128xbf16, #tpu.memory_space<vmem>>) dst(%dma_wait3A_185 : memref<10240x128xbf16, #tpu.memory_space<vmem_shared>>)
      %dma_wait3A_186 = arith.constant 17 : i32
      %dma_wait3A_187 = arith.constant 0 : i32
      %dma_wait3A_188 = tpu.memref_slice %arg7[%dma_wait3A_186, %dma_wait3A_187] : memref<20x125xi32, #tpu.memory_space<vmem>> -> memref<1x125xi32, #tpu.memory_space<vmem>>
      %dma_wait3A_189 = tpu.memref_squeeze %dma_wait3A_188 : memref<1x125xi32, #tpu.memory_space<vmem>> -> memref<125xi32, #tpu.memory_space<vmem>>
      %dma_wait3A_190 = arith.constant 0 : i32
      %dma_wait3A_191 = arith.constant 0 : i32
      %dma_wait3A_192 = tpu.memref_slice %arg9[%dma_wait3A_190, %dma_wait3A_191] : memref<10240x128xbf16, #tpu.memory_space<vmem_shared>> -> memref<10240x128xbf16, #tpu.memory_space<vmem_shared>>
      tpu.wait_indirect_dma semaphore(%arg22 : memref<!tpu.dma_semaphore, #tpu.memory_space<semaphore_mem>>) src(%arg12 : memref<125x128xbf16, #tpu.memory_space<vmem>>) dst(%dma_wait3A_192 : memref<10240x128xbf16, #tpu.memory_space<vmem_shared>>)
      %dma_wait3A_193 = arith.constant 18 : i32
      %dma_wait3A_194 = arith.constant 0 : i32
      %dma_wait3A_195 = tpu.memref_slice %arg7[%dma_wait3A_193, %dma_wait3A_194] : memref<20x125xi32, #tpu.memory_space<vmem>> -> memref<1x125xi32, #tpu.memory_space<vmem>>
      %dma_wait3A_196 = tpu.memref_squeeze %dma_wait3A_195 : memref<1x125xi32, #tpu.memory_space<vmem>> -> memref<125xi32, #tpu.memory_space<vmem>>
      %dma_wait3A_197 = arith.constant 0 : i32
      %dma_wait3A_198 = arith.constant 0 : i32
      %dma_wait3A_199 = tpu.memref_slice %arg9[%dma_wait3A_197, %dma_wait3A_198] : memref<10240x128xbf16, #tpu.memory_space<vmem_shared>> -> memref<10240x128xbf16, #tpu.memory_space<vmem_shared>>
      tpu.wait_indirect_dma semaphore(%arg23 : memref<!tpu.dma_semaphore, #tpu.memory_space<semaphore_mem>>) src(%arg13 : memref<125x128xbf16, #tpu.memory_space<vmem>>) dst(%dma_wait3A_199 : memref<10240x128xbf16, #tpu.memory_space<vmem_shared>>)
      %dma_wait3A_200 = arith.constant 19 : i32
      %dma_wait3A_201 = arith.constant 0 : i32
      %dma_wait3A_202 = tpu.memref_slice %arg7[%dma_wait3A_200, %dma_wait3A_201] : memref<20x125xi32, #tpu.memory_space<vmem>> -> memref<1x125xi32, #tpu.memory_space<vmem>>
      %dma_wait3A_203 = tpu.memref_squeeze %dma_wait3A_202 : memref<1x125xi32, #tpu.memory_space<vmem>> -> memref<125xi32, #tpu.memory_space<vmem>>
      %dma_wait3A_204 = arith.constant 0 : i32
      %dma_wait3A_205 = arith.constant 0 : i32
      %dma_wait3A_206 = tpu.memref_slice %arg9[%dma_wait3A_204, %dma_wait3A_205] : memref<10240x128xbf16, #tpu.memory_space<vmem_shared>> -> memref<10240x128xbf16, #tpu.memory_space<vmem_shared>>
      tpu.wait_indirect_dma semaphore(%arg24 : memref<!tpu.dma_semaphore, #tpu.memory_space<semaphore_mem>>) src(%arg14 : memref<125x128xbf16, #tpu.memory_space<vmem>>) dst(%dma_wait3A_206 : memref<10240x128xbf16, #tpu.memory_space<vmem_shared>>)
    }
    %scan3A_49 = arith.constant 4 : i32
    %barrier3A_50 = arith.constant 0 : index
    tpu.barrier barrier_id(%barrier3A_50)
    %mul3A_51 = arith.constant 640 : i32
    %mul3A_52 = arith.muli %arg1, %mul3A_51 : i32
    %mul3A_53 = arith.constant 640 : i32
    %mul3A_54 = arith.muli %arg1, %mul3A_53 : i32
    "tpu.region"() ({
      %run_scoped3A = tpu.sem_alloc : memref<!tpu.dma_semaphore, #tpu.memory_space<semaphore_mem>>
      %dma_start3A = arith.constant 0 : i32
      %dma_start3A_55 = tpu.memref_slice %arg5[%arg0, %mul3A_54, %dma_start3A] : memref<2x10240x128xbf16, #tpu.memory_space<hbm>> -> memref<1x640x128xbf16, #tpu.memory_space<hbm>>
      %dma_start3A_56 = tpu.memref_squeeze %dma_start3A_55 : memref<1x640x128xbf16, #tpu.memory_space<hbm>> -> memref<640x128xbf16, #tpu.memory_space<hbm>>
      %dma_start3A_57 = arith.constant 0 : i32
      %dma_start3A_58 = tpu.memref_slice %arg9[%mul3A_52, %dma_start3A_57] : memref<10240x128xbf16, #tpu.memory_space<vmem_shared>> -> memref<640x128xbf16, #tpu.memory_space<vmem_shared>>
      tpu.enqueue_dma source(%dma_start3A_58 : memref<640x128xbf16, #tpu.memory_space<vmem_shared>>) target(%dma_start3A_56 : memref<640x128xbf16, #tpu.memory_space<hbm>>) target_semaphore(%run_scoped3A : memref<!tpu.dma_semaphore, #tpu.memory_space<semaphore_mem>>)
      %dma_wait3A = arith.constant 0 : i32
      %dma_wait3A_59 = tpu.memref_slice %arg5[%arg0, %mul3A_54, %dma_wait3A] : memref<2x10240x128xbf16, #tpu.memory_space<hbm>> -> memref<1x640x128xbf16, #tpu.memory_space<hbm>>
      %dma_wait3A_60 = tpu.memref_squeeze %dma_wait3A_59 : memref<1x640x128xbf16, #tpu.memory_space<hbm>> -> memref<640x128xbf16, #tpu.memory_space<hbm>>
      %dma_wait3A_61 = arith.constant 0 : i32
      %dma_wait3A_62 = tpu.memref_slice %arg9[%mul3A_52, %dma_wait3A_61] : memref<10240x128xbf16, #tpu.memory_space<vmem_shared>> -> memref<640x128xbf16, #tpu.memory_space<vmem_shared>>
      tpu.wait_dma2 semaphore(%run_scoped3A : memref<!tpu.dma_semaphore, #tpu.memory_space<semaphore_mem>>) src(%dma_wait3A_62 : memref<640x128xbf16, #tpu.memory_space<vmem_shared>>) dst(%dma_wait3A_60 : memref<640x128xbf16, #tpu.memory_space<hbm>>)
      tpu.yield
    }) : () -> ()
    return
  }
}

#map = affine_map<(d0, d1) -> (0)>
#map1 = affine_map<(d0, d1) -> (0, 0)>
module attributes {stable_mosaic.version = 14 : i64} {
  func.func @_k1_body(%arg0: i32, %arg1: i32, %arg2: memref<320000xi32, #tpu.memory_space<hbm>>, %arg3: memref<32x10240xf32, #tpu.memory_space<hbm>>, %arg4: memref<10000xi32, #tpu.memory_space<vmem>>, %arg5: memref<10240xf32, #tpu.memory_space<vmem>>) attributes {dimension_semantics = [#tpu.dimension_semantics<core_parallel>, #tpu.dimension_semantics<subcore_parallel>], iteration_bounds = array<i64: 2, 16>, scalar_prefetch = 0 : i64, scratch_operands = 2 : i64, tpu.core_type = #tpu.core_type<sc_vector_subcore>, window_params = [{transform_indices = #map}, {transform_indices = #map1}]} {
    %mul3A = arith.constant 2 : i32
    %mul3A_0 = arith.muli %arg1, %mul3A : i32
    %add3A = arith.addi %mul3A_0, %arg0 : i32
    %scan3A = arith.constant 0 : i32
    %scan3A_1 = arith.constant 640 : i32
    %scan3A_2 = arith.addi %scan3A, %scan3A_1 : i32
    %scan3A_3 = arith.constant 1 : i32
    scf.for %scan3A_13 = %scan3A to %scan3A_2 step %scan3A_3  : i32 {
      %mul3A_14 = arith.constant 1 : i32
      %mul3A_15 = arith.muli %scan3A_13, %mul3A_14 : i32
      %add3A_16 = arith.constant 0 : i32
      %add3A_17 = arith.addi %add3A_16, %mul3A_15 : i32
      %broadcast_in_dim3A_18 = arith.constant 0.000000e+00 : f32
      %broadcast_in_dim3A_19 = vector.broadcast %broadcast_in_dim3A_18 : f32 to vector<16xf32>
      %mul3A_20 = arith.constant 16 : i32
      %mul3A_21 = arith.muli %add3A_17, %mul3A_20 : i32
      %swap3A = arith.index_cast %mul3A_21 : i32 to index
      %swap3A_22 = tpu.vector_load %arg5[%swap3A] {strides = array<i32>} : memref<10240xf32, #tpu.memory_space<vmem>>, vector<16xf32>,
      tpu.vector_store %arg5[%swap3A], %broadcast_in_dim3A_19 {strides = array<i32>} : memref<10240xf32, #tpu.memory_space<vmem>>, vector<16xf32>,
    }
    %scan3A_4 = arith.constant 640 : i32
    %mul3A_5 = arith.constant 10000 : i32
    %mul3A_6 = arith.muli %add3A, %mul3A_5 : i32
    "tpu.region"() ({
      %run_scoped3A = tpu.sem_alloc : memref<!tpu.dma_semaphore, #tpu.memory_space<semaphore_mem>>
      %dma_start3A = tpu.memref_slice %arg2[%mul3A_6] : memref<320000xi32, #tpu.memory_space<hbm>> -> memref<10000xi32, #tpu.memory_space<hbm>>
      %dma_start3A_13 = tpu.memref_slice %arg2[%mul3A_6] : memref<320000xi32, #tpu.memory_space<hbm>> -> memref<10000xi32, #tpu.memory_space<hbm>>
      tpu.enqueue_dma source(%dma_start3A_13 : memref<10000xi32, #tpu.memory_space<hbm>>) target(%arg4 : memref<10000xi32, #tpu.memory_space<vmem>>) target_semaphore(%run_scoped3A : memref<!tpu.dma_semaphore, #tpu.memory_space<semaphore_mem>>)
      %dma_wait3A = tpu.memref_slice %arg2[%mul3A_6] : memref<320000xi32, #tpu.memory_space<hbm>> -> memref<10000xi32, #tpu.memory_space<hbm>>
      %dma_wait3A_14 = tpu.memref_slice %arg2[%mul3A_6] : memref<320000xi32, #tpu.memory_space<hbm>> -> memref<10000xi32, #tpu.memory_space<hbm>>
      tpu.wait_dma2 semaphore(%run_scoped3A : memref<!tpu.dma_semaphore, #tpu.memory_space<semaphore_mem>>) src(%dma_wait3A_14 : memref<10000xi32, #tpu.memory_space<hbm>>) dst(%arg4 : memref<10000xi32, #tpu.memory_space<vmem>>)
      tpu.yield
    }) : () -> ()
    %broadcast_in_dim3A = arith.constant 1.000000e+00 : f32
    %broadcast_in_dim3A_7 = vector.broadcast %broadcast_in_dim3A : f32 to vector<16xf32>
    %scan3A_8 = arith.constant 0 : i32
    %scan3A_9 = arith.constant 625 : i32
    %scan3A_10 = arith.addi %scan3A_8, %scan3A_9 : i32
    %scan3A_11 = arith.constant 1 : i32
    scf.for %scan3A_13 = %scan3A_8 to %scan3A_10 step %scan3A_11  : i32 {
      %mul3A_14 = arith.constant 1 : i32
      %mul3A_15 = arith.muli %scan3A_13, %mul3A_14 : i32
      %add3A_16 = arith.constant 0 : i32
      %add3A_17 = arith.addi %add3A_16, %mul3A_15 : i32
      %mul3A_18 = arith.constant 16 : i32
      %mul3A_19 = arith.muli %add3A_17, %mul3A_18 : i32
      %get3A = arith.index_cast %mul3A_19 : i32 to index
      %get3A_20 = tpu.vector_load %arg4[%get3A] {strides = array<i32>} : memref<10000xi32, #tpu.memory_space<vmem>>, vector<16xi32>,
      tpu.vector_store_idx %arg5[%get3A_20], %broadcast_in_dim3A_7 {add = true} : memref<10240xf32, #tpu.memory_space<vmem>>[vector<16xi32>], vector<16xf32>,
    }
    %scan3A_12 = arith.constant 625 : i32
    "tpu.region"() ({
      %run_scoped3A = tpu.sem_alloc : memref<!tpu.dma_semaphore, #tpu.memory_space<semaphore_mem>>
      %dma_start3A = arith.constant 0 : i32
      %dma_start3A_13 = tpu.memref_slice %arg3[%add3A, %dma_start3A] : memref<32x10240xf32, #tpu.memory_space<hbm>> -> memref<1x10240xf32, #tpu.memory_space<hbm>>
      %dma_start3A_14 = tpu.memref_squeeze %dma_start3A_13 : memref<1x10240xf32, #tpu.memory_space<hbm>> -> memref<10240xf32, #tpu.memory_space<hbm>>
      %dma_start3A_15 = arith.constant 0 : i32
      %dma_start3A_16 = tpu.memref_slice %arg3[%add3A, %dma_start3A_15] : memref<32x10240xf32, #tpu.memory_space<hbm>> -> memref<1x10240xf32, #tpu.memory_space<hbm>>
      %dma_start3A_17 = tpu.memref_squeeze %dma_start3A_16 : memref<1x10240xf32, #tpu.memory_space<hbm>> -> memref<10240xf32, #tpu.memory_space<hbm>>
      tpu.enqueue_dma source(%arg5 : memref<10240xf32, #tpu.memory_space<vmem>>) target(%dma_start3A_17 : memref<10240xf32, #tpu.memory_space<hbm>>) target_semaphore(%run_scoped3A : memref<!tpu.dma_semaphore, #tpu.memory_space<semaphore_mem>>)
      %dma_wait3A = arith.constant 0 : i32
      %dma_wait3A_18 = tpu.memref_slice %arg3[%add3A, %dma_wait3A] : memref<32x10240xf32, #tpu.memory_space<hbm>> -> memref<1x10240xf32, #tpu.memory_space<hbm>>
      %dma_wait3A_19 = tpu.memref_squeeze %dma_wait3A_18 : memref<1x10240xf32, #tpu.memory_space<hbm>> -> memref<10240xf32, #tpu.memory_space<hbm>>
      %dma_wait3A_20 = arith.constant 0 : i32
      %dma_wait3A_21 = tpu.memref_slice %arg3[%add3A, %dma_wait3A_20] : memref<32x10240xf32, #tpu.memory_space<hbm>> -> memref<1x10240xf32, #tpu.memory_space<hbm>>
      %dma_wait3A_22 = tpu.memref_squeeze %dma_wait3A_21 : memref<1x10240xf32, #tpu.memory_space<hbm>> -> memref<10240xf32, #tpu.memory_space<hbm>>
      tpu.wait_dma2 semaphore(%run_scoped3A : memref<!tpu.dma_semaphore, #tpu.memory_space<semaphore_mem>>) src(%arg5 : memref<10240xf32, #tpu.memory_space<vmem>>) dst(%dma_wait3A_22 : memref<10240xf32, #tpu.memory_space<hbm>>)
      tpu.yield
    }) : () -> ()
    return
  }
}

#map = affine_map<(d0, d1) -> (0, 0)>
#map1 = affine_map<(d0, d1) -> (0, 0, 0)>
module attributes {stable_mosaic.version = 14 : i64} {
  func.func @_k3_body(%arg0: i32, %arg1: i32, %arg2: memref<10240x128xbf16, #tpu.memory_space<hbm>>, %arg3: memref<32x80x125xi32, #tpu.memory_space<hbm>>, %arg4: memref<32x80x125xi32, #tpu.memory_space<hbm>>, %arg5: memref<2x10240x128xbf16, #tpu.memory_space<hbm>>, %arg6: memref<20x125xi32, #tpu.memory_space<vmem>>, %arg7: memref<20x125xi32, #tpu.memory_space<vmem>>, %arg8: memref<64x128xbf16, #tpu.memory_space<vmem>>, %arg9: memref<10240x128xbf16, #tpu.memory_space<vmem_shared>>, %arg10: memref<125x128xbf16, #tpu.memory_space<vmem>>, %arg11: memref<125x128xbf16, #tpu.memory_space<vmem>>, %arg12: memref<125x128xbf16, #tpu.memory_space<vmem>>, %arg13: memref<125x128xbf16, #tpu.memory_space<vmem>>, %arg14: memref<125x128xbf16, #tpu.memory_space<vmem>>, %arg15: memref<!tpu.dma_semaphore, #tpu.memory_space<semaphore_mem>>, %arg16: memref<!tpu.dma_semaphore, #tpu.memory_space<semaphore_mem>>, %arg17: memref<!tpu.dma_semaphore, #tpu.memory_space<semaphore_mem>>, %arg18: memref<!tpu.dma_semaphore, #tpu.memory_space<semaphore_mem>>, %arg19: memref<!tpu.dma_semaphore, #tpu.memory_space<semaphore_mem>>, %arg20: memref<!tpu.dma_semaphore, #tpu.memory_space<semaphore_mem>>, %arg21: memref<!tpu.dma_semaphore, #tpu.memory_space<semaphore_mem>>, %arg22: memref<!tpu.dma_semaphore, #tpu.memory_space<semaphore_mem>>, %arg23: memref<!tpu.dma_semaphore, #tpu.memory_space<semaphore_mem>>, %arg24: memref<!tpu.dma_semaphore, #tpu.memory_space<semaphore_mem>>) attributes {dimension_semantics = [#tpu.dimension_semantics<core_parallel>, #tpu.dimension_semantics<subcore_parallel>], iteration_bounds = array<i64: 2, 16>, scalar_prefetch = 0 : i64, scratch_operands = 19 : i64, tpu.core_type = #tpu.core_type<sc_vector_subcore>, window_params = [{transform_indices = #map}, {transform_indices = #map1}, {transform_indices = #map1}, {transform_indices = #map1}]} {
    %mul3A = arith.constant 2 : i32
    %mul3A_0 = arith.muli %arg1, %mul3A : i32
    %add3A = arith.addi %mul3A_0, %arg0 : i32
    %scan3A = arith.constant 0 : i32
    %scan3A_1 = arith.constant 64 : i32
    %scan3A_2 = arith.addi %scan3A, %scan3A_1 : i32
    %scan3A_3 = arith.constant 1 : i32
    scf.for %scan3A_55 = %scan3A to %scan3A_2 step %scan3A_3  : i32 {
      %mul3A_56 = arith.constant 1 : i32
      %mul3A_57 = arith.muli %scan3A_55, %mul3A_56 : i32
      %add3A_58 = arith.constant 0 : i32
      %add3A_59 = arith.addi %add3A_58, %mul3A_57 : i32
      %broadcast_in_dim3A = arith.constant 0.000000e+00 : bf16
      %broadcast_in_dim3A_60 = vector.broadcast %broadcast_in_dim3A : bf16 to vector<32xbf16>
      %swap3A = arith.index_cast %add3A_59 : i32 to index
      %swap3A_61 = arith.constant 0 : index
      %swap3A_62 = tpu.vector_load %arg8[%swap3A, %swap3A_61] {strides = array<i32>} : memref<64x128xbf16, #tpu.memory_space<vmem>>, vector<32xbf16>,
      tpu.vector_store %arg8[%swap3A, %swap3A_61], %broadcast_in_dim3A_60 {strides = array<i32>} : memref<64x128xbf16, #tpu.memory_space<vmem>>, vector<32xbf16>,
      %broadcast_in_dim3A_63 = arith.constant 0.000000e+00 : bf16
      %broadcast_in_dim3A_64 = vector.broadcast %broadcast_in_dim3A_63 : bf16 to vector<32xbf16>
      %swap3A_65 = arith.index_cast %add3A_59 : i32 to index
      %swap3A_66 = arith.constant 32 : index
      %swap3A_67 = tpu.vector_load %arg8[%swap3A_65, %swap3A_66] {strides = array<i32>} : memref<64x128xbf16, #tpu.memory_space<vmem>>, vector<32xbf16>,
      tpu.vector_store %arg8[%swap3A_65, %swap3A_66], %broadcast_in_dim3A_64 {strides = array<i32>} : memref<64x128xbf16, #tpu.memory_space<vmem>>, vector<32xbf16>,
      %broadcast_in_dim3A_68 = arith.constant 0.000000e+00 : bf16
      %broadcast_in_dim3A_69 = vector.broadcast %broadcast_in_dim3A_68 : bf16 to vector<32xbf16>
      %swap3A_70 = arith.index_cast %add3A_59 : i32 to index
      %swap3A_71 = arith.constant 64 : index
      %swap3A_72 = tpu.vector_load %arg8[%swap3A_70, %swap3A_71] {strides = array<i32>} : memref<64x128xbf16, #tpu.memory_space<vmem>>, vector<32xbf16>,
      tpu.vector_store %arg8[%swap3A_70, %swap3A_71], %broadcast_in_dim3A_69 {strides = array<i32>} : memref<64x128xbf16, #tpu.memory_space<vmem>>, vector<32xbf16>,
      %broadcast_in_dim3A_73 = arith.constant 0.000000e+00 : bf16
      %broadcast_in_dim3A_74 = vector.broadcast %broadcast_in_dim3A_73 : bf16 to vector<32xbf16>
      %swap3A_75 = arith.index_cast %add3A_59 : i32 to index
      %swap3A_76 = arith.constant 96 : index
      %swap3A_77 = tpu.vector_load %arg8[%swap3A_75, %swap3A_76] {strides = array<i32>} : memref<64x128xbf16, #tpu.memory_space<vmem>>, vector<32xbf16>,
      tpu.vector_store %arg8[%swap3A_75, %swap3A_76], %broadcast_in_dim3A_74 {strides = array<i32>} : memref<64x128xbf16, #tpu.memory_space<vmem>>, vector<32xbf16>,
    }
    %scan3A_4 = arith.constant 64 : i32
    %mul3A_5 = arith.constant 640 : i32
    %mul3A_6 = arith.muli %arg1, %mul3A_5 : i32
    %add3A_7 = arith.constant 0 : i32
    %add3A_8 = arith.addi %mul3A_6, %add3A_7 : i32
    "tpu.region"() ({
      %run_scoped3A = tpu.sem_alloc : memref<!tpu.dma_semaphore, #tpu.memory_space<semaphore_mem>>
      %dma_start3A = arith.constant 0 : i32
      %dma_start3A_55 = tpu.memref_slice %arg9[%add3A_8, %dma_start3A] : memref<10240x128xbf16, #tpu.memory_space<vmem_shared>> -> memref<64x128xbf16, #tpu.memory_space<vmem_shared>>
      %dma_start3A_56 = arith.constant 0 : i32
      %dma_start3A_57 = tpu.memref_slice %arg9[%add3A_8, %dma_start3A_56] : memref<10240x128xbf16, #tpu.memory_space<vmem_shared>> -> memref<64x128xbf16, #tpu.memory_space<vmem_shared>>
      tpu.enqueue_dma source(%arg8 : memref<64x128xbf16, #tpu.memory_space<vmem>>) target(%dma_start3A_57 : memref<64x128xbf16, #tpu.memory_space<vmem_shared>>) target_semaphore(%run_scoped3A : memref<!tpu.dma_semaphore, #tpu.memory_space<semaphore_mem>>)
      %dma_wait3A = arith.constant 0 : i32
      %dma_wait3A_58 = tpu.memref_slice %arg9[%add3A_8, %dma_wait3A] : memref<10240x128xbf16, #tpu.memory_space<vmem_shared>> -> memref<64x128xbf16, #tpu.memory_space<vmem_shared>>
      %dma_wait3A_59 = arith.constant 0 : i32
      %dma_wait3A_60 = tpu.memref_slice %arg9[%add3A_8, %dma_wait3A_59] : memref<10240x128xbf16, #tpu.memory_space<vmem_shared>> -> memref<64x128xbf16, #tpu.memory_space<vmem_shared>>
      tpu.wait_dma2 semaphore(%run_scoped3A : memref<!tpu.dma_semaphore, #tpu.memory_space<semaphore_mem>>) src(%arg8 : memref<64x128xbf16, #tpu.memory_space<vmem>>) dst(%dma_wait3A_60 : memref<64x128xbf16, #tpu.memory_space<vmem_shared>>)
      tpu.yield
    }) : () -> ()
    %mul3A_9 = arith.constant 640 : i32
    %mul3A_10 = arith.muli %arg1, %mul3A_9 : i32
    %add3A_11 = arith.constant 64 : i32
    %add3A_12 = arith.addi %mul3A_10, %add3A_11 : i32
    "tpu.region"() ({
      %run_scoped3A = tpu.sem_alloc : memref<!tpu.dma_semaphore, #tpu.memory_space<semaphore_mem>>
      %dma_start3A = arith.constant 0 : i32
      %dma_start3A_55 = tpu.memref_slice %arg9[%add3A_12, %dma_start3A] : memref<10240x128xbf16, #tpu.memory_space<vmem_shared>> -> memref<64x128xbf16, #tpu.memory_space<vmem_shared>>
      %dma_start3A_56 = arith.constant 0 : i32
      %dma_start3A_57 = tpu.memref_slice %arg9[%add3A_12, %dma_start3A_56] : memref<10240x128xbf16, #tpu.memory_space<vmem_shared>> -> memref<64x128xbf16, #tpu.memory_space<vmem_shared>>
      tpu.enqueue_dma source(%arg8 : memref<64x128xbf16, #tpu.memory_space<vmem>>) target(%dma_start3A_57 : memref<64x128xbf16, #tpu.memory_space<vmem_shared>>) target_semaphore(%run_scoped3A : memref<!tpu.dma_semaphore, #tpu.memory_space<semaphore_mem>>)
      %dma_wait3A = arith.constant 0 : i32
      %dma_wait3A_58 = tpu.memref_slice %arg9[%add3A_12, %dma_wait3A] : memref<10240x128xbf16, #tpu.memory_space<vmem_shared>> -> memref<64x128xbf16, #tpu.memory_space<vmem_shared>>
      %dma_wait3A_59 = arith.constant 0 : i32
      %dma_wait3A_60 = tpu.memref_slice %arg9[%add3A_12, %dma_wait3A_59] : memref<10240x128xbf16, #tpu.memory_space<vmem_shared>> -> memref<64x128xbf16, #tpu.memory_space<vmem_shared>>
      tpu.wait_dma2 semaphore(%run_scoped3A : memref<!tpu.dma_semaphore, #tpu.memory_space<semaphore_mem>>) src(%arg8 : memref<64x128xbf16, #tpu.memory_space<vmem>>) dst(%dma_wait3A_60 : memref<64x128xbf16, #tpu.memory_space<vmem_shared>>)
      tpu.yield
    }) : () -> ()
    %mul3A_13 = arith.constant 640 : i32
    %mul3A_14 = arith.muli %arg1, %mul3A_13 : i32
    %add3A_15 = arith.constant 128 : i32
    %add3A_16 = arith.addi %mul3A_14, %add3A_15 : i32
    "tpu.region"() ({
      %run_scoped3A = tpu.sem_alloc : memref<!tpu.dma_semaphore, #tpu.memory_space<semaphore_mem>>
      %dma_start3A = arith.constant 0 : i32
      %dma_start3A_55 = tpu.memref_slice %arg9[%add3A_16, %dma_start3A] : memref<10240x128xbf16, #tpu.memory_space<vmem_shared>> -> memref<64x128xbf16, #tpu.memory_space<vmem_shared>>
      %dma_start3A_56 = arith.constant 0 : i32
      %dma_start3A_57 = tpu.memref_slice %arg9[%add3A_16, %dma_start3A_56] : memref<10240x128xbf16, #tpu.memory_space<vmem_shared>> -> memref<64x128xbf16, #tpu.memory_space<vmem_shared>>
      tpu.enqueue_dma source(%arg8 : memref<64x128xbf16, #tpu.memory_space<vmem>>) target(%dma_start3A_57 : memref<64x128xbf16, #tpu.memory_space<vmem_shared>>) target_semaphore(%run_scoped3A : memref<!tpu.dma_semaphore, #tpu.memory_space<semaphore_mem>>)
      %dma_wait3A = arith.constant 0 : i32
      %dma_wait3A_58 = tpu.memref_slice %arg9[%add3A_16, %dma_wait3A] : memref<10240x128xbf16, #tpu.memory_space<vmem_shared>> -> memref<64x128xbf16, #tpu.memory_space<vmem_shared>>
      %dma_wait3A_59 = arith.constant 0 : i32
      %dma_wait3A_60 = tpu.memref_slice %arg9[%add3A_16, %dma_wait3A_59] : memref<10240x128xbf16, #tpu.memory_space<vmem_shared>> -> memref<64x128xbf16, #tpu.memory_space<vmem_shared>>
      tpu.wait_dma2 semaphore(%run_scoped3A : memref<!tpu.dma_semaphore, #tpu.memory_space<semaphore_mem>>) src(%arg8 : memref<64x128xbf16, #tpu.memory_space<vmem>>) dst(%dma_wait3A_60 : memref<64x128xbf16, #tpu.memory_space<vmem_shared>>)
      tpu.yield
    }) : () -> ()
    %mul3A_17 = arith.constant 640 : i32
    %mul3A_18 = arith.muli %arg1, %mul3A_17 : i32
    %add3A_19 = arith.constant 192 : i32
    %add3A_20 = arith.addi %mul3A_18, %add3A_19 : i32
    "tpu.region"() ({
      %run_scoped3A = tpu.sem_alloc : memref<!tpu.dma_semaphore, #tpu.memory_space<semaphore_mem>>
      %dma_start3A = arith.constant 0 : i32
      %dma_start3A_55 = tpu.memref_slice %arg9[%add3A_20, %dma_start3A] : memref<10240x128xbf16, #tpu.memory_space<vmem_shared>> -> memref<64x128xbf16, #tpu.memory_space<vmem_shared>>
      %dma_start3A_56 = arith.constant 0 : i32
      %dma_start3A_57 = tpu.memref_slice %arg9[%add3A_20, %dma_start3A_56] : memref<10240x128xbf16, #tpu.memory_space<vmem_shared>> -> memref<64x128xbf16, #tpu.memory_space<vmem_shared>>
      tpu.enqueue_dma source(%arg8 : memref<64x128xbf16, #tpu.memory_space<vmem>>) target(%dma_start3A_57 : memref<64x128xbf16, #tpu.memory_space<vmem_shared>>) target_semaphore(%run_scoped3A : memref<!tpu.dma_semaphore, #tpu.memory_space<semaphore_mem>>)
      %dma_wait3A = arith.constant 0 : i32
      %dma_wait3A_58 = tpu.memref_slice %arg9[%add3A_20, %dma_wait3A] : memref<10240x128xbf16, #tpu.memory_space<vmem_shared>> -> memref<64x128xbf16, #tpu.memory_space<vmem_shared>>
      %dma_wait3A_59 = arith.constant 0 : i32
      %dma_wait3A_60 = tpu.memref_slice %arg9[%add3A_20, %dma_wait3A_59] : memref<10240x128xbf16, #tpu.memory_space<vmem_shared>> -> memref<64x128xbf16, #tpu.memory_space<vmem_shared>>
      tpu.wait_dma2 semaphore(%run_scoped3A : memref<!tpu.dma_semaphore, #tpu.memory_space<semaphore_mem>>) src(%arg8 : memref<64x128xbf16, #tpu.memory_space<vmem>>) dst(%dma_wait3A_60 : memref<64x128xbf16, #tpu.memory_space<vmem_shared>>)
      tpu.yield
    }) : () -> ()
    %mul3A_21 = arith.constant 640 : i32
    %mul3A_22 = arith.muli %arg1, %mul3A_21 : i32
    %add3A_23 = arith.constant 256 : i32
    %add3A_24 = arith.addi %mul3A_22, %add3A_23 : i32
    "tpu.region"() ({
      %run_scoped3A = tpu.sem_alloc : memref<!tpu.dma_semaphore, #tpu.memory_space<semaphore_mem>>
      %dma_start3A = arith.constant 0 : i32
      %dma_start3A_55 = tpu.memref_slice %arg9[%add3A_24, %dma_start3A] : memref<10240x128xbf16, #tpu.memory_space<vmem_shared>> -> memref<64x128xbf16, #tpu.memory_space<vmem_shared>>
      %dma_start3A_56 = arith.constant 0 : i32
      %dma_start3A_57 = tpu.memref_slice %arg9[%add3A_24, %dma_start3A_56] : memref<10240x128xbf16, #tpu.memory_space<vmem_shared>> -> memref<64x128xbf16, #tpu.memory_space<vmem_shared>>
      tpu.enqueue_dma source(%arg8 : memref<64x128xbf16, #tpu.memory_space<vmem>>) target(%dma_start3A_57 : memref<64x128xbf16, #tpu.memory_space<vmem_shared>>) target_semaphore(%run_scoped3A : memref<!tpu.dma_semaphore, #tpu.memory_space<semaphore_mem>>)
      %dma_wait3A = arith.constant 0 : i32
      %dma_wait3A_58 = tpu.memref_slice %arg9[%add3A_24, %dma_wait3A] : memref<10240x128xbf16, #tpu.memory_space<vmem_shared>> -> memref<64x128xbf16, #tpu.memory_space<vmem_shared>>
      %dma_wait3A_59 = arith.constant 0 : i32
      %dma_wait3A_60 = tpu.memref_slice %arg9[%add3A_24, %dma_wait3A_59] : memref<10240x128xbf16, #tpu.memory_space<vmem_shared>> -> memref<64x128xbf16, #tpu.memory_space<vmem_shared>>
      tpu.wait_dma2 semaphore(%run_scoped3A : memref<!tpu.dma_semaphore, #tpu.memory_space<semaphore_mem>>) src(%arg8 : memref<64x128xbf16, #tpu.memory_space<vmem>>) dst(%dma_wait3A_60 : memref<64x128xbf16, #tpu.memory_space<vmem_shared>>)
      tpu.yield
    }) : () -> ()
    %mul3A_25 = arith.constant 640 : i32
    %mul3A_26 = arith.muli %arg1, %mul3A_25 : i32
    %add3A_27 = arith.constant 320 : i32
    %add3A_28 = arith.addi %mul3A_26, %add3A_27 : i32
    "tpu.region"() ({
      %run_scoped3A = tpu.sem_alloc : memref<!tpu.dma_semaphore, #tpu.memory_space<semaphore_mem>>
      %dma_start3A = arith.constant 0 : i32
      %dma_start3A_55 = tpu.memref_slice %arg9[%add3A_28, %dma_start3A] : memref<10240x128xbf16, #tpu.memory_space<vmem_shared>> -> memref<64x128xbf16, #tpu.memory_space<vmem_shared>>
      %dma_start3A_56 = arith.constant 0 : i32
      %dma_start3A_57 = tpu.memref_slice %arg9[%add3A_28, %dma_start3A_56] : memref<10240x128xbf16, #tpu.memory_space<vmem_shared>> -> memref<64x128xbf16, #tpu.memory_space<vmem_shared>>
      tpu.enqueue_dma source(%arg8 : memref<64x128xbf16, #tpu.memory_space<vmem>>) target(%dma_start3A_57 : memref<64x128xbf16, #tpu.memory_space<vmem_shared>>) target_semaphore(%run_scoped3A : memref<!tpu.dma_semaphore, #tpu.memory_space<semaphore_mem>>)
      %dma_wait3A = arith.constant 0 : i32
      %dma_wait3A_58 = tpu.memref_slice %arg9[%add3A_28, %dma_wait3A] : memref<10240x128xbf16, #tpu.memory_space<vmem_shared>> -> memref<64x128xbf16, #tpu.memory_space<vmem_shared>>
      %dma_wait3A_59 = arith.constant 0 : i32
      %dma_wait3A_60 = tpu.memref_slice %arg9[%add3A_28, %dma_wait3A_59] : memref<10240x128xbf16, #tpu.memory_space<vmem_shared>> -> memref<64x128xbf16, #tpu.memory_space<vmem_shared>>
      tpu.wait_dma2 semaphore(%run_scoped3A : memref<!tpu.dma_semaphore, #tpu.memory_space<semaphore_mem>>) src(%arg8 : memref<64x128xbf16, #tpu.memory_space<vmem>>) dst(%dma_wait3A_60 : memref<64x128xbf16, #tpu.memory_space<vmem_shared>>)
      tpu.yield
    }) : () -> ()
    %mul3A_29 = arith.constant 640 : i32
    %mul3A_30 = arith.muli %arg1, %mul3A_29 : i32
    %add3A_31 = arith.constant 384 : i32
    %add3A_32 = arith.addi %mul3A_30, %add3A_31 : i32
    "tpu.region"() ({
      %run_scoped3A = tpu.sem_alloc : memref<!tpu.dma_semaphore, #tpu.memory_space<semaphore_mem>>
      %dma_start3A = arith.constant 0 : i32
      %dma_start3A_55 = tpu.memref_slice %arg9[%add3A_32, %dma_start3A] : memref<10240x128xbf16, #tpu.memory_space<vmem_shared>> -> memref<64x128xbf16, #tpu.memory_space<vmem_shared>>
      %dma_start3A_56 = arith.constant 0 : i32
      %dma_start3A_57 = tpu.memref_slice %arg9[%add3A_32, %dma_start3A_56] : memref<10240x128xbf16, #tpu.memory_space<vmem_shared>> -> memref<64x128xbf16, #tpu.memory_space<vmem_shared>>
      tpu.enqueue_dma source(%arg8 : memref<64x128xbf16, #tpu.memory_space<vmem>>) target(%dma_start3A_57 : memref<64x128xbf16, #tpu.memory_space<vmem_shared>>) target_semaphore(%run_scoped3A : memref<!tpu.dma_semaphore, #tpu.memory_space<semaphore_mem>>)
      %dma_wait3A = arith.constant 0 : i32
      %dma_wait3A_58 = tpu.memref_slice %arg9[%add3A_32, %dma_wait3A] : memref<10240x128xbf16, #tpu.memory_space<vmem_shared>> -> memref<64x128xbf16, #tpu.memory_space<vmem_shared>>
      %dma_wait3A_59 = arith.constant 0 : i32
      %dma_wait3A_60 = tpu.memref_slice %arg9[%add3A_32, %dma_wait3A_59] : memref<10240x128xbf16, #tpu.memory_space<vmem_shared>> -> memref<64x128xbf16, #tpu.memory_space<vmem_shared>>
      tpu.wait_dma2 semaphore(%run_scoped3A : memref<!tpu.dma_semaphore, #tpu.memory_space<semaphore_mem>>) src(%arg8 : memref<64x128xbf16, #tpu.memory_space<vmem>>) dst(%dma_wait3A_60 : memref<64x128xbf16, #tpu.memory_space<vmem_shared>>)
      tpu.yield
    }) : () -> ()
    %mul3A_33 = arith.constant 640 : i32
    %mul3A_34 = arith.muli %arg1, %mul3A_33 : i32
    %add3A_35 = arith.constant 448 : i32
    %add3A_36 = arith.addi %mul3A_34, %add3A_35 : i32
    "tpu.region"() ({
      %run_scoped3A = tpu.sem_alloc : memref<!tpu.dma_semaphore, #tpu.memory_space<semaphore_mem>>
      %dma_start3A = arith.constant 0 : i32
      %dma_start3A_55 = tpu.memref_slice %arg9[%add3A_36, %dma_start3A] : memref<10240x128xbf16, #tpu.memory_space<vmem_shared>> -> memref<64x128xbf16, #tpu.memory_space<vmem_shared>>
      %dma_start3A_56 = arith.constant 0 : i32
      %dma_start3A_57 = tpu.memref_slice %arg9[%add3A_36, %dma_start3A_56] : memref<10240x128xbf16, #tpu.memory_space<vmem_shared>> -> memref<64x128xbf16, #tpu.memory_space<vmem_shared>>
      tpu.enqueue_dma source(%arg8 : memref<64x128xbf16, #tpu.memory_space<vmem>>) target(%dma_start3A_57 : memref<64x128xbf16, #tpu.memory_space<vmem_shared>>) target_semaphore(%run_scoped3A : memref<!tpu.dma_semaphore, #tpu.memory_space<semaphore_mem>>)
      %dma_wait3A = arith.constant 0 : i32
      %dma_wait3A_58 = tpu.memref_slice %arg9[%add3A_36, %dma_wait3A] : memref<10240x128xbf16, #tpu.memory_space<vmem_shared>> -> memref<64x128xbf16, #tpu.memory_space<vmem_shared>>
      %dma_wait3A_59 = arith.constant 0 : i32
      %dma_wait3A_60 = tpu.memref_slice %arg9[%add3A_36, %dma_wait3A_59] : memref<10240x128xbf16, #tpu.memory_space<vmem_shared>> -> memref<64x128xbf16, #tpu.memory_space<vmem_shared>>
      tpu.wait_dma2 semaphore(%run_scoped3A : memref<!tpu.dma_semaphore, #tpu.memory_space<semaphore_mem>>) src(%arg8 : memref<64x128xbf16, #tpu.memory_space<vmem>>) dst(%dma_wait3A_60 : memref<64x128xbf16, #tpu.memory_space<vmem_shared>>)
      tpu.yield
    }) : () -> ()
    %mul3A_37 = arith.constant 640 : i32
    %mul3A_38 = arith.muli %arg1, %mul3A_37 : i32
    %add3A_39 = arith.constant 512 : i32
    %add3A_40 = arith.addi %mul3A_38, %add3A_39 : i32
    "tpu.region"() ({
      %run_scoped3A = tpu.sem_alloc : memref<!tpu.dma_semaphore, #tpu.memory_space<semaphore_mem>>
      %dma_start3A = arith.constant 0 : i32
      %dma_start3A_55 = tpu.memref_slice %arg9[%add3A_40, %dma_start3A] : memref<10240x128xbf16, #tpu.memory_space<vmem_shared>> -> memref<64x128xbf16, #tpu.memory_space<vmem_shared>>
      %dma_start3A_56 = arith.constant 0 : i32
      %dma_start3A_57 = tpu.memref_slice %arg9[%add3A_40, %dma_start3A_56] : memref<10240x128xbf16, #tpu.memory_space<vmem_shared>> -> memref<64x128xbf16, #tpu.memory_space<vmem_shared>>
      tpu.enqueue_dma source(%arg8 : memref<64x128xbf16, #tpu.memory_space<vmem>>) target(%dma_start3A_57 : memref<64x128xbf16, #tpu.memory_space<vmem_shared>>) target_semaphore(%run_scoped3A : memref<!tpu.dma_semaphore, #tpu.memory_space<semaphore_mem>>)
      %dma_wait3A = arith.constant 0 : i32
      %dma_wait3A_58 = tpu.memref_slice %arg9[%add3A_40, %dma_wait3A] : memref<10240x128xbf16, #tpu.memory_space<vmem_shared>> -> memref<64x128xbf16, #tpu.memory_space<vmem_shared>>
      %dma_wait3A_59 = arith.constant 0 : i32
      %dma_wait3A_60 = tpu.memref_slice %arg9[%add3A_40, %dma_wait3A_59] : memref<10240x128xbf16, #tpu.memory_space<vmem_shared>> -> memref<64x128xbf16, #tpu.memory_space<vmem_shared>>
      tpu.wait_dma2 semaphore(%run_scoped3A : memref<!tpu.dma_semaphore, #tpu.memory_space<semaphore_mem>>) src(%arg8 : memref<64x128xbf16, #tpu.memory_space<vmem>>) dst(%dma_wait3A_60 : memref<64x128xbf16, #tpu.memory_space<vmem_shared>>)
      tpu.yield
    }) : () -> ()
    %mul3A_41 = arith.constant 640 : i32
    %mul3A_42 = arith.muli %arg1, %mul3A_41 : i32
    %add3A_43 = arith.constant 576 : i32
    %add3A_44 = arith.addi %mul3A_42, %add3A_43 : i32
    "tpu.region"() ({
      %run_scoped3A = tpu.sem_alloc : memref<!tpu.dma_semaphore, #tpu.memory_space<semaphore_mem>>
      %dma_start3A = arith.constant 0 : i32
      %dma_start3A_55 = tpu.memref_slice %arg9[%add3A_44, %dma_start3A] : memref<10240x128xbf16, #tpu.memory_space<vmem_shared>> -> memref<64x128xbf16, #tpu.memory_space<vmem_shared>>
      %dma_start3A_56 = arith.constant 0 : i32
      %dma_start3A_57 = tpu.memref_slice %arg9[%add3A_44, %dma_start3A_56] : memref<10240x128xbf16, #tpu.memory_space<vmem_shared>> -> memref<64x128xbf16, #tpu.memory_space<vmem_shared>>
      tpu.enqueue_dma source(%arg8 : memref<64x128xbf16, #tpu.memory_space<vmem>>) target(%dma_start3A_57 : memref<64x128xbf16, #tpu.memory_space<vmem_shared>>) target_semaphore(%run_scoped3A : memref<!tpu.dma_semaphore, #tpu.memory_space<semaphore_mem>>)
      %dma_wait3A = arith.constant 0 : i32
      %dma_wait3A_58 = tpu.memref_slice %arg9[%add3A_44, %dma_wait3A] : memref<10240x128xbf16, #tpu.memory_space<vmem_shared>> -> memref<64x128xbf16, #tpu.memory_space<vmem_shared>>
      %dma_wait3A_59 = arith.constant 0 : i32
      %dma_wait3A_60 = tpu.memref_slice %arg9[%add3A_44, %dma_wait3A_59] : memref<10240x128xbf16, #tpu.memory_space<vmem_shared>> -> memref<64x128xbf16, #tpu.memory_space<vmem_shared>>
      tpu.wait_dma2 semaphore(%run_scoped3A : memref<!tpu.dma_semaphore, #tpu.memory_space<semaphore_mem>>) src(%arg8 : memref<64x128xbf16, #tpu.memory_space<vmem>>) dst(%dma_wait3A_60 : memref<64x128xbf16, #tpu.memory_space<vmem_shared>>)
      tpu.yield
    }) : () -> ()
    %barrier3A = arith.constant 0 : index
    tpu.barrier barrier_id(%barrier3A)
    %scan3A_45 = arith.constant 0 : i32
    %scan3A_46 = arith.constant 4 : i32
    %scan3A_47 = arith.addi %scan3A_45, %scan3A_46 : i32
    %scan3A_48 = arith.constant 1 : i32
    scf.for %scan3A_55 = %scan3A_45 to %scan3A_47 step %scan3A_48  : i32 {
      %mul3A_56 = arith.constant 1 : i32
      %mul3A_57 = arith.muli %scan3A_55, %mul3A_56 : i32
      %add3A_58 = arith.constant 0 : i32
      %add3A_59 = arith.addi %add3A_58, %mul3A_57 : i32
      %mul3A_60 = arith.constant 20 : i32
      %mul3A_61 = arith.muli %add3A_59, %mul3A_60 : i32
      "tpu.region"() ({
        %run_scoped3A = tpu.sem_alloc : memref<!tpu.dma_semaphore, #tpu.memory_space<semaphore_mem>>
        %dma_start3A_207 = arith.constant 0 : i32
        %dma_start3A_208 = tpu.memref_slice %arg3[%add3A, %mul3A_61, %dma_start3A_207] : memref<32x80x125xi32, #tpu.memory_space<hbm>> -> memref<1x20x125xi32, #tpu.memory_space<hbm>>
        %dma_start3A_209 = tpu.memref_squeeze %dma_start3A_208 : memref<1x20x125xi32, #tpu.memory_space<hbm>> -> memref<20x125xi32, #tpu.memory_space<hbm>>
        %dma_start3A_210 = arith.constant 0 : i32
        %dma_start3A_211 = tpu.memref_slice %arg3[%add3A, %mul3A_61, %dma_start3A_210] : memref<32x80x125xi32, #tpu.memory_space<hbm>> -> memref<1x20x125xi32, #tpu.memory_space<hbm>>
        %dma_start3A_212 = tpu.memref_squeeze %dma_start3A_211 : memref<1x20x125xi32, #tpu.memory_space<hbm>> -> memref<20x125xi32, #tpu.memory_space<hbm>>
        tpu.enqueue_dma source(%dma_start3A_212 : memref<20x125xi32, #tpu.memory_space<hbm>>) target(%arg6 : memref<20x125xi32, #tpu.memory_space<vmem>>) target_semaphore(%run_scoped3A : memref<!tpu.dma_semaphore, #tpu.memory_space<semaphore_mem>>)
        %dma_wait3A_213 = arith.constant 0 : i32
        %dma_wait3A_214 = tpu.memref_slice %arg3[%add3A, %mul3A_61, %dma_wait3A_213] : memref<32x80x125xi32, #tpu.memory_space<hbm>> -> memref<1x20x125xi32, #tpu.memory_space<hbm>>
        %dma_wait3A_215 = tpu.memref_squeeze %dma_wait3A_214 : memref<1x20x125xi32, #tpu.memory_space<hbm>> -> memref<20x125xi32, #tpu.memory_space<hbm>>
        %dma_wait3A_216 = arith.constant 0 : i32
        %dma_wait3A_217 = tpu.memref_slice %arg3[%add3A, %mul3A_61, %dma_wait3A_216] : memref<32x80x125xi32, #tpu.memory_space<hbm>> -> memref<1x20x125xi32, #tpu.memory_space<hbm>>
        %dma_wait3A_218 = tpu.memref_squeeze %dma_wait3A_217 : memref<1x20x125xi32, #tpu.memory_space<hbm>> -> memref<20x125xi32, #tpu.memory_space<hbm>>
        tpu.wait_dma2 semaphore(%run_scoped3A : memref<!tpu.dma_semaphore, #tpu.memory_space<semaphore_mem>>) src(%dma_wait3A_218 : memref<20x125xi32, #tpu.memory_space<hbm>>) dst(%arg6 : memref<20x125xi32, #tpu.memory_space<vmem>>)
        tpu.yield
      }) : () -> ()
      %mul3A_62 = arith.constant 20 : i32
      %mul3A_63 = arith.muli %add3A_59, %mul3A_62 : i32
      "tpu.region"() ({
        %run_scoped3A = tpu.sem_alloc : memref<!tpu.dma_semaphore, #tpu.memory_space<semaphore_mem>>
        %dma_start3A_207 = arith.constant 0 : i32
        %dma_start3A_208 = tpu.memref_slice %arg4[%add3A, %mul3A_63, %dma_start3A_207] : memref<32x80x125xi32, #tpu.memory_space<hbm>> -> memref<1x20x125xi32, #tpu.memory_space<hbm>>
        %dma_start3A_209 = tpu.memref_squeeze %dma_start3A_208 : memref<1x20x125xi32, #tpu.memory_space<hbm>> -> memref<20x125xi32, #tpu.memory_space<hbm>>
        %dma_start3A_210 = arith.constant 0 : i32
        %dma_start3A_211 = tpu.memref_slice %arg4[%add3A, %mul3A_63, %dma_start3A_210] : memref<32x80x125xi32, #tpu.memory_space<hbm>> -> memref<1x20x125xi32, #tpu.memory_space<hbm>>
        %dma_start3A_212 = tpu.memref_squeeze %dma_start3A_211 : memref<1x20x125xi32, #tpu.memory_space<hbm>> -> memref<20x125xi32, #tpu.memory_space<hbm>>
        tpu.enqueue_dma source(%dma_start3A_212 : memref<20x125xi32, #tpu.memory_space<hbm>>) target(%arg7 : memref<20x125xi32, #tpu.memory_space<vmem>>) target_semaphore(%run_scoped3A : memref<!tpu.dma_semaphore, #tpu.memory_space<semaphore_mem>>)
        %dma_wait3A_213 = arith.constant 0 : i32
        %dma_wait3A_214 = tpu.memref_slice %arg4[%add3A, %mul3A_63, %dma_wait3A_213] : memref<32x80x125xi32, #tpu.memory_space<hbm>> -> memref<1x20x125xi32, #tpu.memory_space<hbm>>
        %dma_wait3A_215 = tpu.memref_squeeze %dma_wait3A_214 : memref<1x20x125xi32, #tpu.memory_space<hbm>> -> memref<20x125xi32, #tpu.memory_space<hbm>>
        %dma_wait3A_216 = arith.constant 0 : i32
        %dma_wait3A_217 = tpu.memref_slice %arg4[%add3A, %mul3A_63, %dma_wait3A_216] : memref<32x80x125xi32, #tpu.memory_space<hbm>> -> memref<1x20x125xi32, #tpu.memory_space<hbm>>
        %dma_wait3A_218 = tpu.memref_squeeze %dma_wait3A_217 : memref<1x20x125xi32, #tpu.memory_space<hbm>> -> memref<20x125xi32, #tpu.memory_space<hbm>>
        tpu.wait_dma2 semaphore(%run_scoped3A : memref<!tpu.dma_semaphore, #tpu.memory_space<semaphore_mem>>) src(%dma_wait3A_218 : memref<20x125xi32, #tpu.memory_space<hbm>>) dst(%arg7 : memref<20x125xi32, #tpu.memory_space<vmem>>)
        tpu.yield
      }) : () -> ()
      %dma_start3A = arith.constant 0 : i32
      %dma_start3A_64 = arith.constant 0 : i32
      %dma_start3A_65 = tpu.memref_slice %arg6[%dma_start3A, %dma_start3A_64] : memref<20x125xi32, #tpu.memory_space<vmem>> -> memref<1x125xi32, #tpu.memory_space<vmem>>
      %dma_start3A_66 = tpu.memref_squeeze %dma_start3A_65 : memref<1x125xi32, #tpu.memory_space<vmem>> -> memref<125xi32, #tpu.memory_space<vmem>>
      %dma_start3A_67 = arith.constant 0 : i32
      %dma_start3A_68 = arith.constant 0 : i32
      %dma_start3A_69 = tpu.memref_slice %arg2[%dma_start3A_67, %dma_start3A_68] : memref<10240x128xbf16, #tpu.memory_space<hbm>> -> memref<10240x128xbf16, #tpu.memory_space<hbm>>
      tpu.enqueue_indirect_dma source(%dma_start3A_69 : memref<10240x128xbf16, #tpu.memory_space<hbm>>) target(%arg10 : memref<125x128xbf16, #tpu.memory_space<vmem>>) offsets(%dma_start3A_66 : memref<125xi32, #tpu.memory_space<vmem>>) semaphore(%arg15 : memref<!tpu.dma_semaphore, #tpu.memory_space<semaphore_mem>>)
      %dma_start3A_70 = arith.constant 1 : i32
      %dma_start3A_71 = arith.constant 0 : i32
      %dma_start3A_72 = tpu.memref_slice %arg6[%dma_start3A_70, %dma_start3A_71] : memref<20x125xi32, #tpu.memory_space<vmem>> -> memref<1x125xi32, #tpu.memory_space<vmem>>
      %dma_start3A_73 = tpu.memref_squeeze %dma_start3A_72 : memref<1x125xi32, #tpu.memory_space<vmem>> -> memref<125xi32, #tpu.memory_space<vmem>>
      %dma_start3A_74 = arith.constant 0 : i32
      %dma_start3A_75 = arith.constant 0 : i32
      %dma_start3A_76 = tpu.memref_slice %arg2[%dma_start3A_74, %dma_start3A_75] : memref<10240x128xbf16, #tpu.memory_space<hbm>> -> memref<10240x128xbf16, #tpu.memory_space<hbm>>
      tpu.enqueue_indirect_dma source(%dma_start3A_76 : memref<10240x128xbf16, #tpu.memory_space<hbm>>) target(%arg11 : memref<125x128xbf16, #tpu.memory_space<vmem>>) offsets(%dma_start3A_73 : memref<125xi32, #tpu.memory_space<vmem>>) semaphore(%arg16 : memref<!tpu.dma_semaphore, #tpu.memory_space<semaphore_mem>>)
      %dma_start3A_77 = arith.constant 2 : i32
      %dma_start3A_78 = arith.constant 0 : i32
      %dma_start3A_79 = tpu.memref_slice %arg6[%dma_start3A_77, %dma_start3A_78] : memref<20x125xi32, #tpu.memory_space<vmem>> -> memref<1x125xi32, #tpu.memory_space<vmem>>
      %dma_start3A_80 = tpu.memref_squeeze %dma_start3A_79 : memref<1x125xi32, #tpu.memory_space<vmem>> -> memref<125xi32, #tpu.memory_space<vmem>>
      %dma_start3A_81 = arith.constant 0 : i32
      %dma_start3A_82 = arith.constant 0 : i32
      %dma_start3A_83 = tpu.memref_slice %arg2[%dma_start3A_81, %dma_start3A_82] : memref<10240x128xbf16, #tpu.memory_space<hbm>> -> memref<10240x128xbf16, #tpu.memory_space<hbm>>
      tpu.enqueue_indirect_dma source(%dma_start3A_83 : memref<10240x128xbf16, #tpu.memory_space<hbm>>) target(%arg12 : memref<125x128xbf16, #tpu.memory_space<vmem>>) offsets(%dma_start3A_80 : memref<125xi32, #tpu.memory_space<vmem>>) semaphore(%arg17 : memref<!tpu.dma_semaphore, #tpu.memory_space<semaphore_mem>>)
      %dma_start3A_84 = arith.constant 3 : i32
      %dma_start3A_85 = arith.constant 0 : i32
      %dma_start3A_86 = tpu.memref_slice %arg6[%dma_start3A_84, %dma_start3A_85] : memref<20x125xi32, #tpu.memory_space<vmem>> -> memref<1x125xi32, #tpu.memory_space<vmem>>
      %dma_start3A_87 = tpu.memref_squeeze %dma_start3A_86 : memref<1x125xi32, #tpu.memory_space<vmem>> -> memref<125xi32, #tpu.memory_space<vmem>>
      %dma_start3A_88 = arith.constant 0 : i32
      %dma_start3A_89 = arith.constant 0 : i32
      %dma_start3A_90 = tpu.memref_slice %arg2[%dma_start3A_88, %dma_start3A_89] : memref<10240x128xbf16, #tpu.memory_space<hbm>> -> memref<10240x128xbf16, #tpu.memory_space<hbm>>
      tpu.enqueue_indirect_dma source(%dma_start3A_90 : memref<10240x128xbf16, #tpu.memory_space<hbm>>) target(%arg13 : memref<125x128xbf16, #tpu.memory_space<vmem>>) offsets(%dma_start3A_87 : memref<125xi32, #tpu.memory_space<vmem>>) semaphore(%arg18 : memref<!tpu.dma_semaphore, #tpu.memory_space<semaphore_mem>>)
      %dma_start3A_91 = arith.constant 4 : i32
      %dma_start3A_92 = arith.constant 0 : i32
      %dma_start3A_93 = tpu.memref_slice %arg6[%dma_start3A_91, %dma_start3A_92] : memref<20x125xi32, #tpu.memory_space<vmem>> -> memref<1x125xi32, #tpu.memory_space<vmem>>
      %dma_start3A_94 = tpu.memref_squeeze %dma_start3A_93 : memref<1x125xi32, #tpu.memory_space<vmem>> -> memref<125xi32, #tpu.memory_space<vmem>>
      %dma_start3A_95 = arith.constant 0 : i32
      %dma_start3A_96 = arith.constant 0 : i32
      %dma_start3A_97 = tpu.memref_slice %arg2[%dma_start3A_95, %dma_start3A_96] : memref<10240x128xbf16, #tpu.memory_space<hbm>> -> memref<10240x128xbf16, #tpu.memory_space<hbm>>
      tpu.enqueue_indirect_dma source(%dma_start3A_97 : memref<10240x128xbf16, #tpu.memory_space<hbm>>) target(%arg14 : memref<125x128xbf16, #tpu.memory_space<vmem>>) offsets(%dma_start3A_94 : memref<125xi32, #tpu.memory_space<vmem>>) semaphore(%arg19 : memref<!tpu.dma_semaphore, #tpu.memory_space<semaphore_mem>>)
      %scan3A_98 = arith.constant 0 : i32
      %scan3A_99 = arith.constant 3 : i32
      %scan3A_100 = arith.addi %scan3A_98, %scan3A_99 : i32
      %scan3A_101 = arith.constant 1 : i32
      scf.for %scan3A_207 = %scan3A_98 to %scan3A_100 step %scan3A_101  : i32 {
        %mul3A_208 = arith.constant 1 : i32
        %mul3A_209 = arith.muli %scan3A_207, %mul3A_208 : i32
        %add3A_210 = arith.constant 0 : i32
        %add3A_211 = arith.addi %add3A_210, %mul3A_209 : i32
        %mul3A_212 = arith.constant 5 : i32
        %mul3A_213 = arith.muli %add3A_211, %mul3A_212 : i32
        %add3A_214 = arith.constant 0 : i32
        %add3A_215 = arith.addi %mul3A_213, %add3A_214 : i32
        %dma_wait3A_216 = arith.constant 0 : i32
        %dma_wait3A_217 = tpu.memref_slice %arg6[%add3A_215, %dma_wait3A_216] : memref<20x125xi32, #tpu.memory_space<vmem>> -> memref<1x125xi32, #tpu.memory_space<vmem>>
        %dma_wait3A_218 = tpu.memref_squeeze %dma_wait3A_217 : memref<1x125xi32, #tpu.memory_space<vmem>> -> memref<125xi32, #tpu.memory_space<vmem>>
        %dma_wait3A_219 = arith.constant 0 : i32
        %dma_wait3A_220 = arith.constant 0 : i32
        %dma_wait3A_221 = tpu.memref_slice %arg2[%dma_wait3A_219, %dma_wait3A_220] : memref<10240x128xbf16, #tpu.memory_space<hbm>> -> memref<10240x128xbf16, #tpu.memory_space<hbm>>
        tpu.wait_indirect_dma semaphore(%arg15 : memref<!tpu.dma_semaphore, #tpu.memory_space<semaphore_mem>>) src(%dma_wait3A_221 : memref<10240x128xbf16, #tpu.memory_space<hbm>>) dst(%arg10 : memref<125x128xbf16, #tpu.memory_space<vmem>>)
        %add3A_222 = arith.constant 0 : i32
        %add3A_223 = arith.addi %mul3A_213, %add3A_222 : i32
        %dma_start3A_224 = arith.constant 0 : i32
        %dma_start3A_225 = tpu.memref_slice %arg7[%add3A_223, %dma_start3A_224] : memref<20x125xi32, #tpu.memory_space<vmem>> -> memref<1x125xi32, #tpu.memory_space<vmem>>
        %dma_start3A_226 = tpu.memref_squeeze %dma_start3A_225 : memref<1x125xi32, #tpu.memory_space<vmem>> -> memref<125xi32, #tpu.memory_space<vmem>>
        %dma_start3A_227 = arith.constant 0 : i32
        %dma_start3A_228 = arith.constant 0 : i32
        %dma_start3A_229 = tpu.memref_slice %arg9[%dma_start3A_227, %dma_start3A_228] : memref<10240x128xbf16, #tpu.memory_space<vmem_shared>> -> memref<10240x128xbf16, #tpu.memory_space<vmem_shared>>
        tpu.enqueue_indirect_dma source(%arg10 : memref<125x128xbf16, #tpu.memory_space<vmem>>) target(%dma_start3A_229 : memref<10240x128xbf16, #tpu.memory_space<vmem_shared>>) offsets(%dma_start3A_226 : memref<125xi32, #tpu.memory_space<vmem>>) semaphore(%arg20 : memref<!tpu.dma_semaphore, #tpu.memory_space<semaphore_mem>>) {add = true}
        %add3A_230 = arith.constant 1 : i32
        %add3A_231 = arith.addi %mul3A_213, %add3A_230 : i32
        %dma_wait3A_232 = arith.constant 0 : i32
        %dma_wait3A_233 = tpu.memref_slice %arg6[%add3A_231, %dma_wait3A_232] : memref<20x125xi32, #tpu.memory_space<vmem>> -> memref<1x125xi32, #tpu.memory_space<vmem>>
        %dma_wait3A_234 = tpu.memref_squeeze %dma_wait3A_233 : memref<1x125xi32, #tpu.memory_space<vmem>> -> memref<125xi32, #tpu.memory_space<vmem>>
        %dma_wait3A_235 = arith.constant 0 : i32
        %dma_wait3A_236 = arith.constant 0 : i32
        %dma_wait3A_237 = tpu.memref_slice %arg2[%dma_wait3A_235, %dma_wait3A_236] : memref<10240x128xbf16, #tpu.memory_space<hbm>> -> memref<10240x128xbf16, #tpu.memory_space<hbm>>
        tpu.wait_indirect_dma semaphore(%arg16 : memref<!tpu.dma_semaphore, #tpu.memory_space<semaphore_mem>>) src(%dma_wait3A_237 : memref<10240x128xbf16, #tpu.memory_space<hbm>>) dst(%arg11 : memref<125x128xbf16, #tpu.memory_space<vmem>>)
        %add3A_238 = arith.constant 1 : i32
        %add3A_239 = arith.addi %mul3A_213, %add3A_238 : i32
        %dma_start3A_240 = arith.constant 0 : i32
        %dma_start3A_241 = tpu.memref_slice %arg7[%add3A_239, %dma_start3A_240] : memref<20x125xi32, #tpu.memory_space<vmem>> -> memref<1x125xi32, #tpu.memory_space<vmem>>
        %dma_start3A_242 = tpu.memref_squeeze %dma_start3A_241 : memref<1x125xi32, #tpu.memory_space<vmem>> -> memref<125xi32, #tpu.memory_space<vmem>>
        %dma_start3A_243 = arith.constant 0 : i32
        %dma_start3A_244 = arith.constant 0 : i32
        %dma_start3A_245 = tpu.memref_slice %arg9[%dma_start3A_243, %dma_start3A_244] : memref<10240x128xbf16, #tpu.memory_space<vmem_shared>> -> memref<10240x128xbf16, #tpu.memory_space<vmem_shared>>
        tpu.enqueue_indirect_dma source(%arg11 : memref<125x128xbf16, #tpu.memory_space<vmem>>) target(%dma_start3A_245 : memref<10240x128xbf16, #tpu.memory_space<vmem_shared>>) offsets(%dma_start3A_242 : memref<125xi32, #tpu.memory_space<vmem>>) semaphore(%arg21 : memref<!tpu.dma_semaphore, #tpu.memory_space<semaphore_mem>>) {add = true}
        %add3A_246 = arith.constant 2 : i32
        %add3A_247 = arith.addi %mul3A_213, %add3A_246 : i32
        %dma_wait3A_248 = arith.constant 0 : i32
        %dma_wait3A_249 = tpu.memref_slice %arg6[%add3A_247, %dma_wait3A_248] : memref<20x125xi32, #tpu.memory_space<vmem>> -> memref<1x125xi32, #tpu.memory_space<vmem>>
        %dma_wait3A_250 = tpu.memref_squeeze %dma_wait3A_249 : memref<1x125xi32, #tpu.memory_space<vmem>> -> memref<125xi32, #tpu.memory_space<vmem>>
        %dma_wait3A_251 = arith.constant 0 : i32
        %dma_wait3A_252 = arith.constant 0 : i32
        %dma_wait3A_253 = tpu.memref_slice %arg2[%dma_wait3A_251, %dma_wait3A_252] : memref<10240x128xbf16, #tpu.memory_space<hbm>> -> memref<10240x128xbf16, #tpu.memory_space<hbm>>
        tpu.wait_indirect_dma semaphore(%arg17 : memref<!tpu.dma_semaphore, #tpu.memory_space<semaphore_mem>>) src(%dma_wait3A_253 : memref<10240x128xbf16, #tpu.memory_space<hbm>>) dst(%arg12 : memref<125x128xbf16, #tpu.memory_space<vmem>>)
        %add3A_254 = arith.constant 2 : i32
        %add3A_255 = arith.addi %mul3A_213, %add3A_254 : i32
        %dma_start3A_256 = arith.constant 0 : i32
        %dma_start3A_257 = tpu.memref_slice %arg7[%add3A_255, %dma_start3A_256] : memref<20x125xi32, #tpu.memory_space<vmem>> -> memref<1x125xi32, #tpu.memory_space<vmem>>
        %dma_start3A_258 = tpu.memref_squeeze %dma_start3A_257 : memref<1x125xi32, #tpu.memory_space<vmem>> -> memref<125xi32, #tpu.memory_space<vmem>>
        %dma_start3A_259 = arith.constant 0 : i32
        %dma_start3A_260 = arith.constant 0 : i32
        %dma_start3A_261 = tpu.memref_slice %arg9[%dma_start3A_259, %dma_start3A_260] : memref<10240x128xbf16, #tpu.memory_space<vmem_shared>> -> memref<10240x128xbf16, #tpu.memory_space<vmem_shared>>
        tpu.enqueue_indirect_dma source(%arg12 : memref<125x128xbf16, #tpu.memory_space<vmem>>) target(%dma_start3A_261 : memref<10240x128xbf16, #tpu.memory_space<vmem_shared>>) offsets(%dma_start3A_258 : memref<125xi32, #tpu.memory_space<vmem>>) semaphore(%arg22 : memref<!tpu.dma_semaphore, #tpu.memory_space<semaphore_mem>>) {add = true}
        %add3A_262 = arith.constant 3 : i32
        %add3A_263 = arith.addi %mul3A_213, %add3A_262 : i32
        %dma_wait3A_264 = arith.constant 0 : i32
        %dma_wait3A_265 = tpu.memref_slice %arg6[%add3A_263, %dma_wait3A_264] : memref<20x125xi32, #tpu.memory_space<vmem>> -> memref<1x125xi32, #tpu.memory_space<vmem>>
        %dma_wait3A_266 = tpu.memref_squeeze %dma_wait3A_265 : memref<1x125xi32, #tpu.memory_space<vmem>> -> memref<125xi32, #tpu.memory_space<vmem>>
        %dma_wait3A_267 = arith.constant 0 : i32
        %dma_wait3A_268 = arith.constant 0 : i32
        %dma_wait3A_269 = tpu.memref_slice %arg2[%dma_wait3A_267, %dma_wait3A_268] : memref<10240x128xbf16, #tpu.memory_space<hbm>> -> memref<10240x128xbf16, #tpu.memory_space<hbm>>
        tpu.wait_indirect_dma semaphore(%arg18 : memref<!tpu.dma_semaphore, #tpu.memory_space<semaphore_mem>>) src(%dma_wait3A_269 : memref<10240x128xbf16, #tpu.memory_space<hbm>>) dst(%arg13 : memref<125x128xbf16, #tpu.memory_space<vmem>>)
        %add3A_270 = arith.constant 3 : i32
        %add3A_271 = arith.addi %mul3A_213, %add3A_270 : i32
        %dma_start3A_272 = arith.constant 0 : i32
        %dma_start3A_273 = tpu.memref_slice %arg7[%add3A_271, %dma_start3A_272] : memref<20x125xi32, #tpu.memory_space<vmem>> -> memref<1x125xi32, #tpu.memory_space<vmem>>
        %dma_start3A_274 = tpu.memref_squeeze %dma_start3A_273 : memref<1x125xi32, #tpu.memory_space<vmem>> -> memref<125xi32, #tpu.memory_space<vmem>>
        %dma_start3A_275 = arith.constant 0 : i32
        %dma_start3A_276 = arith.constant 0 : i32
        %dma_start3A_277 = tpu.memref_slice %arg9[%dma_start3A_275, %dma_start3A_276] : memref<10240x128xbf16, #tpu.memory_space<vmem_shared>> -> memref<10240x128xbf16, #tpu.memory_space<vmem_shared>>
        tpu.enqueue_indirect_dma source(%arg13 : memref<125x128xbf16, #tpu.memory_space<vmem>>) target(%dma_start3A_277 : memref<10240x128xbf16, #tpu.memory_space<vmem_shared>>) offsets(%dma_start3A_274 : memref<125xi32, #tpu.memory_space<vmem>>) semaphore(%arg23 : memref<!tpu.dma_semaphore, #tpu.memory_space<semaphore_mem>>) {add = true}
        %add3A_278 = arith.constant 4 : i32
        %add3A_279 = arith.addi %mul3A_213, %add3A_278 : i32
        %dma_wait3A_280 = arith.constant 0 : i32
        %dma_wait3A_281 = tpu.memref_slice %arg6[%add3A_279, %dma_wait3A_280] : memref<20x125xi32, #tpu.memory_space<vmem>> -> memref<1x125xi32, #tpu.memory_space<vmem>>
        %dma_wait3A_282 = tpu.memref_squeeze %dma_wait3A_281 : memref<1x125xi32, #tpu.memory_space<vmem>> -> memref<125xi32, #tpu.memory_space<vmem>>
        %dma_wait3A_283 = arith.constant 0 : i32
        %dma_wait3A_284 = arith.constant 0 : i32
        %dma_wait3A_285 = tpu.memref_slice %arg2[%dma_wait3A_283, %dma_wait3A_284] : memref<10240x128xbf16, #tpu.memory_space<hbm>> -> memref<10240x128xbf16, #tpu.memory_space<hbm>>
        tpu.wait_indirect_dma semaphore(%arg19 : memref<!tpu.dma_semaphore, #tpu.memory_space<semaphore_mem>>) src(%dma_wait3A_285 : memref<10240x128xbf16, #tpu.memory_space<hbm>>) dst(%arg14 : memref<125x128xbf16, #tpu.memory_space<vmem>>)
        %add3A_286 = arith.constant 4 : i32
        %add3A_287 = arith.addi %mul3A_213, %add3A_286 : i32
        %dma_start3A_288 = arith.constant 0 : i32
        %dma_start3A_289 = tpu.memref_slice %arg7[%add3A_287, %dma_start3A_288] : memref<20x125xi32, #tpu.memory_space<vmem>> -> memref<1x125xi32, #tpu.memory_space<vmem>>
        %dma_start3A_290 = tpu.memref_squeeze %dma_start3A_289 : memref<1x125xi32, #tpu.memory_space<vmem>> -> memref<125xi32, #tpu.memory_space<vmem>>
        %dma_start3A_291 = arith.constant 0 : i32
        %dma_start3A_292 = arith.constant 0 : i32
        %dma_start3A_293 = tpu.memref_slice %arg9[%dma_start3A_291, %dma_start3A_292] : memref<10240x128xbf16, #tpu.memory_space<vmem_shared>> -> memref<10240x128xbf16, #tpu.memory_space<vmem_shared>>
        tpu.enqueue_indirect_dma source(%arg14 : memref<125x128xbf16, #tpu.memory_space<vmem>>) target(%dma_start3A_293 : memref<10240x128xbf16, #tpu.memory_space<vmem_shared>>) offsets(%dma_start3A_290 : memref<125xi32, #tpu.memory_space<vmem>>) semaphore(%arg24 : memref<!tpu.dma_semaphore, #tpu.memory_space<semaphore_mem>>) {add = true}
        %add3A_294 = arith.constant 0 : i32
        %add3A_295 = arith.addi %mul3A_213, %add3A_294 : i32
        %dma_wait3A_296 = arith.constant 0 : i32
        %dma_wait3A_297 = tpu.memref_slice %arg7[%add3A_295, %dma_wait3A_296] : memref<20x125xi32, #tpu.memory_space<vmem>> -> memref<1x125xi32, #tpu.memory_space<vmem>>
        %dma_wait3A_298 = tpu.memref_squeeze %dma_wait3A_297 : memref<1x125xi32, #tpu.memory_space<vmem>> -> memref<125xi32, #tpu.memory_space<vmem>>
        %dma_wait3A_299 = arith.constant 0 : i32
        %dma_wait3A_300 = arith.constant 0 : i32
        %dma_wait3A_301 = tpu.memref_slice %arg9[%dma_wait3A_299, %dma_wait3A_300] : memref<10240x128xbf16, #tpu.memory_space<vmem_shared>> -> memref<10240x128xbf16, #tpu.memory_space<vmem_shared>>
        tpu.wait_indirect_dma semaphore(%arg20 : memref<!tpu.dma_semaphore, #tpu.memory_space<semaphore_mem>>) src(%arg10 : memref<125x128xbf16, #tpu.memory_space<vmem>>) dst(%dma_wait3A_301 : memref<10240x128xbf16, #tpu.memory_space<vmem_shared>>)
        %add3A_302 = arith.constant 5 : i32
        %add3A_303 = arith.addi %mul3A_213, %add3A_302 : i32
        %add3A_304 = arith.constant 0 : i32
        %add3A_305 = arith.addi %add3A_303, %add3A_304 : i32
        %dma_start3A_306 = arith.constant 0 : i32
        %dma_start3A_307 = tpu.memref_slice %arg6[%add3A_305, %dma_start3A_306] : memref<20x125xi32, #tpu.memory_space<vmem>> -> memref<1x125xi32, #tpu.memory_space<vmem>>
        %dma_start3A_308 = tpu.memref_squeeze %dma_start3A_307 : memref<1x125xi32, #tpu.memory_space<vmem>> -> memref<125xi32, #tpu.memory_space<vmem>>
        %dma_start3A_309 = arith.constant 0 : i32
        %dma_start3A_310 = arith.constant 0 : i32
        %dma_start3A_311 = tpu.memref_slice %arg2[%dma_start3A_309, %dma_start3A_310] : memref<10240x128xbf16, #tpu.memory_space<hbm>> -> memref<10240x128xbf16, #tpu.memory_space<hbm>>
        tpu.enqueue_indirect_dma source(%dma_start3A_311 : memref<10240x128xbf16, #tpu.memory_space<hbm>>) target(%arg10 : memref<125x128xbf16, #tpu.memory_space<vmem>>) offsets(%dma_start3A_308 : memref<125xi32, #tpu.memory_space<vmem>>) semaphore(%arg15 : memref<!tpu.dma_semaphore, #tpu.memory_space<semaphore_mem>>)
        %add3A_312 = arith.constant 1 : i32
        %add3A_313 = arith.addi %mul3A_213, %add3A_312 : i32
        %dma_wait3A_314 = arith.constant 0 : i32
        %dma_wait3A_315 = tpu.memref_slice %arg7[%add3A_313, %dma_wait3A_314] : memref<20x125xi32, #tpu.memory_space<vmem>> -> memref<1x125xi32, #tpu.memory_space<vmem>>
        %dma_wait3A_316 = tpu.memref_squeeze %dma_wait3A_315 : memref<1x125xi32, #tpu.memory_space<vmem>> -> memref<125xi32, #tpu.memory_space<vmem>>
        %dma_wait3A_317 = arith.constant 0 : i32
        %dma_wait3A_318 = arith.constant 0 : i32
        %dma_wait3A_319 = tpu.memref_slice %arg9[%dma_wait3A_317, %dma_wait3A_318] : memref<10240x128xbf16, #tpu.memory_space<vmem_shared>> -> memref<10240x128xbf16, #tpu.memory_space<vmem_shared>>
        tpu.wait_indirect_dma semaphore(%arg21 : memref<!tpu.dma_semaphore, #tpu.memory_space<semaphore_mem>>) src(%arg11 : memref<125x128xbf16, #tpu.memory_space<vmem>>) dst(%dma_wait3A_319 : memref<10240x128xbf16, #tpu.memory_space<vmem_shared>>)
        %add3A_320 = arith.constant 5 : i32
        %add3A_321 = arith.addi %mul3A_213, %add3A_320 : i32
        %add3A_322 = arith.constant 1 : i32
        %add3A_323 = arith.addi %add3A_321, %add3A_322 : i32
        %dma_start3A_324 = arith.constant 0 : i32
        %dma_start3A_325 = tpu.memref_slice %arg6[%add3A_323, %dma_start3A_324] : memref<20x125xi32, #tpu.memory_space<vmem>> -> memref<1x125xi32, #tpu.memory_space<vmem>>
        %dma_start3A_326 = tpu.memref_squeeze %dma_start3A_325 : memref<1x125xi32, #tpu.memory_space<vmem>> -> memref<125xi32, #tpu.memory_space<vmem>>
        %dma_start3A_327 = arith.constant 0 : i32
        %dma_start3A_328 = arith.constant 0 : i32
        %dma_start3A_329 = tpu.memref_slice %arg2[%dma_start3A_327, %dma_start3A_328] : memref<10240x128xbf16, #tpu.memory_space<hbm>> -> memref<10240x128xbf16, #tpu.memory_space<hbm>>
        tpu.enqueue_indirect_dma source(%dma_start3A_329 : memref<10240x128xbf16, #tpu.memory_space<hbm>>) target(%arg11 : memref<125x128xbf16, #tpu.memory_space<vmem>>) offsets(%dma_start3A_326 : memref<125xi32, #tpu.memory_space<vmem>>) semaphore(%arg16 : memref<!tpu.dma_semaphore, #tpu.memory_space<semaphore_mem>>)
        %add3A_330 = arith.constant 2 : i32
        %add3A_331 = arith.addi %mul3A_213, %add3A_330 : i32
        %dma_wait3A_332 = arith.constant 0 : i32
        %dma_wait3A_333 = tpu.memref_slice %arg7[%add3A_331, %dma_wait3A_332] : memref<20x125xi32, #tpu.memory_space<vmem>> -> memref<1x125xi32, #tpu.memory_space<vmem>>
        %dma_wait3A_334 = tpu.memref_squeeze %dma_wait3A_333 : memref<1x125xi32, #tpu.memory_space<vmem>> -> memref<125xi32, #tpu.memory_space<vmem>>
        %dma_wait3A_335 = arith.constant 0 : i32
        %dma_wait3A_336 = arith.constant 0 : i32
        %dma_wait3A_337 = tpu.memref_slice %arg9[%dma_wait3A_335, %dma_wait3A_336] : memref<10240x128xbf16, #tpu.memory_space<vmem_shared>> -> memref<10240x128xbf16, #tpu.memory_space<vmem_shared>>
        tpu.wait_indirect_dma semaphore(%arg22 : memref<!tpu.dma_semaphore, #tpu.memory_space<semaphore_mem>>) src(%arg12 : memref<125x128xbf16, #tpu.memory_space<vmem>>) dst(%dma_wait3A_337 : memref<10240x128xbf16, #tpu.memory_space<vmem_shared>>)
        %add3A_338 = arith.constant 5 : i32
        %add3A_339 = arith.addi %mul3A_213, %add3A_338 : i32
        %add3A_340 = arith.constant 2 : i32
        %add3A_341 = arith.addi %add3A_339, %add3A_340 : i32
        %dma_start3A_342 = arith.constant 0 : i32
        %dma_start3A_343 = tpu.memref_slice %arg6[%add3A_341, %dma_start3A_342] : memref<20x125xi32, #tpu.memory_space<vmem>> -> memref<1x125xi32, #tpu.memory_space<vmem>>
        %dma_start3A_344 = tpu.memref_squeeze %dma_start3A_343 : memref<1x125xi32, #tpu.memory_space<vmem>> -> memref<125xi32, #tpu.memory_space<vmem>>
        %dma_start3A_345 = arith.constant 0 : i32
        %dma_start3A_346 = arith.constant 0 : i32
        %dma_start3A_347 = tpu.memref_slice %arg2[%dma_start3A_345, %dma_start3A_346] : memref<10240x128xbf16, #tpu.memory_space<hbm>> -> memref<10240x128xbf16, #tpu.memory_space<hbm>>
        tpu.enqueue_indirect_dma source(%dma_start3A_347 : memref<10240x128xbf16, #tpu.memory_space<hbm>>) target(%arg12 : memref<125x128xbf16, #tpu.memory_space<vmem>>) offsets(%dma_start3A_344 : memref<125xi32, #tpu.memory_space<vmem>>) semaphore(%arg17 : memref<!tpu.dma_semaphore, #tpu.memory_space<semaphore_mem>>)
        %add3A_348 = arith.constant 3 : i32
        %add3A_349 = arith.addi %mul3A_213, %add3A_348 : i32
        %dma_wait3A_350 = arith.constant 0 : i32
        %dma_wait3A_351 = tpu.memref_slice %arg7[%add3A_349, %dma_wait3A_350] : memref<20x125xi32, #tpu.memory_space<vmem>> -> memref<1x125xi32, #tpu.memory_space<vmem>>
        %dma_wait3A_352 = tpu.memref_squeeze %dma_wait3A_351 : memref<1x125xi32, #tpu.memory_space<vmem>> -> memref<125xi32, #tpu.memory_space<vmem>>
        %dma_wait3A_353 = arith.constant 0 : i32
        %dma_wait3A_354 = arith.constant 0 : i32
        %dma_wait3A_355 = tpu.memref_slice %arg9[%dma_wait3A_353, %dma_wait3A_354] : memref<10240x128xbf16, #tpu.memory_space<vmem_shared>> -> memref<10240x128xbf16, #tpu.memory_space<vmem_shared>>
        tpu.wait_indirect_dma semaphore(%arg23 : memref<!tpu.dma_semaphore, #tpu.memory_space<semaphore_mem>>) src(%arg13 : memref<125x128xbf16, #tpu.memory_space<vmem>>) dst(%dma_wait3A_355 : memref<10240x128xbf16, #tpu.memory_space<vmem_shared>>)
        %add3A_356 = arith.constant 5 : i32
        %add3A_357 = arith.addi %mul3A_213, %add3A_356 : i32
        %add3A_358 = arith.constant 3 : i32
        %add3A_359 = arith.addi %add3A_357, %add3A_358 : i32
        %dma_start3A_360 = arith.constant 0 : i32
        %dma_start3A_361 = tpu.memref_slice %arg6[%add3A_359, %dma_start3A_360] : memref<20x125xi32, #tpu.memory_space<vmem>> -> memref<1x125xi32, #tpu.memory_space<vmem>>
        %dma_start3A_362 = tpu.memref_squeeze %dma_start3A_361 : memref<1x125xi32, #tpu.memory_space<vmem>> -> memref<125xi32, #tpu.memory_space<vmem>>
        %dma_start3A_363 = arith.constant 0 : i32
        %dma_start3A_364 = arith.constant 0 : i32
        %dma_start3A_365 = tpu.memref_slice %arg2[%dma_start3A_363, %dma_start3A_364] : memref<10240x128xbf16, #tpu.memory_space<hbm>> -> memref<10240x128xbf16, #tpu.memory_space<hbm>>
        tpu.enqueue_indirect_dma source(%dma_start3A_365 : memref<10240x128xbf16, #tpu.memory_space<hbm>>) target(%arg13 : memref<125x128xbf16, #tpu.memory_space<vmem>>) offsets(%dma_start3A_362 : memref<125xi32, #tpu.memory_space<vmem>>) semaphore(%arg18 : memref<!tpu.dma_semaphore, #tpu.memory_space<semaphore_mem>>)
        %add3A_366 = arith.constant 4 : i32
        %add3A_367 = arith.addi %mul3A_213, %add3A_366 : i32
        %dma_wait3A_368 = arith.constant 0 : i32
        %dma_wait3A_369 = tpu.memref_slice %arg7[%add3A_367, %dma_wait3A_368] : memref<20x125xi32, #tpu.memory_space<vmem>> -> memref<1x125xi32, #tpu.memory_space<vmem>>
        %dma_wait3A_370 = tpu.memref_squeeze %dma_wait3A_369 : memref<1x125xi32, #tpu.memory_space<vmem>> -> memref<125xi32, #tpu.memory_space<vmem>>
        %dma_wait3A_371 = arith.constant 0 : i32
        %dma_wait3A_372 = arith.constant 0 : i32
        %dma_wait3A_373 = tpu.memref_slice %arg9[%dma_wait3A_371, %dma_wait3A_372] : memref<10240x128xbf16, #tpu.memory_space<vmem_shared>> -> memref<10240x128xbf16, #tpu.memory_space<vmem_shared>>
        tpu.wait_indirect_dma semaphore(%arg24 : memref<!tpu.dma_semaphore, #tpu.memory_space<semaphore_mem>>) src(%arg14 : memref<125x128xbf16, #tpu.memory_space<vmem>>) dst(%dma_wait3A_373 : memref<10240x128xbf16, #tpu.memory_space<vmem_shared>>)
        %add3A_374 = arith.constant 5 : i32
        %add3A_375 = arith.addi %mul3A_213, %add3A_374 : i32
        %add3A_376 = arith.constant 4 : i32
        %add3A_377 = arith.addi %add3A_375, %add3A_376 : i32
        %dma_start3A_378 = arith.constant 0 : i32
        %dma_start3A_379 = tpu.memref_slice %arg6[%add3A_377, %dma_start3A_378] : memref<20x125xi32, #tpu.memory_space<vmem>> -> memref<1x125xi32, #tpu.memory_space<vmem>>
        %dma_start3A_380 = tpu.memref_squeeze %dma_start3A_379 : memref<1x125xi32, #tpu.memory_space<vmem>> -> memref<125xi32, #tpu.memory_space<vmem>>
        %dma_start3A_381 = arith.constant 0 : i32
        %dma_start3A_382 = arith.constant 0 : i32
        %dma_start3A_383 = tpu.memref_slice %arg2[%dma_start3A_381, %dma_start3A_382] : memref<10240x128xbf16, #tpu.memory_space<hbm>> -> memref<10240x128xbf16, #tpu.memory_space<hbm>>
        tpu.enqueue_indirect_dma source(%dma_start3A_383 : memref<10240x128xbf16, #tpu.memory_space<hbm>>) target(%arg14 : memref<125x128xbf16, #tpu.memory_space<vmem>>) offsets(%dma_start3A_380 : memref<125xi32, #tpu.memory_space<vmem>>) semaphore(%arg19 : memref<!tpu.dma_semaphore, #tpu.memory_space<semaphore_mem>>)
      }
      %scan3A_102 = arith.constant 3 : i32
      %dma_wait3A = arith.constant 15 : i32
      %dma_wait3A_103 = arith.constant 0 : i32
      %dma_wait3A_104 = tpu.memref_slice %arg6[%dma_wait3A, %dma_wait3A_103] : memref<20x125xi32, #tpu.memory_space<vmem>> -> memref<1x125xi32, #tpu.memory_space<vmem>>
      %dma_wait3A_105 = tpu.memref_squeeze %dma_wait3A_104 : memref<1x125xi32, #tpu.memory_space<vmem>> -> memref<125xi32, #tpu.memory_space<vmem>>
      %dma_wait3A_106 = arith.constant 0 : i32
      %dma_wait3A_107 = arith.constant 0 : i32
      %dma_wait3A_108 = tpu.memref_slice %arg2[%dma_wait3A_106, %dma_wait3A_107] : memref<10240x128xbf16, #tpu.memory_space<hbm>> -> memref<10240x128xbf16, #tpu.memory_space<hbm>>
      tpu.wait_indirect_dma semaphore(%arg15 : memref<!tpu.dma_semaphore, #tpu.memory_space<semaphore_mem>>) src(%dma_wait3A_108 : memref<10240x128xbf16, #tpu.memory_space<hbm>>) dst(%arg10 : memref<125x128xbf16, #tpu.memory_space<vmem>>)
      %dma_start3A_109 = arith.constant 15 : i32
      %dma_start3A_110 = arith.constant 0 : i32
      %dma_start3A_111 = tpu.memref_slice %arg7[%dma_start3A_109, %dma_start3A_110] : memref<20x125xi32, #tpu.memory_space<vmem>> -> memref<1x125xi32, #tpu.memory_space<vmem>>
      %dma_start3A_112 = tpu.memref_squeeze %dma_start3A_111 : memref<1x125xi32, #tpu.memory_space<vmem>> -> memref<125xi32, #tpu.memory_space<vmem>>
      %dma_start3A_113 = arith.constant 0 : i32
      %dma_start3A_114 = arith.constant 0 : i32
      %dma_start3A_115 = tpu.memref_slice %arg9[%dma_start3A_113, %dma_start3A_114] : memref<10240x128xbf16, #tpu.memory_space<vmem_shared>> -> memref<10240x128xbf16, #tpu.memory_space<vmem_shared>>
      tpu.enqueue_indirect_dma source(%arg10 : memref<125x128xbf16, #tpu.memory_space<vmem>>) target(%dma_start3A_115 : memref<10240x128xbf16, #tpu.memory_space<vmem_shared>>) offsets(%dma_start3A_112 : memref<125xi32, #tpu.memory_space<vmem>>) semaphore(%arg20 : memref<!tpu.dma_semaphore, #tpu.memory_space<semaphore_mem>>) {add = true}
      %dma_wait3A_116 = arith.constant 16 : i32
      %dma_wait3A_117 = arith.constant 0 : i32
      %dma_wait3A_118 = tpu.memref_slice %arg6[%dma_wait3A_116, %dma_wait3A_117] : memref<20x125xi32, #tpu.memory_space<vmem>> -> memref<1x125xi32, #tpu.memory_space<vmem>>
      %dma_wait3A_119 = tpu.memref_squeeze %dma_wait3A_118 : memref<1x125xi32, #tpu.memory_space<vmem>> -> memref<125xi32, #tpu.memory_space<vmem>>
      %dma_wait3A_120 = arith.constant 0 : i32
      %dma_wait3A_121 = arith.constant 0 : i32
      %dma_wait3A_122 = tpu.memref_slice %arg2[%dma_wait3A_120, %dma_wait3A_121] : memref<10240x128xbf16, #tpu.memory_space<hbm>> -> memref<10240x128xbf16, #tpu.memory_space<hbm>>
      tpu.wait_indirect_dma semaphore(%arg16 : memref<!tpu.dma_semaphore, #tpu.memory_space<semaphore_mem>>) src(%dma_wait3A_122 : memref<10240x128xbf16, #tpu.memory_space<hbm>>) dst(%arg11 : memref<125x128xbf16, #tpu.memory_space<vmem>>)
      %dma_start3A_123 = arith.constant 16 : i32
      %dma_start3A_124 = arith.constant 0 : i32
      %dma_start3A_125 = tpu.memref_slice %arg7[%dma_start3A_123, %dma_start3A_124] : memref<20x125xi32, #tpu.memory_space<vmem>> -> memref<1x125xi32, #tpu.memory_space<vmem>>
      %dma_start3A_126 = tpu.memref_squeeze %dma_start3A_125 : memref<1x125xi32, #tpu.memory_space<vmem>> -> memref<125xi32, #tpu.memory_space<vmem>>
      %dma_start3A_127 = arith.constant 0 : i32
      %dma_start3A_128 = arith.constant 0 : i32
      %dma_start3A_129 = tpu.memref_slice %arg9[%dma_start3A_127, %dma_start3A_128] : memref<10240x128xbf16, #tpu.memory_space<vmem_shared>> -> memref<10240x128xbf16, #tpu.memory_space<vmem_shared>>
      tpu.enqueue_indirect_dma source(%arg11 : memref<125x128xbf16, #tpu.memory_space<vmem>>) target(%dma_start3A_129 : memref<10240x128xbf16, #tpu.memory_space<vmem_shared>>) offsets(%dma_start3A_126 : memref<125xi32, #tpu.memory_space<vmem>>) semaphore(%arg21 : memref<!tpu.dma_semaphore, #tpu.memory_space<semaphore_mem>>) {add = true}
      %dma_wait3A_130 = arith.constant 17 : i32
      %dma_wait3A_131 = arith.constant 0 : i32
      %dma_wait3A_132 = tpu.memref_slice %arg6[%dma_wait3A_130, %dma_wait3A_131] : memref<20x125xi32, #tpu.memory_space<vmem>> -> memref<1x125xi32, #tpu.memory_space<vmem>>
      %dma_wait3A_133 = tpu.memref_squeeze %dma_wait3A_132 : memref<1x125xi32, #tpu.memory_space<vmem>> -> memref<125xi32, #tpu.memory_space<vmem>>
      %dma_wait3A_134 = arith.constant 0 : i32
      %dma_wait3A_135 = arith.constant 0 : i32
      %dma_wait3A_136 = tpu.memref_slice %arg2[%dma_wait3A_134, %dma_wait3A_135] : memref<10240x128xbf16, #tpu.memory_space<hbm>> -> memref<10240x128xbf16, #tpu.memory_space<hbm>>
      tpu.wait_indirect_dma semaphore(%arg17 : memref<!tpu.dma_semaphore, #tpu.memory_space<semaphore_mem>>) src(%dma_wait3A_136 : memref<10240x128xbf16, #tpu.memory_space<hbm>>) dst(%arg12 : memref<125x128xbf16, #tpu.memory_space<vmem>>)
      %dma_start3A_137 = arith.constant 17 : i32
      %dma_start3A_138 = arith.constant 0 : i32
      %dma_start3A_139 = tpu.memref_slice %arg7[%dma_start3A_137, %dma_start3A_138] : memref<20x125xi32, #tpu.memory_space<vmem>> -> memref<1x125xi32, #tpu.memory_space<vmem>>
      %dma_start3A_140 = tpu.memref_squeeze %dma_start3A_139 : memref<1x125xi32, #tpu.memory_space<vmem>> -> memref<125xi32, #tpu.memory_space<vmem>>
      %dma_start3A_141 = arith.constant 0 : i32
      %dma_start3A_142 = arith.constant 0 : i32
      %dma_start3A_143 = tpu.memref_slice %arg9[%dma_start3A_141, %dma_start3A_142] : memref<10240x128xbf16, #tpu.memory_space<vmem_shared>> -> memref<10240x128xbf16, #tpu.memory_space<vmem_shared>>
      tpu.enqueue_indirect_dma source(%arg12 : memref<125x128xbf16, #tpu.memory_space<vmem>>) target(%dma_start3A_143 : memref<10240x128xbf16, #tpu.memory_space<vmem_shared>>) offsets(%dma_start3A_140 : memref<125xi32, #tpu.memory_space<vmem>>) semaphore(%arg22 : memref<!tpu.dma_semaphore, #tpu.memory_space<semaphore_mem>>) {add = true}
      %dma_wait3A_144 = arith.constant 18 : i32
      %dma_wait3A_145 = arith.constant 0 : i32
      %dma_wait3A_146 = tpu.memref_slice %arg6[%dma_wait3A_144, %dma_wait3A_145] : memref<20x125xi32, #tpu.memory_space<vmem>> -> memref<1x125xi32, #tpu.memory_space<vmem>>
      %dma_wait3A_147 = tpu.memref_squeeze %dma_wait3A_146 : memref<1x125xi32, #tpu.memory_space<vmem>> -> memref<125xi32, #tpu.memory_space<vmem>>
      %dma_wait3A_148 = arith.constant 0 : i32
      %dma_wait3A_149 = arith.constant 0 : i32
      %dma_wait3A_150 = tpu.memref_slice %arg2[%dma_wait3A_148, %dma_wait3A_149] : memref<10240x128xbf16, #tpu.memory_space<hbm>> -> memref<10240x128xbf16, #tpu.memory_space<hbm>>
      tpu.wait_indirect_dma semaphore(%arg18 : memref<!tpu.dma_semaphore, #tpu.memory_space<semaphore_mem>>) src(%dma_wait3A_150 : memref<10240x128xbf16, #tpu.memory_space<hbm>>) dst(%arg13 : memref<125x128xbf16, #tpu.memory_space<vmem>>)
      %dma_start3A_151 = arith.constant 18 : i32
      %dma_start3A_152 = arith.constant 0 : i32
      %dma_start3A_153 = tpu.memref_slice %arg7[%dma_start3A_151, %dma_start3A_152] : memref<20x125xi32, #tpu.memory_space<vmem>> -> memref<1x125xi32, #tpu.memory_space<vmem>>
      %dma_start3A_154 = tpu.memref_squeeze %dma_start3A_153 : memref<1x125xi32, #tpu.memory_space<vmem>> -> memref<125xi32, #tpu.memory_space<vmem>>
      %dma_start3A_155 = arith.constant 0 : i32
      %dma_start3A_156 = arith.constant 0 : i32
      %dma_start3A_157 = tpu.memref_slice %arg9[%dma_start3A_155, %dma_start3A_156] : memref<10240x128xbf16, #tpu.memory_space<vmem_shared>> -> memref<10240x128xbf16, #tpu.memory_space<vmem_shared>>
      tpu.enqueue_indirect_dma source(%arg13 : memref<125x128xbf16, #tpu.memory_space<vmem>>) target(%dma_start3A_157 : memref<10240x128xbf16, #tpu.memory_space<vmem_shared>>) offsets(%dma_start3A_154 : memref<125xi32, #tpu.memory_space<vmem>>) semaphore(%arg23 : memref<!tpu.dma_semaphore, #tpu.memory_space<semaphore_mem>>) {add = true}
      %dma_wait3A_158 = arith.constant 19 : i32
      %dma_wait3A_159 = arith.constant 0 : i32
      %dma_wait3A_160 = tpu.memref_slice %arg6[%dma_wait3A_158, %dma_wait3A_159] : memref<20x125xi32, #tpu.memory_space<vmem>> -> memref<1x125xi32, #tpu.memory_space<vmem>>
      %dma_wait3A_161 = tpu.memref_squeeze %dma_wait3A_160 : memref<1x125xi32, #tpu.memory_space<vmem>> -> memref<125xi32, #tpu.memory_space<vmem>>
      %dma_wait3A_162 = arith.constant 0 : i32
      %dma_wait3A_163 = arith.constant 0 : i32
      %dma_wait3A_164 = tpu.memref_slice %arg2[%dma_wait3A_162, %dma_wait3A_163] : memref<10240x128xbf16, #tpu.memory_space<hbm>> -> memref<10240x128xbf16, #tpu.memory_space<hbm>>
      tpu.wait_indirect_dma semaphore(%arg19 : memref<!tpu.dma_semaphore, #tpu.memory_space<semaphore_mem>>) src(%dma_wait3A_164 : memref<10240x128xbf16, #tpu.memory_space<hbm>>) dst(%arg14 : memref<125x128xbf16, #tpu.memory_space<vmem>>)
      %dma_start3A_165 = arith.constant 19 : i32
      %dma_start3A_166 = arith.constant 0 : i32
      %dma_start3A_167 = tpu.memref_slice %arg7[%dma_start3A_165, %dma_start3A_166] : memref<20x125xi32, #tpu.memory_space<vmem>> -> memref<1x125xi32, #tpu.memory_space<vmem>>
      %dma_start3A_168 = tpu.memref_squeeze %dma_start3A_167 : memref<1x125xi32, #tpu.memory_space<vmem>> -> memref<125xi32, #tpu.memory_space<vmem>>
      %dma_start3A_169 = arith.constant 0 : i32
      %dma_start3A_170 = arith.constant 0 : i32
      %dma_start3A_171 = tpu.memref_slice %arg9[%dma_start3A_169, %dma_start3A_170] : memref<10240x128xbf16, #tpu.memory_space<vmem_shared>> -> memref<10240x128xbf16, #tpu.memory_space<vmem_shared>>
      tpu.enqueue_indirect_dma source(%arg14 : memref<125x128xbf16, #tpu.memory_space<vmem>>) target(%dma_start3A_171 : memref<10240x128xbf16, #tpu.memory_space<vmem_shared>>) offsets(%dma_start3A_168 : memref<125xi32, #tpu.memory_space<vmem>>) semaphore(%arg24 : memref<!tpu.dma_semaphore, #tpu.memory_space<semaphore_mem>>) {add = true}
      %dma_wait3A_172 = arith.constant 15 : i32
      %dma_wait3A_173 = arith.constant 0 : i32
      %dma_wait3A_174 = tpu.memref_slice %arg7[%dma_wait3A_172, %dma_wait3A_173] : memref<20x125xi32, #tpu.memory_space<vmem>> -> memref<1x125xi32, #tpu.memory_space<vmem>>
      %dma_wait3A_175 = tpu.memref_squeeze %dma_wait3A_174 : memref<1x125xi32, #tpu.memory_space<vmem>> -> memref<125xi32, #tpu.memory_space<vmem>>
      %dma_wait3A_176 = arith.constant 0 : i32
      %dma_wait3A_177 = arith.constant 0 : i32
      %dma_wait3A_178 = tpu.memref_slice %arg9[%dma_wait3A_176, %dma_wait3A_177] : memref<10240x128xbf16, #tpu.memory_space<vmem_shared>> -> memref<10240x128xbf16, #tpu.memory_space<vmem_shared>>
      tpu.wait_indirect_dma semaphore(%arg20 : memref<!tpu.dma_semaphore, #tpu.memory_space<semaphore_mem>>) src(%arg10 : memref<125x128xbf16, #tpu.memory_space<vmem>>) dst(%dma_wait3A_178 : memref<10240x128xbf16, #tpu.memory_space<vmem_shared>>)
      %dma_wait3A_179 = arith.constant 16 : i32
      %dma_wait3A_180 = arith.constant 0 : i32
      %dma_wait3A_181 = tpu.memref_slice %arg7[%dma_wait3A_179, %dma_wait3A_180] : memref<20x125xi32, #tpu.memory_space<vmem>> -> memref<1x125xi32, #tpu.memory_space<vmem>>
      %dma_wait3A_182 = tpu.memref_squeeze %dma_wait3A_181 : memref<1x125xi32, #tpu.memory_space<vmem>> -> memref<125xi32, #tpu.memory_space<vmem>>
      %dma_wait3A_183 = arith.constant 0 : i32
      %dma_wait3A_184 = arith.constant 0 : i32
      %dma_wait3A_185 = tpu.memref_slice %arg9[%dma_wait3A_183, %dma_wait3A_184] : memref<10240x128xbf16, #tpu.memory_space<vmem_shared>> -> memref<10240x128xbf16, #tpu.memory_space<vmem_shared>>
      tpu.wait_indirect_dma semaphore(%arg21 : memref<!tpu.dma_semaphore, #tpu.memory_space<semaphore_mem>>) src(%arg11 : memref<125x128xbf16, #tpu.memory_space<vmem>>) dst(%dma_wait3A_185 : memref<10240x128xbf16, #tpu.memory_space<vmem_shared>>)
      %dma_wait3A_186 = arith.constant 17 : i32
      %dma_wait3A_187 = arith.constant 0 : i32
      %dma_wait3A_188 = tpu.memref_slice %arg7[%dma_wait3A_186, %dma_wait3A_187] : memref<20x125xi32, #tpu.memory_space<vmem>> -> memref<1x125xi32, #tpu.memory_space<vmem>>
      %dma_wait3A_189 = tpu.memref_squeeze %dma_wait3A_188 : memref<1x125xi32, #tpu.memory_space<vmem>> -> memref<125xi32, #tpu.memory_space<vmem>>
      %dma_wait3A_190 = arith.constant 0 : i32
      %dma_wait3A_191 = arith.constant 0 : i32
      %dma_wait3A_192 = tpu.memref_slice %arg9[%dma_wait3A_190, %dma_wait3A_191] : memref<10240x128xbf16, #tpu.memory_space<vmem_shared>> -> memref<10240x128xbf16, #tpu.memory_space<vmem_shared>>
      tpu.wait_indirect_dma semaphore(%arg22 : memref<!tpu.dma_semaphore, #tpu.memory_space<semaphore_mem>>) src(%arg12 : memref<125x128xbf16, #tpu.memory_space<vmem>>) dst(%dma_wait3A_192 : memref<10240x128xbf16, #tpu.memory_space<vmem_shared>>)
      %dma_wait3A_193 = arith.constant 18 : i32
      %dma_wait3A_194 = arith.constant 0 : i32
      %dma_wait3A_195 = tpu.memref_slice %arg7[%dma_wait3A_193, %dma_wait3A_194] : memref<20x125xi32, #tpu.memory_space<vmem>> -> memref<1x125xi32, #tpu.memory_space<vmem>>
      %dma_wait3A_196 = tpu.memref_squeeze %dma_wait3A_195 : memref<1x125xi32, #tpu.memory_space<vmem>> -> memref<125xi32, #tpu.memory_space<vmem>>
      %dma_wait3A_197 = arith.constant 0 : i32
      %dma_wait3A_198 = arith.constant 0 : i32
      %dma_wait3A_199 = tpu.memref_slice %arg9[%dma_wait3A_197, %dma_wait3A_198] : memref<10240x128xbf16, #tpu.memory_space<vmem_shared>> -> memref<10240x128xbf16, #tpu.memory_space<vmem_shared>>
      tpu.wait_indirect_dma semaphore(%arg23 : memref<!tpu.dma_semaphore, #tpu.memory_space<semaphore_mem>>) src(%arg13 : memref<125x128xbf16, #tpu.memory_space<vmem>>) dst(%dma_wait3A_199 : memref<10240x128xbf16, #tpu.memory_space<vmem_shared>>)
      %dma_wait3A_200 = arith.constant 19 : i32
      %dma_wait3A_201 = arith.constant 0 : i32
      %dma_wait3A_202 = tpu.memref_slice %arg7[%dma_wait3A_200, %dma_wait3A_201] : memref<20x125xi32, #tpu.memory_space<vmem>> -> memref<1x125xi32, #tpu.memory_space<vmem>>
      %dma_wait3A_203 = tpu.memref_squeeze %dma_wait3A_202 : memref<1x125xi32, #tpu.memory_space<vmem>> -> memref<125xi32, #tpu.memory_space<vmem>>
      %dma_wait3A_204 = arith.constant 0 : i32
      %dma_wait3A_205 = arith.constant 0 : i32
      %dma_wait3A_206 = tpu.memref_slice %arg9[%dma_wait3A_204, %dma_wait3A_205] : memref<10240x128xbf16, #tpu.memory_space<vmem_shared>> -> memref<10240x128xbf16, #tpu.memory_space<vmem_shared>>
      tpu.wait_indirect_dma semaphore(%arg24 : memref<!tpu.dma_semaphore, #tpu.memory_space<semaphore_mem>>) src(%arg14 : memref<125x128xbf16, #tpu.memory_space<vmem>>) dst(%dma_wait3A_206 : memref<10240x128xbf16, #tpu.memory_space<vmem_shared>>)
    }
    %scan3A_49 = arith.constant 4 : i32
    %barrier3A_50 = arith.constant 0 : index
    tpu.barrier barrier_id(%barrier3A_50)
    %mul3A_51 = arith.constant 640 : i32
    %mul3A_52 = arith.muli %arg1, %mul3A_51 : i32
    %mul3A_53 = arith.constant 640 : i32
    %mul3A_54 = arith.muli %arg1, %mul3A_53 : i32
    "tpu.region"() ({
      %run_scoped3A = tpu.sem_alloc : memref<!tpu.dma_semaphore, #tpu.memory_space<semaphore_mem>>
      %dma_start3A = arith.constant 0 : i32
      %dma_start3A_55 = tpu.memref_slice %arg5[%arg0, %mul3A_54, %dma_start3A] : memref<2x10240x128xbf16, #tpu.memory_space<hbm>> -> memref<1x640x128xbf16, #tpu.memory_space<hbm>>
      %dma_start3A_56 = tpu.memref_squeeze %dma_start3A_55 : memref<1x640x128xbf16, #tpu.memory_space<hbm>> -> memref<640x128xbf16, #tpu.memory_space<hbm>>
      %dma_start3A_57 = arith.constant 0 : i32
      %dma_start3A_58 = tpu.memref_slice %arg9[%mul3A_52, %dma_start3A_57] : memref<10240x128xbf16, #tpu.memory_space<vmem_shared>> -> memref<640x128xbf16, #tpu.memory_space<vmem_shared>>
      tpu.enqueue_dma source(%dma_start3A_58 : memref<640x128xbf16, #tpu.memory_space<vmem_shared>>) target(%dma_start3A_56 : memref<640x128xbf16, #tpu.memory_space<hbm>>) target_semaphore(%run_scoped3A : memref<!tpu.dma_semaphore, #tpu.memory_space<semaphore_mem>>)
      %dma_wait3A = arith.constant 0 : i32
      %dma_wait3A_59 = tpu.memref_slice %arg5[%arg0, %mul3A_54, %dma_wait3A] : memref<2x10240x128xbf16, #tpu.memory_space<hbm>> -> memref<1x640x128xbf16, #tpu.memory_space<hbm>>
      %dma_wait3A_60 = tpu.memref_squeeze %dma_wait3A_59 : memref<1x640x128xbf16, #tpu.memory_space<hbm>> -> memref<640x128xbf16, #tpu.memory_space<hbm>>
      %dma_wait3A_61 = arith.constant 0 : i32
      %dma_wait3A_62 = tpu.memref_slice %arg9[%mul3A_52, %dma_wait3A_61] : memref<10240x128xbf16, #tpu.memory_space<vmem_shared>> -> memref<640x128xbf16, #tpu.memory_space<vmem_shared>>
      tpu.wait_dma2 semaphore(%run_scoped3A : memref<!tpu.dma_semaphore, #tpu.memory_space<semaphore_mem>>) src(%dma_wait3A_62 : memref<640x128xbf16, #tpu.memory_space<vmem_shared>>) dst(%dma_wait3A_60 : memref<640x128xbf16, #tpu.memory_space<hbm>>)
      tpu.yield
    }) : () -> ()
    return
  }
}

module attributes {stable_mosaic.version = 14 : i64} {
  func.func @_k2_tc_body(%arg0: i32, %arg1: memref<32x1280xf32, #tpu.memory_space<vmem>>, %arg2: memref<1280x128xf32, #tpu.memory_space<vmem>>, %arg3: memref<1280x1xf32, #tpu.memory_space<vmem>>, %arg4: memref<1280x128xbf16, #tpu.memory_space<vmem>>) attributes {dimension_semantics = [#tpu.dimension_semantics<arbitrary>], iteration_bounds = array<i64: 8>, scalar_prefetch = 0 : i64, scratch_operands = 0 : i64, tpu.core_type = #tpu.core_type<tc>, window_params = [{transform_indices = @transform_0, window_bounds = array<i64: 32, 1280>}, {transform_indices = @transform_1, window_bounds = array<i64: 1280, 128>}, {transform_indices = @transform_2, window_bounds = array<i64: 1280, 1>}, {transform_indices = @transform_3, window_bounds = array<i64: 1280, 128>}]} {
    %get3A = arith.constant 0 : index
    %get3A_0 = arith.constant 0 : index
    %get3A_1 = vector.load %arg1[%get3A, %get3A_0] : memref<32x1280xf32, #tpu.memory_space<vmem>>, vector<32x1280xf32>
    %reduce_sum3A = arith.constant dense<0.000000e+00> : vector<1280xf32>
    %reduce_sum3A_2 = vector.multi_reduction <add>, %get3A_1, %reduce_sum3A [0] : vector<32x1280xf32> to vector<1280xf32>
    %max3A = arith.constant 1.000000e+00 : f32
    %max3A_3 = vector.broadcast %max3A : f32 to vector<1280xf32>
    %max3A_4 = arith.maximumf %reduce_sum3A_2, %max3A_3 : vector<1280xf32>
    %rsqrt3A = math.rsqrt %max3A_4 : vector<1280xf32>
    %gt3A = arith.constant 0.000000e+00 : f32
    %gt3A_5 = vector.broadcast %gt3A : f32 to vector<1280xf32>
    %gt3A_6 = arith.cmpf ogt, %reduce_sum3A_2, %gt3A_5 : vector<1280xf32>
    %jit3A = arith.constant 0.000000e+00 : f32
    %broadcast_in_dim3A = vector.broadcast %jit3A : f32 to vector<1280xf32>
    %select_n3A = arith.select %gt3A_6, %rsqrt3A, %broadcast_in_dim3A : vector<1280xi1>, vector<1280xf32>
    %broadcast_in_dim3A_7 = vector.shape_cast %select_n3A : vector<1280xf32> to vector<1280x1xf32>
    %swap3A = arith.constant 0 : index
    %swap3A_8 = arith.constant 0 : index
    %swap3A_9 = vector.load %arg3[%swap3A, %swap3A_8] : memref<1280x1xf32, #tpu.memory_space<vmem>>, vector<1280x1xf32>
    tpu.vector_store %arg3[%swap3A, %swap3A_8], %broadcast_in_dim3A_7 {strides = array<i32>} : memref<1280x1xf32, #tpu.memory_space<vmem>>, vector<1280x1xf32>,
    %get3A_10 = arith.constant 0 : index
    %get3A_11 = arith.constant 0 : index
    %get3A_12 = vector.load %arg2[%get3A_10, %get3A_11] : memref<1280x128xf32, #tpu.memory_space<vmem>>, vector<1280x128xf32>
    %broadcast_in_dim3A_13 = vector.shape_cast %select_n3A : vector<1280xf32> to vector<1280x1xf32>
    %mul3A = vector.broadcast %broadcast_in_dim3A_13 : vector<1280x1xf32> to vector<1280x128xf32>
    %mul3A_14 = arith.mulf %get3A_12, %mul3A : vector<1280x128xf32>
    %convert_element_type3A = arith.truncf %mul3A_14 : vector<1280x128xf32> to vector<1280x128xbf16>
    %swap3A_15 = arith.constant 0 : index
    %swap3A_16 = arith.constant 0 : index
    %swap3A_17 = vector.load %arg4[%swap3A_15, %swap3A_16] : memref<1280x128xbf16, #tpu.memory_space<vmem>>, vector<1280x128xbf16>
    tpu.vector_store %arg4[%swap3A_15, %swap3A_16], %convert_element_type3A {strides = array<i32>} : memref<1280x128xbf16, #tpu.memory_space<vmem>>, vector<1280x128xbf16>,
    return
  }
  func.func @transform_0(%arg0: i32) -> (i32, i32) {
    %c0_i32 = arith.constant 0 : i32
    %c0_i32_0 = arith.constant 0 : i32
    return %c0_i32, %arg0 : i32, i32
  }
  func.func @transform_1(%arg0: i32) -> (i32, i32) {
    %c0_i32 = arith.constant 0 : i32
    %c0_i32_0 = arith.constant 0 : i32
    return %arg0, %c0_i32 : i32, i32
  }
  func.func @transform_2(%arg0: i32) -> (i32, i32) {
    %c0_i32 = arith.constant 0 : i32
    %c0_i32_0 = arith.constant 0 : i32
    return %arg0, %c0_i32 : i32, i32
  }
  func.func @transform_3(%arg0: i32) -> (i32, i32) {
    %c0_i32 = arith.constant 0 : i32
    %c0_i32_0 = arith.constant 0 : i32
    return %arg0, %c0_i32 : i32, i32
  }
}

module attributes {stable_mosaic.version = 14 : i64} {
  func.func @_k4_tc_body(%arg0: i32, %arg1: memref<2x1280x128xbf16, #tpu.memory_space<vmem>>, %arg2: memref<1280x1xf32, #tpu.memory_space<vmem>>, %arg3: memref<1280x128xbf16, #tpu.memory_space<vmem>>) attributes {dimension_semantics = [#tpu.dimension_semantics<arbitrary>], iteration_bounds = array<i64: 8>, scalar_prefetch = 0 : i64, scratch_operands = 0 : i64, tpu.core_type = #tpu.core_type<tc>, window_params = [{transform_indices = @transform_0, window_bounds = array<i64: 2, 1280, 128>}, {transform_indices = @transform_1, window_bounds = array<i64: 1280, 1>}, {transform_indices = @transform_2, window_bounds = array<i64: 1280, 128>}]} {
    %get3A = arith.constant 0 : index
    %get3A_0 = arith.constant 0 : index
    %get3A_1 = vector.load %arg2[%get3A, %get3A_0] : memref<1280x1xf32, #tpu.memory_space<vmem>>, vector<1280x1xf32>
    %get3A_2 = arith.constant 0 : index
    %get3A_3 = arith.constant 0 : index
    %get3A_4 = vector.load %arg2[%get3A_2, %get3A_3] : memref<1280x1xf32, #tpu.memory_space<vmem>>, vector<1280x1xf32>
    %mul3A = arith.mulf %get3A_1, %get3A_4 : vector<1280x1xf32>
    %get3A_5 = arith.constant 0 : index
    %get3A_6 = arith.constant 0 : index
    %get3A_7 = arith.constant 0 : index
    %get3A_8 = vector.load %arg1[%get3A_5, %get3A_6, %get3A_7] : memref<2x1280x128xbf16, #tpu.memory_space<vmem>>, vector<1x1280x128xbf16>
    %get3A_9 = vector.shape_cast %get3A_8 : vector<1x1280x128xbf16> to vector<1280x128xbf16>
    %convert_element_type3A = arith.extf %get3A_9 : vector<1280x128xbf16> to vector<1280x128xf32>
    %get3A_10 = arith.constant 1 : index
    %get3A_11 = arith.constant 0 : index
    %get3A_12 = arith.constant 0 : index
    %get3A_13 = vector.load %arg1[%get3A_10, %get3A_11, %get3A_12] : memref<2x1280x128xbf16, #tpu.memory_space<vmem>>, vector<1x1280x128xbf16>
    %get3A_14 = vector.shape_cast %get3A_13 : vector<1x1280x128xbf16> to vector<1280x128xbf16>
    %convert_element_type3A_15 = arith.extf %get3A_14 : vector<1280x128xbf16> to vector<1280x128xf32>
    %add3A = arith.addf %convert_element_type3A, %convert_element_type3A_15 : vector<1280x128xf32>
    %mul3A_16 = vector.broadcast %mul3A : vector<1280x1xf32> to vector<1280x128xf32>
    %mul3A_17 = arith.mulf %add3A, %mul3A_16 : vector<1280x128xf32>
    %convert_element_type3A_18 = arith.truncf %mul3A_17 : vector<1280x128xf32> to vector<1280x128xbf16>
    %swap3A = arith.constant 0 : index
    %swap3A_19 = arith.constant 0 : index
    %swap3A_20 = vector.load %arg3[%swap3A, %swap3A_19] : memref<1280x128xbf16, #tpu.memory_space<vmem>>, vector<1280x128xbf16>
    tpu.vector_store %arg3[%swap3A, %swap3A_19], %convert_element_type3A_18 {strides = array<i32>} : memref<1280x128xbf16, #tpu.memory_space<vmem>>, vector<1280x128xbf16>,
    return
  }
  func.func @transform_0(%arg0: i32) -> (i32, i32, i32) {
    %c0_i32 = arith.constant 0 : i32
    %c0_i32_0 = arith.constant 0 : i32
    %c0_i32_1 = arith.constant 0 : i32
    return %c0_i32, %arg0, %c0_i32_0 : i32, i32, i32
  }
  func.func @transform_1(%arg0: i32) -> (i32, i32) {
    %c0_i32 = arith.constant 0 : i32
    %c0_i32_0 = arith.constant 0 : i32
    return %arg0, %c0_i32 : i32, i32
  }
  func.func @transform_2(%arg0: i32) -> (i32, i32) {
    %c0_i32 = arith.constant 0 : i32
    %c0_i32_0 = arith.constant 0 : i32
    return %arg0, %c0_i32 : i32, i32
  }
}

module attributes {stable_mosaic.version = 14 : i64} {
  func.func @_k5a_tc_body(%arg0: i32, %arg1: memref<1280x128xf32, #tpu.memory_space<vmem>>, %arg2: memref<2x1280x128xbf16, #tpu.memory_space<vmem>>, %arg3: memref<2x1280x128xbf16, #tpu.memory_space<vmem>>, %arg4: memref<2x1280x128xbf16, #tpu.memory_space<vmem>>, %arg5: memref<1280x1xf32, #tpu.memory_space<vmem>>, %arg6: memref<1280x128xf32, #tpu.memory_space<vmem>>, %arg7: memref<2x128xf32, #tpu.memory_space<vmem>>, %arg8: memref<2x128xf32, #tpu.memory_space<vmem>>) attributes {dimension_semantics = [#tpu.dimension_semantics<arbitrary>], iteration_bounds = array<i64: 8>, scalar_prefetch = 0 : i64, scratch_operands = 1 : i64, tpu.core_type = #tpu.core_type<tc>, window_params = [{transform_indices = @transform_0, window_bounds = array<i64: 1280, 128>}, {transform_indices = @transform_1, window_bounds = array<i64: 2, 1280, 128>}, {transform_indices = @transform_2, window_bounds = array<i64: 2, 1280, 128>}, {transform_indices = @transform_3, window_bounds = array<i64: 2, 1280, 128>}, {transform_indices = @transform_4, window_bounds = array<i64: 1280, 1>}, {transform_indices = @transform_5, window_bounds = array<i64: 1280, 128>}, {pipeline_mode = #tpu.pipeline_mode<synchronous>, transform_indices = @transform_6, window_bounds = array<i64: 2, 128>}]} {
    %get3A = arith.constant 0 : index
    %get3A_0 = arith.constant 0 : index
    %get3A_1 = arith.constant 0 : index
    %get3A_2 = vector.load %arg2[%get3A, %get3A_0, %get3A_1] : memref<2x1280x128xbf16, #tpu.memory_space<vmem>>, vector<1x1280x128xbf16>
    %get3A_3 = vector.shape_cast %get3A_2 : vector<1x1280x128xbf16> to vector<1280x128xbf16>
    %convert_element_type3A = arith.extf %get3A_3 : vector<1280x128xbf16> to vector<1280x128xf32>
    %get3A_4 = arith.constant 1 : index
    %get3A_5 = arith.constant 0 : index
    %get3A_6 = arith.constant 0 : index
    %get3A_7 = vector.load %arg2[%get3A_4, %get3A_5, %get3A_6] : memref<2x1280x128xbf16, #tpu.memory_space<vmem>>, vector<1x1280x128xbf16>
    %get3A_8 = vector.shape_cast %get3A_7 : vector<1x1280x128xbf16> to vector<1280x128xbf16>
    %convert_element_type3A_9 = arith.extf %get3A_8 : vector<1280x128xbf16> to vector<1280x128xf32>
    %add3A = arith.addf %convert_element_type3A, %convert_element_type3A_9 : vector<1280x128xf32>
    %get3A_10 = arith.constant 0 : index
    %get3A_11 = arith.constant 0 : index
    %get3A_12 = arith.constant 0 : index
    %get3A_13 = vector.load %arg3[%get3A_10, %get3A_11, %get3A_12] : memref<2x1280x128xbf16, #tpu.memory_space<vmem>>, vector<1x1280x128xbf16>
    %get3A_14 = vector.shape_cast %get3A_13 : vector<1x1280x128xbf16> to vector<1280x128xbf16>
    %convert_element_type3A_15 = arith.extf %get3A_14 : vector<1280x128xbf16> to vector<1280x128xf32>
    %add3A_16 = arith.addf %add3A, %convert_element_type3A_15 : vector<1280x128xf32>
    %get3A_17 = arith.constant 1 : index
    %get3A_18 = arith.constant 0 : index
    %get3A_19 = arith.constant 0 : index
    %get3A_20 = vector.load %arg3[%get3A_17, %get3A_18, %get3A_19] : memref<2x1280x128xbf16, #tpu.memory_space<vmem>>, vector<1x1280x128xbf16>
    %get3A_21 = vector.shape_cast %get3A_20 : vector<1x1280x128xbf16> to vector<1280x128xbf16>
    %convert_element_type3A_22 = arith.extf %get3A_21 : vector<1280x128xbf16> to vector<1280x128xf32>
    %add3A_23 = arith.addf %add3A_16, %convert_element_type3A_22 : vector<1280x128xf32>
    %get3A_24 = arith.constant 0 : index
    %get3A_25 = arith.constant 0 : index
    %get3A_26 = arith.constant 0 : index
    %get3A_27 = vector.load %arg4[%get3A_24, %get3A_25, %get3A_26] : memref<2x1280x128xbf16, #tpu.memory_space<vmem>>, vector<1x1280x128xbf16>
    %get3A_28 = vector.shape_cast %get3A_27 : vector<1x1280x128xbf16> to vector<1280x128xbf16>
    %convert_element_type3A_29 = arith.extf %get3A_28 : vector<1280x128xbf16> to vector<1280x128xf32>
    %add3A_30 = arith.addf %add3A_23, %convert_element_type3A_29 : vector<1280x128xf32>
    %get3A_31 = arith.constant 1 : index
    %get3A_32 = arith.constant 0 : index
    %get3A_33 = arith.constant 0 : index
    %get3A_34 = vector.load %arg4[%get3A_31, %get3A_32, %get3A_33] : memref<2x1280x128xbf16, #tpu.memory_space<vmem>>, vector<1x1280x128xbf16>
    %get3A_35 = vector.shape_cast %get3A_34 : vector<1x1280x128xbf16> to vector<1280x128xbf16>
    %convert_element_type3A_36 = arith.extf %get3A_35 : vector<1280x128xbf16> to vector<1280x128xf32>
    %add3A_37 = arith.addf %add3A_30, %convert_element_type3A_36 : vector<1280x128xf32>
    %get3A_38 = arith.constant 0 : index
    %get3A_39 = arith.constant 0 : index
    %get3A_40 = vector.load %arg1[%get3A_38, %get3A_39] : memref<1280x128xf32, #tpu.memory_space<vmem>>, vector<1280x128xf32>
    %get3A_41 = arith.constant 0 : index
    %get3A_42 = arith.constant 0 : index
    %get3A_43 = vector.load %arg5[%get3A_41, %get3A_42] : memref<1280x1xf32, #tpu.memory_space<vmem>>, vector<1280x1xf32>
    %mul3A = vector.broadcast %get3A_43 : vector<1280x1xf32> to vector<1280x128xf32>
    %mul3A_44 = arith.mulf %mul3A, %add3A_37 : vector<1280x128xf32>
    %add3A_45 = arith.addf %get3A_40, %mul3A_44 : vector<1280x128xf32>
    %mul3A_46 = arith.constant 2.500000e-01 : f32
    %mul3A_47 = vector.broadcast %mul3A_46 : f32 to vector<1280x128xf32>
    %mul3A_48 = arith.mulf %mul3A_47, %add3A_45 : vector<1280x128xf32>
    %swap3A = arith.constant 0 : index
    %swap3A_49 = arith.constant 0 : index
    %swap3A_50 = vector.load %arg6[%swap3A, %swap3A_49] : memref<1280x128xf32, #tpu.memory_space<vmem>>, vector<1280x128xf32>
    tpu.vector_store %arg6[%swap3A, %swap3A_49], %mul3A_48 {strides = array<i32>} : memref<1280x128xf32, #tpu.memory_space<vmem>>, vector<1280x128xf32>,
    %eq3A = arith.constant 0 : i32
    %eq3A_51 = arith.cmpi eq, %arg0, %eq3A : i32
    %convert_element_type3A_52 = arith.extui %eq3A_51 : i1 to i32
    %cond3A = arith.constant 0 : i32
    %cond3A_53 = arith.cmpi ne, %convert_element_type3A_52, %cond3A : i32
    scf.if %cond3A_53 {
      %broadcast_in_dim3A = arith.constant 0.000000e+00 : f32
      %broadcast_in_dim3A_83 = vector.broadcast %broadcast_in_dim3A : f32 to vector<2x128xf32>
      %swap3A_84 = arith.constant 0 : index
      %swap3A_85 = arith.constant 0 : index
      %swap3A_86 = vector.load %arg8[%swap3A_84, %swap3A_85] : memref<2x128xf32, #tpu.memory_space<vmem>>, vector<2x128xf32>
      tpu.vector_store %arg8[%swap3A_84, %swap3A_85], %broadcast_in_dim3A_83 {strides = array<i32>} : memref<2x128xf32, #tpu.memory_space<vmem>>, vector<2x128xf32>,
    } else {
    }
    %get3A_54 = arith.constant 0 : index
    %get3A_55 = arith.constant 0 : index
    %get3A_56 = vector.load %arg8[%get3A_54, %get3A_55] : memref<2x128xf32, #tpu.memory_space<vmem>>, vector<1x128xf32>
    %get3A_57 = vector.shape_cast %get3A_56 : vector<1x128xf32> to vector<128xf32>
    %reduce_sum3A = arith.constant dense<0.000000e+00> : vector<128xf32>
    %reduce_sum3A_58 = vector.multi_reduction <add>, %mul3A_48, %reduce_sum3A [0] : vector<1280x128xf32> to vector<128xf32>
    %add3A_59 = arith.addf %get3A_57, %reduce_sum3A_58 : vector<128xf32>
    %swap3A_60 = arith.constant 0 : index
    %swap3A_61 = arith.constant 0 : index
    %swap3A_62 = vector.load %arg8[%swap3A_60, %swap3A_61] : memref<2x128xf32, #tpu.memory_space<vmem>>, vector<1x128xf32>
    %swap3A_63 = vector.shape_cast %swap3A_62 : vector<1x128xf32> to vector<128xf32>
    %swap3A_64 = vector.shape_cast %add3A_59 : vector<128xf32> to vector<1x128xf32>
    tpu.vector_store %arg8[%swap3A_60, %swap3A_61], %swap3A_64 {strides = array<i32>} : memref<2x128xf32, #tpu.memory_space<vmem>>, vector<1x128xf32>,
    %get3A_65 = arith.constant 1 : index
    %get3A_66 = arith.constant 0 : index
    %get3A_67 = vector.load %arg8[%get3A_65, %get3A_66] : memref<2x128xf32, #tpu.memory_space<vmem>>, vector<1x128xf32>
    %get3A_68 = vector.shape_cast %get3A_67 : vector<1x128xf32> to vector<128xf32>
    %mul3A_69 = arith.mulf %mul3A_48, %mul3A_48 : vector<1280x128xf32>
    %reduce_sum3A_70 = arith.constant dense<0.000000e+00> : vector<128xf32>
    %reduce_sum3A_71 = vector.multi_reduction <add>, %mul3A_69, %reduce_sum3A_70 [0] : vector<1280x128xf32> to vector<128xf32>
    %add3A_72 = arith.addf %get3A_68, %reduce_sum3A_71 : vector<128xf32>
    %swap3A_73 = arith.constant 1 : index
    %swap3A_74 = arith.constant 0 : index
    %swap3A_75 = vector.load %arg8[%swap3A_73, %swap3A_74] : memref<2x128xf32, #tpu.memory_space<vmem>>, vector<1x128xf32>
    %swap3A_76 = vector.shape_cast %swap3A_75 : vector<1x128xf32> to vector<128xf32>
    %swap3A_77 = vector.shape_cast %add3A_72 : vector<128xf32> to vector<1x128xf32>
    tpu.vector_store %arg8[%swap3A_73, %swap3A_74], %swap3A_77 {strides = array<i32>} : memref<2x128xf32, #tpu.memory_space<vmem>>, vector<1x128xf32>,
    %eq3A_78 = arith.constant 7 : i32
    %eq3A_79 = arith.cmpi eq, %arg0, %eq3A_78 : i32
    %convert_element_type3A_80 = arith.extui %eq3A_79 : i1 to i32
    %cond3A_81 = arith.constant 0 : i32
    %cond3A_82 = arith.cmpi ne, %convert_element_type3A_80, %cond3A_81 : i32
    scf.if %cond3A_82 {
      %get3A_83 = arith.constant 0 : index
      %get3A_84 = arith.constant 0 : index
      %get3A_85 = vector.load %arg8[%get3A_83, %get3A_84] : memref<2x128xf32, #tpu.memory_space<vmem>>, vector<2x128xf32>
      %swap3A_86 = arith.constant 0 : index
      %swap3A_87 = arith.constant 0 : index
      %swap3A_88 = vector.load %arg7[%swap3A_86, %swap3A_87] : memref<2x128xf32, #tpu.memory_space<vmem>>, vector<2x128xf32>
      tpu.vector_store %arg7[%swap3A_86, %swap3A_87], %get3A_85 {strides = array<i32>} : memref<2x128xf32, #tpu.memory_space<vmem>>, vector<2x128xf32>,
    } else {
    }
    return
  }
  func.func @transform_0(%arg0: i32) -> (i32, i32) {
    %c0_i32 = arith.constant 0 : i32
    %c0_i32_0 = arith.constant 0 : i32
    return %arg0, %c0_i32 : i32, i32
  }
  func.func @transform_1(%arg0: i32) -> (i32, i32, i32) {
    %c0_i32 = arith.constant 0 : i32
    %c0_i32_0 = arith.constant 0 : i32
    %c0_i32_1 = arith.constant 0 : i32
    return %c0_i32, %arg0, %c0_i32_0 : i32, i32, i32
  }
  func.func @transform_2(%arg0: i32) -> (i32, i32, i32) {
    %c0_i32 = arith.constant 0 : i32
    %c0_i32_0 = arith.constant 0 : i32
    %c0_i32_1 = arith.constant 0 : i32
    return %c0_i32, %arg0, %c0_i32_0 : i32, i32, i32
  }
  func.func @transform_3(%arg0: i32) -> (i32, i32, i32) {
    %c0_i32 = arith.constant 0 : i32
    %c0_i32_0 = arith.constant 0 : i32
    %c0_i32_1 = arith.constant 0 : i32
    return %c0_i32, %arg0, %c0_i32_0 : i32, i32, i32
  }
  func.func @transform_4(%arg0: i32) -> (i32, i32) {
    %c0_i32 = arith.constant 0 : i32
    %c0_i32_0 = arith.constant 0 : i32
    return %arg0, %c0_i32 : i32, i32
  }
  func.func @transform_5(%arg0: i32) -> (i32, i32) {
    %c0_i32 = arith.constant 0 : i32
    %c0_i32_0 = arith.constant 0 : i32
    return %arg0, %c0_i32 : i32, i32
  }
  func.func @transform_6(%arg0: i32) -> (i32, i32) {
    %c0_i32 = arith.constant 0 : i32
    %c0_i32_0 = arith.constant 0 : i32
    %c0_i32_1 = arith.constant 0 : i32
    return %c0_i32, %c0_i32_0 : i32, i32
  }
}

module attributes {stable_mosaic.version = 14 : i64} {
  func.func @_k5b_tc_body(%arg0: i32, %arg1: memref<1280x128xf32, #tpu.memory_space<vmem>>, %arg2: memref<2x128xf32, #tpu.memory_space<vmem>>, %arg3: memref<1x128xf32, #tpu.memory_space<vmem>>, %arg4: memref<1x128xf32, #tpu.memory_space<vmem>>, %arg5: memref<1280x128xf32, #tpu.memory_space<vmem>>) attributes {dimension_semantics = [#tpu.dimension_semantics<arbitrary>], iteration_bounds = array<i64: 8>, scalar_prefetch = 0 : i64, scratch_operands = 0 : i64, tpu.core_type = #tpu.core_type<tc>, window_params = [{transform_indices = @transform_0, window_bounds = array<i64: 1280, 128>}, {pipeline_mode = #tpu.pipeline_mode<synchronous>, transform_indices = @transform_1, window_bounds = array<i64: 2, 128>}, {pipeline_mode = #tpu.pipeline_mode<synchronous>, transform_indices = @transform_2, window_bounds = array<i64: 1, 128>}, {pipeline_mode = #tpu.pipeline_mode<synchronous>, transform_indices = @transform_3, window_bounds = array<i64: 1, 128>}, {transform_indices = @transform_4, window_bounds = array<i64: 1280, 128>}]} {
    %get3A = arith.constant 0 : index
    %get3A_0 = arith.constant 0 : index
    %get3A_1 = vector.load %arg2[%get3A, %get3A_0] : memref<2x128xf32, #tpu.memory_space<vmem>>, vector<1x128xf32>
    %get3A_2 = vector.shape_cast %get3A_1 : vector<1x128xf32> to vector<128xf32>
    %broadcast_in_dim3A = vector.shape_cast %get3A_2 : vector<128xf32> to vector<1x128xf32>
    %mul3A = arith.constant 9.99999974E-5 : f32
    %mul3A_3 = vector.broadcast %mul3A : f32 to vector<1x128xf32>
    %mul3A_4 = arith.mulf %broadcast_in_dim3A, %mul3A_3 : vector<1x128xf32>
    %get3A_5 = arith.constant 1 : index
    %get3A_6 = arith.constant 0 : index
    %get3A_7 = vector.load %arg2[%get3A_5, %get3A_6] : memref<2x128xf32, #tpu.memory_space<vmem>>, vector<1x128xf32>
    %get3A_8 = vector.shape_cast %get3A_7 : vector<1x128xf32> to vector<128xf32>
    %broadcast_in_dim3A_9 = vector.shape_cast %get3A_8 : vector<128xf32> to vector<1x128xf32>
    %mul3A_10 = arith.constant 9.99999974E-5 : f32
    %mul3A_11 = vector.broadcast %mul3A_10 : f32 to vector<1x128xf32>
    %mul3A_12 = arith.mulf %broadcast_in_dim3A_9, %mul3A_11 : vector<1x128xf32>
    %mul3A_13 = arith.mulf %mul3A_4, %mul3A_4 : vector<1x128xf32>
    %sub3A = arith.subf %mul3A_12, %mul3A_13 : vector<1x128xf32>
    %get3A_14 = arith.constant 0 : index
    %get3A_15 = arith.constant 0 : index
    %get3A_16 = vector.load %arg3[%get3A_14, %get3A_15] : memref<1x128xf32, #tpu.memory_space<vmem>>, vector<1x128xf32>
    %add3A = arith.constant 9.99999974E-6 : f32
    %add3A_17 = vector.broadcast %add3A : f32 to vector<1x128xf32>
    %add3A_18 = arith.addf %sub3A, %add3A_17 : vector<1x128xf32>
    %rsqrt3A = math.rsqrt %add3A_18 : vector<1x128xf32>
    %mul3A_19 = arith.mulf %get3A_16, %rsqrt3A : vector<1x128xf32>
    %get3A_20 = arith.constant 0 : index
    %get3A_21 = arith.constant 0 : index
    %get3A_22 = vector.load %arg1[%get3A_20, %get3A_21] : memref<1280x128xf32, #tpu.memory_space<vmem>>, vector<1280x128xf32>
    %sub3A_23 = vector.broadcast %mul3A_4 : vector<1x128xf32> to vector<1280x128xf32>
    %sub3A_24 = arith.subf %get3A_22, %sub3A_23 : vector<1280x128xf32>
    %mul3A_25 = vector.broadcast %mul3A_19 : vector<1x128xf32> to vector<1280x128xf32>
    %mul3A_26 = arith.mulf %sub3A_24, %mul3A_25 : vector<1280x128xf32>
    %get3A_27 = arith.constant 0 : index
    %get3A_28 = arith.constant 0 : index
    %get3A_29 = vector.load %arg4[%get3A_27, %get3A_28] : memref<1x128xf32, #tpu.memory_space<vmem>>, vector<1x128xf32>
    %add3A_30 = vector.broadcast %get3A_29 : vector<1x128xf32> to vector<1280x128xf32>
    %add3A_31 = arith.addf %mul3A_26, %add3A_30 : vector<1280x128xf32>
    %swap3A = arith.constant 0 : index
    %swap3A_32 = arith.constant 0 : index
    %swap3A_33 = vector.load %arg5[%swap3A, %swap3A_32] : memref<1280x128xf32, #tpu.memory_space<vmem>>, vector<1280x128xf32>
    tpu.vector_store %arg5[%swap3A, %swap3A_32], %add3A_31 {strides = array<i32>} : memref<1280x128xf32, #tpu.memory_space<vmem>>, vector<1280x128xf32>,
    return
  }
  func.func @transform_0(%arg0: i32) -> (i32, i32) {
    %c0_i32 = arith.constant 0 : i32
    %c0_i32_0 = arith.constant 0 : i32
    return %arg0, %c0_i32 : i32, i32
  }
  func.func @transform_1(%arg0: i32) -> (i32, i32) {
    %c0_i32 = arith.constant 0 : i32
    %c0_i32_0 = arith.constant 0 : i32
    %c0_i32_1 = arith.constant 0 : i32
    return %c0_i32, %c0_i32_0 : i32, i32
  }
  func.func @transform_2(%arg0: i32) -> (i32, i32) {
    %c0_i32 = arith.constant 0 : i32
    %c0_i32_0 = arith.constant 0 : i32
    %c0_i32_1 = arith.constant 0 : i32
    return %c0_i32, %c0_i32_0 : i32, i32
  }
  func.func @transform_3(%arg0: i32) -> (i32, i32) {
    %c0_i32 = arith.constant 0 : i32
    %c0_i32_0 = arith.constant 0 : i32
    %c0_i32_1 = arith.constant 0 : i32
    return %c0_i32, %c0_i32_0 : i32, i32
  }
  func.func @transform_4(%arg0: i32) -> (i32, i32) {
    %c0_i32 = arith.constant 0 : i32
    %c0_i32_0 = arith.constant 0 : i32
    return %arg0, %c0_i32 : i32, i32
  }
}

</mosaic_0001>

<sc_bundles>
// kernel: kernel.11.cloned.1.call-start
scs
__scs_entry_jumppad:
0x0: {  	(pc) =	sbr.rel $0x88, $3  }
0x1: {  	(tag) =	ssettag $0x0;
	lr =	simm.s32 $0x1  }
0x2: {  	[smem:$0x3F9D] =	sst lr;
	_ =	strace $0xD0000000  }
0x3: {  	_ = 	snop  }
0x4: {  	_ = 	snop  }
0x5: {  	_ = 	snop  }
0x6: {  	_ = 	snop  }
0x7: {  	_ = 	snop  }
__scs_overlays_trampoline_lowered:
0x8: {  	[smem:$0x3FAC] =	sst s0  }
0x9: {  	[smem:$0x3FAD] =	sst s1  }
0xa: {  	[smem:$0x3FAE] =	sst s2  }
0xb: {  	[smem:$0x3FAF] =	sst s3  }
0xc: {  	[smem:$0x3FB0] =	sst s4  }
0xd: {  	[smem:$0x3FB1] =	sst s5  }
0xe: {  	[smem:$0x3FB2] =	sst s6  }
0xf: {  	[smem:$0x3FB3] =	sst s7  }
0x10: {  	[smem:$0x3FB4] =	sst s8  }
0x11: {  	[smem:$0x3FB5] =	sst s9;
	s0 =	simm.s32 @!p0 $0x0  }
0x12: {  	s1 =	sld [smem:$0x3F9B];
	s0 =	simm.s32 @p0 $0x1  }
0x13: {  	[smem:$0x3FB6] =	sst s0;
	s0 =	simm.s32 @!p1 $0x0  }
0x14: {  	s2 =	sld [smem:$0x3F9A];
	s0 =	simm.s32 @p1 $0x1  }
0x15: {  	[smem:$0x3FB7] =	sst s0;
	s0 =	simm.s32 @!p2 $0x0  }
0x16: {  	s3 =	sld [smem:$0x3FDB];
	s0 =	simm.s32 @p2 $0x1  }
0x17: {  	s4 =	simm.s32 $0x1BF5;
	[smem:$0x3FB9] =	sst s0  }
0x18: {  	s0 =	sld [smem:$0x3F9C];
	_ =	swait.ge [sflag:s4], $0x0  }
0x19: {  	s7 =	sld [smem:$0x3F9D]  }
0x1a: {  	s8 =	sadd.s32 $0xFFFFE003, lr  }
0x1b: {  	s9 =	sadd.s32 $0xFFFFFEF7, lr;
	s5 =	simm.s32 $0xFFFFFFFF;
	p2 =	slt.u32 s8, $0xFFFFF086  }
0x1c: {  	p1 =	slt.u32 s9, $0xF7A;
	s5 =	simm.s32 @!p2 $0x0  }
0x1d: {  	s5 =	simm.s32 @p1 $0x1;
	p0 =	seq.s32 s7, s2  }
0x1e: {  	s7 =	smul.u32 @!p0 $0xF7A, s2;
	p2 =	seq.s32 @!p0 s5, $0x0  }
0x1f: {  	s9 =	smul.u32 $0xF7A, s1;
	s8 =	simm.s32 @!p0 $0x1BF5;
	p2 =	por !p2, p0  }
0x20: {  	[sflag:s8] =	ssyncset.s32 @!p0 $0xFFFFF086;
	s6 =	sadd.s32 @!p0 s3, s7;
	s7 =	simm.s32 @!p0 $0x108  }
0x21: {  	s3 =	sadd.s32 s3, s9;
	s6 =	sadd.s32 @!p0 $0x88, s6;
	s7 =	simm.s32 @p2 $0x1082  }
0x22: {  	[simem:s7], [sflag:s8] =	dma.local @!p0 [hbm:s6], $0xF7A  }
0x23: {  	s9 =	sor.u32 $0xD0000000, s2;
	s6 =	simm.s32 $0x108;
	_ =	swait.ge @!p0 [sflag:s8], $0x0  }
0x24: {  	s3 =	sadd.s32 $0x88, s3;
	s6 =	simm.s32 @!p1 $0x1082;
	[sflag:s4] =	ssyncset.s32 $0xFFFFF086  }
0x25: {  	[simem:s6], [sflag:s4] =	dma.local [hbm:s3], $0xF7A  }
0x26: {  	[smem:$0x3F9D] =	sst s1;
	(tag) =	ssettag s2;
	_ =	strace s9  }
0x27: {  	s1 =	sld [smem:$0x3FAD]  }
0x28: {  	s2 =	sld [smem:$0x3FAE]  }
0x29: {  	s4 =	sld [smem:$0x3FB0]  }
0x2a: {  	p0 =	seq.s32 s5, $0x0;
	s5 =	sld [smem:$0x3FB1]  }
0x2b: {  	s6 =	sld [smem:$0x3FB2]  }
0x2c: {  	s7 =	sld [smem:$0x3FB3]  }
0x2d: {  	s3 =	simm.s32 $0x108;
	s8 =	sld [smem:$0x3FB4]  }
0x2e: {  	s3 =	simm.s32 @!p0 $0x1082;
	s9 =	sld [smem:$0x3FB5]  }
0x2f: {  	lr =	sadd.s32 s0, s3;
	s0 =	sld [smem:$0x3FAC]  }
0x30: {  	s3 =	sld [smem:$0x3FAF]  }
0x31: {  	[smem:$0x3FB8] =	sst s10  }
0x32: {  	s10 =	sld [smem:$0x3FB6];
	_ =	sdelay $0x3  }
0x33: {  	p0 =	seq.s32 s10, $0x1;
	s10 =	sld [smem:$0x3FB8];
	_ =	sdelay $0x3  }
0x34: {  	[smem:$0x3FB8] =	sst s10  }
0x35: {  	s10 =	sld [smem:$0x3FB7];
	_ =	sdelay $0x3  }
0x36: {  	p1 =	seq.s32 s10, $0x1;
	s10 =	sld [smem:$0x3FB8];
	_ =	sdelay $0x3  }
0x37: {  	[smem:$0x3FB8] =	sst s10  }
0x38: {  	s10 =	sld [smem:$0x3FB9]  }
0x39: {  	_ = 	snop;
	(pc) =	sbr.ind lr, $3  }
0x3a: {  	_ = 	snop  }
0x3b: {  	_ = 	snop  }
0x3c: {  	p2 =	seq.s32 s10, $0x1;
	s10 =	sld [smem:$0x3FB8]  }
0x3d: {  	_ =	shalt  }
0x3e: {  	_ =	shalt  }
0x3f: {  	_ =	shalt  }
0x40: {  	_ =	shalt  }
0x41: {  	_ =	shalt  }
0x42: {  	_ =	shalt  }
0x43: {  	_ =	shalt  }
0x44: {  	_ =	shalt  }
0x45: {  	_ =	shalt  }
0x46: {  	_ =	shalt  }
0x47: {  	_ =	shalt  }
0x48: {  	_ =	shalt  }
0x49: {  	_ =	shalt  }
0x4a: {  	_ =	shalt  }
0x4b: {  	_ =	shalt  }
0x4c: {  	_ =	shalt  }
0x4d: {  	_ =	shalt  }
0x4e: {  	_ =	shalt  }
0x4f: {  	_ =	shalt  }
0x50: {  	_ =	shalt  }
0x51: {  	_ =	shalt  }
0x52: {  	_ =	shalt  }
0x53: {  	_ =	shalt  }
0x54: {  	_ =	shalt  }
0x55: {  	_ =	shalt  }
0x56: {  	_ =	shalt  }
0x57: {  	_ =	shalt  }
0x58: {  	_ =	shalt  }
0x59: {  	_ =	shalt  }
0x5a: {  	_ =	shalt  }
0x5b: {  	_ =	shalt  }
0x5c: {  	_ =	shalt  }
0x5d: {  	_ =	shalt  }
0x5e: {  	_ =	shalt  }
0x5f: {  	_ =	shalt  }
0x60: {  	_ =	shalt  }
0x61: {  	_ =	shalt  }
0x62: {  	_ =	shalt  }
0x63: {  	_ =	shalt  }
0x64: {  	_ =	shalt  }
0x65: {  	_ =	shalt  }
0x66: {  	_ =	shalt  }
0x67: {  	_ =	shalt  }
0x68: {  	_ =	shalt  }
0x69: {  	_ =	shalt  }
0x6a: {  	_ =	shalt  }
0x6b: {  	_ =	shalt  }
0x6c: {  	_ =	shalt  }
0x6d: {  	_ =	shalt  }
0x6e: {  	_ =	shalt  }
0x6f: {  	_ =	shalt  }
0x70: {  	_ =	shalt  }
0x71: {  	_ =	shalt  }
0x72: {  	_ =	shalt  }
0x73: {  	_ =	shalt  }
0x74: {  	_ =	shalt  }
0x75: {  	_ =	shalt  }
0x76: {  	_ =	shalt  }
0x77: {  	_ =	shalt  }
0x78: {  	_ =	shalt  }
0x79: {  	_ =	shalt  }
0x7a: {  	_ =	shalt  }
0x7b: {  	_ =	shalt  }
0x7c: {  	_ =	shalt  }
0x7d: {  	_ =	shalt  }
0x7e: {  	_ =	shalt  }
0x7f: {  	_ =	shalt  }
0x80: {  	_ =	shalt  }
0x81: {  	_ =	shalt  }
0x82: {  	_ =	shalt  }
0x83: {  	_ =	shalt  }
0x84: {  	_ =	shalt  }
0x85: {  	_ =	shalt  }
0x86: {  	_ =	shalt  }
0x87: {  	_ =	shalt  }
.Lfunc_end0:
.L_simem_size_0:
called_computation_lowered:
.L_overlay_start_0:
0x88: {  	s2 =	sld [smem:$0x3FD9]  }
0x89: {  	s3 =	sld [smem:$0x3FFE];
	_ =	sdelay $0x1  }
0x8a: {  	s1 =	srdreg.scid  }
0x8b: {  	s0 =	sand.u32 $0x1, s1  }
0x8c: {  	s14 =	sshll.u32 s0, $0xA;
	s2 =	sadd.s32 s3, s2  }
0x8d: {  	s2 =	sadd.s32 s2, s14  }
0x8e: {  	[smem:$0x3FC4] =	sst s2  }
0x8f: {  	_ = 	snop  }
0x90: {  	s2 =	sld [smem:$0x3FD0];
	_ =	sdelay $0x2  }
0x91: {  	s15 =	simm.s32 $0xA;
	s4 =	simm.s32 $0x10  }
0x92: {  	[smem:s4], [sflag:s15] =	dma.local [hbm:s2], $0x1  }
0x93: {  	_ =	swait.eq [sflag:s15], $0x1  }
0x94: {  	[sflag:s15] =	ssyncset.done $0x0  }
0x95: {  	[sflag:s15] =	ssyncadd.s32 $0xFFFFFFFF  }
0x96: {  	s16 =	sld [smem:$0x11];
	(tm) =	ssettm $0x1  }
0x97: {  	s17 =	sld [smem:$0x3FFB];
	_ =	sdelay $0x3  }
0x98: {  	_ =	strace s17  }
0x99: {  	s3 =	sld [smem:$0x3FFC];
	_ =	sdelay $0x3  }
0x9a: {  	_ =	strace s3  }
0x9b: {  	s3 =	sld [smem:$0x3FFD];
	_ =	sdelay $0x3  }
0x9c: {  	_ =	strace s3  }
0x9d: {  	_ =	strace $0x8FFFFFFF  }
0x9e: {  	s18 =	sld [smem:$0x3FDB];
	_ =	sdelay $0x1  }
0x9f: {  	s19 =	simm.s32 $_scs_section_size  }
0xa0: {  	s5 =	simm.s32 $_size__tile_overlayer_lowered;
	s6 =	simm.s32 $_tile_overlayer_lowered  }
0xa1: {  	s22 =	simm.s32 $0x1BFF;
	s21 =	sshll.u32 s6, $0x1;
	s3 =	sadd.s32 s19, s18  }
0xa2: {  	s7 =	simm.s32 $0x0;
	s20 =	sshll.u32 s5, $0x1;
	s5 =	sadd.s32 s21, s3  }
0xa3: {  	[timem:s7], [sflag:s22] =	dma.local [hbm:s5], s20  }
0xa4: {  	_ =	swait.ge [sflag:s22], s20  }
0xa5: {  	s4 =	ssub.s32 $0x0, s20;
	[sflag:s22] =	ssyncset.done $0x0  }
0xa6: {  	[sflag:s22] =	ssyncadd.s32 s4;
	_ =	sdelay $0x1  }
0xa7: {  	s23 =	simm.s32 $0x1B8B  }
0xa8: {  	_ =	swait.ge [sflag:s23], $0x1  }
0xa9: {  	[sflag:s23] =	ssyncset.done $0x0  }
0xaa: {  	s25 =	simm.s32 $0x1B8E;
	s24 =	sld [smem:$0x3FFE];
	[sflag:s23] =	ssyncadd.s32 $0xFFFFFFFF  }
0xab: {  	s26 =	simm.s32 $execute0_lowered;
	[smem:$0x3FD2] =	sst s25  }
0xac: {  	s5 =	sshll.u32 s26, $0x1;
	_ =	strace $0x80000046;
	[dreg:$0x1] =	wrdreg $0xFFFFFFFF  }
0xad: {  	s28 =	simm.s32 $_size_execute0_lowered;
	s3 =	sadd.s32 s3, s5;
	[dreg:$0x0] =	wrdreg $0x0  }
0xae: {  	s5 =	sshll.u32 s28, $0x1;
	[dreg:$0x2] =	wrdreg s3  }
0xaf: {  	[dreg:$0x3] =	wrdreg s5  }
0xb0: {  	[dreg:$0x4] =	wrdreg $0xC0  }
0xb1: {  	_ =	task [dreg:s7], $0x5FFFF  }
0xb2: {  	[dreg:$0x1] =	wrdreg $0xFFFFFFFF  }
0xb3: {  	[dreg:$0x0] =	wrdreg $0x60  }
0xb4: {  	[dreg:$0x2] =	wrdreg s24  }
0xb5: {  	[dreg:$0x3] =	wrdreg s16  }
0xb6: {  	[dreg:$0x4] =	wrdreg $0x9  }
0xb7: {  	_ =	task.clear_ibuf [dreg:s7], $0x5FFFF;
	_ =	strace $0x90000046  }
0xb8: {  	s29 =	simm.s32 $0x9;
	_ =	strace $0x80000048  }
0xb9: {  	_ =	swait.ge [sflag:s29], $0x1  }
0xba: {  	[sflag:s29] =	ssyncadd.s32 $0xFFFFFFFF  }
0xbb: {  	_ =	strace $0x90000048  }
0xbc: {  	_ =	sfence  }
0xbd: {  	s30 =	sld [smem:$0x0];
	_ =	sdelay $0x2  }
0xbe: {  	s31 =	sshll.u32 s1, $0xD;
	s1 =	sshrl.u32 s1, $0x2  }
0xbf: {  	s3 =	sand.u32 $0x4000, s31;
	s1 =	sadd.s32 s1, s30  }
0xc0: {  	s0 =	sor.u32 s3, s0;
	s1 =	sshll.u32 s1, $0x11  }
0xc1: {  	s0 =	sor.u32 s1, s0  }
0xc2: {  	s0 =	sadd.s32 $0x8F2B, s0  }
0xc3: {  	[sflag:s0] =	ssyncadd.remote.s32 $0x1  }
0xc4: {  	_ =	sfence.sel $0xFFFF  }
0xc5: {  	[dreg:$0x0] =	wrdreg $0xFFFFFFFF;
	(pc) =	sbr.abs _section_cstart, $3  }
0xc6: {  	[dreg:$0x1] =	wrdreg $0xFFFFFFFF  }
0xc7: {  	_ =	task.clear_ibuf [dreg:s7], $0x2FFFF;
	_ =	strace $0x9FFFFFFF  }
0xc8: {  	(tm) =	ssettm $0x7FFFFFFF  }
0xc9: {  	_ =	shalt  }
tec
execute0_lowered:
.L_overlay_start_1:
0x0: {  	(tag) =	ssettag $0x1  }
0x1: {  	s3 =	rddreg [dreg:$0x0]  }
0x2: {  	s1 =	srdreg.scid;
	s0 =	stileid.u32  }
0x3: {  	s4 =	rddreg [dreg:$0x1];
	s5 =	sand.u32 $0x1, s1;
	s2 =	sshll.u32 s0, $0x1  }
0x4: {  	s1 =	rddreg [dreg:$0x2];
	s6 =	sor.u32 s5, s2  }
0x5: {  	s2 =	simm.s32 $0x0;
	s5 =	ssub.s32 $0x2, s5;
	s7 =	smul.u32 $0x4E2, s6  }
0x6: {  	[smem:$0x7FF] =	sst s2;
	s8 =	sshrl.u32 s5, $0x1;
	s6 =	smul.u32 $0x500, s6  }
0x7: {  	_ =	strace $0x80000047;
	s5 =	ssub.s32 s5, s8;
	s8 =	simm.s32 $0x0  }
0x8: {  	s3 =	sadd.s32 s7, s3;
	s4 =	sadd.s32 s4, s6;
	s5 =	smax.u32 s5, $0x1  }
0x9: {  	v0 =	vimm.f32 $0.0e+00;
	v1 =	vimm.f32 $1.000000000e+00;
	s6 =	simm.s32 $0x1;
	s7 =	simm.s32 $0x2710;
	s3 =	sadd.s32 $0x2600, s3  }
.LBB2_1:
0xa: {  	s9 =	simm.s32 $0x40;
	s10 =	simm.s32 $0x0  }
.LBB2_2:
0xb: {  	p0 =	sne.s32 s9, $0x9FC0;
	[tilespmem:s10+$0x2710] =	vst v0;
	s10 =	smov.u32 s9;
	s9 =	sadd.s32 $0x40, s9  }
.Ltmp0:
0xc: {  	(pc) =	sbr.rel @p0 .LBB2_2-.Ltmp0, $2  }
0xd: {  	_ =	sdelay $0x2  }
0xe: {  	s10 =	sshra.s32 s10, $0x2  }
0xf: {  	[tilespmem:s10+$0x2710] =	vst v0;
	s9 =	simm.s32 $0x0  }
0x10: {  	[tilespmem:s9], [sflag:$0x1] =	stream.linear.gather [hbm4b:s3+s9], $0x2710, $0x38;
	[tilespmem:$0x4F10] =	vst v63  }
0x11: {  	_ =	swait.ge [sflag:s6], $0x2710  }
0x12: {  	[sflag:s6] =	ssyncset.done $0x0  }
0x13: {  	s10 =	simm.s32 $0x0;
	s9 =	simm.s32 $0x40;
	[sflag:s6] =	ssyncadd.s32 $0xFFFFD8F0  }
.LBB2_4:
0x14: {  	p0 =	sne.s32 s9, $0x9C00;
	v2 =	vld [tilespmem:s10+$0x0];
	_ =	sdelay $0x3  }
.Ltmp1:
0x15: {  	(pc) =	sbr.rel @p0 .LBB2_4-.Ltmp1, $2  }
0x16: {  	_ =	sdelay $0x2  }
0x17: {  	s10 =	sshra.s32 s9, $0x2;
	s9 =	sadd.s32 $0x40, s9;
	[tilespmem:v2+s7+$0x0] =	vst.idx.add.f32.msk $0xffff, v1  }
0x18: {  	v2 =	vld [tilespmem:s10+$0x0];
	_ =	sdelay $0x5  }
0x19: {  	s8 =	sadd.s32 $0x1, s8  }
0x1a: {  	p0 =	sne.s32 s8, s5  }
.Ltmp2:
0x1b: {  	[tilespmem:v2+s7+$0x0] =	vst.idx.add.f32.msk $0xffff, v1;
	(pc) =	sbr.rel @p0 .LBB2_1-.Ltmp2, $4  }
0x1c: {  	[hbm4b:s4+s2] =	stream.linear.scatter [tilespmem:s7], [sflag:$0x1], $0x2800, $0x38;
	[tilespmem:$0x4F10] =	vst v63  }
0x1d: {  	_ =	swait.ge [sflag:s6], $0x2800  }
0x1e: {  	[sflag:s6] =	ssyncset.done $0x0  }
0x1f: {  	[sflag:s6] =	ssyncadd.s32 $0xFFFFD800  }
0x20: {  	_ =	sfence.sel $0x180000  }
0x21: {  	[bflag:$0x0] =	sbarrier.arrive $0xFFFF  }
0x22: {  	p0 =	sne.s32 s0, $0x0;
	_ =	strace $0x90000047  }
0x23: {  	s0 =	sadd.s32 @!p0 $0x100000, s1;
	[bflag:$0x2] =	sbarrier.arrive $0xFFFF  }
0x24: {  	[sflag:s0] =	ssyncadd.tile.s32 @!p0 $0x1;
	_ =	shalt  }
.Lfunc_end2:
_tile_overlayer_lowered:
.L_overlay_start_2:
0x25: {  	(tag) =	ssettag $0x2  }
0x26: {  	s0 =	rddreg [dreg:$0x0];
	s2 =	stileid.u32  }
0x27: {  	s1 =	rddreg [dreg:$0x1];
	p0 =	sne.s32 s2, $0x0  }
0x28: {  	s3 =	rddreg [dreg:$0x2];
	[bflag:$0x3] =	sbarrier.arrive $0xFFFF;
	s2 =	simm.s32 @!p0 $0x1C01  }
0x29: {  	[timem:s3], [sflag:s2] =	dma.local @!p0 [hbm:s0], s1  }
0x2a: {  	s0 =	simm.s32 @!p0 $0x1  }
0x2b: {  	_ =	swait.ge @!p0 [sflag:s0], s1  }
0x2c: {  	s1 =	ssub.s32 @!p0 $0x0, s1;
	[sflag:s0] =	ssyncset.done @!p0 $0x0  }
0x2d: {  	[sflag:s0] =	ssyncadd.s32 @!p0 s1  }
0x2e: {  	[bflag:$0x3] =	sbarrier.arrive $0xFFFF  }
0x2f: {  	_ =	shalt  }

// kernel: kernel.14.cloned.1.call-start
scs
__scs_entry_jumppad:
0x0: {  	(pc) =	sbr.rel $0x88, $3  }
0x1: {  	(tag) =	ssettag $0x0;
	lr =	simm.s32 $0x1  }
0x2: {  	[smem:$0x3F9D] =	sst lr;
	_ =	strace $0xD0000000  }
0x3: {  	_ = 	snop  }
0x4: {  	_ = 	snop  }
0x5: {  	_ = 	snop  }
0x6: {  	_ = 	snop  }
0x7: {  	_ = 	snop  }
__scs_overlays_trampoline_lowered:
0x8: {  	[smem:$0x3FAC] =	sst s0  }
0x9: {  	[smem:$0x3FAD] =	sst s1  }
0xa: {  	[smem:$0x3FAE] =	sst s2  }
0xb: {  	[smem:$0x3FAF] =	sst s3  }
0xc: {  	[smem:$0x3FB0] =	sst s4  }
0xd: {  	[smem:$0x3FB1] =	sst s5  }
0xe: {  	[smem:$0x3FB2] =	sst s6  }
0xf: {  	[smem:$0x3FB3] =	sst s7  }
0x10: {  	[smem:$0x3FB4] =	sst s8  }
0x11: {  	[smem:$0x3FB5] =	sst s9;
	s0 =	simm.s32 @!p0 $0x0  }
0x12: {  	s1 =	sld [smem:$0x3F9B];
	s0 =	simm.s32 @p0 $0x1  }
0x13: {  	[smem:$0x3FB6] =	sst s0;
	s0 =	simm.s32 @!p1 $0x0  }
0x14: {  	s2 =	sld [smem:$0x3F9A];
	s0 =	simm.s32 @p1 $0x1  }
0x15: {  	[smem:$0x3FB7] =	sst s0;
	s0 =	simm.s32 @!p2 $0x0  }
0x16: {  	s3 =	sld [smem:$0x3FDB];
	s0 =	simm.s32 @p2 $0x1  }
0x17: {  	s4 =	simm.s32 $0x1BF5;
	[smem:$0x3FB9] =	sst s0  }
0x18: {  	s0 =	sld [smem:$0x3F9C];
	_ =	swait.ge [sflag:s4], $0x0  }
0x19: {  	s7 =	sld [smem:$0x3F9D]  }
0x1a: {  	s8 =	sadd.s32 $0xFFFFE003, lr  }
0x1b: {  	s9 =	sadd.s32 $0xFFFFFEF7, lr;
	s5 =	simm.s32 $0xFFFFFFFF;
	p2 =	slt.u32 s8, $0xFFFFF086  }
0x1c: {  	p1 =	slt.u32 s9, $0xF7A;
	s5 =	simm.s32 @!p2 $0x0  }
0x1d: {  	s5 =	simm.s32 @p1 $0x1;
	p0 =	seq.s32 s7, s2  }
0x1e: {  	s7 =	smul.u32 @!p0 $0xF7A, s2;
	p2 =	seq.s32 @!p0 s5, $0x0  }
0x1f: {  	s9 =	smul.u32 $0xF7A, s1;
	s8 =	simm.s32 @!p0 $0x1BF5;
	p2 =	por !p2, p0  }
0x20: {  	[sflag:s8] =	ssyncset.s32 @!p0 $0xFFFFF086;
	s6 =	sadd.s32 @!p0 s3, s7;
	s7 =	simm.s32 @!p0 $0x108  }
0x21: {  	s3 =	sadd.s32 s3, s9;
	s6 =	sadd.s32 @!p0 $0x88, s6;
	s7 =	simm.s32 @p2 $0x1082  }
0x22: {  	[simem:s7], [sflag:s8] =	dma.local @!p0 [hbm:s6], $0xF7A  }
0x23: {  	s9 =	sor.u32 $0xD0000000, s2;
	s6 =	simm.s32 $0x108;
	_ =	swait.ge @!p0 [sflag:s8], $0x0  }
0x24: {  	s3 =	sadd.s32 $0x88, s3;
	s6 =	simm.s32 @!p1 $0x1082;
	[sflag:s4] =	ssyncset.s32 $0xFFFFF086  }
0x25: {  	[simem:s6], [sflag:s4] =	dma.local [hbm:s3], $0xF7A  }
0x26: {  	[smem:$0x3F9D] =	sst s1;
	(tag) =	ssettag s2;
	_ =	strace s9  }
0x27: {  	s1 =	sld [smem:$0x3FAD]  }
0x28: {  	s2 =	sld [smem:$0x3FAE]  }
0x29: {  	s4 =	sld [smem:$0x3FB0]  }
0x2a: {  	p0 =	seq.s32 s5, $0x0;
	s5 =	sld [smem:$0x3FB1]  }
0x2b: {  	s6 =	sld [smem:$0x3FB2]  }
0x2c: {  	s7 =	sld [smem:$0x3FB3]  }
0x2d: {  	s3 =	simm.s32 $0x108;
	s8 =	sld [smem:$0x3FB4]  }
0x2e: {  	s3 =	simm.s32 @!p0 $0x1082;
	s9 =	sld [smem:$0x3FB5]  }
0x2f: {  	lr =	sadd.s32 s0, s3;
	s0 =	sld [smem:$0x3FAC]  }
0x30: {  	s3 =	sld [smem:$0x3FAF]  }
0x31: {  	[smem:$0x3FB8] =	sst s10  }
0x32: {  	s10 =	sld [smem:$0x3FB6];
	_ =	sdelay $0x3  }
0x33: {  	p0 =	seq.s32 s10, $0x1;
	s10 =	sld [smem:$0x3FB8];
	_ =	sdelay $0x3  }
0x34: {  	[smem:$0x3FB8] =	sst s10  }
0x35: {  	s10 =	sld [smem:$0x3FB7];
	_ =	sdelay $0x3  }
0x36: {  	p1 =	seq.s32 s10, $0x1;
	s10 =	sld [smem:$0x3FB8];
	_ =	sdelay $0x3  }
0x37: {  	[smem:$0x3FB8] =	sst s10  }
0x38: {  	s10 =	sld [smem:$0x3FB9]  }
0x39: {  	_ = 	snop;
	(pc) =	sbr.ind lr, $3  }
0x3a: {  	_ = 	snop  }
0x3b: {  	_ = 	snop  }
0x3c: {  	p2 =	seq.s32 s10, $0x1;
	s10 =	sld [smem:$0x3FB8]  }
0x3d: {  	_ =	shalt  }
0x3e: {  	_ =	shalt  }
0x3f: {  	_ =	shalt  }
0x40: {  	_ =	shalt  }
0x41: {  	_ =	shalt  }
0x42: {  	_ =	shalt  }
0x43: {  	_ =	shalt  }
0x44: {  	_ =	shalt  }
0x45: {  	_ =	shalt  }
0x46: {  	_ =	shalt  }
0x47: {  	_ =	shalt  }
0x48: {  	_ =	shalt  }
0x49: {  	_ =	shalt  }
0x4a: {  	_ =	shalt  }
0x4b: {  	_ =	shalt  }
0x4c: {  	_ =	shalt  }
0x4d: {  	_ =	shalt  }
0x4e: {  	_ =	shalt  }
0x4f: {  	_ =	shalt  }
0x50: {  	_ =	shalt  }
0x51: {  	_ =	shalt  }
0x52: {  	_ =	shalt  }
0x53: {  	_ =	shalt  }
0x54: {  	_ =	shalt  }
0x55: {  	_ =	shalt  }
0x56: {  	_ =	shalt  }
0x57: {  	_ =	shalt  }
0x58: {  	_ =	shalt  }
0x59: {  	_ =	shalt  }
0x5a: {  	_ =	shalt  }
0x5b: {  	_ =	shalt  }
0x5c: {  	_ =	shalt  }
0x5d: {  	_ =	shalt  }
0x5e: {  	_ =	shalt  }
0x5f: {  	_ =	shalt  }
0x60: {  	_ =	shalt  }
0x61: {  	_ =	shalt  }
0x62: {  	_ =	shalt  }
0x63: {  	_ =	shalt  }
0x64: {  	_ =	shalt  }
0x65: {  	_ =	shalt  }
0x66: {  	_ =	shalt  }
0x67: {  	_ =	shalt  }
0x68: {  	_ =	shalt  }
0x69: {  	_ =	shalt  }
0x6a: {  	_ =	shalt  }
0x6b: {  	_ =	shalt  }
0x6c: {  	_ =	shalt  }
0x6d: {  	_ =	shalt  }
0x6e: {  	_ =	shalt  }
0x6f: {  	_ =	shalt  }
0x70: {  	_ =	shalt  }
0x71: {  	_ =	shalt  }
0x72: {  	_ =	shalt  }
0x73: {  	_ =	shalt  }
0x74: {  	_ =	shalt  }
0x75: {  	_ =	shalt  }
0x76: {  	_ =	shalt  }
0x77: {  	_ =	shalt  }
0x78: {  	_ =	shalt  }
0x79: {  	_ =	shalt  }
0x7a: {  	_ =	shalt  }
0x7b: {  	_ =	shalt  }
0x7c: {  	_ =	shalt  }
0x7d: {  	_ =	shalt  }
0x7e: {  	_ =	shalt  }
0x7f: {  	_ =	shalt  }
0x80: {  	_ =	shalt  }
0x81: {  	_ =	shalt  }
0x82: {  	_ =	shalt  }
0x83: {  	_ =	shalt  }
0x84: {  	_ =	shalt  }
0x85: {  	_ =	shalt  }
0x86: {  	_ =	shalt  }
0x87: {  	_ =	shalt  }
.Lfunc_end0:
.L_simem_size_0:
called_computation.1_lowered:
.L_overlay_start_0:
0x88: {  	s2 =	sld [smem:$0x3FD9]  }
0x89: {  	s3 =	sld [smem:$0x3FFE];
	_ =	sdelay $0x1  }
0x8a: {  	s1 =	srdreg.scid  }
0x8b: {  	s0 =	sand.u32 $0x1, s1  }
0x8c: {  	s14 =	sshll.u32 s0, $0xA;
	s2 =	sadd.s32 s3, s2  }
0x8d: {  	s2 =	sadd.s32 s2, s14  }
0x8e: {  	[smem:$0x3FC4] =	sst s2  }
0x8f: {  	_ = 	snop  }
0x90: {  	s2 =	sld [smem:$0x3FD0];
	_ =	sdelay $0x2  }
0x91: {  	s15 =	simm.s32 $0xA;
	s4 =	simm.s32 $0x10  }
0x92: {  	[smem:s4], [sflag:s15] =	dma.local [hbm:s2], $0x1  }
0x93: {  	_ =	swait.eq [sflag:s15], $0x1  }
0x94: {  	[sflag:s15] =	ssyncset.done $0x0  }
0x95: {  	[sflag:s15] =	ssyncadd.s32 $0xFFFFFFFF  }
0x96: {  	s16 =	sld [smem:$0x11];
	(tm) =	ssettm $0x1  }
0x97: {  	s17 =	sld [smem:$0x3FFB];
	_ =	sdelay $0x3  }
0x98: {  	_ =	strace s17  }
0x99: {  	s3 =	sld [smem:$0x3FFC];
	_ =	sdelay $0x3  }
0x9a: {  	_ =	strace s3  }
0x9b: {  	s3 =	sld [smem:$0x3FFD];
	_ =	sdelay $0x3  }
0x9c: {  	_ =	strace s3  }
0x9d: {  	_ =	strace $0x8FFFFFFF  }
0x9e: {  	s18 =	sld [smem:$0x3FDB];
	_ =	sdelay $0x1  }
0x9f: {  	s19 =	simm.s32 $_scs_section_size  }
0xa0: {  	s5 =	simm.s32 $_size__tile_overlayer_lowered;
	s6 =	simm.s32 $_tile_overlayer_lowered  }
0xa1: {  	s22 =	simm.s32 $0x1BFF;
	s21 =	sshll.u32 s6, $0x1;
	s3 =	sadd.s32 s19, s18  }
0xa2: {  	s7 =	simm.s32 $0x0;
	s20 =	sshll.u32 s5, $0x1;
	s5 =	sadd.s32 s21, s3  }
0xa3: {  	[timem:s7], [sflag:s22] =	dma.local [hbm:s5], s20  }
0xa4: {  	_ =	swait.ge [sflag:s22], s20  }
0xa5: {  	s4 =	ssub.s32 $0x0, s20;
	[sflag:s22] =	ssyncset.done $0x0  }
0xa6: {  	[sflag:s22] =	ssyncadd.s32 s4;
	_ =	sdelay $0x1  }
0xa7: {  	s23 =	simm.s32 $0x1B8B  }
0xa8: {  	_ =	swait.ge [sflag:s23], $0x1  }
0xa9: {  	[sflag:s23] =	ssyncset.done $0x0  }
0xaa: {  	s25 =	simm.s32 $0x1B8E;
	s24 =	sld [smem:$0x3FFE];
	[sflag:s23] =	ssyncadd.s32 $0xFFFFFFFF  }
0xab: {  	s26 =	simm.s32 $execute0_lowered;
	[smem:$0x3FD2] =	sst s25  }
0xac: {  	s5 =	sshll.u32 s26, $0x1;
	_ =	strace $0x80000049;
	[dreg:$0x1] =	wrdreg $0xFFFFFFFF  }
0xad: {  	s28 =	simm.s32 $_size_execute0_lowered;
	s3 =	sadd.s32 s3, s5;
	[dreg:$0x0] =	wrdreg $0x0  }
0xae: {  	s5 =	sshll.u32 s28, $0x1;
	[dreg:$0x2] =	wrdreg s3  }
0xaf: {  	[dreg:$0x3] =	wrdreg s5  }
0xb0: {  	[dreg:$0x4] =	wrdreg $0xC0  }
0xb1: {  	_ =	task [dreg:s7], $0x5FFFF  }
0xb2: {  	[dreg:$0x1] =	wrdreg $0xFFFFFFFF  }
0xb3: {  	[dreg:$0x0] =	wrdreg $0x60  }
0xb4: {  	[dreg:$0x2] =	wrdreg s16  }
0xb5: {  	[dreg:$0x3] =	wrdreg s24  }
0xb6: {  	[dreg:$0x4] =	wrdreg $0x24000  }
0xb7: {  	[dreg:$0x5] =	wrdreg $0x9  }
0xb8: {  	_ =	task.clear_ibuf [dreg:s7], $0x6FFFF;
	_ =	strace $0x90000049  }
0xb9: {  	s29 =	simm.s32 $0x9;
	_ =	strace $0x8000004B  }
0xba: {  	_ =	swait.ge [sflag:s29], $0x1  }
0xbb: {  	[sflag:s29] =	ssyncadd.s32 $0xFFFFFFFF  }
0xbc: {  	_ =	strace $0x9000004B  }
0xbd: {  	_ =	sfence  }
0xbe: {  	s30 =	sld [smem:$0x0];
	_ =	sdelay $0x2  }
0xbf: {  	s31 =	sshll.u32 s1, $0xD;
	s1 =	sshrl.u32 s1, $0x2  }
0xc0: {  	s3 =	sand.u32 $0x4000, s31;
	s1 =	sadd.s32 s1, s30  }
0xc1: {  	s0 =	sor.u32 s3, s0;
	s1 =	sshll.u32 s1, $0x11  }
0xc2: {  	s0 =	sor.u32 s1, s0  }
0xc3: {  	s0 =	sadd.s32 $0x8F2B, s0  }
0xc4: {  	[sflag:s0] =	ssyncadd.remote.s32 $0x1  }
0xc5: {  	_ =	sfence.sel $0xFFFF  }
0xc6: {  	[dreg:$0x0] =	wrdreg $0xFFFFFFFF;
	(pc) =	sbr.abs _section_cstart, $3  }
0xc7: {  	[dreg:$0x1] =	wrdreg $0xFFFFFFFF  }
0xc8: {  	_ =	task.clear_ibuf [dreg:s7], $0x2FFFF;
	_ =	strace $0x9FFFFFFF  }
0xc9: {  	(tm) =	ssettm $0x7FFFFFFF  }
tec
execute0_lowered:
.L_overlay_start_1:
0x0: {  	(tag) =	ssettag $0x1  }
0x1: {  	s0 =	srdreg.scid;
	s8 =	stileid.u32  }
0x2: {  	s0 =	sand.u32 $0x1, s0;
	s1 =	smul.u32 $0x5000, s8  }
0x3: {  	s2 =	rddreg [dreg:$0x0];
	s4 =	smul.u32 $0x2800, s0  }
0x4: {  	s5 =	rddreg [dreg:$0x1]  }
0x5: {  	s3 =	rddreg [dreg:$0x2];
	s1 =	sadd.s32 s4, s1;
	s4 =	simm.s32 $0x0  }
0x6: {  	s20 =	simm.s32 $0x80;
	[smem:$0x7FF] =	sst s4  }
0x7: {  	s22 =	simm.s32 $0x100;
	_ =	strace $0x8000004A;
	[dreg:$0x6] =	wrdreg s20  }
0x8: {  	s23 =	simm.s32 $0x180;
	[dreg:$0x7] =	wrdreg s22  }
0x9: {  	s24 =	simm.s32 $0x200;
	[dreg:$0x8] =	wrdreg s23  }
0xa: {  	s25 =	simm.s32 $0xA80;
	[dreg:$0x9] =	wrdreg s24  }
0xb: {  	s26 =	simm.s32 $0xB00;
	[dreg:$0xa] =	wrdreg s25  }
0xc: {  	s9 =	simm.s32 $0xB80;
	[dreg:$0xb] =	wrdreg s26  }
0xd: {  	s10 =	simm.s32 $0xC00;
	[dreg:$0xc] =	wrdreg s9  }
0xe: {  	s12 =	simm.s32 $0x280;
	[dreg:$0xd] =	wrdreg s10  }
0xf: {  	s13 =	simm.s32 $0x300;
	[dreg:$0xe] =	wrdreg s12  }
0x10: {  	s14 =	simm.s32 $0x380;
	s16 =	simm.s32 $0x400;
	[dreg:$0xf] =	wrdreg s13  }
0x11: {  	s17 =	simm.s32 $0x480;
	s19 =	simm.s32 $0xC80;
	[dreg:$0x10] =	wrdreg s14  }
0x12: {  	s7 =	smul.u32 $0x140000, s0;
	s0 =	ssub.s32 $0x2, s0;
	[dreg:$0x11] =	wrdreg s16  }
0x13: {  	s15 =	smul.u32 $0x28000, s8;
	s11 =	sshrl.u32 s0, $0x1;
	[dreg:$0x12] =	wrdreg s17  }
0x14: {  	s0 =	ssub.s32 s0, s11;
	s11 =	simm.s32 $0x580;
	[dreg:$0x13] =	wrdreg s19  }
0x15: {  	s18 =	sshrl.u32 s15, $0x2;
	s15 =	simm.s32 $0x680;
	[dreg:$0x19] =	wrdreg s11  }
0x16: {  	s0 =	smax.u32 s0, $0x1;
	[dreg:$0x1b] =	wrdreg s15  }
0x17: {  	s20 =	simm.s32 $0xD00;
	[smem:$0x7F7] =	sst s0  }
0x18: {  	s28 =	simm.s32 $0x2;
	s22 =	simm.s32 $0xD80;
	[dreg:$0x14] =	wrdreg s20  }
0x19: {  	s29 =	simm.s32 $0x3;
	s24 =	simm.s32 $0xE00;
	[dreg:$0x15] =	wrdreg s22  }
0x1a: {  	s21 =	smul.u32 $0x14000, s8;
	s26 =	simm.s32 $0xE80;
	[dreg:$0x16] =	wrdreg s24  }
0x1b: {  	s30 =	simm.s32 $0x4;
	s9 =	simm.s32 $0x500;
	[dreg:$0x17] =	wrdreg s26  }
0x1c: {  	s7 =	sadd.s32 s21, s7;
	s13 =	simm.s32 $0x600;
	[dreg:$0x18] =	wrdreg s9  }
0x1d: {  	s1 =	sshrl.u32 s1, $0x3;
	s17 =	simm.s32 $0x700;
	[dreg:$0x1a] =	wrdreg s13  }
0x1e: {  	s1 =	sadd.s32 s1, s5;
	s19 =	simm.s32 $0xF80;
	[dreg:$0x1c] =	wrdreg s17  }
0x1f: {  	s7 =	sshrl.u32 s7, $0x4;
	s6 =	sadd.s32 $0x16400, s1;
	[dreg:$0x1e] =	wrdreg s19  }
0x20: {  	s5 =	sadd.s32 s7, s5;
	s1 =	sadd.s32 $0xC400, s1;
	[dreg:$0x4] =	wrdreg s6  }
0x21: {  	s31 =	simm.s32 $0x5;
	s5 =	sadd.s32 $0x70400, s5;
	[dreg:$0x5] =	wrdreg s1  }
0x22: {  	s0 =	simm.s32 $0x7;
	s20 =	simm.s32 $0x1000;
	[smem:$0x7F6] =	sst s5  }
0x23: {  	s7 =	simm.s32 $0x9;
	s22 =	simm.s32 $0x1100;
	[dreg:$0x1f] =	wrdreg s20  }
0x24: {  	s11 =	simm.s32 $0x1200;
	s24 =	simm.s32 $0x800;
	[smem:$0x7F9] =	sst s22  }
0x25: {  	s26 =	simm.s32 $0x900;
	s6 =	sshrl.u32 s21, $0x1;
	[smem:$0x7FB] =	sst s24  }
0x26: {  	s15 =	simm.s32 $0x0;
	[smem:$0x7FD] =	sst s26;
	s6 =	sadd.s32 s6, s3  }
0x27: {  	[smem:$0x7EC] =	sst s6;
	s6 =	sadd.s32 s18, s3;
	s18 =	simm.s32 $0xF00  }
0x28: {  	s19 =	simm.s32 $0xA00;
	s21 =	sadd.s32 $0x1000, s6;
	[dreg:$0x1d] =	wrdreg s18  }
0x29: {  	s9 =	simm.s32 $0x980;
	s23 =	sadd.s32 $0x2000, s6;
	[smem:$0x7ED] =	sst s21  }
0x2a: {  	s13 =	simm.s32 $0x1300;
	s25 =	sadd.s32 $0x3000, s6;
	[smem:$0x7EE] =	sst s23  }
0x2b: {  	s20 =	simm.s32 $0x7D;
	s8 =	sadd.s32 $0x4000, s6;
	[smem:$0x7EF] =	sst s25  }
0x2c: {  	s22 =	simm.s32 $0xE340;
	s10 =	sadd.s32 $0x5000, s6;
	[smem:$0x7F0] =	sst s8  }
0x2d: {  	s24 =	simm.s32 $0x121C0;
	s12 =	sadd.s32 $0x6000, s6;
	[smem:$0x7F1] =	sst s10  }
0x2e: {  	s26 =	simm.s32 $0x1;
	s14 =	sadd.s32 $0x7000, s6;
	[smem:$0x7F2] =	sst s12  }
0x2f: {  	s1 =	simm.s32 $0x6;
	s16 =	sadd.s32 $0x8000, s6;
	[smem:$0x7F3] =	sst s14  }
0x30: {  	s6 =	sadd.s32 $0x9000, s6;
	s18 =	simm.s32 $0xB;
	[smem:$0x7F4] =	sst s16  }
0x31: {  	[smem:$0x7F5] =	sst s6;
	s21 =	simm.s32 $0x1080;
	s23 =	simm.s32 $0x780  }
0x32: {  	s25 =	simm.s32 $0x880;
	s6 =	simm.s32 $0x8;
	s8 =	simm.s32 $0xA  }
0x33: {  	s10 =	simm.s32 $0x1180;
	s12 =	simm.s32 $0x1280;
	[smem:$0x7F8] =	sst s21  }
0x34: {  	s14 =	simm.s32 $0x1380;
	[smem:$0x7FA] =	sst s23;
	s21 =	simm.s32 $0xC400  }
0x35: {  	v0 =	vimm.bf16 $0.0e+00;
	[smem:$0x7FC] =	sst s25;
	s23 =	simm.s32 $0x10280;
	s25 =	simm.s32 $0x14100  }
.LBB2_1:
0x36: {  	[smem:$0x7EB] =	sst s15;
	s16 =	simm.s32 $0x100;
	s5 =	simm.s32 $0x0  }
.LBB2_2:
0x37: {  	p0 =	sne.s32 s16, $0x3F00;
	[tilespmem:s5+$0x1430] =	vst v0;
	s17 =	smov.u32 s16;
	s16 =	sadd.s32 $0x100, s16  }
.Ltmp0:
0x38: {  	[tilespmem:s5+$0x1420] =	vst v0;
	(pc) =	sbr.rel @p0 .LBB2_2-.Ltmp0, $3  }
0x39: {  	[tilespmem:s5+$0x1400] =	vst v0  }
0x3a: {  	[tilespmem:s5+$0x1410] =	vst v0;
	_ =	sdelay $0x1  }
0x3b: {  	s5 =	sshra.s32 s17, $0x2  }
0x3c: {  	[tilespmem:s5+$0x1430] =	vst v0  }
0x3d: {  	[tilespmem:s5+$0x1420] =	vst v0;
	s16 =	sld [smem:$0x7EC]  }
0x3e: {  	[tilespmem:s5+$0x1400] =	vst v0  }
0x3f: {  	[tilespmem:s5+$0x1410] =	vst v0;
	s15 =	simm.s32 $0x1400  }
0x40: {  	[spmem:s16] =	stream.linear.scatter [tilespmem:s15], [sflag:$0xB], $0x1000, $0x38;
	[tilespmem:$0x16040] =	vst v63  }
0x41: {  	_ =	swait.ge [sflag:s18], $0x1000  }
0x42: {  	s17 =	sld [smem:$0x7ED]  }
0x43: {  	[sflag:s18] =	ssyncset.done $0x0  }
0x44: {  	[sflag:s18] =	ssyncadd.s32 $0xFFFFF000  }
0x45: {  	[spmem:s17] =	stream.linear.scatter [tilespmem:s15], [sflag:$0xB], $0x1000, $0x38;
	[tilespmem:$0x16040] =	vst v63  }
0x46: {  	_ =	swait.ge [sflag:s18], $0x1000  }
0x47: {  	s16 =	sld [smem:$0x7EE]  }
0x48: {  	[sflag:s18] =	ssyncset.done $0x0  }
0x49: {  	[sflag:s18] =	ssyncadd.s32 $0xFFFFF000  }
0x4a: {  	[spmem:s16] =	stream.linear.scatter [tilespmem:s15], [sflag:$0xB], $0x1000, $0x38;
	[tilespmem:$0x16040] =	vst v63  }
0x4b: {  	_ =	swait.ge [sflag:s18], $0x1000  }
0x4c: {  	s17 =	sld [smem:$0x7EF]  }
0x4d: {  	[sflag:s18] =	ssyncset.done $0x0  }
0x4e: {  	[sflag:s18] =	ssyncadd.s32 $0xFFFFF000  }
0x4f: {  	[spmem:s17] =	stream.linear.scatter [tilespmem:s15], [sflag:$0xB], $0x1000, $0x38;
	[tilespmem:$0x16040] =	vst v63  }
0x50: {  	_ =	swait.ge [sflag:s18], $0x1000  }
0x51: {  	s16 =	sld [smem:$0x7F0]  }
0x52: {  	[sflag:s18] =	ssyncset.done $0x0  }
0x53: {  	[sflag:s18] =	ssyncadd.s32 $0xFFFFF000  }
0x54: {  	[spmem:s16] =	stream.linear.scatter [tilespmem:s15], [sflag:$0xB], $0x1000, $0x38;
	[tilespmem:$0x16040] =	vst v63  }
0x55: {  	_ =	swait.ge [sflag:s18], $0x1000  }
0x56: {  	s17 =	sld [smem:$0x7F1]  }
0x57: {  	[sflag:s18] =	ssyncset.done $0x0  }
0x58: {  	[sflag:s18] =	ssyncadd.s32 $0xFFFFF000  }
0x59: {  	[spmem:s17] =	stream.linear.scatter [tilespmem:s15], [sflag:$0xB], $0x1000, $0x38;
	[tilespmem:$0x16040] =	vst v63  }
0x5a: {  	_ =	swait.ge [sflag:s18], $0x1000  }
0x5b: {  	s16 =	sld [smem:$0x7F2]  }
0x5c: {  	[sflag:s18] =	ssyncset.done $0x0  }
0x5d: {  	[sflag:s18] =	ssyncadd.s32 $0xFFFFF000  }
0x5e: {  	[spmem:s16] =	stream.linear.scatter [tilespmem:s15], [sflag:$0xB], $0x1000, $0x38;
	[tilespmem:$0x16040] =	vst v63  }
0x5f: {  	_ =	swait.ge [sflag:s18], $0x1000  }
0x60: {  	s17 =	sld [smem:$0x7F3]  }
0x61: {  	[sflag:s18] =	ssyncset.done $0x0  }
0x62: {  	[sflag:s18] =	ssyncadd.s32 $0xFFFFF000  }
0x63: {  	[spmem:s17] =	stream.linear.scatter [tilespmem:s15], [sflag:$0xB], $0x1000, $0x38;
	[tilespmem:$0x16040] =	vst v63  }
0x64: {  	_ =	swait.ge [sflag:s18], $0x1000  }
0x65: {  	s16 =	sld [smem:$0x7F4]  }
0x66: {  	[sflag:s18] =	ssyncset.done $0x0  }
0x67: {  	[sflag:s18] =	ssyncadd.s32 $0xFFFFF000  }
0x68: {  	[spmem:s16] =	stream.linear.scatter [tilespmem:s15], [sflag:$0xB], $0x1000, $0x38;
	[tilespmem:$0x16040] =	vst v63  }
0x69: {  	_ =	swait.ge [sflag:s18], $0x1000  }
0x6a: {  	s17 =	sld [smem:$0x7F5]  }
0x6b: {  	[sflag:s18] =	ssyncset.done $0x0  }
0x6c: {  	[sflag:s18] =	ssyncadd.s32 $0xFFFFF000  }
0x6d: {  	[spmem:s17] =	stream.linear.scatter [tilespmem:s15], [sflag:$0xB], $0x1000, $0x38;
	[tilespmem:$0x16040] =	vst v63  }
0x6e: {  	_ =	swait.ge [sflag:s18], $0x1000  }
0x6f: {  	[sflag:s18] =	ssyncset.done $0x0  }
0x70: {  	[sflag:s18] =	ssyncadd.s32 $0xFFFFF000  }
0x71: {  	[bflag:$0x0] =	sbarrier.arrive $0xFFFF  }
0x72: {  	s16 =	rddreg [dreg:$0x5]  }
0x73: {  	s5 =	sadd.s32 $0x0, s16  }
0x74: {  	[tilespmem:s4], [sflag:$0xB] =	stream.linear.gather [hbm4b:s5+s4], $0xA00, $0x38;
	[tilespmem:$0x16040] =	vst v63  }
0x75: {  	_ =	swait.ge [sflag:s18], $0xA00  }
0x76: {  	s17 =	rddreg [dreg:$0x4];
	[sflag:s18] =	ssyncset.done $0x0  }
0x77: {  	[sflag:s18] =	ssyncadd.s32 $0xFFFFF600;
	s5 =	sadd.s32 $0x0, s17  }
0x78: {  	[tilespmem:s19], [sflag:$0xB] =	stream.linear.gather [hbm4b:s5+s4], $0xA00, $0x38;
	[tilespmem:$0x16040] =	vst v63  }
0x79: {  	_ =	swait.ge [sflag:s18], $0xA00  }
0x7a: {  	[sflag:s18] =	ssyncset.done $0x0  }
0x7b: {  	[sflag:s18] =	ssyncadd.s32 $0xFFFFF600  }
0x7c: {  	[tilespmem:s21], [sflag:$0x1] =	stream.indirect.gather [hbm4b:s2+s20], $0x40, s4, s20, $0xb8;
	[tilespmem:$0x16040] =	vst v63  }
0x7d: {  	s15 =	rddreg [dreg:$0x6]  }
0x7e: {  	[tilespmem:s22], [sflag:$0x2] =	stream.indirect.gather [hbm4b:s2+s20], $0x40, s15, s20, $0xb8;
	[tilespmem:$0x16040] =	vst v63  }
0x7f: {  	s16 =	rddreg [dreg:$0x7]  }
0x80: {  	[tilespmem:s23], [sflag:$0x3] =	stream.indirect.gather [hbm4b:s2+s20], $0x40, s16, s20, $0xb8;
	[tilespmem:$0x16040] =	vst v63  }
0x81: {  	s17 =	rddreg [dreg:$0x8]  }
0x82: {  	[tilespmem:s24], [sflag:$0x4] =	stream.indirect.gather [hbm4b:s2+s20], $0x40, s17, s20, $0xb8;
	[tilespmem:$0x16040] =	vst v63  }
0x83: {  	s15 =	rddreg [dreg:$0x9]  }
0x84: {  	[tilespmem:s25], [sflag:$0x5] =	stream.indirect.gather [hbm4b:s2+s20], $0x40, s15, s20, $0xb8;
	[tilespmem:$0x16040] =	vst v63  }
0x85: {  	_ =	swait.ge [sflag:s26], $0x1F40  }
0x86: {  	[sflag:s26] =	ssyncset.done $0x0  }
0x87: {  	[sflag:s26] =	ssyncadd.s32 $0xFFFFE0C0  }
0x88: {  	[spmem:s3] =	stream.indirect.scatter.add.bf16 [tilespmem:s21], [sflag:$0x6], $0x40, s19, s20, $0xb8;
	[tilespmem:$0x16040] =	vst v63  }
0x89: {  	_ =	swait.ge [sflag:s28], $0x1F40  }
0x8a: {  	[sflag:s28] =	ssyncset.done $0x0  }
0x8b: {  	s17 =	rddreg [dreg:$0xa];
	[sflag:s28] =	ssyncadd.s32 $0xFFFFE0C0  }
0x8c: {  	[spmem:s3] =	stream.indirect.scatter.add.bf16 [tilespmem:s22], [sflag:$0x7], $0x40, s17, s20, $0xb8;
	[tilespmem:$0x16040] =	vst v63  }
0x8d: {  	_ =	swait.ge [sflag:s29], $0x1F40  }
0x8e: {  	[sflag:s29] =	ssyncset.done $0x0  }
0x8f: {  	s15 =	rddreg [dreg:$0xb];
	[sflag:s29] =	ssyncadd.s32 $0xFFFFE0C0  }
0x90: {  	[spmem:s3] =	stream.indirect.scatter.add.bf16 [tilespmem:s23], [sflag:$0x8], $0x40, s15, s20, $0xb8;
	[tilespmem:$0x16040] =	vst v63  }
0x91: {  	_ =	swait.ge [sflag:s30], $0x1F40  }
0x92: {  	[sflag:s30] =	ssyncset.done $0x0  }
0x93: {  	s16 =	rddreg [dreg:$0xc];
	[sflag:s30] =	ssyncadd.s32 $0xFFFFE0C0  }
0x94: {  	[spmem:s3] =	stream.indirect.scatter.add.bf16 [tilespmem:s24], [sflag:$0x9], $0x40, s16, s20, $0xb8;
	[tilespmem:$0x16040] =	vst v63  }
0x95: {  	_ =	swait.ge [sflag:s31], $0x1F40  }
0x96: {  	[sflag:s31] =	ssyncset.done $0x0  }
0x97: {  	s17 =	rddreg [dreg:$0xd];
	[sflag:s31] =	ssyncadd.s32 $0xFFFFE0C0  }
0x98: {  	[spmem:s3] =	stream.indirect.scatter.add.bf16 [tilespmem:s25], [sflag:$0xA], $0x40, s17, s20, $0xb8;
	[tilespmem:$0x16040] =	vst v63  }
0x99: {  	_ =	swait.ge [sflag:s1], $0x1F40  }
0x9a: {  	[sflag:s1] =	ssyncset.done $0x0  }
0x9b: {  	s15 =	rddreg [dreg:$0xe];
	[sflag:s1] =	ssyncadd.s32 $0xFFFFE0C0  }
0x9c: {  	[tilespmem:s21], [sflag:$0x1] =	stream.indirect.gather [hbm4b:s2+s20], $0x40, s15, s20, $0xb8;
	[tilespmem:$0x16040] =	vst v63  }
0x9d: {  	_ =	swait.ge [sflag:s0], $0x1F40  }
0x9e: {  	[sflag:s0] =	ssyncset.done $0x0  }
0x9f: {  	s16 =	rddreg [dreg:$0xf];
	[sflag:s0] =	ssyncadd.s32 $0xFFFFE0C0  }
0xa0: {  	[tilespmem:s22], [sflag:$0x2] =	stream.indirect.gather [hbm4b:s2+s20], $0x40, s16, s20, $0xb8;
	[tilespmem:$0x16040] =	vst v63  }
0xa1: {  	_ =	swait.ge [sflag:s6], $0x1F40  }
0xa2: {  	[sflag:s6] =	ssyncset.done $0x0  }
0xa3: {  	s17 =	rddreg [dreg:$0x10];
	[sflag:s6] =	ssyncadd.s32 $0xFFFFE0C0  }
0xa4: {  	[tilespmem:s23], [sflag:$0x3] =	stream.indirect.gather [hbm4b:s2+s20], $0x40, s17, s20, $0xb8;
	[tilespmem:$0x16040] =	vst v63  }
0xa5: {  	_ =	swait.ge [sflag:s7], $0x1F40  }
0xa6: {  	[sflag:s7] =	ssyncset.done $0x0  }
0xa7: {  	s15 =	rddreg [dreg:$0x11];
	[sflag:s7] =	ssyncadd.s32 $0xFFFFE0C0  }
0xa8: {  	[tilespmem:s24], [sflag:$0x4] =	stream.indirect.gather [hbm4b:s2+s20], $0x40, s15, s20, $0xb8;
	[tilespmem:$0x16040] =	vst v63  }
0xa9: {  	_ =	swait.ge [sflag:s8], $0x1F40  }
0xaa: {  	[sflag:s8] =	ssyncset.done $0x0  }
0xab: {  	s16 =	rddreg [dreg:$0x12];
	[sflag:s8] =	ssyncadd.s32 $0xFFFFE0C0  }
0xac: {  	[tilespmem:s25], [sflag:$0x5] =	stream.indirect.gather [hbm4b:s2+s20], $0x40, s16, s20, $0xb8;
	[tilespmem:$0x16040] =	vst v63  }
0xad: {  	_ =	swait.ge [sflag:s26], $0x1F40  }
0xae: {  	[sflag:s26] =	ssyncset.done $0x0  }
0xaf: {  	s17 =	rddreg [dreg:$0x13];
	[sflag:s26] =	ssyncadd.s32 $0xFFFFE0C0  }
0xb0: {  	[spmem:s3] =	stream.indirect.scatter.add.bf16 [tilespmem:s21], [sflag:$0x6], $0x40, s17, s20, $0xb8;
	[tilespmem:$0x16040] =	vst v63  }
0xb1: {  	_ =	swait.ge [sflag:s28], $0x1F40  }
0xb2: {  	[sflag:s28] =	ssyncset.done $0x0  }
0xb3: {  	s15 =	rddreg [dreg:$0x14];
	[sflag:s28] =	ssyncadd.s32 $0xFFFFE0C0  }
0xb4: {  	[spmem:s3] =	stream.indirect.scatter.add.bf16 [tilespmem:s22], [sflag:$0x7], $0x40, s15, s20, $0xb8;
	[tilespmem:$0x16040] =	vst v63  }
0xb5: {  	_ =	swait.ge [sflag:s29], $0x1F40  }
0xb6: {  	[sflag:s29] =	ssyncset.done $0x0  }
0xb7: {  	s16 =	rddreg [dreg:$0x15];
	[sflag:s29] =	ssyncadd.s32 $0xFFFFE0C0  }
0xb8: {  	[spmem:s3] =	stream.indirect.scatter.add.bf16 [tilespmem:s23], [sflag:$0x8], $0x40, s16, s20, $0xb8;
	[tilespmem:$0x16040] =	vst v63  }
0xb9: {  	_ =	swait.ge [sflag:s30], $0x1F40  }
0xba: {  	[sflag:s30] =	ssyncset.done $0x0  }
0xbb: {  	s17 =	rddreg [dreg:$0x16];
	[sflag:s30] =	ssyncadd.s32 $0xFFFFE0C0  }
0xbc: {  	[spmem:s3] =	stream.indirect.scatter.add.bf16 [tilespmem:s24], [sflag:$0x9], $0x40, s17, s20, $0xb8;
	[tilespmem:$0x16040] =	vst v63  }
0xbd: {  	_ =	swait.ge [sflag:s31], $0x1F40  }
0xbe: {  	[sflag:s31] =	ssyncset.done $0x0  }
0xbf: {  	s15 =	rddreg [dreg:$0x17];
	[sflag:s31] =	ssyncadd.s32 $0xFFFFE0C0  }
0xc0: {  	[spmem:s3] =	stream.indirect.scatter.add.bf16 [tilespmem:s25], [sflag:$0xA], $0x40, s15, s20, $0xb8;
	[tilespmem:$0x16040] =	vst v63  }
0xc1: {  	_ =	swait.ge [sflag:s1], $0x1F40  }
0xc2: {  	[sflag:s1] =	ssyncset.done $0x0  }
0xc3: {  	s16 =	rddreg [dreg:$0x18];
	[sflag:s1] =	ssyncadd.s32 $0xFFFFE0C0  }
0xc4: {  	[tilespmem:s21], [sflag:$0x1] =	stream.indirect.gather [hbm4b:s2+s20], $0x40, s16, s20, $0xb8;
	[tilespmem:$0x16040] =	vst v63  }
0xc5: {  	_ =	swait.ge [sflag:s0], $0x1F40  }
0xc6: {  	[sflag:s0] =	ssyncset.done $0x0  }
0xc7: {  	s17 =	rddreg [dreg:$0x19];
	[sflag:s0] =	ssyncadd.s32 $0xFFFFE0C0  }
0xc8: {  	[tilespmem:s22], [sflag:$0x2] =	stream.indirect.gather [hbm4b:s2+s20], $0x40, s17, s20, $0xb8;
	[tilespmem:$0x16040] =	vst v63  }
0xc9: {  	_ =	swait.ge [sflag:s6], $0x1F40  }
0xca: {  	[sflag:s6] =	ssyncset.done $0x0  }
0xcb: {  	s15 =	rddreg [dreg:$0x1a];
	[sflag:s6] =	ssyncadd.s32 $0xFFFFE0C0  }
0xcc: {  	[tilespmem:s23], [sflag:$0x3] =	stream.indirect.gather [hbm4b:s2+s20], $0x40, s15, s20, $0xb8;
	[tilespmem:$0x16040] =	vst v63  }
0xcd: {  	_ =	swait.ge [sflag:s7], $0x1F40  }
0xce: {  	[sflag:s7] =	ssyncset.done $0x0  }
0xcf: {  	s16 =	rddreg [dreg:$0x1b];
	[sflag:s7] =	ssyncadd.s32 $0xFFFFE0C0  }
0xd0: {  	[tilespmem:s24], [sflag:$0x4] =	stream.indirect.gather [hbm4b:s2+s20], $0x40, s16, s20, $0xb8;
	[tilespmem:$0x16040] =	vst v63  }
0xd1: {  	_ =	swait.ge [sflag:s8], $0x1F40  }
0xd2: {  	[sflag:s8] =	ssyncset.done $0x0  }
0xd3: {  	s17 =	rddreg [dreg:$0x1c];
	[sflag:s8] =	ssyncadd.s32 $0xFFFFE0C0  }
0xd4: {  	[tilespmem:s25], [sflag:$0x5] =	stream.indirect.gather [hbm4b:s2+s20], $0x40, s17, s20, $0xb8;
	[tilespmem:$0x16040] =	vst v63  }
0xd5: {  	_ =	swait.ge [sflag:s26], $0x1F40  }
0xd6: {  	[sflag:s26] =	ssyncset.done $0x0  }
0xd7: {  	s15 =	rddreg [dreg:$0x1d];
	[sflag:s26] =	ssyncadd.s32 $0xFFFFE0C0  }
0xd8: {  	[spmem:s3] =	stream.indirect.scatter.add.bf16 [tilespmem:s21], [sflag:$0x6], $0x40, s15, s20, $0xb8;
	[tilespmem:$0x16040] =	vst v63  }
0xd9: {  	_ =	swait.ge [sflag:s28], $0x1F40  }
0xda: {  	[sflag:s28] =	ssyncset.done $0x0  }
0xdb: {  	s16 =	rddreg [dreg:$0x1e];
	[sflag:s28] =	ssyncadd.s32 $0xFFFFE0C0  }
0xdc: {  	[spmem:s3] =	stream.indirect.scatter.add.bf16 [tilespmem:s22], [sflag:$0x7], $0x40, s16, s20, $0xb8;
	[tilespmem:$0x16040] =	vst v63  }
0xdd: {  	_ =	swait.ge [sflag:s29], $0x1F40  }
0xde: {  	[sflag:s29] =	ssyncset.done $0x0  }
0xdf: {  	s17 =	rddreg [dreg:$0x1f];
	[sflag:s29] =	ssyncadd.s32 $0xFFFFE0C0  }
0xe0: {  	[spmem:s3] =	stream.indirect.scatter.add.bf16 [tilespmem:s23], [sflag:$0x8], $0x40, s17, s20, $0xb8;
	[tilespmem:$0x16040] =	vst v63  }
0xe1: {  	_ =	swait.ge [sflag:s30], $0x1F40  }
0xe2: {  	s15 =	sld [smem:$0x7F8]  }
0xe3: {  	[sflag:s30] =	ssyncset.done $0x0  }
0xe4: {  	[sflag:s30] =	ssyncadd.s32 $0xFFFFE0C0  }
0xe5: {  	[spmem:s3] =	stream.indirect.scatter.add.bf16 [tilespmem:s24], [sflag:$0x9], $0x40, s15, s20, $0xb8;
	[tilespmem:$0x16040] =	vst v63  }
0xe6: {  	_ =	swait.ge [sflag:s31], $0x1F40  }
0xe7: {  	s16 =	sld [smem:$0x7F9]  }
0xe8: {  	[sflag:s31] =	ssyncset.done $0x0  }
0xe9: {  	[sflag:s31] =	ssyncadd.s32 $0xFFFFE0C0  }
0xea: {  	[spmem:s3] =	stream.indirect.scatter.add.bf16 [tilespmem:s25], [sflag:$0xA], $0x40, s16, s20, $0xb8;
	[tilespmem:$0x16040] =	vst v63  }
0xeb: {  	_ =	swait.ge [sflag:s1], $0x1F40  }
0xec: {  	s17 =	sld [smem:$0x7FA]  }
0xed: {  	[sflag:s1] =	ssyncset.done $0x0  }
0xee: {  	[sflag:s1] =	ssyncadd.s32 $0xFFFFE0C0  }
0xef: {  	[tilespmem:s21], [sflag:$0x1] =	stream.indirect.gather [hbm4b:s2+s20], $0x40, s17, s20, $0xb8;
	[tilespmem:$0x16040] =	vst v63  }
0xf0: {  	_ =	swait.ge [sflag:s0], $0x1F40  }
0xf1: {  	s15 =	sld [smem:$0x7FB]  }
0xf2: {  	[sflag:s0] =	ssyncset.done $0x0  }
0xf3: {  	[sflag:s0] =	ssyncadd.s32 $0xFFFFE0C0  }
0xf4: {  	[tilespmem:s22], [sflag:$0x2] =	stream.indirect.gather [hbm4b:s2+s20], $0x40, s15, s20, $0xb8;
	[tilespmem:$0x16040] =	vst v63  }
0xf5: {  	_ =	swait.ge [sflag:s6], $0x1F40  }
0xf6: {  	s16 =	sld [smem:$0x7FC]  }
0xf7: {  	[sflag:s6] =	ssyncset.done $0x0  }
0xf8: {  	[sflag:s6] =	ssyncadd.s32 $0xFFFFE0C0  }
0xf9: {  	[tilespmem:s23], [sflag:$0x3] =	stream.indirect.gather [hbm4b:s2+s20], $0x40, s16, s20, $0xb8;
	[tilespmem:$0x16040] =	vst v63  }
0xfa: {  	_ =	swait.ge [sflag:s7], $0x1F40  }
0xfb: {  	s17 =	sld [smem:$0x7FD]  }
0xfc: {  	[sflag:s7] =	ssyncset.done $0x0  }
0xfd: {  	[sflag:s7] =	ssyncadd.s32 $0xFFFFE0C0  }
0xfe: {  	[tilespmem:s24], [sflag:$0x4] =	stream.indirect.gather [hbm4b:s2+s20], $0x40, s17, s20, $0xb8;
	[tilespmem:$0x16040] =	vst v63  }
0xff: {  	_ =	swait.ge [sflag:s8], $0x1F40  }
0x100: {  	[sflag:s8] =	ssyncset.done $0x0  }
0x101: {  	[sflag:s8] =	ssyncadd.s32 $0xFFFFE0C0  }
0x102: {  	[tilespmem:s25], [sflag:$0x5] =	stream.indirect.gather [hbm4b:s2+s20], $0x40, s9, s20, $0xb8;
	[tilespmem:$0x16040] =	vst v63  }
0x103: {  	_ =	swait.ge [sflag:s26], $0x1F40  }
0x104: {  	[sflag:s26] =	ssyncset.done $0x0  }
0x105: {  	[sflag:s26] =	ssyncadd.s32 $0xFFFFE0C0  }
0x106: {  	[spmem:s3] =	stream.indirect.scatter.add.bf16 [tilespmem:s21], [sflag:$0x6], $0x40, s10, s20, $0xb8;
	[tilespmem:$0x16040] =	vst v63  }
0x107: {  	_ =	swait.ge [sflag:s28], $0x1F40  }
0x108: {  	[sflag:s28] =	ssyncset.done $0x0  }
0x109: {  	[sflag:s28] =	ssyncadd.s32 $0xFFFFE0C0  }
0x10a: {  	[spmem:s3] =	stream.indirect.scatter.add.bf16 [tilespmem:s22], [sflag:$0x7], $0x40, s11, s20, $0xb8;
	[tilespmem:$0x16040] =	vst v63  }
0x10b: {  	_ =	swait.ge [sflag:s29], $0x1F40  }
0x10c: {  	[sflag:s29] =	ssyncset.done $0x0  }
0x10d: {  	[sflag:s29] =	ssyncadd.s32 $0xFFFFE0C0  }
0x10e: {  	[spmem:s3] =	stream.indirect.scatter.add.bf16 [tilespmem:s23], [sflag:$0x8], $0x40, s12, s20, $0xb8;
	[tilespmem:$0x16040] =	vst v63  }
0x10f: {  	_ =	swait.ge [sflag:s30], $0x1F40  }
0x110: {  	[sflag:s30] =	ssyncset.done $0x0  }
0x111: {  	[sflag:s30] =	ssyncadd.s32 $0xFFFFE0C0  }
0x112: {  	[spmem:s3] =	stream.indirect.scatter.add.bf16 [tilespmem:s24], [sflag:$0x9], $0x40, s13, s20, $0xb8;
	[tilespmem:$0x16040] =	vst v63  }
0x113: {  	_ =	swait.ge [sflag:s31], $0x1F40  }
0x114: {  	[sflag:s31] =	ssyncset.done $0x0  }
0x115: {  	[sflag:s31] =	ssyncadd.s32 $0xFFFFE0C0  }
0x116: {  	[spmem:s3] =	stream.indirect.scatter.add.bf16 [tilespmem:s25], [sflag:$0xA], $0x40, s14, s20, $0xb8;
	[tilespmem:$0x16040] =	vst v63  }
0x117: {  	_ =	swait.ge [sflag:s1], $0x1F40  }
0x118: {  	[sflag:s1] =	ssyncset.done $0x0  }
0x119: {  	[sflag:s1] =	ssyncadd.s32 $0xFFFFE0C0  }
0x11a: {  	_ =	swait.ge [sflag:s0], $0x1F40  }
0x11b: {  	[sflag:s0] =	ssyncset.done $0x0  }
0x11c: {  	[sflag:s0] =	ssyncadd.s32 $0xFFFFE0C0  }
0x11d: {  	_ =	swait.ge [sflag:s6], $0x1F40  }
0x11e: {  	[sflag:s6] =	ssyncset.done $0x0  }
0x11f: {  	[sflag:s6] =	ssyncadd.s32 $0xFFFFE0C0  }
0x120: {  	_ =	swait.ge [sflag:s7], $0x1F40  }
0x121: {  	[sflag:s7] =	ssyncset.done $0x0  }
0x122: {  	[sflag:s7] =	ssyncadd.s32 $0xFFFFE0C0  }
0x123: {  	s5 =	simm.s32 $0x280;
	_ =	swait.ge [sflag:s8], $0x1F40  }
0x124: {  	s16 =	simm.s32 $0x140;
	s17 =	rddreg [dreg:$0x5];
	[sflag:s8] =	ssyncset.done $0x0  }
.LBB2_4:
0x125: {  	[sflag:s8] =	ssyncadd.s32 $0xFFFFE0C0;
	s17 =	sadd.s32 s16, s17  }
0x126: {  	[tilespmem:s4], [sflag:$0xB] =	stream.linear.gather [hbm4b:s17+s4], $0xA00, $0x38;
	[tilespmem:$0x16040] =	vst v63  }
0x127: {  	_ =	swait.ge [sflag:s18], $0xA00  }
0x128: {  	s17 =	rddreg [dreg:$0x4];
	[sflag:s18] =	ssyncset.done $0x0  }
0x129: {  	[sflag:s18] =	ssyncadd.s32 $0xFFFFF600;
	s17 =	sadd.s32 s16, s17  }
0x12a: {  	[tilespmem:s19], [sflag:$0xB] =	stream.linear.gather [hbm4b:s17+s4], $0xA00, $0x38;
	[tilespmem:$0x16040] =	vst v63  }
0x12b: {  	_ =	swait.ge [sflag:s18], $0xA00  }
0x12c: {  	[sflag:s18] =	ssyncset.done $0x0  }
0x12d: {  	s15 =	smov.u32 s5;
	[sflag:s18] =	ssyncadd.s32 $0xFFFFF600  }
0x12e: {  	[tilespmem:s21], [sflag:$0x1] =	stream.indirect.gather [hbm4b:s2+s20], $0x40, s4, s20, $0xb8;
	[tilespmem:$0x16040] =	vst v63  }
0x12f: {  	s16 =	smov.u32 s15;
	s15 =	rddreg [dreg:$0x6]  }
0x130: {  	[tilespmem:s22], [sflag:$0x2] =	stream.indirect.gather [hbm4b:s2+s20], $0x40, s15, s20, $0xb8;
	[tilespmem:$0x16040] =	vst v63  }
0x131: {  	s17 =	rddreg [dreg:$0x7]  }
0x132: {  	[tilespmem:s23], [sflag:$0x3] =	stream.indirect.gather [hbm4b:s2+s20], $0x40, s17, s20, $0xb8;
	[tilespmem:$0x16040] =	vst v63  }
0x133: {  	s15 =	rddreg [dreg:$0x8]  }
0x134: {  	[tilespmem:s24], [sflag:$0x4] =	stream.indirect.gather [hbm4b:s2+s20], $0x40, s15, s20, $0xb8;
	[tilespmem:$0x16040] =	vst v63  }
0x135: {  	s17 =	rddreg [dreg:$0x9]  }
0x136: {  	[tilespmem:s25], [sflag:$0x5] =	stream.indirect.gather [hbm4b:s2+s20], $0x40, s17, s20, $0xb8;
	[tilespmem:$0x16040] =	vst v63  }
0x137: {  	_ =	swait.ge [sflag:s26], $0x1F40  }
0x138: {  	[sflag:s26] =	ssyncset.done $0x0  }
0x139: {  	[sflag:s26] =	ssyncadd.s32 $0xFFFFE0C0  }
0x13a: {  	[spmem:s3] =	stream.indirect.scatter.add.bf16 [tilespmem:s21], [sflag:$0x6], $0x40, s19, s20, $0xb8;
	[tilespmem:$0x16040] =	vst v63  }
0x13b: {  	_ =	swait.ge [sflag:s28], $0x1F40  }
0x13c: {  	[sflag:s28] =	ssyncset.done $0x0  }
0x13d: {  	s17 =	rddreg [dreg:$0xa];
	[sflag:s28] =	ssyncadd.s32 $0xFFFFE0C0  }
0x13e: {  	[spmem:s3] =	stream.indirect.scatter.add.bf16 [tilespmem:s22], [sflag:$0x7], $0x40, s17, s20, $0xb8;
	[tilespmem:$0x16040] =	vst v63  }
0x13f: {  	_ =	swait.ge [sflag:s29], $0x1F40  }
0x140: {  	[sflag:s29] =	ssyncset.done $0x0  }
0x141: {  	s17 =	rddreg [dreg:$0xb];
	[sflag:s29] =	ssyncadd.s32 $0xFFFFE0C0  }
0x142: {  	[spmem:s3] =	stream.indirect.scatter.add.bf16 [tilespmem:s23], [sflag:$0x8], $0x40, s17, s20, $0xb8;
	[tilespmem:$0x16040] =	vst v63  }
0x143: {  	_ =	swait.ge [sflag:s30], $0x1F40  }
0x144: {  	[sflag:s30] =	ssyncset.done $0x0  }
0x145: {  	s17 =	rddreg [dreg:$0xc];
	[sflag:s30] =	ssyncadd.s32 $0xFFFFE0C0  }
0x146: {  	[spmem:s3] =	stream.indirect.scatter.add.bf16 [tilespmem:s24], [sflag:$0x9], $0x40, s17, s20, $0xb8;
	[tilespmem:$0x16040] =	vst v63  }
0x147: {  	_ =	swait.ge [sflag:s31], $0x1F40  }
0x148: {  	[sflag:s31] =	ssyncset.done $0x0  }
0x149: {  	s17 =	rddreg [dreg:$0xd];
	[sflag:s31] =	ssyncadd.s32 $0xFFFFE0C0  }
0x14a: {  	[spmem:s3] =	stream.indirect.scatter.add.bf16 [tilespmem:s25], [sflag:$0xA], $0x40, s17, s20, $0xb8;
	[tilespmem:$0x16040] =	vst v63  }
0x14b: {  	_ =	swait.ge [sflag:s1], $0x1F40  }
0x14c: {  	[sflag:s1] =	ssyncset.done $0x0  }
0x14d: {  	s17 =	rddreg [dreg:$0xe];
	[sflag:s1] =	ssyncadd.s32 $0xFFFFE0C0  }
0x14e: {  	[tilespmem:s21], [sflag:$0x1] =	stream.indirect.gather [hbm4b:s2+s20], $0x40, s17, s20, $0xb8;
	[tilespmem:$0x16040] =	vst v63  }
0x14f: {  	_ =	swait.ge [sflag:s0], $0x1F40  }
0x150: {  	[sflag:s0] =	ssyncset.done $0x0  }
0x151: {  	s17 =	rddreg [dreg:$0xf];
	[sflag:s0] =	ssyncadd.s32 $0xFFFFE0C0  }
0x152: {  	[tilespmem:s22], [sflag:$0x2] =	stream.indirect.gather [hbm4b:s2+s20], $0x40, s17, s20, $0xb8;
	[tilespmem:$0x16040] =	vst v63  }
0x153: {  	_ =	swait.ge [sflag:s6], $0x1F40  }
0x154: {  	[sflag:s6] =	ssyncset.done $0x0  }
0x155: {  	s17 =	rddreg [dreg:$0x10];
	[sflag:s6] =	ssyncadd.s32 $0xFFFFE0C0  }
0x156: {  	[tilespmem:s23], [sflag:$0x3] =	stream.indirect.gather [hbm4b:s2+s20], $0x40, s17, s20, $0xb8;
	[tilespmem:$0x16040] =	vst v63  }
0x157: {  	_ =	swait.ge [sflag:s7], $0x1F40  }
0x158: {  	[sflag:s7] =	ssyncset.done $0x0  }
0x159: {  	s17 =	rddreg [dreg:$0x11];
	[sflag:s7] =	ssyncadd.s32 $0xFFFFE0C0  }
0x15a: {  	[tilespmem:s24], [sflag:$0x4] =	stream.indirect.gather [hbm4b:s2+s20], $0x40, s17, s20, $0xb8;
	[tilespmem:$0x16040] =	vst v63  }
0x15b: {  	_ =	swait.ge [sflag:s8], $0x1F40  }
0x15c: {  	[sflag:s8] =	ssyncset.done $0x0  }
0x15d: {  	s17 =	rddreg [dreg:$0x12];
	[sflag:s8] =	ssyncadd.s32 $0xFFFFE0C0  }
0x15e: {  	[tilespmem:s25], [sflag:$0x5] =	stream.indirect.gather [hbm4b:s2+s20], $0x40, s17, s20, $0xb8;
	[tilespmem:$0x16040] =	vst v63  }
0x15f: {  	_ =	swait.ge [sflag:s26], $0x1F40  }
0x160: {  	[sflag:s26] =	ssyncset.done $0x0  }
0x161: {  	s17 =	rddreg [dreg:$0x13];
	[sflag:s26] =	ssyncadd.s32 $0xFFFFE0C0  }
0x162: {  	[spmem:s3] =	stream.indirect.scatter.add.bf16 [tilespmem:s21], [sflag:$0x6], $0x40, s17, s20, $0xb8;
	[tilespmem:$0x16040] =	vst v63  }
0x163: {  	_ =	swait.ge [sflag:s28], $0x1F40  }
0x164: {  	[sflag:s28] =	ssyncset.done $0x0  }
0x165: {  	s17 =	rddreg [dreg:$0x14];
	[sflag:s28] =	ssyncadd.s32 $0xFFFFE0C0  }
0x166: {  	[spmem:s3] =	stream.indirect.scatter.add.bf16 [tilespmem:s22], [sflag:$0x7], $0x40, s17, s20, $0xb8;
	[tilespmem:$0x16040] =	vst v63  }
0x167: {  	_ =	swait.ge [sflag:s29], $0x1F40  }
0x168: {  	[sflag:s29] =	ssyncset.done $0x0  }
0x169: {  	s17 =	rddreg [dreg:$0x15];
	[sflag:s29] =	ssyncadd.s32 $0xFFFFE0C0  }
0x16a: {  	[spmem:s3] =	stream.indirect.scatter.add.bf16 [tilespmem:s23], [sflag:$0x8], $0x40, s17, s20, $0xb8;
	[tilespmem:$0x16040] =	vst v63  }
0x16b: {  	_ =	swait.ge [sflag:s30], $0x1F40  }
0x16c: {  	[sflag:s30] =	ssyncset.done $0x0  }
0x16d: {  	s17 =	rddreg [dreg:$0x16];
	[sflag:s30] =	ssyncadd.s32 $0xFFFFE0C0  }
0x16e: {  	[spmem:s3] =	stream.indirect.scatter.add.bf16 [tilespmem:s24], [sflag:$0x9], $0x40, s17, s20, $0xb8;
	[tilespmem:$0x16040] =	vst v63  }
0x16f: {  	_ =	swait.ge [sflag:s31], $0x1F40  }
0x170: {  	[sflag:s31] =	ssyncset.done $0x0  }
0x171: {  	s17 =	rddreg [dreg:$0x17];
	[sflag:s31] =	ssyncadd.s32 $0xFFFFE0C0  }
0x172: {  	[spmem:s3] =	stream.indirect.scatter.add.bf16 [tilespmem:s25], [sflag:$0xA], $0x40, s17, s20, $0xb8;
	[tilespmem:$0x16040] =	vst v63  }
0x173: {  	_ =	swait.ge [sflag:s1], $0x1F40  }
0x174: {  	[sflag:s1] =	ssyncset.done $0x0  }
0x175: {  	s17 =	rddreg [dreg:$0x18];
	[sflag:s1] =	ssyncadd.s32 $0xFFFFE0C0  }
0x176: {  	[tilespmem:s21], [sflag:$0x1] =	stream.indirect.gather [hbm4b:s2+s20], $0x40, s17, s20, $0xb8;
	[tilespmem:$0x16040] =	vst v63  }
0x177: {  	_ =	swait.ge [sflag:s0], $0x1F40  }
0x178: {  	[sflag:s0] =	ssyncset.done $0x0  }
0x179: {  	s17 =	rddreg [dreg:$0x19];
	[sflag:s0] =	ssyncadd.s32 $0xFFFFE0C0  }
0x17a: {  	[tilespmem:s22], [sflag:$0x2] =	stream.indirect.gather [hbm4b:s2+s20], $0x40, s17, s20, $0xb8;
	[tilespmem:$0x16040] =	vst v63  }
0x17b: {  	_ =	swait.ge [sflag:s6], $0x1F40  }
0x17c: {  	[sflag:s6] =	ssyncset.done $0x0  }
0x17d: {  	s17 =	rddreg [dreg:$0x1a];
	[sflag:s6] =	ssyncadd.s32 $0xFFFFE0C0  }
0x17e: {  	[tilespmem:s23], [sflag:$0x3] =	stream.indirect.gather [hbm4b:s2+s20], $0x40, s17, s20, $0xb8;
	[tilespmem:$0x16040] =	vst v63  }
0x17f: {  	_ =	swait.ge [sflag:s7], $0x1F40  }
0x180: {  	[sflag:s7] =	ssyncset.done $0x0  }
0x181: {  	s17 =	rddreg [dreg:$0x1b];
	[sflag:s7] =	ssyncadd.s32 $0xFFFFE0C0  }
0x182: {  	[tilespmem:s24], [sflag:$0x4] =	stream.indirect.gather [hbm4b:s2+s20], $0x40, s17, s20, $0xb8;
	[tilespmem:$0x16040] =	vst v63  }
0x183: {  	_ =	swait.ge [sflag:s8], $0x1F40  }
0x184: {  	[sflag:s8] =	ssyncset.done $0x0  }
0x185: {  	s17 =	rddreg [dreg:$0x1c];
	[sflag:s8] =	ssyncadd.s32 $0xFFFFE0C0  }
0x186: {  	[tilespmem:s25], [sflag:$0x5] =	stream.indirect.gather [hbm4b:s2+s20], $0x40, s17, s20, $0xb8;
	[tilespmem:$0x16040] =	vst v63  }
0x187: {  	_ =	swait.ge [sflag:s26], $0x1F40  }
0x188: {  	[sflag:s26] =	ssyncset.done $0x0  }
0x189: {  	s17 =	rddreg [dreg:$0x1d];
	[sflag:s26] =	ssyncadd.s32 $0xFFFFE0C0  }
0x18a: {  	[spmem:s3] =	stream.indirect.scatter.add.bf16 [tilespmem:s21], [sflag:$0x6], $0x40, s17, s20, $0xb8;
	[tilespmem:$0x16040] =	vst v63  }
0x18b: {  	_ =	swait.ge [sflag:s28], $0x1F40  }
0x18c: {  	[sflag:s28] =	ssyncset.done $0x0  }
0x18d: {  	s17 =	rddreg [dreg:$0x1e];
	[sflag:s28] =	ssyncadd.s32 $0xFFFFE0C0  }
0x18e: {  	[spmem:s3] =	stream.indirect.scatter.add.bf16 [tilespmem:s22], [sflag:$0x7], $0x40, s17, s20, $0xb8;
	[tilespmem:$0x16040] =	vst v63  }
0x18f: {  	_ =	swait.ge [sflag:s29], $0x1F40  }
0x190: {  	[sflag:s29] =	ssyncset.done $0x0  }
0x191: {  	s17 =	rddreg [dreg:$0x1f];
	[sflag:s29] =	ssyncadd.s32 $0xFFFFE0C0  }
0x192: {  	[spmem:s3] =	stream.indirect.scatter.add.bf16 [tilespmem:s23], [sflag:$0x8], $0x40, s17, s20, $0xb8;
	[tilespmem:$0x16040] =	vst v63  }
0x193: {  	_ =	swait.ge [sflag:s30], $0x1F40  }
0x194: {  	s17 =	sld [smem:$0x7F8]  }
0x195: {  	[sflag:s30] =	ssyncset.done $0x0  }
0x196: {  	[sflag:s30] =	ssyncadd.s32 $0xFFFFE0C0  }
0x197: {  	[spmem:s3] =	stream.indirect.scatter.add.bf16 [tilespmem:s24], [sflag:$0x9], $0x40, s17, s20, $0xb8;
	[tilespmem:$0x16040] =	vst v63  }
0x198: {  	_ =	swait.ge [sflag:s31], $0x1F40  }
0x199: {  	s17 =	sld [smem:$0x7F9]  }
0x19a: {  	[sflag:s31] =	ssyncset.done $0x0  }
0x19b: {  	[sflag:s31] =	ssyncadd.s32 $0xFFFFE0C0  }
0x19c: {  	[spmem:s3] =	stream.indirect.scatter.add.bf16 [tilespmem:s25], [sflag:$0xA], $0x40, s17, s20, $0xb8;
	[tilespmem:$0x16040] =	vst v63  }
0x19d: {  	_ =	swait.ge [sflag:s1], $0x1F40  }
0x19e: {  	s17 =	sld [smem:$0x7FA]  }
0x19f: {  	[sflag:s1] =	ssyncset.done $0x0  }
0x1a0: {  	[sflag:s1] =	ssyncadd.s32 $0xFFFFE0C0  }
0x1a1: {  	[tilespmem:s21], [sflag:$0x1] =	stream.indirect.gather [hbm4b:s2+s20], $0x40, s17, s20, $0xb8;
	[tilespmem:$0x16040] =	vst v63  }
0x1a2: {  	_ =	swait.ge [sflag:s0], $0x1F40  }
0x1a3: {  	s17 =	sld [smem:$0x7FB]  }
0x1a4: {  	[sflag:s0] =	ssyncset.done $0x0  }
0x1a5: {  	[sflag:s0] =	ssyncadd.s32 $0xFFFFE0C0  }
0x1a6: {  	[tilespmem:s22], [sflag:$0x2] =	stream.indirect.gather [hbm4b:s2+s20], $0x40, s17, s20, $0xb8;
	[tilespmem:$0x16040] =	vst v63  }
0x1a7: {  	_ =	swait.ge [sflag:s6], $0x1F40  }
0x1a8: {  	s17 =	sld [smem:$0x7FC]  }
0x1a9: {  	[sflag:s6] =	ssyncset.done $0x0  }
0x1aa: {  	[sflag:s6] =	ssyncadd.s32 $0xFFFFE0C0  }
0x1ab: {  	[tilespmem:s23], [sflag:$0x3] =	stream.indirect.gather [hbm4b:s2+s20], $0x40, s17, s20, $0xb8;
	[tilespmem:$0x16040] =	vst v63  }
0x1ac: {  	_ =	swait.ge [sflag:s7], $0x1F40  }
0x1ad: {  	s17 =	sld [smem:$0x7FD]  }
0x1ae: {  	[sflag:s7] =	ssyncset.done $0x0  }
0x1af: {  	[sflag:s7] =	ssyncadd.s32 $0xFFFFE0C0  }
0x1b0: {  	[tilespmem:s24], [sflag:$0x4] =	stream.indirect.gather [hbm4b:s2+s20], $0x40, s17, s20, $0xb8;
	[tilespmem:$0x16040] =	vst v63  }
0x1b1: {  	_ =	swait.ge [sflag:s8], $0x1F40  }
0x1b2: {  	[sflag:s8] =	ssyncset.done $0x0  }
0x1b3: {  	[sflag:s8] =	ssyncadd.s32 $0xFFFFE0C0  }
0x1b4: {  	[tilespmem:s25], [sflag:$0x5] =	stream.indirect.gather [hbm4b:s2+s20], $0x40, s9, s20, $0xb8;
	[tilespmem:$0x16040] =	vst v63  }
0x1b5: {  	_ =	swait.ge [sflag:s26], $0x1F40  }
0x1b6: {  	[sflag:s26] =	ssyncset.done $0x0  }
0x1b7: {  	[sflag:s26] =	ssyncadd.s32 $0xFFFFE0C0  }
0x1b8: {  	[spmem:s3] =	stream.indirect.scatter.add.bf16 [tilespmem:s21], [sflag:$0x6], $0x40, s10, s20, $0xb8;
	[tilespmem:$0x16040] =	vst v63  }
0x1b9: {  	_ =	swait.ge [sflag:s28], $0x1F40  }
0x1ba: {  	[sflag:s28] =	ssyncset.done $0x0  }
0x1bb: {  	[sflag:s28] =	ssyncadd.s32 $0xFFFFE0C0  }
0x1bc: {  	[spmem:s3] =	stream.indirect.scatter.add.bf16 [tilespmem:s22], [sflag:$0x7], $0x40, s11, s20, $0xb8;
	[tilespmem:$0x16040] =	vst v63  }
0x1bd: {  	_ =	swait.ge [sflag:s29], $0x1F40  }
0x1be: {  	[sflag:s29] =	ssyncset.done $0x0  }
0x1bf: {  	[sflag:s29] =	ssyncadd.s32 $0xFFFFE0C0  }
0x1c0: {  	[spmem:s3] =	stream.indirect.scatter.add.bf16 [tilespmem:s23], [sflag:$0x8], $0x40, s12, s20, $0xb8;
	[tilespmem:$0x16040] =	vst v63  }
0x1c1: {  	_ =	swait.ge [sflag:s30], $0x1F40  }
0x1c2: {  	[sflag:s30] =	ssyncset.done $0x0  }
0x1c3: {  	[sflag:s30] =	ssyncadd.s32 $0xFFFFE0C0  }
0x1c4: {  	[spmem:s3] =	stream.indirect.scatter.add.bf16 [tilespmem:s24], [sflag:$0x9], $0x40, s13, s20, $0xb8;
	[tilespmem:$0x16040] =	vst v63  }
0x1c5: {  	_ =	swait.ge [sflag:s31], $0x1F40  }
0x1c6: {  	[sflag:s31] =	ssyncset.done $0x0  }
0x1c7: {  	[sflag:s31] =	ssyncadd.s32 $0xFFFFE0C0  }
0x1c8: {  	[spmem:s3] =	stream.indirect.scatter.add.bf16 [tilespmem:s25], [sflag:$0xA], $0x40, s14, s20, $0xb8;
	[tilespmem:$0x16040] =	vst v63  }
0x1c9: {  	_ =	swait.ge [sflag:s1], $0x1F40  }
0x1ca: {  	[sflag:s1] =	ssyncset.done $0x0  }
0x1cb: {  	[sflag:s1] =	ssyncadd.s32 $0xFFFFE0C0  }
0x1cc: {  	_ =	swait.ge [sflag:s0], $0x1F40  }
0x1cd: {  	[sflag:s0] =	ssyncset.done $0x0  }
0x1ce: {  	[sflag:s0] =	ssyncadd.s32 $0xFFFFE0C0  }
0x1cf: {  	_ =	swait.ge [sflag:s6], $0x1F40  }
0x1d0: {  	[sflag:s6] =	ssyncset.done $0x0  }
0x1d1: {  	p0 =	sne.s32 s5, $0x3C0;
	[sflag:s6] =	ssyncadd.s32 $0xFFFFE0C0  }
.Ltmp1:
0x1d2: {  	_ =	swait.ge [sflag:s7], $0x1F40;
	(pc) =	sbr.rel @p0 .LBB2_4-.Ltmp1, $4  }
0x1d3: {  	[sflag:s7] =	ssyncset.done $0x0  }
0x1d4: {  	[sflag:s7] =	ssyncadd.s32 $0xFFFFE0C0  }
0x1d5: {  	_ =	swait.ge [sflag:s8], $0x1F40  }
0x1d6: {  	s5 =	sadd.s32 $0x140, s5;
	s17 =	rddreg [dreg:$0x5];
	[sflag:s8] =	ssyncset.done $0x0  }
0x1d7: {  	[sflag:s8] =	ssyncadd.s32 $0xFFFFE0C0;
	s5 =	sadd.s32 s16, s17  }
0x1d8: {  	[tilespmem:s4], [sflag:$0xB] =	stream.linear.gather [hbm4b:s5+s4], $0xA00, $0x38;
	[tilespmem:$0x16040] =	vst v63  }
0x1d9: {  	_ =	swait.ge [sflag:s18], $0xA00  }
0x1da: {  	s15 =	rddreg [dreg:$0x4];
	[sflag:s18] =	ssyncset.done $0x0  }
0x1db: {  	[sflag:s18] =	ssyncadd.s32 $0xFFFFF600;
	s5 =	sadd.s32 s16, s15  }
0x1dc: {  	[tilespmem:s19], [sflag:$0xB] =	stream.linear.gather [hbm4b:s5+s4], $0xA00, $0x38;
	[tilespmem:$0x16040] =	vst v63  }
0x1dd: {  	_ =	swait.ge [sflag:s18], $0xA00  }
0x1de: {  	[sflag:s18] =	ssyncset.done $0x0  }
0x1df: {  	[sflag:s18] =	ssyncadd.s32 $0xFFFFF600  }
0x1e0: {  	[tilespmem:s21], [sflag:$0x1] =	stream.indirect.gather [hbm4b:s2+s20], $0x40, s4, s20, $0xb8;
	[tilespmem:$0x16040] =	vst v63  }
0x1e1: {  	s16 =	rddreg [dreg:$0x6]  }
0x1e2: {  	[tilespmem:s22], [sflag:$0x2] =	stream.indirect.gather [hbm4b:s2+s20], $0x40, s16, s20, $0xb8;
	[tilespmem:$0x16040] =	vst v63  }
0x1e3: {  	s15 =	rddreg [dreg:$0x7]  }
0x1e4: {  	[tilespmem:s23], [sflag:$0x3] =	stream.indirect.gather [hbm4b:s2+s20], $0x40, s15, s20, $0xb8;
	[tilespmem:$0x16040] =	vst v63  }
0x1e5: {  	s17 =	rddreg [dreg:$0x8]  }
0x1e6: {  	[tilespmem:s24], [sflag:$0x4] =	stream.indirect.gather [hbm4b:s2+s20], $0x40, s17, s20, $0xb8;
	[tilespmem:$0x16040] =	vst v63  }
0x1e7: {  	s16 =	rddreg [dreg:$0x9]  }
0x1e8: {  	[tilespmem:s25], [sflag:$0x5] =	stream.indirect.gather [hbm4b:s2+s20], $0x40, s16, s20, $0xb8;
	[tilespmem:$0x16040] =	vst v63  }
0x1e9: {  	_ =	swait.ge [sflag:s26], $0x1F40  }
0x1ea: {  	[sflag:s26] =	ssyncset.done $0x0  }
0x1eb: {  	[sflag:s26] =	ssyncadd.s32 $0xFFFFE0C0  }
0x1ec: {  	[spmem:s3] =	stream.indirect.scatter.add.bf16 [tilespmem:s21], [sflag:$0x6], $0x40, s19, s20, $0xb8;
	[tilespmem:$0x16040] =	vst v63  }
0x1ed: {  	_ =	swait.ge [sflag:s28], $0x1F40  }
0x1ee: {  	[sflag:s28] =	ssyncset.done $0x0  }
0x1ef: {  	s17 =	rddreg [dreg:$0xa];
	[sflag:s28] =	ssyncadd.s32 $0xFFFFE0C0  }
0x1f0: {  	[spmem:s3] =	stream.indirect.scatter.add.bf16 [tilespmem:s22], [sflag:$0x7], $0x40, s17, s20, $0xb8;
	[tilespmem:$0x16040] =	vst v63  }
0x1f1: {  	_ =	swait.ge [sflag:s29], $0x1F40  }
0x1f2: {  	[sflag:s29] =	ssyncset.done $0x0  }
0x1f3: {  	s15 =	rddreg [dreg:$0xb];
	[sflag:s29] =	ssyncadd.s32 $0xFFFFE0C0  }
0x1f4: {  	[spmem:s3] =	stream.indirect.scatter.add.bf16 [tilespmem:s23], [sflag:$0x8], $0x40, s15, s20, $0xb8;
	[tilespmem:$0x16040] =	vst v63  }
0x1f5: {  	_ =	swait.ge [sflag:s30], $0x1F40  }
0x1f6: {  	[sflag:s30] =	ssyncset.done $0x0  }
0x1f7: {  	s16 =	rddreg [dreg:$0xc];
	[sflag:s30] =	ssyncadd.s32 $0xFFFFE0C0  }
0x1f8: {  	[spmem:s3] =	stream.indirect.scatter.add.bf16 [tilespmem:s24], [sflag:$0x9], $0x40, s16, s20, $0xb8;
	[tilespmem:$0x16040] =	vst v63  }
0x1f9: {  	_ =	swait.ge [sflag:s31], $0x1F40  }
0x1fa: {  	[sflag:s31] =	ssyncset.done $0x0  }
0x1fb: {  	s17 =	rddreg [dreg:$0xd];
	[sflag:s31] =	ssyncadd.s32 $0xFFFFE0C0  }
0x1fc: {  	[spmem:s3] =	stream.indirect.scatter.add.bf16 [tilespmem:s25], [sflag:$0xA], $0x40, s17, s20, $0xb8;
	[tilespmem:$0x16040] =	vst v63  }
0x1fd: {  	_ =	swait.ge [sflag:s1], $0x1F40  }
0x1fe: {  	[sflag:s1] =	ssyncset.done $0x0  }
0x1ff: {  	s15 =	rddreg [dreg:$0xe];
	[sflag:s1] =	ssyncadd.s32 $0xFFFFE0C0  }
0x200: {  	[tilespmem:s21], [sflag:$0x1] =	stream.indirect.gather [hbm4b:s2+s20], $0x40, s15, s20, $0xb8;
	[tilespmem:$0x16040] =	vst v63  }
0x201: {  	_ =	swait.ge [sflag:s0], $0x1F40  }
0x202: {  	[sflag:s0] =	ssyncset.done $0x0  }
0x203: {  	s16 =	rddreg [dreg:$0xf];
	[sflag:s0] =	ssyncadd.s32 $0xFFFFE0C0  }
0x204: {  	[tilespmem:s22], [sflag:$0x2] =	stream.indirect.gather [hbm4b:s2+s20], $0x40, s16, s20, $0xb8;
	[tilespmem:$0x16040] =	vst v63  }
0x205: {  	_ =	swait.ge [sflag:s6], $0x1F40  }
0x206: {  	[sflag:s6] =	ssyncset.done $0x0  }
0x207: {  	s17 =	rddreg [dreg:$0x10];
	[sflag:s6] =	ssyncadd.s32 $0xFFFFE0C0  }
0x208: {  	[tilespmem:s23], [sflag:$0x3] =	stream.indirect.gather [hbm4b:s2+s20], $0x40, s17, s20, $0xb8;
	[tilespmem:$0x16040] =	vst v63  }
0x209: {  	_ =	swait.ge [sflag:s7], $0x1F40  }
0x20a: {  	[sflag:s7] =	ssyncset.done $0x0  }
0x20b: {  	s15 =	rddreg [dreg:$0x11];
	[sflag:s7] =	ssyncadd.s32 $0xFFFFE0C0  }
0x20c: {  	[tilespmem:s24], [sflag:$0x4] =	stream.indirect.gather [hbm4b:s2+s20], $0x40, s15, s20, $0xb8;
	[tilespmem:$0x16040] =	vst v63  }
0x20d: {  	_ =	swait.ge [sflag:s8], $0x1F40  }
0x20e: {  	[sflag:s8] =	ssyncset.done $0x0  }
0x20f: {  	s16 =	rddreg [dreg:$0x12];
	[sflag:s8] =	ssyncadd.s32 $0xFFFFE0C0  }
0x210: {  	[tilespmem:s25], [sflag:$0x5] =	stream.indirect.gather [hbm4b:s2+s20], $0x40, s16, s20, $0xb8;
	[tilespmem:$0x16040] =	vst v63  }
0x211: {  	_ =	swait.ge [sflag:s26], $0x1F40  }
0x212: {  	[sflag:s26] =	ssyncset.done $0x0  }
0x213: {  	s17 =	rddreg [dreg:$0x13];
	[sflag:s26] =	ssyncadd.s32 $0xFFFFE0C0  }
0x214: {  	[spmem:s3] =	stream.indirect.scatter.add.bf16 [tilespmem:s21], [sflag:$0x6], $0x40, s17, s20, $0xb8;
	[tilespmem:$0x16040] =	vst v63  }
0x215: {  	_ =	swait.ge [sflag:s28], $0x1F40  }
0x216: {  	[sflag:s28] =	ssyncset.done $0x0  }
0x217: {  	s15 =	rddreg [dreg:$0x14];
	[sflag:s28] =	ssyncadd.s32 $0xFFFFE0C0  }
0x218: {  	[spmem:s3] =	stream.indirect.scatter.add.bf16 [tilespmem:s22], [sflag:$0x7], $0x40, s15, s20, $0xb8;
	[tilespmem:$0x16040] =	vst v63  }
0x219: {  	_ =	swait.ge [sflag:s29], $0x1F40  }
0x21a: {  	[sflag:s29] =	ssyncset.done $0x0  }
0x21b: {  	s16 =	rddreg [dreg:$0x15];
	[sflag:s29] =	ssyncadd.s32 $0xFFFFE0C0  }
0x21c: {  	[spmem:s3] =	stream.indirect.scatter.add.bf16 [tilespmem:s23], [sflag:$0x8], $0x40, s16, s20, $0xb8;
	[tilespmem:$0x16040] =	vst v63  }
0x21d: {  	_ =	swait.ge [sflag:s30], $0x1F40  }
0x21e: {  	[sflag:s30] =	ssyncset.done $0x0  }
0x21f: {  	s17 =	rddreg [dreg:$0x16];
	[sflag:s30] =	ssyncadd.s32 $0xFFFFE0C0  }
0x220: {  	[spmem:s3] =	stream.indirect.scatter.add.bf16 [tilespmem:s24], [sflag:$0x9], $0x40, s17, s20, $0xb8;
	[tilespmem:$0x16040] =	vst v63  }
0x221: {  	_ =	swait.ge [sflag:s31], $0x1F40  }
0x222: {  	[sflag:s31] =	ssyncset.done $0x0  }
0x223: {  	s15 =	rddreg [dreg:$0x17];
	[sflag:s31] =	ssyncadd.s32 $0xFFFFE0C0  }
0x224: {  	[spmem:s3] =	stream.indirect.scatter.add.bf16 [tilespmem:s25], [sflag:$0xA], $0x40, s15, s20, $0xb8;
	[tilespmem:$0x16040] =	vst v63  }
0x225: {  	_ =	swait.ge [sflag:s1], $0x1F40  }
0x226: {  	[sflag:s1] =	ssyncset.done $0x0  }
0x227: {  	s16 =	rddreg [dreg:$0x18];
	[sflag:s1] =	ssyncadd.s32 $0xFFFFE0C0  }
0x228: {  	[tilespmem:s21], [sflag:$0x1] =	stream.indirect.gather [hbm4b:s2+s20], $0x40, s16, s20, $0xb8;
	[tilespmem:$0x16040] =	vst v63  }
0x229: {  	_ =	swait.ge [sflag:s0], $0x1F40  }
0x22a: {  	[sflag:s0] =	ssyncset.done $0x0  }
0x22b: {  	s17 =	rddreg [dreg:$0x19];
	[sflag:s0] =	ssyncadd.s32 $0xFFFFE0C0  }
0x22c: {  	[tilespmem:s22], [sflag:$0x2] =	stream.indirect.gather [hbm4b:s2+s20], $0x40, s17, s20, $0xb8;
	[tilespmem:$0x16040] =	vst v63  }
0x22d: {  	_ =	swait.ge [sflag:s6], $0x1F40  }
0x22e: {  	[sflag:s6] =	ssyncset.done $0x0  }
0x22f: {  	s15 =	rddreg [dreg:$0x1a];
	[sflag:s6] =	ssyncadd.s32 $0xFFFFE0C0  }
0x230: {  	[tilespmem:s23], [sflag:$0x3] =	stream.indirect.gather [hbm4b:s2+s20], $0x40, s15, s20, $0xb8;
	[tilespmem:$0x16040] =	vst v63  }
0x231: {  	_ =	swait.ge [sflag:s7], $0x1F40  }
0x232: {  	[sflag:s7] =	ssyncset.done $0x0  }
0x233: {  	s16 =	rddreg [dreg:$0x1b];
	[sflag:s7] =	ssyncadd.s32 $0xFFFFE0C0  }
0x234: {  	[tilespmem:s24], [sflag:$0x4] =	stream.indirect.gather [hbm4b:s2+s20], $0x40, s16, s20, $0xb8;
	[tilespmem:$0x16040] =	vst v63  }
0x235: {  	_ =	swait.ge [sflag:s8], $0x1F40  }
0x236: {  	[sflag:s8] =	ssyncset.done $0x0  }
0x237: {  	s17 =	rddreg [dreg:$0x1c];
	[sflag:s8] =	ssyncadd.s32 $0xFFFFE0C0  }
0x238: {  	[tilespmem:s25], [sflag:$0x5] =	stream.indirect.gather [hbm4b:s2+s20], $0x40, s17, s20, $0xb8;
	[tilespmem:$0x16040] =	vst v63  }
0x239: {  	_ =	swait.ge [sflag:s26], $0x1F40  }
0x23a: {  	[sflag:s26] =	ssyncset.done $0x0  }
0x23b: {  	s15 =	rddreg [dreg:$0x1d];
	[sflag:s26] =	ssyncadd.s32 $0xFFFFE0C0  }
0x23c: {  	[spmem:s3] =	stream.indirect.scatter.add.bf16 [tilespmem:s21], [sflag:$0x6], $0x40, s15, s20, $0xb8;
	[tilespmem:$0x16040] =	vst v63  }
0x23d: {  	_ =	swait.ge [sflag:s28], $0x1F40  }
0x23e: {  	[sflag:s28] =	ssyncset.done $0x0  }
0x23f: {  	s16 =	rddreg [dreg:$0x1e];
	[sflag:s28] =	ssyncadd.s32 $0xFFFFE0C0  }
0x240: {  	[spmem:s3] =	stream.indirect.scatter.add.bf16 [tilespmem:s22], [sflag:$0x7], $0x40, s16, s20, $0xb8;
	[tilespmem:$0x16040] =	vst v63  }
0x241: {  	_ =	swait.ge [sflag:s29], $0x1F40  }
0x242: {  	[sflag:s29] =	ssyncset.done $0x0  }
0x243: {  	s17 =	rddreg [dreg:$0x1f];
	[sflag:s29] =	ssyncadd.s32 $0xFFFFE0C0  }
0x244: {  	[spmem:s3] =	stream.indirect.scatter.add.bf16 [tilespmem:s23], [sflag:$0x8], $0x40, s17, s20, $0xb8;
	[tilespmem:$0x16040] =	vst v63  }
0x245: {  	_ =	swait.ge [sflag:s30], $0x1F40  }
0x246: {  	s15 =	sld [smem:$0x7F8]  }
0x247: {  	[sflag:s30] =	ssyncset.done $0x0  }
0x248: {  	[sflag:s30] =	ssyncadd.s32 $0xFFFFE0C0  }
0x249: {  	[spmem:s3] =	stream.indirect.scatter.add.bf16 [tilespmem:s24], [sflag:$0x9], $0x40, s15, s20, $0xb8;
	[tilespmem:$0x16040] =	vst v63  }
0x24a: {  	_ =	swait.ge [sflag:s31], $0x1F40  }
0x24b: {  	s16 =	sld [smem:$0x7F9]  }
0x24c: {  	[sflag:s31] =	ssyncset.done $0x0  }
0x24d: {  	[sflag:s31] =	ssyncadd.s32 $0xFFFFE0C0  }
0x24e: {  	[spmem:s3] =	stream.indirect.scatter.add.bf16 [tilespmem:s25], [sflag:$0xA], $0x40, s16, s20, $0xb8;
	[tilespmem:$0x16040] =	vst v63  }
0x24f: {  	_ =	swait.ge [sflag:s1], $0x1F40  }
0x250: {  	s17 =	sld [smem:$0x7FA]  }
0x251: {  	[sflag:s1] =	ssyncset.done $0x0  }
0x252: {  	[sflag:s1] =	ssyncadd.s32 $0xFFFFE0C0  }
0x253: {  	[tilespmem:s21], [sflag:$0x1] =	stream.indirect.gather [hbm4b:s2+s20], $0x40, s17, s20, $0xb8;
	[tilespmem:$0x16040] =	vst v63  }
0x254: {  	_ =	swait.ge [sflag:s0], $0x1F40  }
0x255: {  	s15 =	sld [smem:$0x7FB]  }
0x256: {  	[sflag:s0] =	ssyncset.done $0x0  }
0x257: {  	[sflag:s0] =	ssyncadd.s32 $0xFFFFE0C0  }
0x258: {  	[tilespmem:s22], [sflag:$0x2] =	stream.indirect.gather [hbm4b:s2+s20], $0x40, s15, s20, $0xb8;
	[tilespmem:$0x16040] =	vst v63  }
0x259: {  	_ =	swait.ge [sflag:s6], $0x1F40  }
0x25a: {  	s16 =	sld [smem:$0x7FC]  }
0x25b: {  	[sflag:s6] =	ssyncset.done $0x0  }
0x25c: {  	[sflag:s6] =	ssyncadd.s32 $0xFFFFE0C0  }
0x25d: {  	[tilespmem:s23], [sflag:$0x3] =	stream.indirect.gather [hbm4b:s2+s20], $0x40, s16, s20, $0xb8;
	[tilespmem:$0x16040] =	vst v63  }
0x25e: {  	_ =	swait.ge [sflag:s7], $0x1F40  }
0x25f: {  	s17 =	sld [smem:$0x7FD]  }
0x260: {  	[sflag:s7] =	ssyncset.done $0x0  }
0x261: {  	[sflag:s7] =	ssyncadd.s32 $0xFFFFE0C0  }
0x262: {  	[tilespmem:s24], [sflag:$0x4] =	stream.indirect.gather [hbm4b:s2+s20], $0x40, s17, s20, $0xb8;
	[tilespmem:$0x16040] =	vst v63  }
0x263: {  	_ =	swait.ge [sflag:s8], $0x1F40  }
0x264: {  	[sflag:s8] =	ssyncset.done $0x0  }
0x265: {  	[sflag:s8] =	ssyncadd.s32 $0xFFFFE0C0  }
0x266: {  	[tilespmem:s25], [sflag:$0x5] =	stream.indirect.gather [hbm4b:s2+s20], $0x40, s9, s20, $0xb8;
	[tilespmem:$0x16040] =	vst v63  }
0x267: {  	_ =	swait.ge [sflag:s26], $0x1F40  }
0x268: {  	[sflag:s26] =	ssyncset.done $0x0  }
0x269: {  	[sflag:s26] =	ssyncadd.s32 $0xFFFFE0C0  }
0x26a: {  	[spmem:s3] =	stream.indirect.scatter.add.bf16 [tilespmem:s21], [sflag:$0x6], $0x40, s10, s20, $0xb8;
	[tilespmem:$0x16040] =	vst v63  }
0x26b: {  	_ =	swait.ge [sflag:s28], $0x1F40  }
0x26c: {  	[sflag:s28] =	ssyncset.done $0x0  }
0x26d: {  	[sflag:s28] =	ssyncadd.s32 $0xFFFFE0C0  }
0x26e: {  	[spmem:s3] =	stream.indirect.scatter.add.bf16 [tilespmem:s22], [sflag:$0x7], $0x40, s11, s20, $0xb8;
	[tilespmem:$0x16040] =	vst v63  }
0x26f: {  	_ =	swait.ge [sflag:s29], $0x1F40  }
0x270: {  	[sflag:s29] =	ssyncset.done $0x0  }
0x271: {  	[sflag:s29] =	ssyncadd.s32 $0xFFFFE0C0  }
0x272: {  	[spmem:s3] =	stream.indirect.scatter.add.bf16 [tilespmem:s23], [sflag:$0x8], $0x40, s12, s20, $0xb8;
	[tilespmem:$0x16040] =	vst v63  }
0x273: {  	_ =	swait.ge [sflag:s30], $0x1F40  }
0x274: {  	[sflag:s30] =	ssyncset.done $0x0  }
0x275: {  	[sflag:s30] =	ssyncadd.s32 $0xFFFFE0C0  }
0x276: {  	[spmem:s3] =	stream.indirect.scatter.add.bf16 [tilespmem:s24], [sflag:$0x9], $0x40, s13, s20, $0xb8;
	[tilespmem:$0x16040] =	vst v63  }
0x277: {  	_ =	swait.ge [sflag:s31], $0x1F40  }
0x278: {  	[sflag:s31] =	ssyncset.done $0x0  }
0x279: {  	[sflag:s31] =	ssyncadd.s32 $0xFFFFE0C0  }
0x27a: {  	[spmem:s3] =	stream.indirect.scatter.add.bf16 [tilespmem:s25], [sflag:$0xA], $0x40, s14, s20, $0xb8;
	[tilespmem:$0x16040] =	vst v63  }
0x27b: {  	_ =	swait.ge [sflag:s1], $0x1F40  }
0x27c: {  	[sflag:s1] =	ssyncset.done $0x0  }
0x27d: {  	[sflag:s1] =	ssyncadd.s32 $0xFFFFE0C0  }
0x27e: {  	_ =	swait.ge [sflag:s0], $0x1F40  }
0x27f: {  	[sflag:s0] =	ssyncset.done $0x0  }
0x280: {  	[sflag:s0] =	ssyncadd.s32 $0xFFFFE0C0  }
0x281: {  	_ =	swait.ge [sflag:s6], $0x1F40  }
0x282: {  	[sflag:s6] =	ssyncset.done $0x0  }
0x283: {  	[sflag:s6] =	ssyncadd.s32 $0xFFFFE0C0  }
0x284: {  	_ =	swait.ge [sflag:s7], $0x1F40  }
0x285: {  	[sflag:s7] =	ssyncset.done $0x0  }
0x286: {  	[sflag:s7] =	ssyncadd.s32 $0xFFFFE0C0  }
0x287: {  	_ =	swait.ge [sflag:s8], $0x1F40  }
0x288: {  	[sflag:s8] =	ssyncset.done $0x0  }
0x289: {  	[sflag:s8] =	ssyncadd.s32 $0xFFFFE0C0  }
0x28a: {  	[bflag:$0x0] =	sbarrier.arrive $0xFFFF  }
0x28b: {  	s16 =	sld [smem:$0x7EC]  }
0x28c: {  	s15 =	stileid.u32;
	s17 =	sld [smem:$0x7F6]  }
0x28d: {  	s5 =	sshll.u32 s15, $0x6  }
0x28e: {  	s5 =	sor.u32 $0x1C0B, s5;
	s15 =	sshrl.u32 s16, $0x3  }
0x28f: {  	[hbm:s17], [sflag:s5] =	dma.local [spmem:s15], $0x1400  }
0x290: {  	_ =	swait.ge [sflag:s18], $0x1400  }
0x291: {  	s16 =	sld [smem:$0x7EB]  }
0x292: {  	s17 =	sld [smem:$0x7F7];
	_ =	sdelay $0x1  }
0x293: {  	s15 =	sadd.s32 $0x1, s16  }
0x294: {  	p0 =	sne.s32 s15, s17  }
.Ltmp2:
0x295: {  	_ = 	snop;
	(pc) =	sbr.rel @p0 .LBB2_1-.Ltmp2, $3  }
0x296: {  	_ =	sdelay $0x1  }
0x297: {  	[sflag:s18] =	ssyncset.done $0x0  }
0x298: {  	[sflag:s18] =	ssyncadd.s32 $0xFFFFEC00  }
0x299: {  	_ =	sfence.sel $0x180000  }
0x29a: {  	[bflag:$0x0] =	sbarrier.arrive $0xFFFF  }
0x29b: {  	_ =	strace $0x9000004A  }
0x29c: {  	s0 =	stileid.u32;
	[bflag:$0x2] =	sbarrier.arrive $0xFFFF  }
0x29d: {  	p0 =	sne.s32 s0, $0x0;
	s0 =	rddreg [dreg:$0x3]  }
0x29e: {  	s0 =	sadd.s32 @!p0 $0x100000, s0  }
0x29f: {  	[sflag:s0] =	ssyncadd.tile.s32 @!p0 $0x1;
	_ =	shalt  }
.Lfunc_end2:
_tile_overlayer_lowered:
.L_overlay_start_2:
0x2a0: {  	(tag) =	ssettag $0x2  }
0x2a1: {  	s0 =	rddreg [dreg:$0x0];
	s2 =	stileid.u32  }
0x2a2: {  	s1 =	rddreg [dreg:$0x1];
	p0 =	sne.s32 s2, $0x0  }
0x2a3: {  	s3 =	rddreg [dreg:$0x2];
	[bflag:$0x3] =	sbarrier.arrive $0xFFFF;
	s2 =	simm.s32 @!p0 $0x1C0B  }
0x2a4: {  	[timem:s3], [sflag:s2] =	dma.local @!p0 [hbm:s0], s1  }
0x2a5: {  	s0 =	simm.s32 @!p0 $0xB  }
0x2a6: {  	_ =	swait.ge @!p0 [sflag:s0], s1  }
0x2a7: {  	s1 =	ssub.s32 @!p0 $0x0, s1;
	[sflag:s0] =	ssyncset.done @!p0 $0x0  }
0x2a8: {  	[sflag:s0] =	ssyncadd.s32 @!p0 s1  }
0x2a9: {  	[bflag:$0x3] =	sbarrier.arrive $0xFFFF  }
0x2aa: {  	_ =	shalt  }

// kernel: kernel.17.cloned.1.call-start
scs
__scs_entry_jumppad:
0x0: {  	(pc) =	sbr.rel $0x88, $3  }
0x1: {  	(tag) =	ssettag $0x0;
	lr =	simm.s32 $0x1  }
0x2: {  	[smem:$0x3F9D] =	sst lr;
	_ =	strace $0xD0000000  }
0x3: {  	_ = 	snop  }
0x4: {  	_ = 	snop  }
0x5: {  	_ = 	snop  }
0x6: {  	_ = 	snop  }
0x7: {  	_ = 	snop  }
__scs_overlays_trampoline_lowered:
0x8: {  	[smem:$0x3FAC] =	sst s0  }
0x9: {  	[smem:$0x3FAD] =	sst s1  }
0xa: {  	[smem:$0x3FAE] =	sst s2  }
0xb: {  	[smem:$0x3FAF] =	sst s3  }
0xc: {  	[smem:$0x3FB0] =	sst s4  }
0xd: {  	[smem:$0x3FB1] =	sst s5  }
0xe: {  	[smem:$0x3FB2] =	sst s6  }
0xf: {  	[smem:$0x3FB3] =	sst s7  }
0x10: {  	[smem:$0x3FB4] =	sst s8  }
0x11: {  	[smem:$0x3FB5] =	sst s9;
	s0 =	simm.s32 @!p0 $0x0  }
0x12: {  	s1 =	sld [smem:$0x3F9B];
	s0 =	simm.s32 @p0 $0x1  }
0x13: {  	[smem:$0x3FB6] =	sst s0;
	s0 =	simm.s32 @!p1 $0x0  }
0x14: {  	s2 =	sld [smem:$0x3F9A];
	s0 =	simm.s32 @p1 $0x1  }
0x15: {  	[smem:$0x3FB7] =	sst s0;
	s0 =	simm.s32 @!p2 $0x0  }
0x16: {  	s3 =	sld [smem:$0x3FDB];
	s0 =	simm.s32 @p2 $0x1  }
0x17: {  	s4 =	simm.s32 $0x1BF5;
	[smem:$0x3FB9] =	sst s0  }
0x18: {  	s0 =	sld [smem:$0x3F9C];
	_ =	swait.ge [sflag:s4], $0x0  }
0x19: {  	s7 =	sld [smem:$0x3F9D]  }
0x1a: {  	s8 =	sadd.s32 $0xFFFFE003, lr  }
0x1b: {  	s9 =	sadd.s32 $0xFFFFFEF7, lr;
	s5 =	simm.s32 $0xFFFFFFFF;
	p2 =	slt.u32 s8, $0xFFFFF086  }
0x1c: {  	p1 =	slt.u32 s9, $0xF7A;
	s5 =	simm.s32 @!p2 $0x0  }
0x1d: {  	s5 =	simm.s32 @p1 $0x1;
	p0 =	seq.s32 s7, s2  }
0x1e: {  	s7 =	smul.u32 @!p0 $0xF7A, s2;
	p2 =	seq.s32 @!p0 s5, $0x0  }
0x1f: {  	s9 =	smul.u32 $0xF7A, s1;
	s8 =	simm.s32 @!p0 $0x1BF5;
	p2 =	por !p2, p0  }
0x20: {  	[sflag:s8] =	ssyncset.s32 @!p0 $0xFFFFF086;
	s6 =	sadd.s32 @!p0 s3, s7;
	s7 =	simm.s32 @!p0 $0x108  }
0x21: {  	s3 =	sadd.s32 s3, s9;
	s6 =	sadd.s32 @!p0 $0x88, s6;
	s7 =	simm.s32 @p2 $0x1082  }
0x22: {  	[simem:s7], [sflag:s8] =	dma.local @!p0 [hbm:s6], $0xF7A  }
0x23: {  	s9 =	sor.u32 $0xD0000000, s2;
	s6 =	simm.s32 $0x108;
	_ =	swait.ge @!p0 [sflag:s8], $0x0  }
0x24: {  	s3 =	sadd.s32 $0x88, s3;
	s6 =	simm.s32 @!p1 $0x1082;
	[sflag:s4] =	ssyncset.s32 $0xFFFFF086  }
0x25: {  	[simem:s6], [sflag:s4] =	dma.local [hbm:s3], $0xF7A  }
0x26: {  	[smem:$0x3F9D] =	sst s1;
	(tag) =	ssettag s2;
	_ =	strace s9  }
0x27: {  	s1 =	sld [smem:$0x3FAD]  }
0x28: {  	s2 =	sld [smem:$0x3FAE]  }
0x29: {  	s4 =	sld [smem:$0x3FB0]  }
0x2a: {  	p0 =	seq.s32 s5, $0x0;
	s5 =	sld [smem:$0x3FB1]  }
0x2b: {  	s6 =	sld [smem:$0x3FB2]  }
0x2c: {  	s7 =	sld [smem:$0x3FB3]  }
0x2d: {  	s3 =	simm.s32 $0x108;
	s8 =	sld [smem:$0x3FB4]  }
0x2e: {  	s3 =	simm.s32 @!p0 $0x1082;
	s9 =	sld [smem:$0x3FB5]  }
0x2f: {  	lr =	sadd.s32 s0, s3;
	s0 =	sld [smem:$0x3FAC]  }
0x30: {  	s3 =	sld [smem:$0x3FAF]  }
0x31: {  	[smem:$0x3FB8] =	sst s10  }
0x32: {  	s10 =	sld [smem:$0x3FB6];
	_ =	sdelay $0x3  }
0x33: {  	p0 =	seq.s32 s10, $0x1;
	s10 =	sld [smem:$0x3FB8];
	_ =	sdelay $0x3  }
0x34: {  	[smem:$0x3FB8] =	sst s10  }
0x35: {  	s10 =	sld [smem:$0x3FB7];
	_ =	sdelay $0x3  }
0x36: {  	p1 =	seq.s32 s10, $0x1;
	s10 =	sld [smem:$0x3FB8];
	_ =	sdelay $0x3  }
0x37: {  	[smem:$0x3FB8] =	sst s10  }
0x38: {  	s10 =	sld [smem:$0x3FB9]  }
0x39: {  	_ = 	snop;
	(pc) =	sbr.ind lr, $3  }
0x3a: {  	_ = 	snop  }
0x3b: {  	_ = 	snop  }
0x3c: {  	p2 =	seq.s32 s10, $0x1;
	s10 =	sld [smem:$0x3FB8]  }
0x3d: {  	_ =	shalt  }
0x3e: {  	_ =	shalt  }
0x3f: {  	_ =	shalt  }
0x40: {  	_ =	shalt  }
0x41: {  	_ =	shalt  }
0x42: {  	_ =	shalt  }
0x43: {  	_ =	shalt  }
0x44: {  	_ =	shalt  }
0x45: {  	_ =	shalt  }
0x46: {  	_ =	shalt  }
0x47: {  	_ =	shalt  }
0x48: {  	_ =	shalt  }
0x49: {  	_ =	shalt  }
0x4a: {  	_ =	shalt  }
0x4b: {  	_ =	shalt  }
0x4c: {  	_ =	shalt  }
0x4d: {  	_ =	shalt  }
0x4e: {  	_ =	shalt  }
0x4f: {  	_ =	shalt  }
0x50: {  	_ =	shalt  }
0x51: {  	_ =	shalt  }
0x52: {  	_ =	shalt  }
0x53: {  	_ =	shalt  }
0x54: {  	_ =	shalt  }
0x55: {  	_ =	shalt  }
0x56: {  	_ =	shalt  }
0x57: {  	_ =	shalt  }
0x58: {  	_ =	shalt  }
0x59: {  	_ =	shalt  }
0x5a: {  	_ =	shalt  }
0x5b: {  	_ =	shalt  }
0x5c: {  	_ =	shalt  }
0x5d: {  	_ =	shalt  }
0x5e: {  	_ =	shalt  }
0x5f: {  	_ =	shalt  }
0x60: {  	_ =	shalt  }
0x61: {  	_ =	shalt  }
0x62: {  	_ =	shalt  }
0x63: {  	_ =	shalt  }
0x64: {  	_ =	shalt  }
0x65: {  	_ =	shalt  }
0x66: {  	_ =	shalt  }
0x67: {  	_ =	shalt  }
0x68: {  	_ =	shalt  }
0x69: {  	_ =	shalt  }
0x6a: {  	_ =	shalt  }
0x6b: {  	_ =	shalt  }
0x6c: {  	_ =	shalt  }
0x6d: {  	_ =	shalt  }
0x6e: {  	_ =	shalt  }
0x6f: {  	_ =	shalt  }
0x70: {  	_ =	shalt  }
0x71: {  	_ =	shalt  }
0x72: {  	_ =	shalt  }
0x73: {  	_ =	shalt  }
0x74: {  	_ =	shalt  }
0x75: {  	_ =	shalt  }
0x76: {  	_ =	shalt  }
0x77: {  	_ =	shalt  }
0x78: {  	_ =	shalt  }
0x79: {  	_ =	shalt  }
0x7a: {  	_ =	shalt  }
0x7b: {  	_ =	shalt  }
0x7c: {  	_ =	shalt  }
0x7d: {  	_ =	shalt  }
0x7e: {  	_ =	shalt  }
0x7f: {  	_ =	shalt  }
0x80: {  	_ =	shalt  }
0x81: {  	_ =	shalt  }
0x82: {  	_ =	shalt  }
0x83: {  	_ =	shalt  }
0x84: {  	_ =	shalt  }
0x85: {  	_ =	shalt  }
0x86: {  	_ =	shalt  }
0x87: {  	_ =	shalt  }
.Lfunc_end0:
.L_simem_size_0:
called_computation.2_lowered:
.L_overlay_start_0:
0x88: {  	s2 =	sld [smem:$0x3FD9]  }
0x89: {  	s3 =	sld [smem:$0x3FFE];
	_ =	sdelay $0x1  }
0x8a: {  	s1 =	srdreg.scid  }
0x8b: {  	s0 =	sand.u32 $0x1, s1  }
0x8c: {  	s14 =	sshll.u32 s0, $0xA;
	s2 =	sadd.s32 s3, s2  }
0x8d: {  	s2 =	sadd.s32 s2, s14  }
0x8e: {  	[smem:$0x3FC4] =	sst s2  }
0x8f: {  	_ = 	snop  }
0x90: {  	s2 =	sld [smem:$0x3FD0];
	_ =	sdelay $0x2  }
0x91: {  	s15 =	simm.s32 $0xA;
	s4 =	simm.s32 $0x10  }
0x92: {  	[smem:s4], [sflag:s15] =	dma.local [hbm:s2], $0x1  }
0x93: {  	_ =	swait.eq [sflag:s15], $0x1  }
0x94: {  	[sflag:s15] =	ssyncset.done $0x0  }
0x95: {  	[sflag:s15] =	ssyncadd.s32 $0xFFFFFFFF  }
0x96: {  	s16 =	sld [smem:$0x11];
	(tm) =	ssettm $0x1  }
0x97: {  	s17 =	sld [smem:$0x3FFB];
	_ =	sdelay $0x3  }
0x98: {  	_ =	strace s17  }
0x99: {  	s3 =	sld [smem:$0x3FFC];
	_ =	sdelay $0x3  }
0x9a: {  	_ =	strace s3  }
0x9b: {  	s3 =	sld [smem:$0x3FFD];
	_ =	sdelay $0x3  }
0x9c: {  	_ =	strace s3  }
0x9d: {  	_ =	strace $0x8FFFFFFF  }
0x9e: {  	s18 =	sld [smem:$0x3FDB];
	_ =	sdelay $0x1  }
0x9f: {  	s19 =	simm.s32 $_scs_section_size  }
0xa0: {  	s5 =	simm.s32 $_size__tile_overlayer_lowered;
	s6 =	simm.s32 $_tile_overlayer_lowered  }
0xa1: {  	s22 =	simm.s32 $0x1BFF;
	s21 =	sshll.u32 s6, $0x1;
	s3 =	sadd.s32 s19, s18  }
0xa2: {  	s7 =	simm.s32 $0x0;
	s20 =	sshll.u32 s5, $0x1;
	s5 =	sadd.s32 s21, s3  }
0xa3: {  	[timem:s7], [sflag:s22] =	dma.local [hbm:s5], s20  }
0xa4: {  	_ =	swait.ge [sflag:s22], s20  }
0xa5: {  	s4 =	ssub.s32 $0x0, s20;
	[sflag:s22] =	ssyncset.done $0x0  }
0xa6: {  	[sflag:s22] =	ssyncadd.s32 s4;
	_ =	sdelay $0x1  }
0xa7: {  	s23 =	simm.s32 $0x1B8B  }
0xa8: {  	_ =	swait.ge [sflag:s23], $0x1  }
0xa9: {  	[sflag:s23] =	ssyncset.done $0x0  }
0xaa: {  	s25 =	simm.s32 $0x1B8E;
	s24 =	sld [smem:$0x3FFE];
	[sflag:s23] =	ssyncadd.s32 $0xFFFFFFFF  }
0xab: {  	s26 =	simm.s32 $execute0_lowered;
	[smem:$0x3FD2] =	sst s25  }
0xac: {  	s5 =	sshll.u32 s26, $0x1;
	_ =	strace $0x8000004C;
	[dreg:$0x1] =	wrdreg $0xFFFFFFFF  }
0xad: {  	s28 =	simm.s32 $_size_execute0_lowered;
	s3 =	sadd.s32 s3, s5;
	[dreg:$0x0] =	wrdreg $0x0  }
0xae: {  	s5 =	sshll.u32 s28, $0x1;
	[dreg:$0x2] =	wrdreg s3  }
0xaf: {  	[dreg:$0x3] =	wrdreg s5  }
0xb0: {  	[dreg:$0x4] =	wrdreg $0xC0  }
0xb1: {  	_ =	task [dreg:s7], $0x5FFFF  }
0xb2: {  	[dreg:$0x1] =	wrdreg $0xFFFFFFFF  }
0xb3: {  	[dreg:$0x0] =	wrdreg $0x60  }
0xb4: {  	[dreg:$0x2] =	wrdreg s16  }
0xb5: {  	[dreg:$0x3] =	wrdreg s24  }
0xb6: {  	[dreg:$0x4] =	wrdreg $0x24000  }
0xb7: {  	[dreg:$0x5] =	wrdreg $0x9  }
0xb8: {  	_ =	task.clear_ibuf [dreg:s7], $0x6FFFF;
	_ =	strace $0x9000004C  }
0xb9: {  	s29 =	simm.s32 $0x9;
	_ =	strace $0x8000004E  }
0xba: {  	_ =	swait.ge [sflag:s29], $0x1  }
0xbb: {  	[sflag:s29] =	ssyncadd.s32 $0xFFFFFFFF  }
0xbc: {  	_ =	strace $0x9000004E  }
0xbd: {  	_ =	sfence  }
0xbe: {  	s30 =	sld [smem:$0x0];
	_ =	sdelay $0x2  }
0xbf: {  	s31 =	sshll.u32 s1, $0xD;
	s1 =	sshrl.u32 s1, $0x2  }
0xc0: {  	s3 =	sand.u32 $0x4000, s31;
	s1 =	sadd.s32 s1, s30  }
0xc1: {  	s0 =	sor.u32 s3, s0;
	s1 =	sshll.u32 s1, $0x11  }
0xc2: {  	s0 =	sor.u32 s1, s0  }
0xc3: {  	s0 =	sadd.s32 $0x8F2B, s0  }
0xc4: {  	[sflag:s0] =	ssyncadd.remote.s32 $0x1  }
0xc5: {  	_ =	sfence.sel $0xFFFF  }
0xc6: {  	[dreg:$0x0] =	wrdreg $0xFFFFFFFF;
	(pc) =	sbr.abs _section_cstart, $3  }
0xc7: {  	[dreg:$0x1] =	wrdreg $0xFFFFFFFF  }
0xc8: {  	_ =	task.clear_ibuf [dreg:s7], $0x2FFFF;
	_ =	strace $0x9FFFFFFF  }
0xc9: {  	(tm) =	ssettm $0x7FFFFFFF  }
tec
execute0_lowered:
.L_overlay_start_1:
0x0: {  	(tag) =	ssettag $0x1  }
0x1: {  	s0 =	srdreg.scid;
	s8 =	stileid.u32  }
0x2: {  	s0 =	sand.u32 $0x1, s0;
	s1 =	smul.u32 $0x5000, s8  }
0x3: {  	s2 =	rddreg [dreg:$0x0];
	s4 =	smul.u32 $0x2800, s0  }
0x4: {  	s5 =	rddreg [dreg:$0x1]  }
0x5: {  	s3 =	rddreg [dreg:$0x2];
	s1 =	sadd.s32 s4, s1;
	s4 =	simm.s32 $0x0  }
0x6: {  	s20 =	simm.s32 $0x80;
	[smem:$0x7FF] =	sst s4  }
0x7: {  	s22 =	simm.s32 $0x100;
	_ =	strace $0x8000004D;
	[dreg:$0x6] =	wrdreg s20  }
0x8: {  	s23 =	simm.s32 $0x180;
	[dreg:$0x7] =	wrdreg s22  }
0x9: {  	s24 =	simm.s32 $0x200;
	[dreg:$0x8] =	wrdreg s23  }
0xa: {  	s25 =	simm.s32 $0xA80;
	[dreg:$0x9] =	wrdreg s24  }
0xb: {  	s26 =	simm.s32 $0xB00;
	[dreg:$0xa] =	wrdreg s25  }
0xc: {  	s9 =	simm.s32 $0xB80;
	[dreg:$0xb] =	wrdreg s26  }
0xd: {  	s10 =	simm.s32 $0xC00;
	[dreg:$0xc] =	wrdreg s9  }
0xe: {  	s12 =	simm.s32 $0x280;
	[dreg:$0xd] =	wrdreg s10  }
0xf: {  	s13 =	simm.s32 $0x300;
	[dreg:$0xe] =	wrdreg s12  }
0x10: {  	s14 =	simm.s32 $0x380;
	s16 =	simm.s32 $0x400;
	[dreg:$0xf] =	wrdreg s13  }
0x11: {  	s17 =	simm.s32 $0x480;
	s19 =	simm.s32 $0xC80;
	[dreg:$0x10] =	wrdreg s14  }
0x12: {  	s7 =	smul.u32 $0x140000, s0;
	s0 =	ssub.s32 $0x2, s0;
	[dreg:$0x11] =	wrdreg s16  }
0x13: {  	s15 =	smul.u32 $0x28000, s8;
	s11 =	sshrl.u32 s0, $0x1;
	[dreg:$0x12] =	wrdreg s17  }
0x14: {  	s0 =	ssub.s32 s0, s11;
	s11 =	simm.s32 $0x580;
	[dreg:$0x13] =	wrdreg s19  }
0x15: {  	s18 =	sshrl.u32 s15, $0x2;
	s15 =	simm.s32 $0x680;
	[dreg:$0x19] =	wrdreg s11  }
0x16: {  	s0 =	smax.u32 s0, $0x1;
	[dreg:$0x1b] =	wrdreg s15  }
0x17: {  	s20 =	simm.s32 $0xD00;
	[smem:$0x7F7] =	sst s0  }
0x18: {  	s28 =	simm.s32 $0x2;
	s22 =	simm.s32 $0xD80;
	[dreg:$0x14] =	wrdreg s20  }
0x19: {  	s29 =	simm.s32 $0x3;
	s24 =	simm.s32 $0xE00;
	[dreg:$0x15] =	wrdreg s22  }
0x1a: {  	s21 =	smul.u32 $0x14000, s8;
	s26 =	simm.s32 $0xE80;
	[dreg:$0x16] =	wrdreg s24  }
0x1b: {  	s30 =	simm.s32 $0x4;
	s9 =	simm.s32 $0x500;
	[dreg:$0x17] =	wrdreg s26  }
0x1c: {  	s7 =	sadd.s32 s21, s7;
	s13 =	simm.s32 $0x600;
	[dreg:$0x18] =	wrdreg s9  }
0x1d: {  	s1 =	sshrl.u32 s1, $0x3;
	s17 =	simm.s32 $0x700;
	[dreg:$0x1a] =	wrdreg s13  }
0x1e: {  	s1 =	sadd.s32 s1, s5;
	s19 =	simm.s32 $0xF80;
	[dreg:$0x1c] =	wrdreg s17  }
0x1f: {  	s7 =	sshrl.u32 s7, $0x4;
	s6 =	sadd.s32 $0x16400, s1;
	[dreg:$0x1e] =	wrdreg s19  }
0x20: {  	s5 =	sadd.s32 s7, s5;
	s1 =	sadd.s32 $0xC400, s1;
	[dreg:$0x4] =	wrdreg s6  }
0x21: {  	s31 =	simm.s32 $0x5;
	s5 =	sadd.s32 $0x70400, s5;
	[dreg:$0x5] =	wrdreg s1  }
0x22: {  	s0 =	simm.s32 $0x7;
	s20 =	simm.s32 $0x1000;
	[smem:$0x7F6] =	sst s5  }
0x23: {  	s7 =	simm.s32 $0x9;
	s22 =	simm.s32 $0x1100;
	[dreg:$0x1f] =	wrdreg s20  }
0x24: {  	s11 =	simm.s32 $0x1200;
	s24 =	simm.s32 $0x800;
	[smem:$0x7F9] =	sst s22  }
0x25: {  	s26 =	simm.s32 $0x900;
	s6 =	sshrl.u32 s21, $0x1;
	[smem:$0x7FB] =	sst s24  }
0x26: {  	s15 =	simm.s32 $0x0;
	[smem:$0x7FD] =	sst s26;
	s6 =	sadd.s32 s6, s3  }
0x27: {  	[smem:$0x7EC] =	sst s6;
	s6 =	sadd.s32 s18, s3;
	s18 =	simm.s32 $0xF00  }
0x28: {  	s19 =	simm.s32 $0xA00;
	s21 =	sadd.s32 $0x1000, s6;
	[dreg:$0x1d] =	wrdreg s18  }
0x29: {  	s9 =	simm.s32 $0x980;
	s23 =	sadd.s32 $0x2000, s6;
	[smem:$0x7ED] =	sst s21  }
0x2a: {  	s13 =	simm.s32 $0x1300;
	s25 =	sadd.s32 $0x3000, s6;
	[smem:$0x7EE] =	sst s23  }
0x2b: {  	s20 =	simm.s32 $0x7D;
	s8 =	sadd.s32 $0x4000, s6;
	[smem:$0x7EF] =	sst s25  }
0x2c: {  	s22 =	simm.s32 $0xE340;
	s10 =	sadd.s32 $0x5000, s6;
	[smem:$0x7F0] =	sst s8  }
0x2d: {  	s24 =	simm.s32 $0x121C0;
	s12 =	sadd.s32 $0x6000, s6;
	[smem:$0x7F1] =	sst s10  }
0x2e: {  	s26 =	simm.s32 $0x1;
	s14 =	sadd.s32 $0x7000, s6;
	[smem:$0x7F2] =	sst s12  }
0x2f: {  	s1 =	simm.s32 $0x6;
	s16 =	sadd.s32 $0x8000, s6;
	[smem:$0x7F3] =	sst s14  }
0x30: {  	s6 =	sadd.s32 $0x9000, s6;
	s18 =	simm.s32 $0xB;
	[smem:$0x7F4] =	sst s16  }
0x31: {  	[smem:$0x7F5] =	sst s6;
	s21 =	simm.s32 $0x1080;
	s23 =	simm.s32 $0x780  }
0x32: {  	s25 =	simm.s32 $0x880;
	s6 =	simm.s32 $0x8;
	s8 =	simm.s32 $0xA  }
0x33: {  	s10 =	simm.s32 $0x1180;
	s12 =	simm.s32 $0x1280;
	[smem:$0x7F8] =	sst s21  }
0x34: {  	s14 =	simm.s32 $0x1380;
	[smem:$0x7FA] =	sst s23;
	s21 =	simm.s32 $0xC400  }
0x35: {  	v0 =	vimm.bf16 $0.0e+00;
	[smem:$0x7FC] =	sst s25;
	s23 =	simm.s32 $0x10280;
	s25 =	simm.s32 $0x14100  }
.LBB2_1:
0x36: {  	[smem:$0x7EB] =	sst s15;
	s16 =	simm.s32 $0x100;
	s5 =	simm.s32 $0x0  }
.LBB2_2:
0x37: {  	p0 =	sne.s32 s16, $0x3F00;
	[tilespmem:s5+$0x1430] =	vst v0;
	s17 =	smov.u32 s16;
	s16 =	sadd.s32 $0x100, s16  }
.Ltmp0:
0x38: {  	[tilespmem:s5+$0x1420] =	vst v0;
	(pc) =	sbr.rel @p0 .LBB2_2-.Ltmp0, $3  }
0x39: {  	[tilespmem:s5+$0x1400] =	vst v0  }
0x3a: {  	[tilespmem:s5+$0x1410] =	vst v0;
	_ =	sdelay $0x1  }
0x3b: {  	s5 =	sshra.s32 s17, $0x2  }
0x3c: {  	[tilespmem:s5+$0x1430] =	vst v0  }
0x3d: {  	[tilespmem:s5+$0x1420] =	vst v0;
	s16 =	sld [smem:$0x7EC]  }
0x3e: {  	[tilespmem:s5+$0x1400] =	vst v0  }
0x3f: {  	[tilespmem:s5+$0x1410] =	vst v0;
	s15 =	simm.s32 $0x1400  }
0x40: {  	[spmem:s16] =	stream.linear.scatter [tilespmem:s15], [sflag:$0xB], $0x1000, $0x38;
	[tilespmem:$0x16040] =	vst v63  }
0x41: {  	_ =	swait.ge [sflag:s18], $0x1000  }
0x42: {  	s17 =	sld [smem:$0x7ED]  }
0x43: {  	[sflag:s18] =	ssyncset.done $0x0  }
0x44: {  	[sflag:s18] =	ssyncadd.s32 $0xFFFFF000  }
0x45: {  	[spmem:s17] =	stream.linear.scatter [tilespmem:s15], [sflag:$0xB], $0x1000, $0x38;
	[tilespmem:$0x16040] =	vst v63  }
0x46: {  	_ =	swait.ge [sflag:s18], $0x1000  }
0x47: {  	s16 =	sld [smem:$0x7EE]  }
0x48: {  	[sflag:s18] =	ssyncset.done $0x0  }
0x49: {  	[sflag:s18] =	ssyncadd.s32 $0xFFFFF000  }
0x4a: {  	[spmem:s16] =	stream.linear.scatter [tilespmem:s15], [sflag:$0xB], $0x1000, $0x38;
	[tilespmem:$0x16040] =	vst v63  }
0x4b: {  	_ =	swait.ge [sflag:s18], $0x1000  }
0x4c: {  	s17 =	sld [smem:$0x7EF]  }
0x4d: {  	[sflag:s18] =	ssyncset.done $0x0  }
0x4e: {  	[sflag:s18] =	ssyncadd.s32 $0xFFFFF000  }
0x4f: {  	[spmem:s17] =	stream.linear.scatter [tilespmem:s15], [sflag:$0xB], $0x1000, $0x38;
	[tilespmem:$0x16040] =	vst v63  }
0x50: {  	_ =	swait.ge [sflag:s18], $0x1000  }
0x51: {  	s16 =	sld [smem:$0x7F0]  }
0x52: {  	[sflag:s18] =	ssyncset.done $0x0  }
0x53: {  	[sflag:s18] =	ssyncadd.s32 $0xFFFFF000  }
0x54: {  	[spmem:s16] =	stream.linear.scatter [tilespmem:s15], [sflag:$0xB], $0x1000, $0x38;
	[tilespmem:$0x16040] =	vst v63  }
0x55: {  	_ =	swait.ge [sflag:s18], $0x1000  }
0x56: {  	s17 =	sld [smem:$0x7F1]  }
0x57: {  	[sflag:s18] =	ssyncset.done $0x0  }
0x58: {  	[sflag:s18] =	ssyncadd.s32 $0xFFFFF000  }
0x59: {  	[spmem:s17] =	stream.linear.scatter [tilespmem:s15], [sflag:$0xB], $0x1000, $0x38;
	[tilespmem:$0x16040] =	vst v63  }
0x5a: {  	_ =	swait.ge [sflag:s18], $0x1000  }
0x5b: {  	s16 =	sld [smem:$0x7F2]  }
0x5c: {  	[sflag:s18] =	ssyncset.done $0x0  }
0x5d: {  	[sflag:s18] =	ssyncadd.s32 $0xFFFFF000  }
0x5e: {  	[spmem:s16] =	stream.linear.scatter [tilespmem:s15], [sflag:$0xB], $0x1000, $0x38;
	[tilespmem:$0x16040] =	vst v63  }
0x5f: {  	_ =	swait.ge [sflag:s18], $0x1000  }
0x60: {  	s17 =	sld [smem:$0x7F3]  }
0x61: {  	[sflag:s18] =	ssyncset.done $0x0  }
0x62: {  	[sflag:s18] =	ssyncadd.s32 $0xFFFFF000  }
0x63: {  	[spmem:s17] =	stream.linear.scatter [tilespmem:s15], [sflag:$0xB], $0x1000, $0x38;
	[tilespmem:$0x16040] =	vst v63  }
0x64: {  	_ =	swait.ge [sflag:s18], $0x1000  }
0x65: {  	s16 =	sld [smem:$0x7F4]  }
0x66: {  	[sflag:s18] =	ssyncset.done $0x0  }
0x67: {  	[sflag:s18] =	ssyncadd.s32 $0xFFFFF000  }
0x68: {  	[spmem:s16] =	stream.linear.scatter [tilespmem:s15], [sflag:$0xB], $0x1000, $0x38;
	[tilespmem:$0x16040] =	vst v63  }
0x69: {  	_ =	swait.ge [sflag:s18], $0x1000  }
0x6a: {  	s17 =	sld [smem:$0x7F5]  }
0x6b: {  	[sflag:s18] =	ssyncset.done $0x0  }
0x6c: {  	[sflag:s18] =	ssyncadd.s32 $0xFFFFF000  }
0x6d: {  	[spmem:s17] =	stream.linear.scatter [tilespmem:s15], [sflag:$0xB], $0x1000, $0x38;
	[tilespmem:$0x16040] =	vst v63  }
0x6e: {  	_ =	swait.ge [sflag:s18], $0x1000  }
0x6f: {  	[sflag:s18] =	ssyncset.done $0x0  }
0x70: {  	[sflag:s18] =	ssyncadd.s32 $0xFFFFF000  }
0x71: {  	[bflag:$0x0] =	sbarrier.arrive $0xFFFF  }
0x72: {  	s16 =	rddreg [dreg:$0x5]  }
0x73: {  	s5 =	sadd.s32 $0x0, s16  }
0x74: {  	[tilespmem:s4], [sflag:$0xB] =	stream.linear.gather [hbm4b:s5+s4], $0xA00, $0x38;
	[tilespmem:$0x16040] =	vst v63  }
0x75: {  	_ =	swait.ge [sflag:s18], $0xA00  }
0x76: {  	s17 =	rddreg [dreg:$0x4];
	[sflag:s18] =	ssyncset.done $0x0  }
0x77: {  	[sflag:s18] =	ssyncadd.s32 $0xFFFFF600;
	s5 =	sadd.s32 $0x0, s17  }
0x78: {  	[tilespmem:s19], [sflag:$0xB] =	stream.linear.gather [hbm4b:s5+s4], $0xA00, $0x38;
	[tilespmem:$0x16040] =	vst v63  }
0x79: {  	_ =	swait.ge [sflag:s18], $0xA00  }
0x7a: {  	[sflag:s18] =	ssyncset.done $0x0  }
0x7b: {  	[sflag:s18] =	ssyncadd.s32 $0xFFFFF600  }
0x7c: {  	[tilespmem:s21], [sflag:$0x1] =	stream.indirect.gather [hbm4b:s2+s20], $0x40, s4, s20, $0xb8;
	[tilespmem:$0x16040] =	vst v63  }
0x7d: {  	s15 =	rddreg [dreg:$0x6]  }
0x7e: {  	[tilespmem:s22], [sflag:$0x2] =	stream.indirect.gather [hbm4b:s2+s20], $0x40, s15, s20, $0xb8;
	[tilespmem:$0x16040] =	vst v63  }
0x7f: {  	s16 =	rddreg [dreg:$0x7]  }
0x80: {  	[tilespmem:s23], [sflag:$0x3] =	stream.indirect.gather [hbm4b:s2+s20], $0x40, s16, s20, $0xb8;
	[tilespmem:$0x16040] =	vst v63  }
0x81: {  	s17 =	rddreg [dreg:$0x8]  }
0x82: {  	[tilespmem:s24], [sflag:$0x4] =	stream.indirect.gather [hbm4b:s2+s20], $0x40, s17, s20, $0xb8;
	[tilespmem:$0x16040] =	vst v63  }
0x83: {  	s15 =	rddreg [dreg:$0x9]  }
0x84: {  	[tilespmem:s25], [sflag:$0x5] =	stream.indirect.gather [hbm4b:s2+s20], $0x40, s15, s20, $0xb8;
	[tilespmem:$0x16040] =	vst v63  }
0x85: {  	_ =	swait.ge [sflag:s26], $0x1F40  }
0x86: {  	[sflag:s26] =	ssyncset.done $0x0  }
0x87: {  	[sflag:s26] =	ssyncadd.s32 $0xFFFFE0C0  }
0x88: {  	[spmem:s3] =	stream.indirect.scatter.add.bf16 [tilespmem:s21], [sflag:$0x6], $0x40, s19, s20, $0xb8;
	[tilespmem:$0x16040] =	vst v63  }
0x89: {  	_ =	swait.ge [sflag:s28], $0x1F40  }
0x8a: {  	[sflag:s28] =	ssyncset.done $0x0  }
0x8b: {  	s17 =	rddreg [dreg:$0xa];
	[sflag:s28] =	ssyncadd.s32 $0xFFFFE0C0  }
0x8c: {  	[spmem:s3] =	stream.indirect.scatter.add.bf16 [tilespmem:s22], [sflag:$0x7], $0x40, s17, s20, $0xb8;
	[tilespmem:$0x16040] =	vst v63  }
0x8d: {  	_ =	swait.ge [sflag:s29], $0x1F40  }
0x8e: {  	[sflag:s29] =	ssyncset.done $0x0  }
0x8f: {  	s15 =	rddreg [dreg:$0xb];
	[sflag:s29] =	ssyncadd.s32 $0xFFFFE0C0  }
0x90: {  	[spmem:s3] =	stream.indirect.scatter.add.bf16 [tilespmem:s23], [sflag:$0x8], $0x40, s15, s20, $0xb8;
	[tilespmem:$0x16040] =	vst v63  }
0x91: {  	_ =	swait.ge [sflag:s30], $0x1F40  }
0x92: {  	[sflag:s30] =	ssyncset.done $0x0  }
0x93: {  	s16 =	rddreg [dreg:$0xc];
	[sflag:s30] =	ssyncadd.s32 $0xFFFFE0C0  }
0x94: {  	[spmem:s3] =	stream.indirect.scatter.add.bf16 [tilespmem:s24], [sflag:$0x9], $0x40, s16, s20, $0xb8;
	[tilespmem:$0x16040] =	vst v63  }
0x95: {  	_ =	swait.ge [sflag:s31], $0x1F40  }
0x96: {  	[sflag:s31] =	ssyncset.done $0x0  }
0x97: {  	s17 =	rddreg [dreg:$0xd];
	[sflag:s31] =	ssyncadd.s32 $0xFFFFE0C0  }
0x98: {  	[spmem:s3] =	stream.indirect.scatter.add.bf16 [tilespmem:s25], [sflag:$0xA], $0x40, s17, s20, $0xb8;
	[tilespmem:$0x16040] =	vst v63  }
0x99: {  	_ =	swait.ge [sflag:s1], $0x1F40  }
0x9a: {  	[sflag:s1] =	ssyncset.done $0x0  }
0x9b: {  	s15 =	rddreg [dreg:$0xe];
	[sflag:s1] =	ssyncadd.s32 $0xFFFFE0C0  }
0x9c: {  	[tilespmem:s21], [sflag:$0x1] =	stream.indirect.gather [hbm4b:s2+s20], $0x40, s15, s20, $0xb8;
	[tilespmem:$0x16040] =	vst v63  }
0x9d: {  	_ =	swait.ge [sflag:s0], $0x1F40  }
0x9e: {  	[sflag:s0] =	ssyncset.done $0x0  }
0x9f: {  	s16 =	rddreg [dreg:$0xf];
	[sflag:s0] =	ssyncadd.s32 $0xFFFFE0C0  }
0xa0: {  	[tilespmem:s22], [sflag:$0x2] =	stream.indirect.gather [hbm4b:s2+s20], $0x40, s16, s20, $0xb8;
	[tilespmem:$0x16040] =	vst v63  }
0xa1: {  	_ =	swait.ge [sflag:s6], $0x1F40  }
0xa2: {  	[sflag:s6] =	ssyncset.done $0x0  }
0xa3: {  	s17 =	rddreg [dreg:$0x10];
	[sflag:s6] =	ssyncadd.s32 $0xFFFFE0C0  }
0xa4: {  	[tilespmem:s23], [sflag:$0x3] =	stream.indirect.gather [hbm4b:s2+s20], $0x40, s17, s20, $0xb8;
	[tilespmem:$0x16040] =	vst v63  }
0xa5: {  	_ =	swait.ge [sflag:s7], $0x1F40  }
0xa6: {  	[sflag:s7] =	ssyncset.done $0x0  }
0xa7: {  	s15 =	rddreg [dreg:$0x11];
	[sflag:s7] =	ssyncadd.s32 $0xFFFFE0C0  }
0xa8: {  	[tilespmem:s24], [sflag:$0x4] =	stream.indirect.gather [hbm4b:s2+s20], $0x40, s15, s20, $0xb8;
	[tilespmem:$0x16040] =	vst v63  }
0xa9: {  	_ =	swait.ge [sflag:s8], $0x1F40  }
0xaa: {  	[sflag:s8] =	ssyncset.done $0x0  }
0xab: {  	s16 =	rddreg [dreg:$0x12];
	[sflag:s8] =	ssyncadd.s32 $0xFFFFE0C0  }
0xac: {  	[tilespmem:s25], [sflag:$0x5] =	stream.indirect.gather [hbm4b:s2+s20], $0x40, s16, s20, $0xb8;
	[tilespmem:$0x16040] =	vst v63  }
0xad: {  	_ =	swait.ge [sflag:s26], $0x1F40  }
0xae: {  	[sflag:s26] =	ssyncset.done $0x0  }
0xaf: {  	s17 =	rddreg [dreg:$0x13];
	[sflag:s26] =	ssyncadd.s32 $0xFFFFE0C0  }
0xb0: {  	[spmem:s3] =	stream.indirect.scatter.add.bf16 [tilespmem:s21], [sflag:$0x6], $0x40, s17, s20, $0xb8;
	[tilespmem:$0x16040] =	vst v63  }
0xb1: {  	_ =	swait.ge [sflag:s28], $0x1F40  }
0xb2: {  	[sflag:s28] =	ssyncset.done $0x0  }
0xb3: {  	s15 =	rddreg [dreg:$0x14];
	[sflag:s28] =	ssyncadd.s32 $0xFFFFE0C0  }
0xb4: {  	[spmem:s3] =	stream.indirect.scatter.add.bf16 [tilespmem:s22], [sflag:$0x7], $0x40, s15, s20, $0xb8;
	[tilespmem:$0x16040] =	vst v63  }
0xb5: {  	_ =	swait.ge [sflag:s29], $0x1F40  }
0xb6: {  	[sflag:s29] =	ssyncset.done $0x0  }
0xb7: {  	s16 =	rddreg [dreg:$0x15];
	[sflag:s29] =	ssyncadd.s32 $0xFFFFE0C0  }
0xb8: {  	[spmem:s3] =	stream.indirect.scatter.add.bf16 [tilespmem:s23], [sflag:$0x8], $0x40, s16, s20, $0xb8;
	[tilespmem:$0x16040] =	vst v63  }
0xb9: {  	_ =	swait.ge [sflag:s30], $0x1F40  }
0xba: {  	[sflag:s30] =	ssyncset.done $0x0  }
0xbb: {  	s17 =	rddreg [dreg:$0x16];
	[sflag:s30] =	ssyncadd.s32 $0xFFFFE0C0  }
0xbc: {  	[spmem:s3] =	stream.indirect.scatter.add.bf16 [tilespmem:s24], [sflag:$0x9], $0x40, s17, s20, $0xb8;
	[tilespmem:$0x16040] =	vst v63  }
0xbd: {  	_ =	swait.ge [sflag:s31], $0x1F40  }
0xbe: {  	[sflag:s31] =	ssyncset.done $0x0  }
0xbf: {  	s15 =	rddreg [dreg:$0x17];
	[sflag:s31] =	ssyncadd.s32 $0xFFFFE0C0  }
0xc0: {  	[spmem:s3] =	stream.indirect.scatter.add.bf16 [tilespmem:s25], [sflag:$0xA], $0x40, s15, s20, $0xb8;
	[tilespmem:$0x16040] =	vst v63  }
0xc1: {  	_ =	swait.ge [sflag:s1], $0x1F40  }
0xc2: {  	[sflag:s1] =	ssyncset.done $0x0  }
0xc3: {  	s16 =	rddreg [dreg:$0x18];
	[sflag:s1] =	ssyncadd.s32 $0xFFFFE0C0  }
0xc4: {  	[tilespmem:s21], [sflag:$0x1] =	stream.indirect.gather [hbm4b:s2+s20], $0x40, s16, s20, $0xb8;
	[tilespmem:$0x16040] =	vst v63  }
0xc5: {  	_ =	swait.ge [sflag:s0], $0x1F40  }
0xc6: {  	[sflag:s0] =	ssyncset.done $0x0  }
0xc7: {  	s17 =	rddreg [dreg:$0x19];
	[sflag:s0] =	ssyncadd.s32 $0xFFFFE0C0  }
0xc8: {  	[tilespmem:s22], [sflag:$0x2] =	stream.indirect.gather [hbm4b:s2+s20], $0x40, s17, s20, $0xb8;
	[tilespmem:$0x16040] =	vst v63  }
0xc9: {  	_ =	swait.ge [sflag:s6], $0x1F40  }
0xca: {  	[sflag:s6] =	ssyncset.done $0x0  }
0xcb: {  	s15 =	rddreg [dreg:$0x1a];
	[sflag:s6] =	ssyncadd.s32 $0xFFFFE0C0  }
0xcc: {  	[tilespmem:s23], [sflag:$0x3] =	stream.indirect.gather [hbm4b:s2+s20], $0x40, s15, s20, $0xb8;
	[tilespmem:$0x16040] =	vst v63  }
0xcd: {  	_ =	swait.ge [sflag:s7], $0x1F40  }
0xce: {  	[sflag:s7] =	ssyncset.done $0x0  }
0xcf: {  	s16 =	rddreg [dreg:$0x1b];
	[sflag:s7] =	ssyncadd.s32 $0xFFFFE0C0  }
0xd0: {  	[tilespmem:s24], [sflag:$0x4] =	stream.indirect.gather [hbm4b:s2+s20], $0x40, s16, s20, $0xb8;
	[tilespmem:$0x16040] =	vst v63  }
0xd1: {  	_ =	swait.ge [sflag:s8], $0x1F40  }
0xd2: {  	[sflag:s8] =	ssyncset.done $0x0  }
0xd3: {  	s17 =	rddreg [dreg:$0x1c];
	[sflag:s8] =	ssyncadd.s32 $0xFFFFE0C0  }
0xd4: {  	[tilespmem:s25], [sflag:$0x5] =	stream.indirect.gather [hbm4b:s2+s20], $0x40, s17, s20, $0xb8;
	[tilespmem:$0x16040] =	vst v63  }
0xd5: {  	_ =	swait.ge [sflag:s26], $0x1F40  }
0xd6: {  	[sflag:s26] =	ssyncset.done $0x0  }
0xd7: {  	s15 =	rddreg [dreg:$0x1d];
	[sflag:s26] =	ssyncadd.s32 $0xFFFFE0C0  }
0xd8: {  	[spmem:s3] =	stream.indirect.scatter.add.bf16 [tilespmem:s21], [sflag:$0x6], $0x40, s15, s20, $0xb8;
	[tilespmem:$0x16040] =	vst v63  }
0xd9: {  	_ =	swait.ge [sflag:s28], $0x1F40  }
0xda: {  	[sflag:s28] =	ssyncset.done $0x0  }
0xdb: {  	s16 =	rddreg [dreg:$0x1e];
	[sflag:s28] =	ssyncadd.s32 $0xFFFFE0C0  }
0xdc: {  	[spmem:s3] =	stream.indirect.scatter.add.bf16 [tilespmem:s22], [sflag:$0x7], $0x40, s16, s20, $0xb8;
	[tilespmem:$0x16040] =	vst v63  }
0xdd: {  	_ =	swait.ge [sflag:s29], $0x1F40  }
0xde: {  	[sflag:s29] =	ssyncset.done $0x0  }
0xdf: {  	s17 =	rddreg [dreg:$0x1f];
	[sflag:s29] =	ssyncadd.s32 $0xFFFFE0C0  }
0xe0: {  	[spmem:s3] =	stream.indirect.scatter.add.bf16 [tilespmem:s23], [sflag:$0x8], $0x40, s17, s20, $0xb8;
	[tilespmem:$0x16040] =	vst v63  }
0xe1: {  	_ =	swait.ge [sflag:s30], $0x1F40  }
0xe2: {  	s15 =	sld [smem:$0x7F8]  }
0xe3: {  	[sflag:s30] =	ssyncset.done $0x0  }
0xe4: {  	[sflag:s30] =	ssyncadd.s32 $0xFFFFE0C0  }
0xe5: {  	[spmem:s3] =	stream.indirect.scatter.add.bf16 [tilespmem:s24], [sflag:$0x9], $0x40, s15, s20, $0xb8;
	[tilespmem:$0x16040] =	vst v63  }
0xe6: {  	_ =	swait.ge [sflag:s31], $0x1F40  }
0xe7: {  	s16 =	sld [smem:$0x7F9]  }
0xe8: {  	[sflag:s31] =	ssyncset.done $0x0  }
0xe9: {  	[sflag:s31] =	ssyncadd.s32 $0xFFFFE0C0  }
0xea: {  	[spmem:s3] =	stream.indirect.scatter.add.bf16 [tilespmem:s25], [sflag:$0xA], $0x40, s16, s20, $0xb8;
	[tilespmem:$0x16040] =	vst v63  }
0xeb: {  	_ =	swait.ge [sflag:s1], $0x1F40  }
0xec: {  	s17 =	sld [smem:$0x7FA]  }
0xed: {  	[sflag:s1] =	ssyncset.done $0x0  }
0xee: {  	[sflag:s1] =	ssyncadd.s32 $0xFFFFE0C0  }
0xef: {  	[tilespmem:s21], [sflag:$0x1] =	stream.indirect.gather [hbm4b:s2+s20], $0x40, s17, s20, $0xb8;
	[tilespmem:$0x16040] =	vst v63  }
0xf0: {  	_ =	swait.ge [sflag:s0], $0x1F40  }
0xf1: {  	s15 =	sld [smem:$0x7FB]  }
0xf2: {  	[sflag:s0] =	ssyncset.done $0x0  }
0xf3: {  	[sflag:s0] =	ssyncadd.s32 $0xFFFFE0C0  }
0xf4: {  	[tilespmem:s22], [sflag:$0x2] =	stream.indirect.gather [hbm4b:s2+s20], $0x40, s15, s20, $0xb8;
	[tilespmem:$0x16040] =	vst v63  }
0xf5: {  	_ =	swait.ge [sflag:s6], $0x1F40  }
0xf6: {  	s16 =	sld [smem:$0x7FC]  }
0xf7: {  	[sflag:s6] =	ssyncset.done $0x0  }
0xf8: {  	[sflag:s6] =	ssyncadd.s32 $0xFFFFE0C0  }
0xf9: {  	[tilespmem:s23], [sflag:$0x3] =	stream.indirect.gather [hbm4b:s2+s20], $0x40, s16, s20, $0xb8;
	[tilespmem:$0x16040] =	vst v63  }
0xfa: {  	_ =	swait.ge [sflag:s7], $0x1F40  }
0xfb: {  	s17 =	sld [smem:$0x7FD]  }
0xfc: {  	[sflag:s7] =	ssyncset.done $0x0  }
0xfd: {  	[sflag:s7] =	ssyncadd.s32 $0xFFFFE0C0  }
0xfe: {  	[tilespmem:s24], [sflag:$0x4] =	stream.indirect.gather [hbm4b:s2+s20], $0x40, s17, s20, $0xb8;
	[tilespmem:$0x16040] =	vst v63  }
0xff: {  	_ =	swait.ge [sflag:s8], $0x1F40  }
0x100: {  	[sflag:s8] =	ssyncset.done $0x0  }
0x101: {  	[sflag:s8] =	ssyncadd.s32 $0xFFFFE0C0  }
0x102: {  	[tilespmem:s25], [sflag:$0x5] =	stream.indirect.gather [hbm4b:s2+s20], $0x40, s9, s20, $0xb8;
	[tilespmem:$0x16040] =	vst v63  }
0x103: {  	_ =	swait.ge [sflag:s26], $0x1F40  }
0x104: {  	[sflag:s26] =	ssyncset.done $0x0  }
0x105: {  	[sflag:s26] =	ssyncadd.s32 $0xFFFFE0C0  }
0x106: {  	[spmem:s3] =	stream.indirect.scatter.add.bf16 [tilespmem:s21], [sflag:$0x6], $0x40, s10, s20, $0xb8;
	[tilespmem:$0x16040] =	vst v63  }
0x107: {  	_ =	swait.ge [sflag:s28], $0x1F40  }
0x108: {  	[sflag:s28] =	ssyncset.done $0x0  }
0x109: {  	[sflag:s28] =	ssyncadd.s32 $0xFFFFE0C0  }
0x10a: {  	[spmem:s3] =	stream.indirect.scatter.add.bf16 [tilespmem:s22], [sflag:$0x7], $0x40, s11, s20, $0xb8;
	[tilespmem:$0x16040] =	vst v63  }
0x10b: {  	_ =	swait.ge [sflag:s29], $0x1F40  }
0x10c: {  	[sflag:s29] =	ssyncset.done $0x0  }
0x10d: {  	[sflag:s29] =	ssyncadd.s32 $0xFFFFE0C0  }
0x10e: {  	[spmem:s3] =	stream.indirect.scatter.add.bf16 [tilespmem:s23], [sflag:$0x8], $0x40, s12, s20, $0xb8;
	[tilespmem:$0x16040] =	vst v63  }
0x10f: {  	_ =	swait.ge [sflag:s30], $0x1F40  }
0x110: {  	[sflag:s30] =	ssyncset.done $0x0  }
0x111: {  	[sflag:s30] =	ssyncadd.s32 $0xFFFFE0C0  }
0x112: {  	[spmem:s3] =	stream.indirect.scatter.add.bf16 [tilespmem:s24], [sflag:$0x9], $0x40, s13, s20, $0xb8;
	[tilespmem:$0x16040] =	vst v63  }
0x113: {  	_ =	swait.ge [sflag:s31], $0x1F40  }
0x114: {  	[sflag:s31] =	ssyncset.done $0x0  }
0x115: {  	[sflag:s31] =	ssyncadd.s32 $0xFFFFE0C0  }
0x116: {  	[spmem:s3] =	stream.indirect.scatter.add.bf16 [tilespmem:s25], [sflag:$0xA], $0x40, s14, s20, $0xb8;
	[tilespmem:$0x16040] =	vst v63  }
0x117: {  	_ =	swait.ge [sflag:s1], $0x1F40  }
0x118: {  	[sflag:s1] =	ssyncset.done $0x0  }
0x119: {  	[sflag:s1] =	ssyncadd.s32 $0xFFFFE0C0  }
0x11a: {  	_ =	swait.ge [sflag:s0], $0x1F40  }
0x11b: {  	[sflag:s0] =	ssyncset.done $0x0  }
0x11c: {  	[sflag:s0] =	ssyncadd.s32 $0xFFFFE0C0  }
0x11d: {  	_ =	swait.ge [sflag:s6], $0x1F40  }
0x11e: {  	[sflag:s6] =	ssyncset.done $0x0  }
0x11f: {  	[sflag:s6] =	ssyncadd.s32 $0xFFFFE0C0  }
0x120: {  	_ =	swait.ge [sflag:s7], $0x1F40  }
0x121: {  	[sflag:s7] =	ssyncset.done $0x0  }
0x122: {  	[sflag:s7] =	ssyncadd.s32 $0xFFFFE0C0  }
0x123: {  	s5 =	simm.s32 $0x280;
	_ =	swait.ge [sflag:s8], $0x1F40  }
0x124: {  	s16 =	simm.s32 $0x140;
	s17 =	rddreg [dreg:$0x5];
	[sflag:s8] =	ssyncset.done $0x0  }
.LBB2_4:
0x125: {  	[sflag:s8] =	ssyncadd.s32 $0xFFFFE0C0;
	s17 =	sadd.s32 s16, s17  }
0x126: {  	[tilespmem:s4], [sflag:$0xB] =	stream.linear.gather [hbm4b:s17+s4], $0xA00, $0x38;
	[tilespmem:$0x16040] =	vst v63  }
0x127: {  	_ =	swait.ge [sflag:s18], $0xA00  }
0x128: {  	s17 =	rddreg [dreg:$0x4];
	[sflag:s18] =	ssyncset.done $0x0  }
0x129: {  	[sflag:s18] =	ssyncadd.s32 $0xFFFFF600;
	s17 =	sadd.s32 s16, s17  }
0x12a: {  	[tilespmem:s19], [sflag:$0xB] =	stream.linear.gather [hbm4b:s17+s4], $0xA00, $0x38;
	[tilespmem:$0x16040] =	vst v63  }
0x12b: {  	_ =	swait.ge [sflag:s18], $0xA00  }
0x12c: {  	[sflag:s18] =	ssyncset.done $0x0  }
0x12d: {  	s15 =	smov.u32 s5;
	[sflag:s18] =	ssyncadd.s32 $0xFFFFF600  }
0x12e: {  	[tilespmem:s21], [sflag:$0x1] =	stream.indirect.gather [hbm4b:s2+s20], $0x40, s4, s20, $0xb8;
	[tilespmem:$0x16040] =	vst v63  }
0x12f: {  	s16 =	smov.u32 s15;
	s15 =	rddreg [dreg:$0x6]  }
0x130: {  	[tilespmem:s22], [sflag:$0x2] =	stream.indirect.gather [hbm4b:s2+s20], $0x40, s15, s20, $0xb8;
	[tilespmem:$0x16040] =	vst v63  }
0x131: {  	s17 =	rddreg [dreg:$0x7]  }
0x132: {  	[tilespmem:s23], [sflag:$0x3] =	stream.indirect.gather [hbm4b:s2+s20], $0x40, s17, s20, $0xb8;
	[tilespmem:$0x16040] =	vst v63  }
0x133: {  	s15 =	rddreg [dreg:$0x8]  }
0x134: {  	[tilespmem:s24], [sflag:$0x4] =	stream.indirect.gather [hbm4b:s2+s20], $0x40, s15, s20, $0xb8;
	[tilespmem:$0x16040] =	vst v63  }
0x135: {  	s17 =	rddreg [dreg:$0x9]  }
0x136: {  	[tilespmem:s25], [sflag:$0x5] =	stream.indirect.gather [hbm4b:s2+s20], $0x40, s17, s20, $0xb8;
	[tilespmem:$0x16040] =	vst v63  }
0x137: {  	_ =	swait.ge [sflag:s26], $0x1F40  }
0x138: {  	[sflag:s26] =	ssyncset.done $0x0  }
0x139: {  	[sflag:s26] =	ssyncadd.s32 $0xFFFFE0C0  }
0x13a: {  	[spmem:s3] =	stream.indirect.scatter.add.bf16 [tilespmem:s21], [sflag:$0x6], $0x40, s19, s20, $0xb8;
	[tilespmem:$0x16040] =	vst v63  }
0x13b: {  	_ =	swait.ge [sflag:s28], $0x1F40  }
0x13c: {  	[sflag:s28] =	ssyncset.done $0x0  }
0x13d: {  	s17 =	rddreg [dreg:$0xa];
	[sflag:s28] =	ssyncadd.s32 $0xFFFFE0C0  }
0x13e: {  	[spmem:s3] =	stream.indirect.scatter.add.bf16 [tilespmem:s22], [sflag:$0x7], $0x40, s17, s20, $0xb8;
	[tilespmem:$0x16040] =	vst v63  }
0x13f: {  	_ =	swait.ge [sflag:s29], $0x1F40  }
0x140: {  	[sflag:s29] =	ssyncset.done $0x0  }
0x141: {  	s17 =	rddreg [dreg:$0xb];
	[sflag:s29] =	ssyncadd.s32 $0xFFFFE0C0  }
0x142: {  	[spmem:s3] =	stream.indirect.scatter.add.bf16 [tilespmem:s23], [sflag:$0x8], $0x40, s17, s20, $0xb8;
	[tilespmem:$0x16040] =	vst v63  }
0x143: {  	_ =	swait.ge [sflag:s30], $0x1F40  }
0x144: {  	[sflag:s30] =	ssyncset.done $0x0  }
0x145: {  	s17 =	rddreg [dreg:$0xc];
	[sflag:s30] =	ssyncadd.s32 $0xFFFFE0C0  }
0x146: {  	[spmem:s3] =	stream.indirect.scatter.add.bf16 [tilespmem:s24], [sflag:$0x9], $0x40, s17, s20, $0xb8;
	[tilespmem:$0x16040] =	vst v63  }
0x147: {  	_ =	swait.ge [sflag:s31], $0x1F40  }
0x148: {  	[sflag:s31] =	ssyncset.done $0x0  }
0x149: {  	s17 =	rddreg [dreg:$0xd];
	[sflag:s31] =	ssyncadd.s32 $0xFFFFE0C0  }
0x14a: {  	[spmem:s3] =	stream.indirect.scatter.add.bf16 [tilespmem:s25], [sflag:$0xA], $0x40, s17, s20, $0xb8;
	[tilespmem:$0x16040] =	vst v63  }
0x14b: {  	_ =	swait.ge [sflag:s1], $0x1F40  }
0x14c: {  	[sflag:s1] =	ssyncset.done $0x0  }
0x14d: {  	s17 =	rddreg [dreg:$0xe];
	[sflag:s1] =	ssyncadd.s32 $0xFFFFE0C0  }
0x14e: {  	[tilespmem:s21], [sflag:$0x1] =	stream.indirect.gather [hbm4b:s2+s20], $0x40, s17, s20, $0xb8;
	[tilespmem:$0x16040] =	vst v63  }
0x14f: {  	_ =	swait.ge [sflag:s0], $0x1F40  }
0x150: {  	[sflag:s0] =	ssyncset.done $0x0  }
0x151: {  	s17 =	rddreg [dreg:$0xf];
	[sflag:s0] =	ssyncadd.s32 $0xFFFFE0C0  }
0x152: {  	[tilespmem:s22], [sflag:$0x2] =	stream.indirect.gather [hbm4b:s2+s20], $0x40, s17, s20, $0xb8;
	[tilespmem:$0x16040] =	vst v63  }
0x153: {  	_ =	swait.ge [sflag:s6], $0x1F40  }
0x154: {  	[sflag:s6] =	ssyncset.done $0x0  }
0x155: {  	s17 =	rddreg [dreg:$0x10];
	[sflag:s6] =	ssyncadd.s32 $0xFFFFE0C0  }
0x156: {  	[tilespmem:s23], [sflag:$0x3] =	stream.indirect.gather [hbm4b:s2+s20], $0x40, s17, s20, $0xb8;
	[tilespmem:$0x16040] =	vst v63  }
0x157: {  	_ =	swait.ge [sflag:s7], $0x1F40  }
0x158: {  	[sflag:s7] =	ssyncset.done $0x0  }
0x159: {  	s17 =	rddreg [dreg:$0x11];
	[sflag:s7] =	ssyncadd.s32 $0xFFFFE0C0  }
0x15a: {  	[tilespmem:s24], [sflag:$0x4] =	stream.indirect.gather [hbm4b:s2+s20], $0x40, s17, s20, $0xb8;
	[tilespmem:$0x16040] =	vst v63  }
0x15b: {  	_ =	swait.ge [sflag:s8], $0x1F40  }
0x15c: {  	[sflag:s8] =	ssyncset.done $0x0  }
0x15d: {  	s17 =	rddreg [dreg:$0x12];
	[sflag:s8] =	ssyncadd.s32 $0xFFFFE0C0  }
0x15e: {  	[tilespmem:s25], [sflag:$0x5] =	stream.indirect.gather [hbm4b:s2+s20], $0x40, s17, s20, $0xb8;
	[tilespmem:$0x16040] =	vst v63  }
0x15f: {  	_ =	swait.ge [sflag:s26], $0x1F40  }
0x160: {  	[sflag:s26] =	ssyncset.done $0x0  }
0x161: {  	s17 =	rddreg [dreg:$0x13];
	[sflag:s26] =	ssyncadd.s32 $0xFFFFE0C0  }
0x162: {  	[spmem:s3] =	stream.indirect.scatter.add.bf16 [tilespmem:s21], [sflag:$0x6], $0x40, s17, s20, $0xb8;
	[tilespmem:$0x16040] =	vst v63  }
0x163: {  	_ =	swait.ge [sflag:s28], $0x1F40  }
0x164: {  	[sflag:s28] =	ssyncset.done $0x0  }
0x165: {  	s17 =	rddreg [dreg:$0x14];
	[sflag:s28] =	ssyncadd.s32 $0xFFFFE0C0  }
0x166: {  	[spmem:s3] =	stream.indirect.scatter.add.bf16 [tilespmem:s22], [sflag:$0x7], $0x40, s17, s20, $0xb8;
	[tilespmem:$0x16040] =	vst v63  }
0x167: {  	_ =	swait.ge [sflag:s29], $0x1F40  }
0x168: {  	[sflag:s29] =	ssyncset.done $0x0  }
0x169: {  	s17 =	rddreg [dreg:$0x15];
	[sflag:s29] =	ssyncadd.s32 $0xFFFFE0C0  }
0x16a: {  	[spmem:s3] =	stream.indirect.scatter.add.bf16 [tilespmem:s23], [sflag:$0x8], $0x40, s17, s20, $0xb8;
	[tilespmem:$0x16040] =	vst v63  }
0x16b: {  	_ =	swait.ge [sflag:s30], $0x1F40  }
0x16c: {  	[sflag:s30] =	ssyncset.done $0x0  }
0x16d: {  	s17 =	rddreg [dreg:$0x16];
	[sflag:s30] =	ssyncadd.s32 $0xFFFFE0C0  }
0x16e: {  	[spmem:s3] =	stream.indirect.scatter.add.bf16 [tilespmem:s24], [sflag:$0x9], $0x40, s17, s20, $0xb8;
	[tilespmem:$0x16040] =	vst v63  }
0x16f: {  	_ =	swait.ge [sflag:s31], $0x1F40  }
0x170: {  	[sflag:s31] =	ssyncset.done $0x0  }
0x171: {  	s17 =	rddreg [dreg:$0x17];
	[sflag:s31] =	ssyncadd.s32 $0xFFFFE0C0  }
0x172: {  	[spmem:s3] =	stream.indirect.scatter.add.bf16 [tilespmem:s25], [sflag:$0xA], $0x40, s17, s20, $0xb8;
	[tilespmem:$0x16040] =	vst v63  }
0x173: {  	_ =	swait.ge [sflag:s1], $0x1F40  }
0x174: {  	[sflag:s1] =	ssyncset.done $0x0  }
0x175: {  	s17 =	rddreg [dreg:$0x18];
	[sflag:s1] =	ssyncadd.s32 $0xFFFFE0C0  }
0x176: {  	[tilespmem:s21], [sflag:$0x1] =	stream.indirect.gather [hbm4b:s2+s20], $0x40, s17, s20, $0xb8;
	[tilespmem:$0x16040] =	vst v63  }
0x177: {  	_ =	swait.ge [sflag:s0], $0x1F40  }
0x178: {  	[sflag:s0] =	ssyncset.done $0x0  }
0x179: {  	s17 =	rddreg [dreg:$0x19];
	[sflag:s0] =	ssyncadd.s32 $0xFFFFE0C0  }
0x17a: {  	[tilespmem:s22], [sflag:$0x2] =	stream.indirect.gather [hbm4b:s2+s20], $0x40, s17, s20, $0xb8;
	[tilespmem:$0x16040] =	vst v63  }
0x17b: {  	_ =	swait.ge [sflag:s6], $0x1F40  }
0x17c: {  	[sflag:s6] =	ssyncset.done $0x0  }
0x17d: {  	s17 =	rddreg [dreg:$0x1a];
	[sflag:s6] =	ssyncadd.s32 $0xFFFFE0C0  }
0x17e: {  	[tilespmem:s23], [sflag:$0x3] =	stream.indirect.gather [hbm4b:s2+s20], $0x40, s17, s20, $0xb8;
	[tilespmem:$0x16040] =	vst v63  }
0x17f: {  	_ =	swait.ge [sflag:s7], $0x1F40  }
0x180: {  	[sflag:s7] =	ssyncset.done $0x0  }
0x181: {  	s17 =	rddreg [dreg:$0x1b];
	[sflag:s7] =	ssyncadd.s32 $0xFFFFE0C0  }
0x182: {  	[tilespmem:s24], [sflag:$0x4] =	stream.indirect.gather [hbm4b:s2+s20], $0x40, s17, s20, $0xb8;
	[tilespmem:$0x16040] =	vst v63  }
0x183: {  	_ =	swait.ge [sflag:s8], $0x1F40  }
0x184: {  	[sflag:s8] =	ssyncset.done $0x0  }
0x185: {  	s17 =	rddreg [dreg:$0x1c];
	[sflag:s8] =	ssyncadd.s32 $0xFFFFE0C0  }
0x186: {  	[tilespmem:s25], [sflag:$0x5] =	stream.indirect.gather [hbm4b:s2+s20], $0x40, s17, s20, $0xb8;
	[tilespmem:$0x16040] =	vst v63  }
0x187: {  	_ =	swait.ge [sflag:s26], $0x1F40  }
0x188: {  	[sflag:s26] =	ssyncset.done $0x0  }
0x189: {  	s17 =	rddreg [dreg:$0x1d];
	[sflag:s26] =	ssyncadd.s32 $0xFFFFE0C0  }
0x18a: {  	[spmem:s3] =	stream.indirect.scatter.add.bf16 [tilespmem:s21], [sflag:$0x6], $0x40, s17, s20, $0xb8;
	[tilespmem:$0x16040] =	vst v63  }
0x18b: {  	_ =	swait.ge [sflag:s28], $0x1F40  }
0x18c: {  	[sflag:s28] =	ssyncset.done $0x0  }
0x18d: {  	s17 =	rddreg [dreg:$0x1e];
	[sflag:s28] =	ssyncadd.s32 $0xFFFFE0C0  }
0x18e: {  	[spmem:s3] =	stream.indirect.scatter.add.bf16 [tilespmem:s22], [sflag:$0x7], $0x40, s17, s20, $0xb8;
	[tilespmem:$0x16040] =	vst v63  }
0x18f: {  	_ =	swait.ge [sflag:s29], $0x1F40  }
0x190: {  	[sflag:s29] =	ssyncset.done $0x0  }
0x191: {  	s17 =	rddreg [dreg:$0x1f];
	[sflag:s29] =	ssyncadd.s32 $0xFFFFE0C0  }
0x192: {  	[spmem:s3] =	stream.indirect.scatter.add.bf16 [tilespmem:s23], [sflag:$0x8], $0x40, s17, s20, $0xb8;
	[tilespmem:$0x16040] =	vst v63  }
0x193: {  	_ =	swait.ge [sflag:s30], $0x1F40  }
0x194: {  	s17 =	sld [smem:$0x7F8]  }
0x195: {  	[sflag:s30] =	ssyncset.done $0x0  }
0x196: {  	[sflag:s30] =	ssyncadd.s32 $0xFFFFE0C0  }
0x197: {  	[spmem:s3] =	stream.indirect.scatter.add.bf16 [tilespmem:s24], [sflag:$0x9], $0x40, s17, s20, $0xb8;
	[tilespmem:$0x16040] =	vst v63  }
0x198: {  	_ =	swait.ge [sflag:s31], $0x1F40  }
0x199: {  	s17 =	sld [smem:$0x7F9]  }
0x19a: {  	[sflag:s31] =	ssyncset.done $0x0  }
0x19b: {  	[sflag:s31] =	ssyncadd.s32 $0xFFFFE0C0  }
0x19c: {  	[spmem:s3] =	stream.indirect.scatter.add.bf16 [tilespmem:s25], [sflag:$0xA], $0x40, s17, s20, $0xb8;
	[tilespmem:$0x16040] =	vst v63  }
0x19d: {  	_ =	swait.ge [sflag:s1], $0x1F40  }
0x19e: {  	s17 =	sld [smem:$0x7FA]  }
0x19f: {  	[sflag:s1] =	ssyncset.done $0x0  }
0x1a0: {  	[sflag:s1] =	ssyncadd.s32 $0xFFFFE0C0  }
0x1a1: {  	[tilespmem:s21], [sflag:$0x1] =	stream.indirect.gather [hbm4b:s2+s20], $0x40, s17, s20, $0xb8;
	[tilespmem:$0x16040] =	vst v63  }
0x1a2: {  	_ =	swait.ge [sflag:s0], $0x1F40  }
0x1a3: {  	s17 =	sld [smem:$0x7FB]  }
0x1a4: {  	[sflag:s0] =	ssyncset.done $0x0  }
0x1a5: {  	[sflag:s0] =	ssyncadd.s32 $0xFFFFE0C0  }
0x1a6: {  	[tilespmem:s22], [sflag:$0x2] =	stream.indirect.gather [hbm4b:s2+s20], $0x40, s17, s20, $0xb8;
	[tilespmem:$0x16040] =	vst v63  }
0x1a7: {  	_ =	swait.ge [sflag:s6], $0x1F40  }
0x1a8: {  	s17 =	sld [smem:$0x7FC]  }
0x1a9: {  	[sflag:s6] =	ssyncset.done $0x0  }
0x1aa: {  	[sflag:s6] =	ssyncadd.s32 $0xFFFFE0C0  }
0x1ab: {  	[tilespmem:s23], [sflag:$0x3] =	stream.indirect.gather [hbm4b:s2+s20], $0x40, s17, s20, $0xb8;
	[tilespmem:$0x16040] =	vst v63  }
0x1ac: {  	_ =	swait.ge [sflag:s7], $0x1F40  }
0x1ad: {  	s17 =	sld [smem:$0x7FD]  }
0x1ae: {  	[sflag:s7] =	ssyncset.done $0x0  }
0x1af: {  	[sflag:s7] =	ssyncadd.s32 $0xFFFFE0C0  }
0x1b0: {  	[tilespmem:s24], [sflag:$0x4] =	stream.indirect.gather [hbm4b:s2+s20], $0x40, s17, s20, $0xb8;
	[tilespmem:$0x16040] =	vst v63  }
0x1b1: {  	_ =	swait.ge [sflag:s8], $0x1F40  }
0x1b2: {  	[sflag:s8] =	ssyncset.done $0x0  }
0x1b3: {  	[sflag:s8] =	ssyncadd.s32 $0xFFFFE0C0  }
0x1b4: {  	[tilespmem:s25], [sflag:$0x5] =	stream.indirect.gather [hbm4b:s2+s20], $0x40, s9, s20, $0xb8;
	[tilespmem:$0x16040] =	vst v63  }
0x1b5: {  	_ =	swait.ge [sflag:s26], $0x1F40  }
0x1b6: {  	[sflag:s26] =	ssyncset.done $0x0  }
0x1b7: {  	[sflag:s26] =	ssyncadd.s32 $0xFFFFE0C0  }
0x1b8: {  	[spmem:s3] =	stream.indirect.scatter.add.bf16 [tilespmem:s21], [sflag:$0x6], $0x40, s10, s20, $0xb8;
	[tilespmem:$0x16040] =	vst v63  }
0x1b9: {  	_ =	swait.ge [sflag:s28], $0x1F40  }
0x1ba: {  	[sflag:s28] =	ssyncset.done $0x0  }
0x1bb: {  	[sflag:s28] =	ssyncadd.s32 $0xFFFFE0C0  }
0x1bc: {  	[spmem:s3] =	stream.indirect.scatter.add.bf16 [tilespmem:s22], [sflag:$0x7], $0x40, s11, s20, $0xb8;
	[tilespmem:$0x16040] =	vst v63  }
0x1bd: {  	_ =	swait.ge [sflag:s29], $0x1F40  }
0x1be: {  	[sflag:s29] =	ssyncset.done $0x0  }
0x1bf: {  	[sflag:s29] =	ssyncadd.s32 $0xFFFFE0C0  }
0x1c0: {  	[spmem:s3] =	stream.indirect.scatter.add.bf16 [tilespmem:s23], [sflag:$0x8], $0x40, s12, s20, $0xb8;
	[tilespmem:$0x16040] =	vst v63  }
0x1c1: {  	_ =	swait.ge [sflag:s30], $0x1F40  }
0x1c2: {  	[sflag:s30] =	ssyncset.done $0x0  }
0x1c3: {  	[sflag:s30] =	ssyncadd.s32 $0xFFFFE0C0  }
0x1c4: {  	[spmem:s3] =	stream.indirect.scatter.add.bf16 [tilespmem:s24], [sflag:$0x9], $0x40, s13, s20, $0xb8;
	[tilespmem:$0x16040] =	vst v63  }
0x1c5: {  	_ =	swait.ge [sflag:s31], $0x1F40  }
0x1c6: {  	[sflag:s31] =	ssyncset.done $0x0  }
0x1c7: {  	[sflag:s31] =	ssyncadd.s32 $0xFFFFE0C0  }
0x1c8: {  	[spmem:s3] =	stream.indirect.scatter.add.bf16 [tilespmem:s25], [sflag:$0xA], $0x40, s14, s20, $0xb8;
	[tilespmem:$0x16040] =	vst v63  }
0x1c9: {  	_ =	swait.ge [sflag:s1], $0x1F40  }
0x1ca: {  	[sflag:s1] =	ssyncset.done $0x0  }
0x1cb: {  	[sflag:s1] =	ssyncadd.s32 $0xFFFFE0C0  }
0x1cc: {  	_ =	swait.ge [sflag:s0], $0x1F40  }
0x1cd: {  	[sflag:s0] =	ssyncset.done $0x0  }
0x1ce: {  	[sflag:s0] =	ssyncadd.s32 $0xFFFFE0C0  }
0x1cf: {  	_ =	swait.ge [sflag:s6], $0x1F40  }
0x1d0: {  	[sflag:s6] =	ssyncset.done $0x0  }
0x1d1: {  	p0 =	sne.s32 s5, $0x3C0;
	[sflag:s6] =	ssyncadd.s32 $0xFFFFE0C0  }
.Ltmp1:
0x1d2: {  	_ =	swait.ge [sflag:s7], $0x1F40;
	(pc) =	sbr.rel @p0 .LBB2_4-.Ltmp1, $4  }
0x1d3: {  	[sflag:s7] =	ssyncset.done $0x0  }
0x1d4: {  	[sflag:s7] =	ssyncadd.s32 $0xFFFFE0C0  }
0x1d5: {  	_ =	swait.ge [sflag:s8], $0x1F40  }
0x1d6: {  	s5 =	sadd.s32 $0x140, s5;
	s17 =	rddreg [dreg:$0x5];
	[sflag:s8] =	ssyncset.done $0x0  }
0x1d7: {  	[sflag:s8] =	ssyncadd.s32 $0xFFFFE0C0;
	s5 =	sadd.s32 s16, s17  }
0x1d8: {  	[tilespmem:s4], [sflag:$0xB] =	stream.linear.gather [hbm4b:s5+s4], $0xA00, $0x38;
	[tilespmem:$0x16040] =	vst v63  }
0x1d9: {  	_ =	swait.ge [sflag:s18], $0xA00  }
0x1da: {  	s15 =	rddreg [dreg:$0x4];
	[sflag:s18] =	ssyncset.done $0x0  }
0x1db: {  	[sflag:s18] =	ssyncadd.s32 $0xFFFFF600;
	s5 =	sadd.s32 s16, s15  }
0x1dc: {  	[tilespmem:s19], [sflag:$0xB] =	stream.linear.gather [hbm4b:s5+s4], $0xA00, $0x38;
	[tilespmem:$0x16040] =	vst v63  }
0x1dd: {  	_ =	swait.ge [sflag:s18], $0xA00  }
0x1de: {  	[sflag:s18] =	ssyncset.done $0x0  }
0x1df: {  	[sflag:s18] =	ssyncadd.s32 $0xFFFFF600  }
0x1e0: {  	[tilespmem:s21], [sflag:$0x1] =	stream.indirect.gather [hbm4b:s2+s20], $0x40, s4, s20, $0xb8;
	[tilespmem:$0x16040] =	vst v63  }
0x1e1: {  	s16 =	rddreg [dreg:$0x6]  }
0x1e2: {  	[tilespmem:s22], [sflag:$0x2] =	stream.indirect.gather [hbm4b:s2+s20], $0x40, s16, s20, $0xb8;
	[tilespmem:$0x16040] =	vst v63  }
0x1e3: {  	s15 =	rddreg [dreg:$0x7]  }
0x1e4: {  	[tilespmem:s23], [sflag:$0x3] =	stream.indirect.gather [hbm4b:s2+s20], $0x40, s15, s20, $0xb8;
	[tilespmem:$0x16040] =	vst v63  }
0x1e5: {  	s17 =	rddreg [dreg:$0x8]  }
0x1e6: {  	[tilespmem:s24], [sflag:$0x4] =	stream.indirect.gather [hbm4b:s2+s20], $0x40, s17, s20, $0xb8;
	[tilespmem:$0x16040] =	vst v63  }
0x1e7: {  	s16 =	rddreg [dreg:$0x9]  }
0x1e8: {  	[tilespmem:s25], [sflag:$0x5] =	stream.indirect.gather [hbm4b:s2+s20], $0x40, s16, s20, $0xb8;
	[tilespmem:$0x16040] =	vst v63  }
0x1e9: {  	_ =	swait.ge [sflag:s26], $0x1F40  }
0x1ea: {  	[sflag:s26] =	ssyncset.done $0x0  }
0x1eb: {  	[sflag:s26] =	ssyncadd.s32 $0xFFFFE0C0  }
0x1ec: {  	[spmem:s3] =	stream.indirect.scatter.add.bf16 [tilespmem:s21], [sflag:$0x6], $0x40, s19, s20, $0xb8;
	[tilespmem:$0x16040] =	vst v63  }
0x1ed: {  	_ =	swait.ge [sflag:s28], $0x1F40  }
0x1ee: {  	[sflag:s28] =	ssyncset.done $0x0  }
0x1ef: {  	s17 =	rddreg [dreg:$0xa];
	[sflag:s28] =	ssyncadd.s32 $0xFFFFE0C0  }
0x1f0: {  	[spmem:s3] =	stream.indirect.scatter.add.bf16 [tilespmem:s22], [sflag:$0x7], $0x40, s17, s20, $0xb8;
	[tilespmem:$0x16040] =	vst v63  }
0x1f1: {  	_ =	swait.ge [sflag:s29], $0x1F40  }
0x1f2: {  	[sflag:s29] =	ssyncset.done $0x0  }
0x1f3: {  	s15 =	rddreg [dreg:$0xb];
	[sflag:s29] =	ssyncadd.s32 $0xFFFFE0C0  }
0x1f4: {  	[spmem:s3] =	stream.indirect.scatter.add.bf16 [tilespmem:s23], [sflag:$0x8], $0x40, s15, s20, $0xb8;
	[tilespmem:$0x16040] =	vst v63  }
0x1f5: {  	_ =	swait.ge [sflag:s30], $0x1F40  }
0x1f6: {  	[sflag:s30] =	ssyncset.done $0x0  }
0x1f7: {  	s16 =	rddreg [dreg:$0xc];
	[sflag:s30] =	ssyncadd.s32 $0xFFFFE0C0  }
0x1f8: {  	[spmem:s3] =	stream.indirect.scatter.add.bf16 [tilespmem:s24], [sflag:$0x9], $0x40, s16, s20, $0xb8;
	[tilespmem:$0x16040] =	vst v63  }
0x1f9: {  	_ =	swait.ge [sflag:s31], $0x1F40  }
0x1fa: {  	[sflag:s31] =	ssyncset.done $0x0  }
0x1fb: {  	s17 =	rddreg [dreg:$0xd];
	[sflag:s31] =	ssyncadd.s32 $0xFFFFE0C0  }
0x1fc: {  	[spmem:s3] =	stream.indirect.scatter.add.bf16 [tilespmem:s25], [sflag:$0xA], $0x40, s17, s20, $0xb8;
	[tilespmem:$0x16040] =	vst v63  }
0x1fd: {  	_ =	swait.ge [sflag:s1], $0x1F40  }
0x1fe: {  	[sflag:s1] =	ssyncset.done $0x0  }
0x1ff: {  	s15 =	rddreg [dreg:$0xe];
	[sflag:s1] =	ssyncadd.s32 $0xFFFFE0C0  }
0x200: {  	[tilespmem:s21], [sflag:$0x1] =	stream.indirect.gather [hbm4b:s2+s20], $0x40, s15, s20, $0xb8;
	[tilespmem:$0x16040] =	vst v63  }
0x201: {  	_ =	swait.ge [sflag:s0], $0x1F40  }
0x202: {  	[sflag:s0] =	ssyncset.done $0x0  }
0x203: {  	s16 =	rddreg [dreg:$0xf];
	[sflag:s0] =	ssyncadd.s32 $0xFFFFE0C0  }
0x204: {  	[tilespmem:s22], [sflag:$0x2] =	stream.indirect.gather [hbm4b:s2+s20], $0x40, s16, s20, $0xb8;
	[tilespmem:$0x16040] =	vst v63  }
0x205: {  	_ =	swait.ge [sflag:s6], $0x1F40  }
0x206: {  	[sflag:s6] =	ssyncset.done $0x0  }
0x207: {  	s17 =	rddreg [dreg:$0x10];
	[sflag:s6] =	ssyncadd.s32 $0xFFFFE0C0  }
0x208: {  	[tilespmem:s23], [sflag:$0x3] =	stream.indirect.gather [hbm4b:s2+s20], $0x40, s17, s20, $0xb8;
	[tilespmem:$0x16040] =	vst v63  }
0x209: {  	_ =	swait.ge [sflag:s7], $0x1F40  }
0x20a: {  	[sflag:s7] =	ssyncset.done $0x0  }
0x20b: {  	s15 =	rddreg [dreg:$0x11];
	[sflag:s7] =	ssyncadd.s32 $0xFFFFE0C0  }
0x20c: {  	[tilespmem:s24], [sflag:$0x4] =	stream.indirect.gather [hbm4b:s2+s20], $0x40, s15, s20, $0xb8;
	[tilespmem:$0x16040] =	vst v63  }
0x20d: {  	_ =	swait.ge [sflag:s8], $0x1F40  }
0x20e: {  	[sflag:s8] =	ssyncset.done $0x0  }
0x20f: {  	s16 =	rddreg [dreg:$0x12];
	[sflag:s8] =	ssyncadd.s32 $0xFFFFE0C0  }
0x210: {  	[tilespmem:s25], [sflag:$0x5] =	stream.indirect.gather [hbm4b:s2+s20], $0x40, s16, s20, $0xb8;
	[tilespmem:$0x16040] =	vst v63  }
0x211: {  	_ =	swait.ge [sflag:s26], $0x1F40  }
0x212: {  	[sflag:s26] =	ssyncset.done $0x0  }
0x213: {  	s17 =	rddreg [dreg:$0x13];
	[sflag:s26] =	ssyncadd.s32 $0xFFFFE0C0  }
0x214: {  	[spmem:s3] =	stream.indirect.scatter.add.bf16 [tilespmem:s21], [sflag:$0x6], $0x40, s17, s20, $0xb8;
	[tilespmem:$0x16040] =	vst v63  }
0x215: {  	_ =	swait.ge [sflag:s28], $0x1F40  }
0x216: {  	[sflag:s28] =	ssyncset.done $0x0  }
0x217: {  	s15 =	rddreg [dreg:$0x14];
	[sflag:s28] =	ssyncadd.s32 $0xFFFFE0C0  }
0x218: {  	[spmem:s3] =	stream.indirect.scatter.add.bf16 [tilespmem:s22], [sflag:$0x7], $0x40, s15, s20, $0xb8;
	[tilespmem:$0x16040] =	vst v63  }
0x219: {  	_ =	swait.ge [sflag:s29], $0x1F40  }
0x21a: {  	[sflag:s29] =	ssyncset.done $0x0  }
0x21b: {  	s16 =	rddreg [dreg:$0x15];
	[sflag:s29] =	ssyncadd.s32 $0xFFFFE0C0  }
0x21c: {  	[spmem:s3] =	stream.indirect.scatter.add.bf16 [tilespmem:s23], [sflag:$0x8], $0x40, s16, s20, $0xb8;
	[tilespmem:$0x16040] =	vst v63  }
0x21d: {  	_ =	swait.ge [sflag:s30], $0x1F40  }
0x21e: {  	[sflag:s30] =	ssyncset.done $0x0  }
0x21f: {  	s17 =	rddreg [dreg:$0x16];
	[sflag:s30] =	ssyncadd.s32 $0xFFFFE0C0  }
0x220: {  	[spmem:s3] =	stream.indirect.scatter.add.bf16 [tilespmem:s24], [sflag:$0x9], $0x40, s17, s20, $0xb8;
	[tilespmem:$0x16040] =	vst v63  }
0x221: {  	_ =	swait.ge [sflag:s31], $0x1F40  }
0x222: {  	[sflag:s31] =	ssyncset.done $0x0  }
0x223: {  	s15 =	rddreg [dreg:$0x17];
	[sflag:s31] =	ssyncadd.s32 $0xFFFFE0C0  }
0x224: {  	[spmem:s3] =	stream.indirect.scatter.add.bf16 [tilespmem:s25], [sflag:$0xA], $0x40, s15, s20, $0xb8;
	[tilespmem:$0x16040] =	vst v63  }
0x225: {  	_ =	swait.ge [sflag:s1], $0x1F40  }
0x226: {  	[sflag:s1] =	ssyncset.done $0x0  }
0x227: {  	s16 =	rddreg [dreg:$0x18];
	[sflag:s1] =	ssyncadd.s32 $0xFFFFE0C0  }
0x228: {  	[tilespmem:s21], [sflag:$0x1] =	stream.indirect.gather [hbm4b:s2+s20], $0x40, s16, s20, $0xb8;
	[tilespmem:$0x16040] =	vst v63  }
0x229: {  	_ =	swait.ge [sflag:s0], $0x1F40  }
0x22a: {  	[sflag:s0] =	ssyncset.done $0x0  }
0x22b: {  	s17 =	rddreg [dreg:$0x19];
	[sflag:s0] =	ssyncadd.s32 $0xFFFFE0C0  }
0x22c: {  	[tilespmem:s22], [sflag:$0x2] =	stream.indirect.gather [hbm4b:s2+s20], $0x40, s17, s20, $0xb8;
	[tilespmem:$0x16040] =	vst v63  }
0x22d: {  	_ =	swait.ge [sflag:s6], $0x1F40  }
0x22e: {  	[sflag:s6] =	ssyncset.done $0x0  }
0x22f: {  	s15 =	rddreg [dreg:$0x1a];
	[sflag:s6] =	ssyncadd.s32 $0xFFFFE0C0  }
0x230: {  	[tilespmem:s23], [sflag:$0x3] =	stream.indirect.gather [hbm4b:s2+s20], $0x40, s15, s20, $0xb8;
	[tilespmem:$0x16040] =	vst v63  }
0x231: {  	_ =	swait.ge [sflag:s7], $0x1F40  }
0x232: {  	[sflag:s7] =	ssyncset.done $0x0  }
0x233: {  	s16 =	rddreg [dreg:$0x1b];
	[sflag:s7] =	ssyncadd.s32 $0xFFFFE0C0  }
0x234: {  	[tilespmem:s24], [sflag:$0x4] =	stream.indirect.gather [hbm4b:s2+s20], $0x40, s16, s20, $0xb8;
	[tilespmem:$0x16040] =	vst v63  }
0x235: {  	_ =	swait.ge [sflag:s8], $0x1F40  }
0x236: {  	[sflag:s8] =	ssyncset.done $0x0  }
0x237: {  	s17 =	rddreg [dreg:$0x1c];
	[sflag:s8] =	ssyncadd.s32 $0xFFFFE0C0  }
0x238: {  	[tilespmem:s25], [sflag:$0x5] =	stream.indirect.gather [hbm4b:s2+s20], $0x40, s17, s20, $0xb8;
	[tilespmem:$0x16040] =	vst v63  }
0x239: {  	_ =	swait.ge [sflag:s26], $0x1F40  }
0x23a: {  	[sflag:s26] =	ssyncset.done $0x0  }
0x23b: {  	s15 =	rddreg [dreg:$0x1d];
	[sflag:s26] =	ssyncadd.s32 $0xFFFFE0C0  }
0x23c: {  	[spmem:s3] =	stream.indirect.scatter.add.bf16 [tilespmem:s21], [sflag:$0x6], $0x40, s15, s20, $0xb8;
	[tilespmem:$0x16040] =	vst v63  }
0x23d: {  	_ =	swait.ge [sflag:s28], $0x1F40  }
0x23e: {  	[sflag:s28] =	ssyncset.done $0x0  }
0x23f: {  	s16 =	rddreg [dreg:$0x1e];
	[sflag:s28] =	ssyncadd.s32 $0xFFFFE0C0  }
0x240: {  	[spmem:s3] =	stream.indirect.scatter.add.bf16 [tilespmem:s22], [sflag:$0x7], $0x40, s16, s20, $0xb8;
	[tilespmem:$0x16040] =	vst v63  }
0x241: {  	_ =	swait.ge [sflag:s29], $0x1F40  }
0x242: {  	[sflag:s29] =	ssyncset.done $0x0  }
0x243: {  	s17 =	rddreg [dreg:$0x1f];
	[sflag:s29] =	ssyncadd.s32 $0xFFFFE0C0  }
0x244: {  	[spmem:s3] =	stream.indirect.scatter.add.bf16 [tilespmem:s23], [sflag:$0x8], $0x40, s17, s20, $0xb8;
	[tilespmem:$0x16040] =	vst v63  }
0x245: {  	_ =	swait.ge [sflag:s30], $0x1F40  }
0x246: {  	s15 =	sld [smem:$0x7F8]  }
0x247: {  	[sflag:s30] =	ssyncset.done $0x0  }
0x248: {  	[sflag:s30] =	ssyncadd.s32 $0xFFFFE0C0  }
0x249: {  	[spmem:s3] =	stream.indirect.scatter.add.bf16 [tilespmem:s24], [sflag:$0x9], $0x40, s15, s20, $0xb8;
	[tilespmem:$0x16040] =	vst v63  }
0x24a: {  	_ =	swait.ge [sflag:s31], $0x1F40  }
0x24b: {  	s16 =	sld [smem:$0x7F9]  }
0x24c: {  	[sflag:s31] =	ssyncset.done $0x0  }
0x24d: {  	[sflag:s31] =	ssyncadd.s32 $0xFFFFE0C0  }
0x24e: {  	[spmem:s3] =	stream.indirect.scatter.add.bf16 [tilespmem:s25], [sflag:$0xA], $0x40, s16, s20, $0xb8;
	[tilespmem:$0x16040] =	vst v63  }
0x24f: {  	_ =	swait.ge [sflag:s1], $0x1F40  }
0x250: {  	s17 =	sld [smem:$0x7FA]  }
0x251: {  	[sflag:s1] =	ssyncset.done $0x0  }
0x252: {  	[sflag:s1] =	ssyncadd.s32 $0xFFFFE0C0  }
0x253: {  	[tilespmem:s21], [sflag:$0x1] =	stream.indirect.gather [hbm4b:s2+s20], $0x40, s17, s20, $0xb8;
	[tilespmem:$0x16040] =	vst v63  }
0x254: {  	_ =	swait.ge [sflag:s0], $0x1F40  }
0x255: {  	s15 =	sld [smem:$0x7FB]  }
0x256: {  	[sflag:s0] =	ssyncset.done $0x0  }
0x257: {  	[sflag:s0] =	ssyncadd.s32 $0xFFFFE0C0  }
0x258: {  	[tilespmem:s22], [sflag:$0x2] =	stream.indirect.gather [hbm4b:s2+s20], $0x40, s15, s20, $0xb8;
	[tilespmem:$0x16040] =	vst v63  }
0x259: {  	_ =	swait.ge [sflag:s6], $0x1F40  }
0x25a: {  	s16 =	sld [smem:$0x7FC]  }
0x25b: {  	[sflag:s6] =	ssyncset.done $0x0  }
0x25c: {  	[sflag:s6] =	ssyncadd.s32 $0xFFFFE0C0  }
0x25d: {  	[tilespmem:s23], [sflag:$0x3] =	stream.indirect.gather [hbm4b:s2+s20], $0x40, s16, s20, $0xb8;
	[tilespmem:$0x16040] =	vst v63  }
0x25e: {  	_ =	swait.ge [sflag:s7], $0x1F40  }
0x25f: {  	s17 =	sld [smem:$0x7FD]  }
0x260: {  	[sflag:s7] =	ssyncset.done $0x0  }
0x261: {  	[sflag:s7] =	ssyncadd.s32 $0xFFFFE0C0  }
0x262: {  	[tilespmem:s24], [sflag:$0x4] =	stream.indirect.gather [hbm4b:s2+s20], $0x40, s17, s20, $0xb8;
	[tilespmem:$0x16040] =	vst v63  }
0x263: {  	_ =	swait.ge [sflag:s8], $0x1F40  }
0x264: {  	[sflag:s8] =	ssyncset.done $0x0  }
0x265: {  	[sflag:s8] =	ssyncadd.s32 $0xFFFFE0C0  }
0x266: {  	[tilespmem:s25], [sflag:$0x5] =	stream.indirect.gather [hbm4b:s2+s20], $0x40, s9, s20, $0xb8;
	[tilespmem:$0x16040] =	vst v63  }
0x267: {  	_ =	swait.ge [sflag:s26], $0x1F40  }
0x268: {  	[sflag:s26] =	ssyncset.done $0x0  }
0x269: {  	[sflag:s26] =	ssyncadd.s32 $0xFFFFE0C0  }
0x26a: {  	[spmem:s3] =	stream.indirect.scatter.add.bf16 [tilespmem:s21], [sflag:$0x6], $0x40, s10, s20, $0xb8;
	[tilespmem:$0x16040] =	vst v63  }
0x26b: {  	_ =	swait.ge [sflag:s28], $0x1F40  }
0x26c: {  	[sflag:s28] =	ssyncset.done $0x0  }
0x26d: {  	[sflag:s28] =	ssyncadd.s32 $0xFFFFE0C0  }
0x26e: {  	[spmem:s3] =	stream.indirect.scatter.add.bf16 [tilespmem:s22], [sflag:$0x7], $0x40, s11, s20, $0xb8;
	[tilespmem:$0x16040] =	vst v63  }
0x26f: {  	_ =	swait.ge [sflag:s29], $0x1F40  }
0x270: {  	[sflag:s29] =	ssyncset.done $0x0  }
0x271: {  	[sflag:s29] =	ssyncadd.s32 $0xFFFFE0C0  }
0x272: {  	[spmem:s3] =	stream.indirect.scatter.add.bf16 [tilespmem:s23], [sflag:$0x8], $0x40, s12, s20, $0xb8;
	[tilespmem:$0x16040] =	vst v63  }
0x273: {  	_ =	swait.ge [sflag:s30], $0x1F40  }
0x274: {  	[sflag:s30] =	ssyncset.done $0x0  }
0x275: {  	[sflag:s30] =	ssyncadd.s32 $0xFFFFE0C0  }
0x276: {  	[spmem:s3] =	stream.indirect.scatter.add.bf16 [tilespmem:s24], [sflag:$0x9], $0x40, s13, s20, $0xb8;
	[tilespmem:$0x16040] =	vst v63  }
0x277: {  	_ =	swait.ge [sflag:s31], $0x1F40  }
0x278: {  	[sflag:s31] =	ssyncset.done $0x0  }
0x279: {  	[sflag:s31] =	ssyncadd.s32 $0xFFFFE0C0  }
0x27a: {  	[spmem:s3] =	stream.indirect.scatter.add.bf16 [tilespmem:s25], [sflag:$0xA], $0x40, s14, s20, $0xb8;
	[tilespmem:$0x16040] =	vst v63  }
0x27b: {  	_ =	swait.ge [sflag:s1], $0x1F40  }
0x27c: {  	[sflag:s1] =	ssyncset.done $0x0  }
0x27d: {  	[sflag:s1] =	ssyncadd.s32 $0xFFFFE0C0  }
0x27e: {  	_ =	swait.ge [sflag:s0], $0x1F40  }
0x27f: {  	[sflag:s0] =	ssyncset.done $0x0  }
0x280: {  	[sflag:s0] =	ssyncadd.s32 $0xFFFFE0C0  }
0x281: {  	_ =	swait.ge [sflag:s6], $0x1F40  }
0x282: {  	[sflag:s6] =	ssyncset.done $0x0  }
0x283: {  	[sflag:s6] =	ssyncadd.s32 $0xFFFFE0C0  }
0x284: {  	_ =	swait.ge [sflag:s7], $0x1F40  }
0x285: {  	[sflag:s7] =	ssyncset.done $0x0  }
0x286: {  	[sflag:s7] =	ssyncadd.s32 $0xFFFFE0C0  }
0x287: {  	_ =	swait.ge [sflag:s8], $0x1F40  }
0x288: {  	[sflag:s8] =	ssyncset.done $0x0  }
0x289: {  	[sflag:s8] =	ssyncadd.s32 $0xFFFFE0C0  }
0x28a: {  	[bflag:$0x0] =	sbarrier.arrive $0xFFFF  }
0x28b: {  	s16 =	sld [smem:$0x7EC]  }
0x28c: {  	s15 =	stileid.u32;
	s17 =	sld [smem:$0x7F6]  }
0x28d: {  	s5 =	sshll.u32 s15, $0x6  }
0x28e: {  	s5 =	sor.u32 $0x1C0B, s5;
	s15 =	sshrl.u32 s16, $0x3  }
0x28f: {  	[hbm:s17], [sflag:s5] =	dma.local [spmem:s15], $0x1400  }
0x290: {  	_ =	swait.ge [sflag:s18], $0x1400  }
0x291: {  	s16 =	sld [smem:$0x7EB]  }
0x292: {  	s17 =	sld [smem:$0x7F7];
	_ =	sdelay $0x1  }
0x293: {  	s15 =	sadd.s32 $0x1, s16  }
0x294: {  	p0 =	sne.s32 s15, s17  }
.Ltmp2:
0x295: {  	_ = 	snop;
	(pc) =	sbr.rel @p0 .LBB2_1-.Ltmp2, $3  }
0x296: {  	_ =	sdelay $0x1  }
0x297: {  	[sflag:s18] =	ssyncset.done $0x0  }
0x298: {  	[sflag:s18] =	ssyncadd.s32 $0xFFFFEC00  }
0x299: {  	_ =	sfence.sel $0x180000  }
0x29a: {  	[bflag:$0x0] =	sbarrier.arrive $0xFFFF  }
0x29b: {  	_ =	strace $0x9000004D  }
0x29c: {  	s0 =	stileid.u32;
	[bflag:$0x2] =	sbarrier.arrive $0xFFFF  }
0x29d: {  	p0 =	sne.s32 s0, $0x0;
	s0 =	rddreg [dreg:$0x3]  }
0x29e: {  	s0 =	sadd.s32 @!p0 $0x100000, s0  }
0x29f: {  	[sflag:s0] =	ssyncadd.tile.s32 @!p0 $0x1;
	_ =	shalt  }
.Lfunc_end2:
_tile_overlayer_lowered:
.L_overlay_start_2:
0x2a0: {  	(tag) =	ssettag $0x2  }
0x2a1: {  	s0 =	rddreg [dreg:$0x0];
	s2 =	stileid.u32  }
0x2a2: {  	s1 =	rddreg [dreg:$0x1];
	p0 =	sne.s32 s2, $0x0  }
0x2a3: {  	s3 =	rddreg [dreg:$0x2];
	[bflag:$0x3] =	sbarrier.arrive $0xFFFF;
	s2 =	simm.s32 @!p0 $0x1C0B  }
0x2a4: {  	[timem:s3], [sflag:s2] =	dma.local @!p0 [hbm:s0], s1  }
0x2a5: {  	s0 =	simm.s32 @!p0 $0xB  }
0x2a6: {  	_ =	swait.ge @!p0 [sflag:s0], s1  }
0x2a7: {  	s1 =	ssub.s32 @!p0 $0x0, s1;
	[sflag:s0] =	ssyncset.done @!p0 $0x0  }
0x2a8: {  	[sflag:s0] =	ssyncadd.s32 @!p0 s1  }
0x2a9: {  	[bflag:$0x3] =	sbarrier.arrive $0xFFFF  }
0x2aa: {  	_ =	shalt  }

// kernel: kernel.20.cloned.1.call-start
scs
__scs_entry_jumppad:
0x0: {  	(pc) =	sbr.rel $0x88, $3  }
0x1: {  	(tag) =	ssettag $0x0;
	lr =	simm.s32 $0x1  }
0x2: {  	[smem:$0x3F9D] =	sst lr;
	_ =	strace $0xD0000000  }
0x3: {  	_ = 	snop  }
0x4: {  	_ = 	snop  }
0x5: {  	_ = 	snop  }
0x6: {  	_ = 	snop  }
0x7: {  	_ = 	snop  }
__scs_overlays_trampoline_lowered:
0x8: {  	[smem:$0x3FAC] =	sst s0  }
0x9: {  	[smem:$0x3FAD] =	sst s1  }
0xa: {  	[smem:$0x3FAE] =	sst s2  }
0xb: {  	[smem:$0x3FAF] =	sst s3  }
0xc: {  	[smem:$0x3FB0] =	sst s4  }
0xd: {  	[smem:$0x3FB1] =	sst s5  }
0xe: {  	[smem:$0x3FB2] =	sst s6  }
0xf: {  	[smem:$0x3FB3] =	sst s7  }
0x10: {  	[smem:$0x3FB4] =	sst s8  }
0x11: {  	[smem:$0x3FB5] =	sst s9;
	s0 =	simm.s32 @!p0 $0x0  }
0x12: {  	s1 =	sld [smem:$0x3F9B];
	s0 =	simm.s32 @p0 $0x1  }
0x13: {  	[smem:$0x3FB6] =	sst s0;
	s0 =	simm.s32 @!p1 $0x0  }
0x14: {  	s2 =	sld [smem:$0x3F9A];
	s0 =	simm.s32 @p1 $0x1  }
0x15: {  	[smem:$0x3FB7] =	sst s0;
	s0 =	simm.s32 @!p2 $0x0  }
0x16: {  	s3 =	sld [smem:$0x3FDB];
	s0 =	simm.s32 @p2 $0x1  }
0x17: {  	s4 =	simm.s32 $0x1BF5;
	[smem:$0x3FB9] =	sst s0  }
0x18: {  	s0 =	sld [smem:$0x3F9C];
	_ =	swait.ge [sflag:s4], $0x0  }
0x19: {  	s7 =	sld [smem:$0x3F9D]  }
0x1a: {  	s8 =	sadd.s32 $0xFFFFE003, lr  }
0x1b: {  	s9 =	sadd.s32 $0xFFFFFEF7, lr;
	s5 =	simm.s32 $0xFFFFFFFF;
	p2 =	slt.u32 s8, $0xFFFFF086  }
0x1c: {  	p1 =	slt.u32 s9, $0xF7A;
	s5 =	simm.s32 @!p2 $0x0  }
0x1d: {  	s5 =	simm.s32 @p1 $0x1;
	p0 =	seq.s32 s7, s2  }
0x1e: {  	s7 =	smul.u32 @!p0 $0xF7A, s2;
	p2 =	seq.s32 @!p0 s5, $0x0  }
0x1f: {  	s9 =	smul.u32 $0xF7A, s1;
	s8 =	simm.s32 @!p0 $0x1BF5;
	p2 =	por !p2, p0  }
0x20: {  	[sflag:s8] =	ssyncset.s32 @!p0 $0xFFFFF086;
	s6 =	sadd.s32 @!p0 s3, s7;
	s7 =	simm.s32 @!p0 $0x108  }
0x21: {  	s3 =	sadd.s32 s3, s9;
	s6 =	sadd.s32 @!p0 $0x88, s6;
	s7 =	simm.s32 @p2 $0x1082  }
0x22: {  	[simem:s7], [sflag:s8] =	dma.local @!p0 [hbm:s6], $0xF7A  }
0x23: {  	s9 =	sor.u32 $0xD0000000, s2;
	s6 =	simm.s32 $0x108;
	_ =	swait.ge @!p0 [sflag:s8], $0x0  }
0x24: {  	s3 =	sadd.s32 $0x88, s3;
	s6 =	simm.s32 @!p1 $0x1082;
	[sflag:s4] =	ssyncset.s32 $0xFFFFF086  }
0x25: {  	[simem:s6], [sflag:s4] =	dma.local [hbm:s3], $0xF7A  }
0x26: {  	[smem:$0x3F9D] =	sst s1;
	(tag) =	ssettag s2;
	_ =	strace s9  }
0x27: {  	s1 =	sld [smem:$0x3FAD]  }
0x28: {  	s2 =	sld [smem:$0x3FAE]  }
0x29: {  	s4 =	sld [smem:$0x3FB0]  }
0x2a: {  	p0 =	seq.s32 s5, $0x0;
	s5 =	sld [smem:$0x3FB1]  }
0x2b: {  	s6 =	sld [smem:$0x3FB2]  }
0x2c: {  	s7 =	sld [smem:$0x3FB3]  }
0x2d: {  	s3 =	simm.s32 $0x108;
	s8 =	sld [smem:$0x3FB4]  }
0x2e: {  	s3 =	simm.s32 @!p0 $0x1082;
	s9 =	sld [smem:$0x3FB5]  }
0x2f: {  	lr =	sadd.s32 s0, s3;
	s0 =	sld [smem:$0x3FAC]  }
0x30: {  	s3 =	sld [smem:$0x3FAF]  }
0x31: {  	[smem:$0x3FB8] =	sst s10  }
0x32: {  	s10 =	sld [smem:$0x3FB6];
	_ =	sdelay $0x3  }
0x33: {  	p0 =	seq.s32 s10, $0x1;
	s10 =	sld [smem:$0x3FB8];
	_ =	sdelay $0x3  }
0x34: {  	[smem:$0x3FB8] =	sst s10  }
0x35: {  	s10 =	sld [smem:$0x3FB7];
	_ =	sdelay $0x3  }
0x36: {  	p1 =	seq.s32 s10, $0x1;
	s10 =	sld [smem:$0x3FB8];
	_ =	sdelay $0x3  }
0x37: {  	[smem:$0x3FB8] =	sst s10  }
0x38: {  	s10 =	sld [smem:$0x3FB9]  }
0x39: {  	_ = 	snop;
	(pc) =	sbr.ind lr, $3  }
0x3a: {  	_ = 	snop  }
0x3b: {  	_ = 	snop  }
0x3c: {  	p2 =	seq.s32 s10, $0x1;
	s10 =	sld [smem:$0x3FB8]  }
0x3d: {  	_ =	shalt  }
0x3e: {  	_ =	shalt  }
0x3f: {  	_ =	shalt  }
0x40: {  	_ =	shalt  }
0x41: {  	_ =	shalt  }
0x42: {  	_ =	shalt  }
0x43: {  	_ =	shalt  }
0x44: {  	_ =	shalt  }
0x45: {  	_ =	shalt  }
0x46: {  	_ =	shalt  }
0x47: {  	_ =	shalt  }
0x48: {  	_ =	shalt  }
0x49: {  	_ =	shalt  }
0x4a: {  	_ =	shalt  }
0x4b: {  	_ =	shalt  }
0x4c: {  	_ =	shalt  }
0x4d: {  	_ =	shalt  }
0x4e: {  	_ =	shalt  }
0x4f: {  	_ =	shalt  }
0x50: {  	_ =	shalt  }
0x51: {  	_ =	shalt  }
0x52: {  	_ =	shalt  }
0x53: {  	_ =	shalt  }
0x54: {  	_ =	shalt  }
0x55: {  	_ =	shalt  }
0x56: {  	_ =	shalt  }
0x57: {  	_ =	shalt  }
0x58: {  	_ =	shalt  }
0x59: {  	_ =	shalt  }
0x5a: {  	_ =	shalt  }
0x5b: {  	_ =	shalt  }
0x5c: {  	_ =	shalt  }
0x5d: {  	_ =	shalt  }
0x5e: {  	_ =	shalt  }
0x5f: {  	_ =	shalt  }
0x60: {  	_ =	shalt  }
0x61: {  	_ =	shalt  }
0x62: {  	_ =	shalt  }
0x63: {  	_ =	shalt  }
0x64: {  	_ =	shalt  }
0x65: {  	_ =	shalt  }
0x66: {  	_ =	shalt  }
0x67: {  	_ =	shalt  }
0x68: {  	_ =	shalt  }
0x69: {  	_ =	shalt  }
0x6a: {  	_ =	shalt  }
0x6b: {  	_ =	shalt  }
0x6c: {  	_ =	shalt  }
0x6d: {  	_ =	shalt  }
0x6e: {  	_ =	shalt  }
0x6f: {  	_ =	shalt  }
0x70: {  	_ =	shalt  }
0x71: {  	_ =	shalt  }
0x72: {  	_ =	shalt  }
0x73: {  	_ =	shalt  }
0x74: {  	_ =	shalt  }
0x75: {  	_ =	shalt  }
0x76: {  	_ =	shalt  }
0x77: {  	_ =	shalt  }
0x78: {  	_ =	shalt  }
0x79: {  	_ =	shalt  }
0x7a: {  	_ =	shalt  }
0x7b: {  	_ =	shalt  }
0x7c: {  	_ =	shalt  }
0x7d: {  	_ =	shalt  }
0x7e: {  	_ =	shalt  }
0x7f: {  	_ =	shalt  }
0x80: {  	_ =	shalt  }
0x81: {  	_ =	shalt  }
0x82: {  	_ =	shalt  }
0x83: {  	_ =	shalt  }
0x84: {  	_ =	shalt  }
0x85: {  	_ =	shalt  }
0x86: {  	_ =	shalt  }
0x87: {  	_ =	shalt  }
.Lfunc_end0:
.L_simem_size_0:
called_computation.3_lowered:
.L_overlay_start_0:
0x88: {  	s2 =	sld [smem:$0x3FD9]  }
0x89: {  	s3 =	sld [smem:$0x3FFE];
	_ =	sdelay $0x1  }
0x8a: {  	s1 =	srdreg.scid  }
0x8b: {  	s0 =	sand.u32 $0x1, s1  }
0x8c: {  	s14 =	sshll.u32 s0, $0xA;
	s2 =	sadd.s32 s3, s2  }
0x8d: {  	s2 =	sadd.s32 s2, s14  }
0x8e: {  	[smem:$0x3FC4] =	sst s2  }
0x8f: {  	_ = 	snop  }
0x90: {  	s2 =	sld [smem:$0x3FD0];
	_ =	sdelay $0x2  }
0x91: {  	s15 =	simm.s32 $0xA;
	s4 =	simm.s32 $0x10  }
0x92: {  	[smem:s4], [sflag:s15] =	dma.local [hbm:s2], $0x1  }
0x93: {  	_ =	swait.eq [sflag:s15], $0x1  }
0x94: {  	[sflag:s15] =	ssyncset.done $0x0  }
0x95: {  	[sflag:s15] =	ssyncadd.s32 $0xFFFFFFFF  }
0x96: {  	s16 =	sld [smem:$0x11];
	(tm) =	ssettm $0x1  }
0x97: {  	s17 =	sld [smem:$0x3FFB];
	_ =	sdelay $0x3  }
0x98: {  	_ =	strace s17  }
0x99: {  	s3 =	sld [smem:$0x3FFC];
	_ =	sdelay $0x3  }
0x9a: {  	_ =	strace s3  }
0x9b: {  	s3 =	sld [smem:$0x3FFD];
	_ =	sdelay $0x3  }
0x9c: {  	_ =	strace s3  }
0x9d: {  	_ =	strace $0x8FFFFFFF  }
0x9e: {  	s18 =	sld [smem:$0x3FDB];
	_ =	sdelay $0x1  }
0x9f: {  	s19 =	simm.s32 $_scs_section_size  }
0xa0: {  	s5 =	simm.s32 $_size__tile_overlayer_lowered;
	s6 =	simm.s32 $_tile_overlayer_lowered  }
0xa1: {  	s22 =	simm.s32 $0x1BFF;
	s21 =	sshll.u32 s6, $0x1;
	s3 =	sadd.s32 s19, s18  }
0xa2: {  	s7 =	simm.s32 $0x0;
	s20 =	sshll.u32 s5, $0x1;
	s5 =	sadd.s32 s21, s3  }
0xa3: {  	[timem:s7], [sflag:s22] =	dma.local [hbm:s5], s20  }
0xa4: {  	_ =	swait.ge [sflag:s22], s20  }
0xa5: {  	s4 =	ssub.s32 $0x0, s20;
	[sflag:s22] =	ssyncset.done $0x0  }
0xa6: {  	[sflag:s22] =	ssyncadd.s32 s4;
	_ =	sdelay $0x1  }
0xa7: {  	s23 =	simm.s32 $0x1B8B  }
0xa8: {  	_ =	swait.ge [sflag:s23], $0x1  }
0xa9: {  	[sflag:s23] =	ssyncset.done $0x0  }
0xaa: {  	s25 =	simm.s32 $0x1B8E;
	s24 =	sld [smem:$0x3FFE];
	[sflag:s23] =	ssyncadd.s32 $0xFFFFFFFF  }
0xab: {  	s26 =	simm.s32 $execute0_lowered;
	[smem:$0x3FD2] =	sst s25  }
0xac: {  	s5 =	sshll.u32 s26, $0x1;
	_ =	strace $0x8000004F;
	[dreg:$0x1] =	wrdreg $0xFFFFFFFF  }
0xad: {  	s28 =	simm.s32 $_size_execute0_lowered;
	s3 =	sadd.s32 s3, s5;
	[dreg:$0x0] =	wrdreg $0x0  }
0xae: {  	s5 =	sshll.u32 s28, $0x1;
	[dreg:$0x2] =	wrdreg s3  }
0xaf: {  	[dreg:$0x3] =	wrdreg s5  }
0xb0: {  	[dreg:$0x4] =	wrdreg $0xC0  }
0xb1: {  	_ =	task [dreg:s7], $0x5FFFF  }
0xb2: {  	[dreg:$0x1] =	wrdreg $0xFFFFFFFF  }
0xb3: {  	[dreg:$0x0] =	wrdreg $0x60  }
0xb4: {  	[dreg:$0x2] =	wrdreg s16  }
0xb5: {  	[dreg:$0x3] =	wrdreg s24  }
0xb6: {  	[dreg:$0x4] =	wrdreg $0x24000  }
0xb7: {  	[dreg:$0x5] =	wrdreg $0x9  }
0xb8: {  	_ =	task.clear_ibuf [dreg:s7], $0x6FFFF;
	_ =	strace $0x9000004F  }
0xb9: {  	s29 =	simm.s32 $0x9;
	_ =	strace $0x80000051  }
0xba: {  	_ =	swait.ge [sflag:s29], $0x1  }
0xbb: {  	[sflag:s29] =	ssyncadd.s32 $0xFFFFFFFF  }
0xbc: {  	_ =	strace $0x90000051  }
0xbd: {  	_ =	sfence  }
0xbe: {  	s30 =	sld [smem:$0x0];
	_ =	sdelay $0x2  }
0xbf: {  	s31 =	sshll.u32 s1, $0xD;
	s1 =	sshrl.u32 s1, $0x2  }
0xc0: {  	s3 =	sand.u32 $0x4000, s31;
	s1 =	sadd.s32 s1, s30  }
0xc1: {  	s0 =	sor.u32 s3, s0;
	s1 =	sshll.u32 s1, $0x11  }
0xc2: {  	s0 =	sor.u32 s1, s0  }
0xc3: {  	s0 =	sadd.s32 $0x8F2B, s0  }
0xc4: {  	[sflag:s0] =	ssyncadd.remote.s32 $0x1  }
0xc5: {  	_ =	sfence.sel $0xFFFF  }
0xc6: {  	[dreg:$0x0] =	wrdreg $0xFFFFFFFF;
	(pc) =	sbr.abs _section_cstart, $3  }
0xc7: {  	[dreg:$0x1] =	wrdreg $0xFFFFFFFF  }
0xc8: {  	_ =	task.clear_ibuf [dreg:s7], $0x2FFFF;
	_ =	strace $0x9FFFFFFF  }
0xc9: {  	(tm) =	ssettm $0x7FFFFFFF  }
tec
execute0_lowered:
.L_overlay_start_1:
0x0: {  	(tag) =	ssettag $0x1  }
0x1: {  	s0 =	srdreg.scid;
	s8 =	stileid.u32  }
0x2: {  	s0 =	sand.u32 $0x1, s0;
	s1 =	smul.u32 $0x5000, s8  }
0x3: {  	s2 =	rddreg [dreg:$0x0];
	s4 =	smul.u32 $0x2800, s0  }
0x4: {  	s5 =	rddreg [dreg:$0x1]  }
0x5: {  	s3 =	rddreg [dreg:$0x2];
	s1 =	sadd.s32 s4, s1;
	s4 =	simm.s32 $0x0  }
0x6: {  	s20 =	simm.s32 $0x80;
	[smem:$0x7FF] =	sst s4  }
0x7: {  	s22 =	simm.s32 $0x100;
	_ =	strace $0x80000050;
	[dreg:$0x6] =	wrdreg s20  }
0x8: {  	s23 =	simm.s32 $0x180;
	[dreg:$0x7] =	wrdreg s22  }
0x9: {  	s24 =	simm.s32 $0x200;
	[dreg:$0x8] =	wrdreg s23  }
0xa: {  	s25 =	simm.s32 $0xA80;
	[dreg:$0x9] =	wrdreg s24  }
0xb: {  	s26 =	simm.s32 $0xB00;
	[dreg:$0xa] =	wrdreg s25  }
0xc: {  	s9 =	simm.s32 $0xB80;
	[dreg:$0xb] =	wrdreg s26  }
0xd: {  	s10 =	simm.s32 $0xC00;
	[dreg:$0xc] =	wrdreg s9  }
0xe: {  	s12 =	simm.s32 $0x280;
	[dreg:$0xd] =	wrdreg s10  }
0xf: {  	s13 =	simm.s32 $0x300;
	[dreg:$0xe] =	wrdreg s12  }
0x10: {  	s14 =	simm.s32 $0x380;
	s16 =	simm.s32 $0x400;
	[dreg:$0xf] =	wrdreg s13  }
0x11: {  	s17 =	simm.s32 $0x480;
	s19 =	simm.s32 $0xC80;
	[dreg:$0x10] =	wrdreg s14  }
0x12: {  	s7 =	smul.u32 $0x140000, s0;
	s0 =	ssub.s32 $0x2, s0;
	[dreg:$0x11] =	wrdreg s16  }
0x13: {  	s15 =	smul.u32 $0x28000, s8;
	s11 =	sshrl.u32 s0, $0x1;
	[dreg:$0x12] =	wrdreg s17  }
0x14: {  	s0 =	ssub.s32 s0, s11;
	s11 =	simm.s32 $0x580;
	[dreg:$0x13] =	wrdreg s19  }
0x15: {  	s18 =	sshrl.u32 s15, $0x2;
	s15 =	simm.s32 $0x680;
	[dreg:$0x19] =	wrdreg s11  }
0x16: {  	s0 =	smax.u32 s0, $0x1;
	[dreg:$0x1b] =	wrdreg s15  }
0x17: {  	s20 =	simm.s32 $0xD00;
	[smem:$0x7F7] =	sst s0  }
0x18: {  	s28 =	simm.s32 $0x2;
	s22 =	simm.s32 $0xD80;
	[dreg:$0x14] =	wrdreg s20  }
0x19: {  	s29 =	simm.s32 $0x3;
	s24 =	simm.s32 $0xE00;
	[dreg:$0x15] =	wrdreg s22  }
0x1a: {  	s21 =	smul.u32 $0x14000, s8;
	s26 =	simm.s32 $0xE80;
	[dreg:$0x16] =	wrdreg s24  }
0x1b: {  	s30 =	simm.s32 $0x4;
	s9 =	simm.s32 $0x500;
	[dreg:$0x17] =	wrdreg s26  }
0x1c: {  	s7 =	sadd.s32 s21, s7;
	s13 =	simm.s32 $0x600;
	[dreg:$0x18] =	wrdreg s9  }
0x1d: {  	s1 =	sshrl.u32 s1, $0x3;
	s17 =	simm.s32 $0x700;
	[dreg:$0x1a] =	wrdreg s13  }
0x1e: {  	s1 =	sadd.s32 s1, s5;
	s19 =	simm.s32 $0xF80;
	[dreg:$0x1c] =	wrdreg s17  }
0x1f: {  	s7 =	sshrl.u32 s7, $0x4;
	s6 =	sadd.s32 $0x16400, s1;
	[dreg:$0x1e] =	wrdreg s19  }
0x20: {  	s5 =	sadd.s32 s7, s5;
	s1 =	sadd.s32 $0xC400, s1;
	[dreg:$0x4] =	wrdreg s6  }
0x21: {  	s31 =	simm.s32 $0x5;
	s5 =	sadd.s32 $0x70400, s5;
	[dreg:$0x5] =	wrdreg s1  }
0x22: {  	s0 =	simm.s32 $0x7;
	s20 =	simm.s32 $0x1000;
	[smem:$0x7F6] =	sst s5  }
0x23: {  	s7 =	simm.s32 $0x9;
	s22 =	simm.s32 $0x1100;
	[dreg:$0x1f] =	wrdreg s20  }
0x24: {  	s11 =	simm.s32 $0x1200;
	s24 =	simm.s32 $0x800;
	[smem:$0x7F9] =	sst s22  }
0x25: {  	s26 =	simm.s32 $0x900;
	s6 =	sshrl.u32 s21, $0x1;
	[smem:$0x7FB] =	sst s24  }
0x26: {  	s15 =	simm.s32 $0x0;
	[smem:$0x7FD] =	sst s26;
	s6 =	sadd.s32 s6, s3  }
0x27: {  	[smem:$0x7EC] =	sst s6;
	s6 =	sadd.s32 s18, s3;
	s18 =	simm.s32 $0xF00  }
0x28: {  	s19 =	simm.s32 $0xA00;
	s21 =	sadd.s32 $0x1000, s6;
	[dreg:$0x1d] =	wrdreg s18  }
0x29: {  	s9 =	simm.s32 $0x980;
	s23 =	sadd.s32 $0x2000, s6;
	[smem:$0x7ED] =	sst s21  }
0x2a: {  	s13 =	simm.s32 $0x1300;
	s25 =	sadd.s32 $0x3000, s6;
	[smem:$0x7EE] =	sst s23  }
0x2b: {  	s20 =	simm.s32 $0x7D;
	s8 =	sadd.s32 $0x4000, s6;
	[smem:$0x7EF] =	sst s25  }
0x2c: {  	s22 =	simm.s32 $0xE340;
	s10 =	sadd.s32 $0x5000, s6;
	[smem:$0x7F0] =	sst s8  }
0x2d: {  	s24 =	simm.s32 $0x121C0;
	s12 =	sadd.s32 $0x6000, s6;
	[smem:$0x7F1] =	sst s10  }
0x2e: {  	s26 =	simm.s32 $0x1;
	s14 =	sadd.s32 $0x7000, s6;
	[smem:$0x7F2] =	sst s12  }
0x2f: {  	s1 =	simm.s32 $0x6;
	s16 =	sadd.s32 $0x8000, s6;
	[smem:$0x7F3] =	sst s14  }
0x30: {  	s6 =	sadd.s32 $0x9000, s6;
	s18 =	simm.s32 $0xB;
	[smem:$0x7F4] =	sst s16  }
0x31: {  	[smem:$0x7F5] =	sst s6;
	s21 =	simm.s32 $0x1080;
	s23 =	simm.s32 $0x780  }
0x32: {  	s25 =	simm.s32 $0x880;
	s6 =	simm.s32 $0x8;
	s8 =	simm.s32 $0xA  }
0x33: {  	s10 =	simm.s32 $0x1180;
	s12 =	simm.s32 $0x1280;
	[smem:$0x7F8] =	sst s21  }
0x34: {  	s14 =	simm.s32 $0x1380;
	[smem:$0x7FA] =	sst s23;
	s21 =	simm.s32 $0xC400  }
0x35: {  	v0 =	vimm.bf16 $0.0e+00;
	[smem:$0x7FC] =	sst s25;
	s23 =	simm.s32 $0x10280;
	s25 =	simm.s32 $0x14100  }
.LBB2_1:
0x36: {  	[smem:$0x7EB] =	sst s15;
	s16 =	simm.s32 $0x100;
	s5 =	simm.s32 $0x0  }
.LBB2_2:
0x37: {  	p0 =	sne.s32 s16, $0x3F00;
	[tilespmem:s5+$0x1430] =	vst v0;
	s17 =	smov.u32 s16;
	s16 =	sadd.s32 $0x100, s16  }
.Ltmp0:
0x38: {  	[tilespmem:s5+$0x1420] =	vst v0;
	(pc) =	sbr.rel @p0 .LBB2_2-.Ltmp0, $3  }
0x39: {  	[tilespmem:s5+$0x1400] =	vst v0  }
0x3a: {  	[tilespmem:s5+$0x1410] =	vst v0;
	_ =	sdelay $0x1  }
0x3b: {  	s5 =	sshra.s32 s17, $0x2  }
0x3c: {  	[tilespmem:s5+$0x1430] =	vst v0  }
0x3d: {  	[tilespmem:s5+$0x1420] =	vst v0;
	s16 =	sld [smem:$0x7EC]  }
0x3e: {  	[tilespmem:s5+$0x1400] =	vst v0  }
0x3f: {  	[tilespmem:s5+$0x1410] =	vst v0;
	s15 =	simm.s32 $0x1400  }
0x40: {  	[spmem:s16] =	stream.linear.scatter [tilespmem:s15], [sflag:$0xB], $0x1000, $0x38;
	[tilespmem:$0x16040] =	vst v63  }
0x41: {  	_ =	swait.ge [sflag:s18], $0x1000  }
0x42: {  	s17 =	sld [smem:$0x7ED]  }
0x43: {  	[sflag:s18] =	ssyncset.done $0x0  }
0x44: {  	[sflag:s18] =	ssyncadd.s32 $0xFFFFF000  }
0x45: {  	[spmem:s17] =	stream.linear.scatter [tilespmem:s15], [sflag:$0xB], $0x1000, $0x38;
	[tilespmem:$0x16040] =	vst v63  }
0x46: {  	_ =	swait.ge [sflag:s18], $0x1000  }
0x47: {  	s16 =	sld [smem:$0x7EE]  }
0x48: {  	[sflag:s18] =	ssyncset.done $0x0  }
0x49: {  	[sflag:s18] =	ssyncadd.s32 $0xFFFFF000  }
0x4a: {  	[spmem:s16] =	stream.linear.scatter [tilespmem:s15], [sflag:$0xB], $0x1000, $0x38;
	[tilespmem:$0x16040] =	vst v63  }
0x4b: {  	_ =	swait.ge [sflag:s18], $0x1000  }
0x4c: {  	s17 =	sld [smem:$0x7EF]  }
0x4d: {  	[sflag:s18] =	ssyncset.done $0x0  }
0x4e: {  	[sflag:s18] =	ssyncadd.s32 $0xFFFFF000  }
0x4f: {  	[spmem:s17] =	stream.linear.scatter [tilespmem:s15], [sflag:$0xB], $0x1000, $0x38;
	[tilespmem:$0x16040] =	vst v63  }
0x50: {  	_ =	swait.ge [sflag:s18], $0x1000  }
0x51: {  	s16 =	sld [smem:$0x7F0]  }
0x52: {  	[sflag:s18] =	ssyncset.done $0x0  }
0x53: {  	[sflag:s18] =	ssyncadd.s32 $0xFFFFF000  }
0x54: {  	[spmem:s16] =	stream.linear.scatter [tilespmem:s15], [sflag:$0xB], $0x1000, $0x38;
	[tilespmem:$0x16040] =	vst v63  }
0x55: {  	_ =	swait.ge [sflag:s18], $0x1000  }
0x56: {  	s17 =	sld [smem:$0x7F1]  }
0x57: {  	[sflag:s18] =	ssyncset.done $0x0  }
0x58: {  	[sflag:s18] =	ssyncadd.s32 $0xFFFFF000  }
0x59: {  	[spmem:s17] =	stream.linear.scatter [tilespmem:s15], [sflag:$0xB], $0x1000, $0x38;
	[tilespmem:$0x16040] =	vst v63  }
0x5a: {  	_ =	swait.ge [sflag:s18], $0x1000  }
0x5b: {  	s16 =	sld [smem:$0x7F2]  }
0x5c: {  	[sflag:s18] =	ssyncset.done $0x0  }
0x5d: {  	[sflag:s18] =	ssyncadd.s32 $0xFFFFF000  }
0x5e: {  	[spmem:s16] =	stream.linear.scatter [tilespmem:s15], [sflag:$0xB], $0x1000, $0x38;
	[tilespmem:$0x16040] =	vst v63  }
0x5f: {  	_ =	swait.ge [sflag:s18], $0x1000  }
0x60: {  	s17 =	sld [smem:$0x7F3]  }
0x61: {  	[sflag:s18] =	ssyncset.done $0x0  }
0x62: {  	[sflag:s18] =	ssyncadd.s32 $0xFFFFF000  }
0x63: {  	[spmem:s17] =	stream.linear.scatter [tilespmem:s15], [sflag:$0xB], $0x1000, $0x38;
	[tilespmem:$0x16040] =	vst v63  }
0x64: {  	_ =	swait.ge [sflag:s18], $0x1000  }
0x65: {  	s16 =	sld [smem:$0x7F4]  }
0x66: {  	[sflag:s18] =	ssyncset.done $0x0  }
0x67: {  	[sflag:s18] =	ssyncadd.s32 $0xFFFFF000  }
0x68: {  	[spmem:s16] =	stream.linear.scatter [tilespmem:s15], [sflag:$0xB], $0x1000, $0x38;
	[tilespmem:$0x16040] =	vst v63  }
0x69: {  	_ =	swait.ge [sflag:s18], $0x1000  }
0x6a: {  	s17 =	sld [smem:$0x7F5]  }
0x6b: {  	[sflag:s18] =	ssyncset.done $0x0  }
0x6c: {  	[sflag:s18] =	ssyncadd.s32 $0xFFFFF000  }
0x6d: {  	[spmem:s17] =	stream.linear.scatter [tilespmem:s15], [sflag:$0xB], $0x1000, $0x38;
	[tilespmem:$0x16040] =	vst v63  }
0x6e: {  	_ =	swait.ge [sflag:s18], $0x1000  }
0x6f: {  	[sflag:s18] =	ssyncset.done $0x0  }
0x70: {  	[sflag:s18] =	ssyncadd.s32 $0xFFFFF000  }
0x71: {  	[bflag:$0x0] =	sbarrier.arrive $0xFFFF  }
0x72: {  	s16 =	rddreg [dreg:$0x5]  }
0x73: {  	s5 =	sadd.s32 $0x0, s16  }
0x74: {  	[tilespmem:s4], [sflag:$0xB] =	stream.linear.gather [hbm4b:s5+s4], $0xA00, $0x38;
	[tilespmem:$0x16040] =	vst v63  }
0x75: {  	_ =	swait.ge [sflag:s18], $0xA00  }
0x76: {  	s17 =	rddreg [dreg:$0x4];
	[sflag:s18] =	ssyncset.done $0x0  }
0x77: {  	[sflag:s18] =	ssyncadd.s32 $0xFFFFF600;
	s5 =	sadd.s32 $0x0, s17  }
0x78: {  	[tilespmem:s19], [sflag:$0xB] =	stream.linear.gather [hbm4b:s5+s4], $0xA00, $0x38;
	[tilespmem:$0x16040] =	vst v63  }
0x79: {  	_ =	swait.ge [sflag:s18], $0xA00  }
0x7a: {  	[sflag:s18] =	ssyncset.done $0x0  }
0x7b: {  	[sflag:s18] =	ssyncadd.s32 $0xFFFFF600  }
0x7c: {  	[tilespmem:s21], [sflag:$0x1] =	stream.indirect.gather [hbm4b:s2+s20], $0x40, s4, s20, $0xb8;
	[tilespmem:$0x16040] =	vst v63  }
0x7d: {  	s15 =	rddreg [dreg:$0x6]  }
0x7e: {  	[tilespmem:s22], [sflag:$0x2] =	stream.indirect.gather [hbm4b:s2+s20], $0x40, s15, s20, $0xb8;
	[tilespmem:$0x16040] =	vst v63  }
0x7f: {  	s16 =	rddreg [dreg:$0x7]  }
0x80: {  	[tilespmem:s23], [sflag:$0x3] =	stream.indirect.gather [hbm4b:s2+s20], $0x40, s16, s20, $0xb8;
	[tilespmem:$0x16040] =	vst v63  }
0x81: {  	s17 =	rddreg [dreg:$0x8]  }
0x82: {  	[tilespmem:s24], [sflag:$0x4] =	stream.indirect.gather [hbm4b:s2+s20], $0x40, s17, s20, $0xb8;
	[tilespmem:$0x16040] =	vst v63  }
0x83: {  	s15 =	rddreg [dreg:$0x9]  }
0x84: {  	[tilespmem:s25], [sflag:$0x5] =	stream.indirect.gather [hbm4b:s2+s20], $0x40, s15, s20, $0xb8;
	[tilespmem:$0x16040] =	vst v63  }
0x85: {  	_ =	swait.ge [sflag:s26], $0x1F40  }
0x86: {  	[sflag:s26] =	ssyncset.done $0x0  }
0x87: {  	[sflag:s26] =	ssyncadd.s32 $0xFFFFE0C0  }
0x88: {  	[spmem:s3] =	stream.indirect.scatter.add.bf16 [tilespmem:s21], [sflag:$0x6], $0x40, s19, s20, $0xb8;
	[tilespmem:$0x16040] =	vst v63  }
0x89: {  	_ =	swait.ge [sflag:s28], $0x1F40  }
0x8a: {  	[sflag:s28] =	ssyncset.done $0x0  }
0x8b: {  	s17 =	rddreg [dreg:$0xa];
	[sflag:s28] =	ssyncadd.s32 $0xFFFFE0C0  }
0x8c: {  	[spmem:s3] =	stream.indirect.scatter.add.bf16 [tilespmem:s22], [sflag:$0x7], $0x40, s17, s20, $0xb8;
	[tilespmem:$0x16040] =	vst v63  }
0x8d: {  	_ =	swait.ge [sflag:s29], $0x1F40  }
0x8e: {  	[sflag:s29] =	ssyncset.done $0x0  }
0x8f: {  	s15 =	rddreg [dreg:$0xb];
	[sflag:s29] =	ssyncadd.s32 $0xFFFFE0C0  }
0x90: {  	[spmem:s3] =	stream.indirect.scatter.add.bf16 [tilespmem:s23], [sflag:$0x8], $0x40, s15, s20, $0xb8;
	[tilespmem:$0x16040] =	vst v63  }
0x91: {  	_ =	swait.ge [sflag:s30], $0x1F40  }
0x92: {  	[sflag:s30] =	ssyncset.done $0x0  }
0x93: {  	s16 =	rddreg [dreg:$0xc];
	[sflag:s30] =	ssyncadd.s32 $0xFFFFE0C0  }
0x94: {  	[spmem:s3] =	stream.indirect.scatter.add.bf16 [tilespmem:s24], [sflag:$0x9], $0x40, s16, s20, $0xb8;
	[tilespmem:$0x16040] =	vst v63  }
0x95: {  	_ =	swait.ge [sflag:s31], $0x1F40  }
0x96: {  	[sflag:s31] =	ssyncset.done $0x0  }
0x97: {  	s17 =	rddreg [dreg:$0xd];
	[sflag:s31] =	ssyncadd.s32 $0xFFFFE0C0  }
0x98: {  	[spmem:s3] =	stream.indirect.scatter.add.bf16 [tilespmem:s25], [sflag:$0xA], $0x40, s17, s20, $0xb8;
	[tilespmem:$0x16040] =	vst v63  }
0x99: {  	_ =	swait.ge [sflag:s1], $0x1F40  }
0x9a: {  	[sflag:s1] =	ssyncset.done $0x0  }
0x9b: {  	s15 =	rddreg [dreg:$0xe];
	[sflag:s1] =	ssyncadd.s32 $0xFFFFE0C0  }
0x9c: {  	[tilespmem:s21], [sflag:$0x1] =	stream.indirect.gather [hbm4b:s2+s20], $0x40, s15, s20, $0xb8;
	[tilespmem:$0x16040] =	vst v63  }
0x9d: {  	_ =	swait.ge [sflag:s0], $0x1F40  }
0x9e: {  	[sflag:s0] =	ssyncset.done $0x0  }
0x9f: {  	s16 =	rddreg [dreg:$0xf];
	[sflag:s0] =	ssyncadd.s32 $0xFFFFE0C0  }
0xa0: {  	[tilespmem:s22], [sflag:$0x2] =	stream.indirect.gather [hbm4b:s2+s20], $0x40, s16, s20, $0xb8;
	[tilespmem:$0x16040] =	vst v63  }
0xa1: {  	_ =	swait.ge [sflag:s6], $0x1F40  }
0xa2: {  	[sflag:s6] =	ssyncset.done $0x0  }
0xa3: {  	s17 =	rddreg [dreg:$0x10];
	[sflag:s6] =	ssyncadd.s32 $0xFFFFE0C0  }
0xa4: {  	[tilespmem:s23], [sflag:$0x3] =	stream.indirect.gather [hbm4b:s2+s20], $0x40, s17, s20, $0xb8;
	[tilespmem:$0x16040] =	vst v63  }
0xa5: {  	_ =	swait.ge [sflag:s7], $0x1F40  }
0xa6: {  	[sflag:s7] =	ssyncset.done $0x0  }
0xa7: {  	s15 =	rddreg [dreg:$0x11];
	[sflag:s7] =	ssyncadd.s32 $0xFFFFE0C0  }
0xa8: {  	[tilespmem:s24], [sflag:$0x4] =	stream.indirect.gather [hbm4b:s2+s20], $0x40, s15, s20, $0xb8;
	[tilespmem:$0x16040] =	vst v63  }
0xa9: {  	_ =	swait.ge [sflag:s8], $0x1F40  }
0xaa: {  	[sflag:s8] =	ssyncset.done $0x0  }
0xab: {  	s16 =	rddreg [dreg:$0x12];
	[sflag:s8] =	ssyncadd.s32 $0xFFFFE0C0  }
0xac: {  	[tilespmem:s25], [sflag:$0x5] =	stream.indirect.gather [hbm4b:s2+s20], $0x40, s16, s20, $0xb8;
	[tilespmem:$0x16040] =	vst v63  }
0xad: {  	_ =	swait.ge [sflag:s26], $0x1F40  }
0xae: {  	[sflag:s26] =	ssyncset.done $0x0  }
0xaf: {  	s17 =	rddreg [dreg:$0x13];
	[sflag:s26] =	ssyncadd.s32 $0xFFFFE0C0  }
0xb0: {  	[spmem:s3] =	stream.indirect.scatter.add.bf16 [tilespmem:s21], [sflag:$0x6], $0x40, s17, s20, $0xb8;
	[tilespmem:$0x16040] =	vst v63  }
0xb1: {  	_ =	swait.ge [sflag:s28], $0x1F40  }
0xb2: {  	[sflag:s28] =	ssyncset.done $0x0  }
0xb3: {  	s15 =	rddreg [dreg:$0x14];
	[sflag:s28] =	ssyncadd.s32 $0xFFFFE0C0  }
0xb4: {  	[spmem:s3] =	stream.indirect.scatter.add.bf16 [tilespmem:s22], [sflag:$0x7], $0x40, s15, s20, $0xb8;
	[tilespmem:$0x16040] =	vst v63  }
0xb5: {  	_ =	swait.ge [sflag:s29], $0x1F40  }
0xb6: {  	[sflag:s29] =	ssyncset.done $0x0  }
0xb7: {  	s16 =	rddreg [dreg:$0x15];
	[sflag:s29] =	ssyncadd.s32 $0xFFFFE0C0  }
0xb8: {  	[spmem:s3] =	stream.indirect.scatter.add.bf16 [tilespmem:s23], [sflag:$0x8], $0x40, s16, s20, $0xb8;
	[tilespmem:$0x16040] =	vst v63  }
0xb9: {  	_ =	swait.ge [sflag:s30], $0x1F40  }
0xba: {  	[sflag:s30] =	ssyncset.done $0x0  }
0xbb: {  	s17 =	rddreg [dreg:$0x16];
	[sflag:s30] =	ssyncadd.s32 $0xFFFFE0C0  }
0xbc: {  	[spmem:s3] =	stream.indirect.scatter.add.bf16 [tilespmem:s24], [sflag:$0x9], $0x40, s17, s20, $0xb8;
	[tilespmem:$0x16040] =	vst v63  }
0xbd: {  	_ =	swait.ge [sflag:s31], $0x1F40  }
0xbe: {  	[sflag:s31] =	ssyncset.done $0x0  }
0xbf: {  	s15 =	rddreg [dreg:$0x17];
	[sflag:s31] =	ssyncadd.s32 $0xFFFFE0C0  }
0xc0: {  	[spmem:s3] =	stream.indirect.scatter.add.bf16 [tilespmem:s25], [sflag:$0xA], $0x40, s15, s20, $0xb8;
	[tilespmem:$0x16040] =	vst v63  }
0xc1: {  	_ =	swait.ge [sflag:s1], $0x1F40  }
0xc2: {  	[sflag:s1] =	ssyncset.done $0x0  }
0xc3: {  	s16 =	rddreg [dreg:$0x18];
	[sflag:s1] =	ssyncadd.s32 $0xFFFFE0C0  }
0xc4: {  	[tilespmem:s21], [sflag:$0x1] =	stream.indirect.gather [hbm4b:s2+s20], $0x40, s16, s20, $0xb8;
	[tilespmem:$0x16040] =	vst v63  }
0xc5: {  	_ =	swait.ge [sflag:s0], $0x1F40  }
0xc6: {  	[sflag:s0] =	ssyncset.done $0x0  }
0xc7: {  	s17 =	rddreg [dreg:$0x19];
	[sflag:s0] =	ssyncadd.s32 $0xFFFFE0C0  }
0xc8: {  	[tilespmem:s22], [sflag:$0x2] =	stream.indirect.gather [hbm4b:s2+s20], $0x40, s17, s20, $0xb8;
	[tilespmem:$0x16040] =	vst v63  }
0xc9: {  	_ =	swait.ge [sflag:s6], $0x1F40  }
0xca: {  	[sflag:s6] =	ssyncset.done $0x0  }
0xcb: {  	s15 =	rddreg [dreg:$0x1a];
	[sflag:s6] =	ssyncadd.s32 $0xFFFFE0C0  }
0xcc: {  	[tilespmem:s23], [sflag:$0x3] =	stream.indirect.gather [hbm4b:s2+s20], $0x40, s15, s20, $0xb8;
	[tilespmem:$0x16040] =	vst v63  }
0xcd: {  	_ =	swait.ge [sflag:s7], $0x1F40  }
0xce: {  	[sflag:s7] =	ssyncset.done $0x0  }
0xcf: {  	s16 =	rddreg [dreg:$0x1b];
	[sflag:s7] =	ssyncadd.s32 $0xFFFFE0C0  }
0xd0: {  	[tilespmem:s24], [sflag:$0x4] =	stream.indirect.gather [hbm4b:s2+s20], $0x40, s16, s20, $0xb8;
	[tilespmem:$0x16040] =	vst v63  }
0xd1: {  	_ =	swait.ge [sflag:s8], $0x1F40  }
0xd2: {  	[sflag:s8] =	ssyncset.done $0x0  }
0xd3: {  	s17 =	rddreg [dreg:$0x1c];
	[sflag:s8] =	ssyncadd.s32 $0xFFFFE0C0  }
0xd4: {  	[tilespmem:s25], [sflag:$0x5] =	stream.indirect.gather [hbm4b:s2+s20], $0x40, s17, s20, $0xb8;
	[tilespmem:$0x16040] =	vst v63  }
0xd5: {  	_ =	swait.ge [sflag:s26], $0x1F40  }
0xd6: {  	[sflag:s26] =	ssyncset.done $0x0  }
0xd7: {  	s15 =	rddreg [dreg:$0x1d];
	[sflag:s26] =	ssyncadd.s32 $0xFFFFE0C0  }
0xd8: {  	[spmem:s3] =	stream.indirect.scatter.add.bf16 [tilespmem:s21], [sflag:$0x6], $0x40, s15, s20, $0xb8;
	[tilespmem:$0x16040] =	vst v63  }
0xd9: {  	_ =	swait.ge [sflag:s28], $0x1F40  }
0xda: {  	[sflag:s28] =	ssyncset.done $0x0  }
0xdb: {  	s16 =	rddreg [dreg:$0x1e];
	[sflag:s28] =	ssyncadd.s32 $0xFFFFE0C0  }
0xdc: {  	[spmem:s3] =	stream.indirect.scatter.add.bf16 [tilespmem:s22], [sflag:$0x7], $0x40, s16, s20, $0xb8;
	[tilespmem:$0x16040] =	vst v63  }
0xdd: {  	_ =	swait.ge [sflag:s29], $0x1F40  }
0xde: {  	[sflag:s29] =	ssyncset.done $0x0  }
0xdf: {  	s17 =	rddreg [dreg:$0x1f];
	[sflag:s29] =	ssyncadd.s32 $0xFFFFE0C0  }
0xe0: {  	[spmem:s3] =	stream.indirect.scatter.add.bf16 [tilespmem:s23], [sflag:$0x8], $0x40, s17, s20, $0xb8;
	[tilespmem:$0x16040] =	vst v63  }
0xe1: {  	_ =	swait.ge [sflag:s30], $0x1F40  }
0xe2: {  	s15 =	sld [smem:$0x7F8]  }
0xe3: {  	[sflag:s30] =	ssyncset.done $0x0  }
0xe4: {  	[sflag:s30] =	ssyncadd.s32 $0xFFFFE0C0  }
0xe5: {  	[spmem:s3] =	stream.indirect.scatter.add.bf16 [tilespmem:s24], [sflag:$0x9], $0x40, s15, s20, $0xb8;
	[tilespmem:$0x16040] =	vst v63  }
0xe6: {  	_ =	swait.ge [sflag:s31], $0x1F40  }
0xe7: {  	s16 =	sld [smem:$0x7F9]  }
0xe8: {  	[sflag:s31] =	ssyncset.done $0x0  }
0xe9: {  	[sflag:s31] =	ssyncadd.s32 $0xFFFFE0C0  }
0xea: {  	[spmem:s3] =	stream.indirect.scatter.add.bf16 [tilespmem:s25], [sflag:$0xA], $0x40, s16, s20, $0xb8;
	[tilespmem:$0x16040] =	vst v63  }
0xeb: {  	_ =	swait.ge [sflag:s1], $0x1F40  }
0xec: {  	s17 =	sld [smem:$0x7FA]  }
0xed: {  	[sflag:s1] =	ssyncset.done $0x0  }
0xee: {  	[sflag:s1] =	ssyncadd.s32 $0xFFFFE0C0  }
0xef: {  	[tilespmem:s21], [sflag:$0x1] =	stream.indirect.gather [hbm4b:s2+s20], $0x40, s17, s20, $0xb8;
	[tilespmem:$0x16040] =	vst v63  }
0xf0: {  	_ =	swait.ge [sflag:s0], $0x1F40  }
0xf1: {  	s15 =	sld [smem:$0x7FB]  }
0xf2: {  	[sflag:s0] =	ssyncset.done $0x0  }
0xf3: {  	[sflag:s0] =	ssyncadd.s32 $0xFFFFE0C0  }
0xf4: {  	[tilespmem:s22], [sflag:$0x2] =	stream.indirect.gather [hbm4b:s2+s20], $0x40, s15, s20, $0xb8;
	[tilespmem:$0x16040] =	vst v63  }
0xf5: {  	_ =	swait.ge [sflag:s6], $0x1F40  }
0xf6: {  	s16 =	sld [smem:$0x7FC]  }
0xf7: {  	[sflag:s6] =	ssyncset.done $0x0  }
0xf8: {  	[sflag:s6] =	ssyncadd.s32 $0xFFFFE0C0  }
0xf9: {  	[tilespmem:s23], [sflag:$0x3] =	stream.indirect.gather [hbm4b:s2+s20], $0x40, s16, s20, $0xb8;
	[tilespmem:$0x16040] =	vst v63  }
0xfa: {  	_ =	swait.ge [sflag:s7], $0x1F40  }
0xfb: {  	s17 =	sld [smem:$0x7FD]  }
0xfc: {  	[sflag:s7] =	ssyncset.done $0x0  }
0xfd: {  	[sflag:s7] =	ssyncadd.s32 $0xFFFFE0C0  }
0xfe: {  	[tilespmem:s24], [sflag:$0x4] =	stream.indirect.gather [hbm4b:s2+s20], $0x40, s17, s20, $0xb8;
	[tilespmem:$0x16040] =	vst v63  }
0xff: {  	_ =	swait.ge [sflag:s8], $0x1F40  }
0x100: {  	[sflag:s8] =	ssyncset.done $0x0  }
0x101: {  	[sflag:s8] =	ssyncadd.s32 $0xFFFFE0C0  }
0x102: {  	[tilespmem:s25], [sflag:$0x5] =	stream.indirect.gather [hbm4b:s2+s20], $0x40, s9, s20, $0xb8;
	[tilespmem:$0x16040] =	vst v63  }
0x103: {  	_ =	swait.ge [sflag:s26], $0x1F40  }
0x104: {  	[sflag:s26] =	ssyncset.done $0x0  }
0x105: {  	[sflag:s26] =	ssyncadd.s32 $0xFFFFE0C0  }
0x106: {  	[spmem:s3] =	stream.indirect.scatter.add.bf16 [tilespmem:s21], [sflag:$0x6], $0x40, s10, s20, $0xb8;
	[tilespmem:$0x16040] =	vst v63  }
0x107: {  	_ =	swait.ge [sflag:s28], $0x1F40  }
0x108: {  	[sflag:s28] =	ssyncset.done $0x0  }
0x109: {  	[sflag:s28] =	ssyncadd.s32 $0xFFFFE0C0  }
0x10a: {  	[spmem:s3] =	stream.indirect.scatter.add.bf16 [tilespmem:s22], [sflag:$0x7], $0x40, s11, s20, $0xb8;
	[tilespmem:$0x16040] =	vst v63  }
0x10b: {  	_ =	swait.ge [sflag:s29], $0x1F40  }
0x10c: {  	[sflag:s29] =	ssyncset.done $0x0  }
0x10d: {  	[sflag:s29] =	ssyncadd.s32 $0xFFFFE0C0  }
0x10e: {  	[spmem:s3] =	stream.indirect.scatter.add.bf16 [tilespmem:s23], [sflag:$0x8], $0x40, s12, s20, $0xb8;
	[tilespmem:$0x16040] =	vst v63  }
0x10f: {  	_ =	swait.ge [sflag:s30], $0x1F40  }
0x110: {  	[sflag:s30] =	ssyncset.done $0x0  }
0x111: {  	[sflag:s30] =	ssyncadd.s32 $0xFFFFE0C0  }
0x112: {  	[spmem:s3] =	stream.indirect.scatter.add.bf16 [tilespmem:s24], [sflag:$0x9], $0x40, s13, s20, $0xb8;
	[tilespmem:$0x16040] =	vst v63  }
0x113: {  	_ =	swait.ge [sflag:s31], $0x1F40  }
0x114: {  	[sflag:s31] =	ssyncset.done $0x0  }
0x115: {  	[sflag:s31] =	ssyncadd.s32 $0xFFFFE0C0  }
0x116: {  	[spmem:s3] =	stream.indirect.scatter.add.bf16 [tilespmem:s25], [sflag:$0xA], $0x40, s14, s20, $0xb8;
	[tilespmem:$0x16040] =	vst v63  }
0x117: {  	_ =	swait.ge [sflag:s1], $0x1F40  }
0x118: {  	[sflag:s1] =	ssyncset.done $0x0  }
0x119: {  	[sflag:s1] =	ssyncadd.s32 $0xFFFFE0C0  }
0x11a: {  	_ =	swait.ge [sflag:s0], $0x1F40  }
0x11b: {  	[sflag:s0] =	ssyncset.done $0x0  }
0x11c: {  	[sflag:s0] =	ssyncadd.s32 $0xFFFFE0C0  }
0x11d: {  	_ =	swait.ge [sflag:s6], $0x1F40  }
0x11e: {  	[sflag:s6] =	ssyncset.done $0x0  }
0x11f: {  	[sflag:s6] =	ssyncadd.s32 $0xFFFFE0C0  }
0x120: {  	_ =	swait.ge [sflag:s7], $0x1F40  }
0x121: {  	[sflag:s7] =	ssyncset.done $0x0  }
0x122: {  	[sflag:s7] =	ssyncadd.s32 $0xFFFFE0C0  }
0x123: {  	s5 =	simm.s32 $0x280;
	_ =	swait.ge [sflag:s8], $0x1F40  }
0x124: {  	s16 =	simm.s32 $0x140;
	s17 =	rddreg [dreg:$0x5];
	[sflag:s8] =	ssyncset.done $0x0  }
.LBB2_4:
0x125: {  	[sflag:s8] =	ssyncadd.s32 $0xFFFFE0C0;
	s17 =	sadd.s32 s16, s17  }
0x126: {  	[tilespmem:s4], [sflag:$0xB] =	stream.linear.gather [hbm4b:s17+s4], $0xA00, $0x38;
	[tilespmem:$0x16040] =	vst v63  }
0x127: {  	_ =	swait.ge [sflag:s18], $0xA00  }
0x128: {  	s17 =	rddreg [dreg:$0x4];
	[sflag:s18] =	ssyncset.done $0x0  }
0x129: {  	[sflag:s18] =	ssyncadd.s32 $0xFFFFF600;
	s17 =	sadd.s32 s16, s17  }
0x12a: {  	[tilespmem:s19], [sflag:$0xB] =	stream.linear.gather [hbm4b:s17+s4], $0xA00, $0x38;
	[tilespmem:$0x16040] =	vst v63  }
0x12b: {  	_ =	swait.ge [sflag:s18], $0xA00  }
0x12c: {  	[sflag:s18] =	ssyncset.done $0x0  }
0x12d: {  	s15 =	smov.u32 s5;
	[sflag:s18] =	ssyncadd.s32 $0xFFFFF600  }
0x12e: {  	[tilespmem:s21], [sflag:$0x1] =	stream.indirect.gather [hbm4b:s2+s20], $0x40, s4, s20, $0xb8;
	[tilespmem:$0x16040] =	vst v63  }
0x12f: {  	s16 =	smov.u32 s15;
	s15 =	rddreg [dreg:$0x6]  }
0x130: {  	[tilespmem:s22], [sflag:$0x2] =	stream.indirect.gather [hbm4b:s2+s20], $0x40, s15, s20, $0xb8;
	[tilespmem:$0x16040] =	vst v63  }
0x131: {  	s17 =	rddreg [dreg:$0x7]  }
0x132: {  	[tilespmem:s23], [sflag:$0x3] =	stream.indirect.gather [hbm4b:s2+s20], $0x40, s17, s20, $0xb8;
	[tilespmem:$0x16040] =	vst v63  }
0x133: {  	s15 =	rddreg [dreg:$0x8]  }
0x134: {  	[tilespmem:s24], [sflag:$0x4] =	stream.indirect.gather [hbm4b:s2+s20], $0x40, s15, s20, $0xb8;
	[tilespmem:$0x16040] =	vst v63  }
0x135: {  	s17 =	rddreg [dreg:$0x9]  }
0x136: {  	[tilespmem:s25], [sflag:$0x5] =	stream.indirect.gather [hbm4b:s2+s20], $0x40, s17, s20, $0xb8;
	[tilespmem:$0x16040] =	vst v63  }
0x137: {  	_ =	swait.ge [sflag:s26], $0x1F40  }
0x138: {  	[sflag:s26] =	ssyncset.done $0x0  }
0x139: {  	[sflag:s26] =	ssyncadd.s32 $0xFFFFE0C0  }
0x13a: {  	[spmem:s3] =	stream.indirect.scatter.add.bf16 [tilespmem:s21], [sflag:$0x6], $0x40, s19, s20, $0xb8;
	[tilespmem:$0x16040] =	vst v63  }
0x13b: {  	_ =	swait.ge [sflag:s28], $0x1F40  }
0x13c: {  	[sflag:s28] =	ssyncset.done $0x0  }
0x13d: {  	s17 =	rddreg [dreg:$0xa];
	[sflag:s28] =	ssyncadd.s32 $0xFFFFE0C0  }
0x13e: {  	[spmem:s3] =	stream.indirect.scatter.add.bf16 [tilespmem:s22], [sflag:$0x7], $0x40, s17, s20, $0xb8;
	[tilespmem:$0x16040] =	vst v63  }
0x13f: {  	_ =	swait.ge [sflag:s29], $0x1F40  }
0x140: {  	[sflag:s29] =	ssyncset.done $0x0  }
0x141: {  	s17 =	rddreg [dreg:$0xb];
	[sflag:s29] =	ssyncadd.s32 $0xFFFFE0C0  }
0x142: {  	[spmem:s3] =	stream.indirect.scatter.add.bf16 [tilespmem:s23], [sflag:$0x8], $0x40, s17, s20, $0xb8;
	[tilespmem:$0x16040] =	vst v63  }
0x143: {  	_ =	swait.ge [sflag:s30], $0x1F40  }
0x144: {  	[sflag:s30] =	ssyncset.done $0x0  }
0x145: {  	s17 =	rddreg [dreg:$0xc];
	[sflag:s30] =	ssyncadd.s32 $0xFFFFE0C0  }
0x146: {  	[spmem:s3] =	stream.indirect.scatter.add.bf16 [tilespmem:s24], [sflag:$0x9], $0x40, s17, s20, $0xb8;
	[tilespmem:$0x16040] =	vst v63  }
0x147: {  	_ =	swait.ge [sflag:s31], $0x1F40  }
0x148: {  	[sflag:s31] =	ssyncset.done $0x0  }
0x149: {  	s17 =	rddreg [dreg:$0xd];
	[sflag:s31] =	ssyncadd.s32 $0xFFFFE0C0  }
0x14a: {  	[spmem:s3] =	stream.indirect.scatter.add.bf16 [tilespmem:s25], [sflag:$0xA], $0x40, s17, s20, $0xb8;
	[tilespmem:$0x16040] =	vst v63  }
0x14b: {  	_ =	swait.ge [sflag:s1], $0x1F40  }
0x14c: {  	[sflag:s1] =	ssyncset.done $0x0  }
0x14d: {  	s17 =	rddreg [dreg:$0xe];
	[sflag:s1] =	ssyncadd.s32 $0xFFFFE0C0  }
0x14e: {  	[tilespmem:s21], [sflag:$0x1] =	stream.indirect.gather [hbm4b:s2+s20], $0x40, s17, s20, $0xb8;
	[tilespmem:$0x16040] =	vst v63  }
0x14f: {  	_ =	swait.ge [sflag:s0], $0x1F40  }
0x150: {  	[sflag:s0] =	ssyncset.done $0x0  }
0x151: {  	s17 =	rddreg [dreg:$0xf];
	[sflag:s0] =	ssyncadd.s32 $0xFFFFE0C0  }
0x152: {  	[tilespmem:s22], [sflag:$0x2] =	stream.indirect.gather [hbm4b:s2+s20], $0x40, s17, s20, $0xb8;
	[tilespmem:$0x16040] =	vst v63  }
0x153: {  	_ =	swait.ge [sflag:s6], $0x1F40  }
0x154: {  	[sflag:s6] =	ssyncset.done $0x0  }
0x155: {  	s17 =	rddreg [dreg:$0x10];
	[sflag:s6] =	ssyncadd.s32 $0xFFFFE0C0  }
0x156: {  	[tilespmem:s23], [sflag:$0x3] =	stream.indirect.gather [hbm4b:s2+s20], $0x40, s17, s20, $0xb8;
	[tilespmem:$0x16040] =	vst v63  }
0x157: {  	_ =	swait.ge [sflag:s7], $0x1F40  }
0x158: {  	[sflag:s7] =	ssyncset.done $0x0  }
0x159: {  	s17 =	rddreg [dreg:$0x11];
	[sflag:s7] =	ssyncadd.s32 $0xFFFFE0C0  }
0x15a: {  	[tilespmem:s24], [sflag:$0x4] =	stream.indirect.gather [hbm4b:s2+s20], $0x40, s17, s20, $0xb8;
	[tilespmem:$0x16040] =	vst v63  }
0x15b: {  	_ =	swait.ge [sflag:s8], $0x1F40  }
0x15c: {  	[sflag:s8] =	ssyncset.done $0x0  }
0x15d: {  	s17 =	rddreg [dreg:$0x12];
	[sflag:s8] =	ssyncadd.s32 $0xFFFFE0C0  }
0x15e: {  	[tilespmem:s25], [sflag:$0x5] =	stream.indirect.gather [hbm4b:s2+s20], $0x40, s17, s20, $0xb8;
	[tilespmem:$0x16040] =	vst v63  }
0x15f: {  	_ =	swait.ge [sflag:s26], $0x1F40  }
0x160: {  	[sflag:s26] =	ssyncset.done $0x0  }
0x161: {  	s17 =	rddreg [dreg:$0x13];
	[sflag:s26] =	ssyncadd.s32 $0xFFFFE0C0  }
0x162: {  	[spmem:s3] =	stream.indirect.scatter.add.bf16 [tilespmem:s21], [sflag:$0x6], $0x40, s17, s20, $0xb8;
	[tilespmem:$0x16040] =	vst v63  }
0x163: {  	_ =	swait.ge [sflag:s28], $0x1F40  }
0x164: {  	[sflag:s28] =	ssyncset.done $0x0  }
0x165: {  	s17 =	rddreg [dreg:$0x14];
	[sflag:s28] =	ssyncadd.s32 $0xFFFFE0C0  }
0x166: {  	[spmem:s3] =	stream.indirect.scatter.add.bf16 [tilespmem:s22], [sflag:$0x7], $0x40, s17, s20, $0xb8;
	[tilespmem:$0x16040] =	vst v63  }
0x167: {  	_ =	swait.ge [sflag:s29], $0x1F40  }
0x168: {  	[sflag:s29] =	ssyncset.done $0x0  }
0x169: {  	s17 =	rddreg [dreg:$0x15];
	[sflag:s29] =	ssyncadd.s32 $0xFFFFE0C0  }
0x16a: {  	[spmem:s3] =	stream.indirect.scatter.add.bf16 [tilespmem:s23], [sflag:$0x8], $0x40, s17, s20, $0xb8;
	[tilespmem:$0x16040] =	vst v63  }
0x16b: {  	_ =	swait.ge [sflag:s30], $0x1F40  }
0x16c: {  	[sflag:s30] =	ssyncset.done $0x0  }
0x16d: {  	s17 =	rddreg [dreg:$0x16];
	[sflag:s30] =	ssyncadd.s32 $0xFFFFE0C0  }
0x16e: {  	[spmem:s3] =	stream.indirect.scatter.add.bf16 [tilespmem:s24], [sflag:$0x9], $0x40, s17, s20, $0xb8;
	[tilespmem:$0x16040] =	vst v63  }
0x16f: {  	_ =	swait.ge [sflag:s31], $0x1F40  }
0x170: {  	[sflag:s31] =	ssyncset.done $0x0  }
0x171: {  	s17 =	rddreg [dreg:$0x17];
	[sflag:s31] =	ssyncadd.s32 $0xFFFFE0C0  }
0x172: {  	[spmem:s3] =	stream.indirect.scatter.add.bf16 [tilespmem:s25], [sflag:$0xA], $0x40, s17, s20, $0xb8;
	[tilespmem:$0x16040] =	vst v63  }
0x173: {  	_ =	swait.ge [sflag:s1], $0x1F40  }
0x174: {  	[sflag:s1] =	ssyncset.done $0x0  }
0x175: {  	s17 =	rddreg [dreg:$0x18];
	[sflag:s1] =	ssyncadd.s32 $0xFFFFE0C0  }
0x176: {  	[tilespmem:s21], [sflag:$0x1] =	stream.indirect.gather [hbm4b:s2+s20], $0x40, s17, s20, $0xb8;
	[tilespmem:$0x16040] =	vst v63  }
0x177: {  	_ =	swait.ge [sflag:s0], $0x1F40  }
0x178: {  	[sflag:s0] =	ssyncset.done $0x0  }
0x179: {  	s17 =	rddreg [dreg:$0x19];
	[sflag:s0] =	ssyncadd.s32 $0xFFFFE0C0  }
0x17a: {  	[tilespmem:s22], [sflag:$0x2] =	stream.indirect.gather [hbm4b:s2+s20], $0x40, s17, s20, $0xb8;
	[tilespmem:$0x16040] =	vst v63  }
0x17b: {  	_ =	swait.ge [sflag:s6], $0x1F40  }
0x17c: {  	[sflag:s6] =	ssyncset.done $0x0  }
0x17d: {  	s17 =	rddreg [dreg:$0x1a];
	[sflag:s6] =	ssyncadd.s32 $0xFFFFE0C0  }
0x17e: {  	[tilespmem:s23], [sflag:$0x3] =	stream.indirect.gather [hbm4b:s2+s20], $0x40, s17, s20, $0xb8;
	[tilespmem:$0x16040] =	vst v63  }
0x17f: {  	_ =	swait.ge [sflag:s7], $0x1F40  }
0x180: {  	[sflag:s7] =	ssyncset.done $0x0  }
0x181: {  	s17 =	rddreg [dreg:$0x1b];
	[sflag:s7] =	ssyncadd.s32 $0xFFFFE0C0  }
0x182: {  	[tilespmem:s24], [sflag:$0x4] =	stream.indirect.gather [hbm4b:s2+s20], $0x40, s17, s20, $0xb8;
	[tilespmem:$0x16040] =	vst v63  }
0x183: {  	_ =	swait.ge [sflag:s8], $0x1F40  }
0x184: {  	[sflag:s8] =	ssyncset.done $0x0  }
0x185: {  	s17 =	rddreg [dreg:$0x1c];
	[sflag:s8] =	ssyncadd.s32 $0xFFFFE0C0  }
0x186: {  	[tilespmem:s25], [sflag:$0x5] =	stream.indirect.gather [hbm4b:s2+s20], $0x40, s17, s20, $0xb8;
	[tilespmem:$0x16040] =	vst v63  }
0x187: {  	_ =	swait.ge [sflag:s26], $0x1F40  }
0x188: {  	[sflag:s26] =	ssyncset.done $0x0  }
0x189: {  	s17 =	rddreg [dreg:$0x1d];
	[sflag:s26] =	ssyncadd.s32 $0xFFFFE0C0  }
0x18a: {  	[spmem:s3] =	stream.indirect.scatter.add.bf16 [tilespmem:s21], [sflag:$0x6], $0x40, s17, s20, $0xb8;
	[tilespmem:$0x16040] =	vst v63  }
0x18b: {  	_ =	swait.ge [sflag:s28], $0x1F40  }
0x18c: {  	[sflag:s28] =	ssyncset.done $0x0  }
0x18d: {  	s17 =	rddreg [dreg:$0x1e];
	[sflag:s28] =	ssyncadd.s32 $0xFFFFE0C0  }
0x18e: {  	[spmem:s3] =	stream.indirect.scatter.add.bf16 [tilespmem:s22], [sflag:$0x7], $0x40, s17, s20, $0xb8;
	[tilespmem:$0x16040] =	vst v63  }
0x18f: {  	_ =	swait.ge [sflag:s29], $0x1F40  }
0x190: {  	[sflag:s29] =	ssyncset.done $0x0  }
0x191: {  	s17 =	rddreg [dreg:$0x1f];
	[sflag:s29] =	ssyncadd.s32 $0xFFFFE0C0  }
0x192: {  	[spmem:s3] =	stream.indirect.scatter.add.bf16 [tilespmem:s23], [sflag:$0x8], $0x40, s17, s20, $0xb8;
	[tilespmem:$0x16040] =	vst v63  }
0x193: {  	_ =	swait.ge [sflag:s30], $0x1F40  }
0x194: {  	s17 =	sld [smem:$0x7F8]  }
0x195: {  	[sflag:s30] =	ssyncset.done $0x0  }
0x196: {  	[sflag:s30] =	ssyncadd.s32 $0xFFFFE0C0  }
0x197: {  	[spmem:s3] =	stream.indirect.scatter.add.bf16 [tilespmem:s24], [sflag:$0x9], $0x40, s17, s20, $0xb8;
	[tilespmem:$0x16040] =	vst v63  }
0x198: {  	_ =	swait.ge [sflag:s31], $0x1F40  }
0x199: {  	s17 =	sld [smem:$0x7F9]  }
0x19a: {  	[sflag:s31] =	ssyncset.done $0x0  }
0x19b: {  	[sflag:s31] =	ssyncadd.s32 $0xFFFFE0C0  }
0x19c: {  	[spmem:s3] =	stream.indirect.scatter.add.bf16 [tilespmem:s25], [sflag:$0xA], $0x40, s17, s20, $0xb8;
	[tilespmem:$0x16040] =	vst v63  }
0x19d: {  	_ =	swait.ge [sflag:s1], $0x1F40  }
0x19e: {  	s17 =	sld [smem:$0x7FA]  }
0x19f: {  	[sflag:s1] =	ssyncset.done $0x0  }
0x1a0: {  	[sflag:s1] =	ssyncadd.s32 $0xFFFFE0C0  }
0x1a1: {  	[tilespmem:s21], [sflag:$0x1] =	stream.indirect.gather [hbm4b:s2+s20], $0x40, s17, s20, $0xb8;
	[tilespmem:$0x16040] =	vst v63  }
0x1a2: {  	_ =	swait.ge [sflag:s0], $0x1F40  }
0x1a3: {  	s17 =	sld [smem:$0x7FB]  }
0x1a4: {  	[sflag:s0] =	ssyncset.done $0x0  }
0x1a5: {  	[sflag:s0] =	ssyncadd.s32 $0xFFFFE0C0  }
0x1a6: {  	[tilespmem:s22], [sflag:$0x2] =	stream.indirect.gather [hbm4b:s2+s20], $0x40, s17, s20, $0xb8;
	[tilespmem:$0x16040] =	vst v63  }
0x1a7: {  	_ =	swait.ge [sflag:s6], $0x1F40  }
0x1a8: {  	s17 =	sld [smem:$0x7FC]  }
0x1a9: {  	[sflag:s6] =	ssyncset.done $0x0  }
0x1aa: {  	[sflag:s6] =	ssyncadd.s32 $0xFFFFE0C0  }
0x1ab: {  	[tilespmem:s23], [sflag:$0x3] =	stream.indirect.gather [hbm4b:s2+s20], $0x40, s17, s20, $0xb8;
	[tilespmem:$0x16040] =	vst v63  }
0x1ac: {  	_ =	swait.ge [sflag:s7], $0x1F40  }
0x1ad: {  	s17 =	sld [smem:$0x7FD]  }
0x1ae: {  	[sflag:s7] =	ssyncset.done $0x0  }
0x1af: {  	[sflag:s7] =	ssyncadd.s32 $0xFFFFE0C0  }
0x1b0: {  	[tilespmem:s24], [sflag:$0x4] =	stream.indirect.gather [hbm4b:s2+s20], $0x40, s17, s20, $0xb8;
	[tilespmem:$0x16040] =	vst v63  }
0x1b1: {  	_ =	swait.ge [sflag:s8], $0x1F40  }
0x1b2: {  	[sflag:s8] =	ssyncset.done $0x0  }
0x1b3: {  	[sflag:s8] =	ssyncadd.s32 $0xFFFFE0C0  }
0x1b4: {  	[tilespmem:s25], [sflag:$0x5] =	stream.indirect.gather [hbm4b:s2+s20], $0x40, s9, s20, $0xb8;
	[tilespmem:$0x16040] =	vst v63  }
0x1b5: {  	_ =	swait.ge [sflag:s26], $0x1F40  }
0x1b6: {  	[sflag:s26] =	ssyncset.done $0x0  }
0x1b7: {  	[sflag:s26] =	ssyncadd.s32 $0xFFFFE0C0  }
0x1b8: {  	[spmem:s3] =	stream.indirect.scatter.add.bf16 [tilespmem:s21], [sflag:$0x6], $0x40, s10, s20, $0xb8;
	[tilespmem:$0x16040] =	vst v63  }
0x1b9: {  	_ =	swait.ge [sflag:s28], $0x1F40  }
0x1ba: {  	[sflag:s28] =	ssyncset.done $0x0  }
0x1bb: {  	[sflag:s28] =	ssyncadd.s32 $0xFFFFE0C0  }
0x1bc: {  	[spmem:s3] =	stream.indirect.scatter.add.bf16 [tilespmem:s22], [sflag:$0x7], $0x40, s11, s20, $0xb8;
	[tilespmem:$0x16040] =	vst v63  }
0x1bd: {  	_ =	swait.ge [sflag:s29], $0x1F40  }
0x1be: {  	[sflag:s29] =	ssyncset.done $0x0  }
0x1bf: {  	[sflag:s29] =	ssyncadd.s32 $0xFFFFE0C0  }
0x1c0: {  	[spmem:s3] =	stream.indirect.scatter.add.bf16 [tilespmem:s23], [sflag:$0x8], $0x40, s12, s20, $0xb8;
	[tilespmem:$0x16040] =	vst v63  }
0x1c1: {  	_ =	swait.ge [sflag:s30], $0x1F40  }
0x1c2: {  	[sflag:s30] =	ssyncset.done $0x0  }
0x1c3: {  	[sflag:s30] =	ssyncadd.s32 $0xFFFFE0C0  }
0x1c4: {  	[spmem:s3] =	stream.indirect.scatter.add.bf16 [tilespmem:s24], [sflag:$0x9], $0x40, s13, s20, $0xb8;
	[tilespmem:$0x16040] =	vst v63  }
0x1c5: {  	_ =	swait.ge [sflag:s31], $0x1F40  }
0x1c6: {  	[sflag:s31] =	ssyncset.done $0x0  }
0x1c7: {  	[sflag:s31] =	ssyncadd.s32 $0xFFFFE0C0  }
0x1c8: {  	[spmem:s3] =	stream.indirect.scatter.add.bf16 [tilespmem:s25], [sflag:$0xA], $0x40, s14, s20, $0xb8;
	[tilespmem:$0x16040] =	vst v63  }
0x1c9: {  	_ =	swait.ge [sflag:s1], $0x1F40  }
0x1ca: {  	[sflag:s1] =	ssyncset.done $0x0  }
0x1cb: {  	[sflag:s1] =	ssyncadd.s32 $0xFFFFE0C0  }
0x1cc: {  	_ =	swait.ge [sflag:s0], $0x1F40  }
0x1cd: {  	[sflag:s0] =	ssyncset.done $0x0  }
0x1ce: {  	[sflag:s0] =	ssyncadd.s32 $0xFFFFE0C0  }
0x1cf: {  	_ =	swait.ge [sflag:s6], $0x1F40  }
0x1d0: {  	[sflag:s6] =	ssyncset.done $0x0  }
0x1d1: {  	p0 =	sne.s32 s5, $0x3C0;
	[sflag:s6] =	ssyncadd.s32 $0xFFFFE0C0  }
.Ltmp1:
0x1d2: {  	_ =	swait.ge [sflag:s7], $0x1F40;
	(pc) =	sbr.rel @p0 .LBB2_4-.Ltmp1, $4  }
0x1d3: {  	[sflag:s7] =	ssyncset.done $0x0  }
0x1d4: {  	[sflag:s7] =	ssyncadd.s32 $0xFFFFE0C0  }
0x1d5: {  	_ =	swait.ge [sflag:s8], $0x1F40  }
0x1d6: {  	s5 =	sadd.s32 $0x140, s5;
	s17 =	rddreg [dreg:$0x5];
	[sflag:s8] =	ssyncset.done $0x0  }
0x1d7: {  	[sflag:s8] =	ssyncadd.s32 $0xFFFFE0C0;
	s5 =	sadd.s32 s16, s17  }
0x1d8: {  	[tilespmem:s4], [sflag:$0xB] =	stream.linear.gather [hbm4b:s5+s4], $0xA00, $0x38;
	[tilespmem:$0x16040] =	vst v63  }
0x1d9: {  	_ =	swait.ge [sflag:s18], $0xA00  }
0x1da: {  	s15 =	rddreg [dreg:$0x4];
	[sflag:s18] =	ssyncset.done $0x0  }
0x1db: {  	[sflag:s18] =	ssyncadd.s32 $0xFFFFF600;
	s5 =	sadd.s32 s16, s15  }
0x1dc: {  	[tilespmem:s19], [sflag:$0xB] =	stream.linear.gather [hbm4b:s5+s4], $0xA00, $0x38;
	[tilespmem:$0x16040] =	vst v63  }
0x1dd: {  	_ =	swait.ge [sflag:s18], $0xA00  }
0x1de: {  	[sflag:s18] =	ssyncset.done $0x0  }
0x1df: {  	[sflag:s18] =	ssyncadd.s32 $0xFFFFF600  }
0x1e0: {  	[tilespmem:s21], [sflag:$0x1] =	stream.indirect.gather [hbm4b:s2+s20], $0x40, s4, s20, $0xb8;
	[tilespmem:$0x16040] =	vst v63  }
0x1e1: {  	s16 =	rddreg [dreg:$0x6]  }
0x1e2: {  	[tilespmem:s22], [sflag:$0x2] =	stream.indirect.gather [hbm4b:s2+s20], $0x40, s16, s20, $0xb8;
	[tilespmem:$0x16040] =	vst v63  }
0x1e3: {  	s15 =	rddreg [dreg:$0x7]  }
0x1e4: {  	[tilespmem:s23], [sflag:$0x3] =	stream.indirect.gather [hbm4b:s2+s20], $0x40, s15, s20, $0xb8;
	[tilespmem:$0x16040] =	vst v63  }
0x1e5: {  	s17 =	rddreg [dreg:$0x8]  }
0x1e6: {  	[tilespmem:s24], [sflag:$0x4] =	stream.indirect.gather [hbm4b:s2+s20], $0x40, s17, s20, $0xb8;
	[tilespmem:$0x16040] =	vst v63  }
0x1e7: {  	s16 =	rddreg [dreg:$0x9]  }
0x1e8: {  	[tilespmem:s25], [sflag:$0x5] =	stream.indirect.gather [hbm4b:s2+s20], $0x40, s16, s20, $0xb8;
	[tilespmem:$0x16040] =	vst v63  }
0x1e9: {  	_ =	swait.ge [sflag:s26], $0x1F40  }
0x1ea: {  	[sflag:s26] =	ssyncset.done $0x0  }
0x1eb: {  	[sflag:s26] =	ssyncadd.s32 $0xFFFFE0C0  }
0x1ec: {  	[spmem:s3] =	stream.indirect.scatter.add.bf16 [tilespmem:s21], [sflag:$0x6], $0x40, s19, s20, $0xb8;
	[tilespmem:$0x16040] =	vst v63  }
0x1ed: {  	_ =	swait.ge [sflag:s28], $0x1F40  }
0x1ee: {  	[sflag:s28] =	ssyncset.done $0x0  }
0x1ef: {  	s17 =	rddreg [dreg:$0xa];
	[sflag:s28] =	ssyncadd.s32 $0xFFFFE0C0  }
0x1f0: {  	[spmem:s3] =	stream.indirect.scatter.add.bf16 [tilespmem:s22], [sflag:$0x7], $0x40, s17, s20, $0xb8;
	[tilespmem:$0x16040] =	vst v63  }
0x1f1: {  	_ =	swait.ge [sflag:s29], $0x1F40  }
0x1f2: {  	[sflag:s29] =	ssyncset.done $0x0  }
0x1f3: {  	s15 =	rddreg [dreg:$0xb];
	[sflag:s29] =	ssyncadd.s32 $0xFFFFE0C0  }
0x1f4: {  	[spmem:s3] =	stream.indirect.scatter.add.bf16 [tilespmem:s23], [sflag:$0x8], $0x40, s15, s20, $0xb8;
	[tilespmem:$0x16040] =	vst v63  }
0x1f5: {  	_ =	swait.ge [sflag:s30], $0x1F40  }
0x1f6: {  	[sflag:s30] =	ssyncset.done $0x0  }
0x1f7: {  	s16 =	rddreg [dreg:$0xc];
	[sflag:s30] =	ssyncadd.s32 $0xFFFFE0C0  }
0x1f8: {  	[spmem:s3] =	stream.indirect.scatter.add.bf16 [tilespmem:s24], [sflag:$0x9], $0x40, s16, s20, $0xb8;
	[tilespmem:$0x16040] =	vst v63  }
0x1f9: {  	_ =	swait.ge [sflag:s31], $0x1F40  }
0x1fa: {  	[sflag:s31] =	ssyncset.done $0x0  }
0x1fb: {  	s17 =	rddreg [dreg:$0xd];
	[sflag:s31] =	ssyncadd.s32 $0xFFFFE0C0  }
0x1fc: {  	[spmem:s3] =	stream.indirect.scatter.add.bf16 [tilespmem:s25], [sflag:$0xA], $0x40, s17, s20, $0xb8;
	[tilespmem:$0x16040] =	vst v63  }
0x1fd: {  	_ =	swait.ge [sflag:s1], $0x1F40  }
0x1fe: {  	[sflag:s1] =	ssyncset.done $0x0  }
0x1ff: {  	s15 =	rddreg [dreg:$0xe];
	[sflag:s1] =	ssyncadd.s32 $0xFFFFE0C0  }
0x200: {  	[tilespmem:s21], [sflag:$0x1] =	stream.indirect.gather [hbm4b:s2+s20], $0x40, s15, s20, $0xb8;
	[tilespmem:$0x16040] =	vst v63  }
0x201: {  	_ =	swait.ge [sflag:s0], $0x1F40  }
0x202: {  	[sflag:s0] =	ssyncset.done $0x0  }
0x203: {  	s16 =	rddreg [dreg:$0xf];
	[sflag:s0] =	ssyncadd.s32 $0xFFFFE0C0  }
0x204: {  	[tilespmem:s22], [sflag:$0x2] =	stream.indirect.gather [hbm4b:s2+s20], $0x40, s16, s20, $0xb8;
	[tilespmem:$0x16040] =	vst v63  }
0x205: {  	_ =	swait.ge [sflag:s6], $0x1F40  }
0x206: {  	[sflag:s6] =	ssyncset.done $0x0  }
0x207: {  	s17 =	rddreg [dreg:$0x10];
	[sflag:s6] =	ssyncadd.s32 $0xFFFFE0C0  }
0x208: {  	[tilespmem:s23], [sflag:$0x3] =	stream.indirect.gather [hbm4b:s2+s20], $0x40, s17, s20, $0xb8;
	[tilespmem:$0x16040] =	vst v63  }
0x209: {  	_ =	swait.ge [sflag:s7], $0x1F40  }
0x20a: {  	[sflag:s7] =	ssyncset.done $0x0  }
0x20b: {  	s15 =	rddreg [dreg:$0x11];
	[sflag:s7] =	ssyncadd.s32 $0xFFFFE0C0  }
0x20c: {  	[tilespmem:s24], [sflag:$0x4] =	stream.indirect.gather [hbm4b:s2+s20], $0x40, s15, s20, $0xb8;
	[tilespmem:$0x16040] =	vst v63  }
0x20d: {  	_ =	swait.ge [sflag:s8], $0x1F40  }
0x20e: {  	[sflag:s8] =	ssyncset.done $0x0  }
0x20f: {  	s16 =	rddreg [dreg:$0x12];
	[sflag:s8] =	ssyncadd.s32 $0xFFFFE0C0  }
0x210: {  	[tilespmem:s25], [sflag:$0x5] =	stream.indirect.gather [hbm4b:s2+s20], $0x40, s16, s20, $0xb8;
	[tilespmem:$0x16040] =	vst v63  }
0x211: {  	_ =	swait.ge [sflag:s26], $0x1F40  }
0x212: {  	[sflag:s26] =	ssyncset.done $0x0  }
0x213: {  	s17 =	rddreg [dreg:$0x13];
	[sflag:s26] =	ssyncadd.s32 $0xFFFFE0C0  }
0x214: {  	[spmem:s3] =	stream.indirect.scatter.add.bf16 [tilespmem:s21], [sflag:$0x6], $0x40, s17, s20, $0xb8;
	[tilespmem:$0x16040] =	vst v63  }
0x215: {  	_ =	swait.ge [sflag:s28], $0x1F40  }
0x216: {  	[sflag:s28] =	ssyncset.done $0x0  }
0x217: {  	s15 =	rddreg [dreg:$0x14];
	[sflag:s28] =	ssyncadd.s32 $0xFFFFE0C0  }
0x218: {  	[spmem:s3] =	stream.indirect.scatter.add.bf16 [tilespmem:s22], [sflag:$0x7], $0x40, s15, s20, $0xb8;
	[tilespmem:$0x16040] =	vst v63  }
0x219: {  	_ =	swait.ge [sflag:s29], $0x1F40  }
0x21a: {  	[sflag:s29] =	ssyncset.done $0x0  }
0x21b: {  	s16 =	rddreg [dreg:$0x15];
	[sflag:s29] =	ssyncadd.s32 $0xFFFFE0C0  }
0x21c: {  	[spmem:s3] =	stream.indirect.scatter.add.bf16 [tilespmem:s23], [sflag:$0x8], $0x40, s16, s20, $0xb8;
	[tilespmem:$0x16040] =	vst v63  }
0x21d: {  	_ =	swait.ge [sflag:s30], $0x1F40  }
0x21e: {  	[sflag:s30] =	ssyncset.done $0x0  }
0x21f: {  	s17 =	rddreg [dreg:$0x16];
	[sflag:s30] =	ssyncadd.s32 $0xFFFFE0C0  }
0x220: {  	[spmem:s3] =	stream.indirect.scatter.add.bf16 [tilespmem:s24], [sflag:$0x9], $0x40, s17, s20, $0xb8;
	[tilespmem:$0x16040] =	vst v63  }
0x221: {  	_ =	swait.ge [sflag:s31], $0x1F40  }
0x222: {  	[sflag:s31] =	ssyncset.done $0x0  }
0x223: {  	s15 =	rddreg [dreg:$0x17];
	[sflag:s31] =	ssyncadd.s32 $0xFFFFE0C0  }
0x224: {  	[spmem:s3] =	stream.indirect.scatter.add.bf16 [tilespmem:s25], [sflag:$0xA], $0x40, s15, s20, $0xb8;
	[tilespmem:$0x16040] =	vst v63  }
0x225: {  	_ =	swait.ge [sflag:s1], $0x1F40  }
0x226: {  	[sflag:s1] =	ssyncset.done $0x0  }
0x227: {  	s16 =	rddreg [dreg:$0x18];
	[sflag:s1] =	ssyncadd.s32 $0xFFFFE0C0  }
0x228: {  	[tilespmem:s21], [sflag:$0x1] =	stream.indirect.gather [hbm4b:s2+s20], $0x40, s16, s20, $0xb8;
	[tilespmem:$0x16040] =	vst v63  }
0x229: {  	_ =	swait.ge [sflag:s0], $0x1F40  }
0x22a: {  	[sflag:s0] =	ssyncset.done $0x0  }
0x22b: {  	s17 =	rddreg [dreg:$0x19];
	[sflag:s0] =	ssyncadd.s32 $0xFFFFE0C0  }
0x22c: {  	[tilespmem:s22], [sflag:$0x2] =	stream.indirect.gather [hbm4b:s2+s20], $0x40, s17, s20, $0xb8;
	[tilespmem:$0x16040] =	vst v63  }
0x22d: {  	_ =	swait.ge [sflag:s6], $0x1F40  }
0x22e: {  	[sflag:s6] =	ssyncset.done $0x0  }
0x22f: {  	s15 =	rddreg [dreg:$0x1a];
	[sflag:s6] =	ssyncadd.s32 $0xFFFFE0C0  }
0x230: {  	[tilespmem:s23], [sflag:$0x3] =	stream.indirect.gather [hbm4b:s2+s20], $0x40, s15, s20, $0xb8;
	[tilespmem:$0x16040] =	vst v63  }
0x231: {  	_ =	swait.ge [sflag:s7], $0x1F40  }
0x232: {  	[sflag:s7] =	ssyncset.done $0x0  }
0x233: {  	s16 =	rddreg [dreg:$0x1b];
	[sflag:s7] =	ssyncadd.s32 $0xFFFFE0C0  }
0x234: {  	[tilespmem:s24], [sflag:$0x4] =	stream.indirect.gather [hbm4b:s2+s20], $0x40, s16, s20, $0xb8;
	[tilespmem:$0x16040] =	vst v63  }
0x235: {  	_ =	swait.ge [sflag:s8], $0x1F40  }
0x236: {  	[sflag:s8] =	ssyncset.done $0x0  }
0x237: {  	s17 =	rddreg [dreg:$0x1c];
	[sflag:s8] =	ssyncadd.s32 $0xFFFFE0C0  }
0x238: {  	[tilespmem:s25], [sflag:$0x5] =	stream.indirect.gather [hbm4b:s2+s20], $0x40, s17, s20, $0xb8;
	[tilespmem:$0x16040] =	vst v63  }
0x239: {  	_ =	swait.ge [sflag:s26], $0x1F40  }
0x23a: {  	[sflag:s26] =	ssyncset.done $0x0  }
0x23b: {  	s15 =	rddreg [dreg:$0x1d];
	[sflag:s26] =	ssyncadd.s32 $0xFFFFE0C0  }
0x23c: {  	[spmem:s3] =	stream.indirect.scatter.add.bf16 [tilespmem:s21], [sflag:$0x6], $0x40, s15, s20, $0xb8;
	[tilespmem:$0x16040] =	vst v63  }
0x23d: {  	_ =	swait.ge [sflag:s28], $0x1F40  }
0x23e: {  	[sflag:s28] =	ssyncset.done $0x0  }
0x23f: {  	s16 =	rddreg [dreg:$0x1e];
	[sflag:s28] =	ssyncadd.s32 $0xFFFFE0C0  }
0x240: {  	[spmem:s3] =	stream.indirect.scatter.add.bf16 [tilespmem:s22], [sflag:$0x7], $0x40, s16, s20, $0xb8;
	[tilespmem:$0x16040] =	vst v63  }
0x241: {  	_ =	swait.ge [sflag:s29], $0x1F40  }
0x242: {  	[sflag:s29] =	ssyncset.done $0x0  }
0x243: {  	s17 =	rddreg [dreg:$0x1f];
	[sflag:s29] =	ssyncadd.s32 $0xFFFFE0C0  }
0x244: {  	[spmem:s3] =	stream.indirect.scatter.add.bf16 [tilespmem:s23], [sflag:$0x8], $0x40, s17, s20, $0xb8;
	[tilespmem:$0x16040] =	vst v63  }
0x245: {  	_ =	swait.ge [sflag:s30], $0x1F40  }
0x246: {  	s15 =	sld [smem:$0x7F8]  }
0x247: {  	[sflag:s30] =	ssyncset.done $0x0  }
0x248: {  	[sflag:s30] =	ssyncadd.s32 $0xFFFFE0C0  }
0x249: {  	[spmem:s3] =	stream.indirect.scatter.add.bf16 [tilespmem:s24], [sflag:$0x9], $0x40, s15, s20, $0xb8;
	[tilespmem:$0x16040] =	vst v63  }
0x24a: {  	_ =	swait.ge [sflag:s31], $0x1F40  }
0x24b: {  	s16 =	sld [smem:$0x7F9]  }
0x24c: {  	[sflag:s31] =	ssyncset.done $0x0  }
0x24d: {  	[sflag:s31] =	ssyncadd.s32 $0xFFFFE0C0  }
0x24e: {  	[spmem:s3] =	stream.indirect.scatter.add.bf16 [tilespmem:s25], [sflag:$0xA], $0x40, s16, s20, $0xb8;
	[tilespmem:$0x16040] =	vst v63  }
0x24f: {  	_ =	swait.ge [sflag:s1], $0x1F40  }
0x250: {  	s17 =	sld [smem:$0x7FA]  }
0x251: {  	[sflag:s1] =	ssyncset.done $0x0  }
0x252: {  	[sflag:s1] =	ssyncadd.s32 $0xFFFFE0C0  }
0x253: {  	[tilespmem:s21], [sflag:$0x1] =	stream.indirect.gather [hbm4b:s2+s20], $0x40, s17, s20, $0xb8;
	[tilespmem:$0x16040] =	vst v63  }
0x254: {  	_ =	swait.ge [sflag:s0], $0x1F40  }
0x255: {  	s15 =	sld [smem:$0x7FB]  }
0x256: {  	[sflag:s0] =	ssyncset.done $0x0  }
0x257: {  	[sflag:s0] =	ssyncadd.s32 $0xFFFFE0C0  }
0x258: {  	[tilespmem:s22], [sflag:$0x2] =	stream.indirect.gather [hbm4b:s2+s20], $0x40, s15, s20, $0xb8;
	[tilespmem:$0x16040] =	vst v63  }
0x259: {  	_ =	swait.ge [sflag:s6], $0x1F40  }
0x25a: {  	s16 =	sld [smem:$0x7FC]  }
0x25b: {  	[sflag:s6] =	ssyncset.done $0x0  }
0x25c: {  	[sflag:s6] =	ssyncadd.s32 $0xFFFFE0C0  }
0x25d: {  	[tilespmem:s23], [sflag:$0x3] =	stream.indirect.gather [hbm4b:s2+s20], $0x40, s16, s20, $0xb8;
	[tilespmem:$0x16040] =	vst v63  }
0x25e: {  	_ =	swait.ge [sflag:s7], $0x1F40  }
0x25f: {  	s17 =	sld [smem:$0x7FD]  }
0x260: {  	[sflag:s7] =	ssyncset.done $0x0  }
0x261: {  	[sflag:s7] =	ssyncadd.s32 $0xFFFFE0C0  }
0x262: {  	[tilespmem:s24], [sflag:$0x4] =	stream.indirect.gather [hbm4b:s2+s20], $0x40, s17, s20, $0xb8;
	[tilespmem:$0x16040] =	vst v63  }
0x263: {  	_ =	swait.ge [sflag:s8], $0x1F40  }
0x264: {  	[sflag:s8] =	ssyncset.done $0x0  }
0x265: {  	[sflag:s8] =	ssyncadd.s32 $0xFFFFE0C0  }
0x266: {  	[tilespmem:s25], [sflag:$0x5] =	stream.indirect.gather [hbm4b:s2+s20], $0x40, s9, s20, $0xb8;
	[tilespmem:$0x16040] =	vst v63  }
0x267: {  	_ =	swait.ge [sflag:s26], $0x1F40  }
0x268: {  	[sflag:s26] =	ssyncset.done $0x0  }
0x269: {  	[sflag:s26] =	ssyncadd.s32 $0xFFFFE0C0  }
0x26a: {  	[spmem:s3] =	stream.indirect.scatter.add.bf16 [tilespmem:s21], [sflag:$0x6], $0x40, s10, s20, $0xb8;
	[tilespmem:$0x16040] =	vst v63  }
0x26b: {  	_ =	swait.ge [sflag:s28], $0x1F40  }
0x26c: {  	[sflag:s28] =	ssyncset.done $0x0  }
0x26d: {  	[sflag:s28] =	ssyncadd.s32 $0xFFFFE0C0  }
0x26e: {  	[spmem:s3] =	stream.indirect.scatter.add.bf16 [tilespmem:s22], [sflag:$0x7], $0x40, s11, s20, $0xb8;
	[tilespmem:$0x16040] =	vst v63  }
0x26f: {  	_ =	swait.ge [sflag:s29], $0x1F40  }
0x270: {  	[sflag:s29] =	ssyncset.done $0x0  }
0x271: {  	[sflag:s29] =	ssyncadd.s32 $0xFFFFE0C0  }
0x272: {  	[spmem:s3] =	stream.indirect.scatter.add.bf16 [tilespmem:s23], [sflag:$0x8], $0x40, s12, s20, $0xb8;
	[tilespmem:$0x16040] =	vst v63  }
0x273: {  	_ =	swait.ge [sflag:s30], $0x1F40  }
0x274: {  	[sflag:s30] =	ssyncset.done $0x0  }
0x275: {  	[sflag:s30] =	ssyncadd.s32 $0xFFFFE0C0  }
0x276: {  	[spmem:s3] =	stream.indirect.scatter.add.bf16 [tilespmem:s24], [sflag:$0x9], $0x40, s13, s20, $0xb8;
	[tilespmem:$0x16040] =	vst v63  }
0x277: {  	_ =	swait.ge [sflag:s31], $0x1F40  }
0x278: {  	[sflag:s31] =	ssyncset.done $0x0  }
0x279: {  	[sflag:s31] =	ssyncadd.s32 $0xFFFFE0C0  }
0x27a: {  	[spmem:s3] =	stream.indirect.scatter.add.bf16 [tilespmem:s25], [sflag:$0xA], $0x40, s14, s20, $0xb8;
	[tilespmem:$0x16040] =	vst v63  }
0x27b: {  	_ =	swait.ge [sflag:s1], $0x1F40  }
0x27c: {  	[sflag:s1] =	ssyncset.done $0x0  }
0x27d: {  	[sflag:s1] =	ssyncadd.s32 $0xFFFFE0C0  }
0x27e: {  	_ =	swait.ge [sflag:s0], $0x1F40  }
0x27f: {  	[sflag:s0] =	ssyncset.done $0x0  }
0x280: {  	[sflag:s0] =	ssyncadd.s32 $0xFFFFE0C0  }
0x281: {  	_ =	swait.ge [sflag:s6], $0x1F40  }
0x282: {  	[sflag:s6] =	ssyncset.done $0x0  }
0x283: {  	[sflag:s6] =	ssyncadd.s32 $0xFFFFE0C0  }
0x284: {  	_ =	swait.ge [sflag:s7], $0x1F40  }
0x285: {  	[sflag:s7] =	ssyncset.done $0x0  }
0x286: {  	[sflag:s7] =	ssyncadd.s32 $0xFFFFE0C0  }
0x287: {  	_ =	swait.ge [sflag:s8], $0x1F40  }
0x288: {  	[sflag:s8] =	ssyncset.done $0x0  }
0x289: {  	[sflag:s8] =	ssyncadd.s32 $0xFFFFE0C0  }
0x28a: {  	[bflag:$0x0] =	sbarrier.arrive $0xFFFF  }
0x28b: {  	s16 =	sld [smem:$0x7EC]  }
0x28c: {  	s15 =	stileid.u32;
	s17 =	sld [smem:$0x7F6]  }
0x28d: {  	s5 =	sshll.u32 s15, $0x6  }
0x28e: {  	s5 =	sor.u32 $0x1C0B, s5;
	s15 =	sshrl.u32 s16, $0x3  }
0x28f: {  	[hbm:s17], [sflag:s5] =	dma.local [spmem:s15], $0x1400  }
0x290: {  	_ =	swait.ge [sflag:s18], $0x1400  }
0x291: {  	s16 =	sld [smem:$0x7EB]  }
0x292: {  	s17 =	sld [smem:$0x7F7];
	_ =	sdelay $0x1  }
0x293: {  	s15 =	sadd.s32 $0x1, s16  }
0x294: {  	p0 =	sne.s32 s15, s17  }
.Ltmp2:
0x295: {  	_ = 	snop;
	(pc) =	sbr.rel @p0 .LBB2_1-.Ltmp2, $3  }
0x296: {  	_ =	sdelay $0x1  }
0x297: {  	[sflag:s18] =	ssyncset.done $0x0  }
0x298: {  	[sflag:s18] =	ssyncadd.s32 $0xFFFFEC00  }
0x299: {  	_ =	sfence.sel $0x180000  }
0x29a: {  	[bflag:$0x0] =	sbarrier.arrive $0xFFFF  }
0x29b: {  	_ =	strace $0x90000050  }
0x29c: {  	s0 =	stileid.u32;
	[bflag:$0x2] =	sbarrier.arrive $0xFFFF  }
0x29d: {  	p0 =	sne.s32 s0, $0x0;
	s0 =	rddreg [dreg:$0x3]  }
0x29e: {  	s0 =	sadd.s32 @!p0 $0x100000, s0  }
0x29f: {  	[sflag:s0] =	ssyncadd.tile.s32 @!p0 $0x1;
	_ =	shalt  }
.Lfunc_end2:
_tile_overlayer_lowered:
.L_overlay_start_2:
0x2a0: {  	(tag) =	ssettag $0x2  }
0x2a1: {  	s0 =	rddreg [dreg:$0x0];
	s2 =	stileid.u32  }
0x2a2: {  	s1 =	rddreg [dreg:$0x1];
	p0 =	sne.s32 s2, $0x0  }
0x2a3: {  	s3 =	rddreg [dreg:$0x2];
	[bflag:$0x3] =	sbarrier.arrive $0xFFFF;
	s2 =	simm.s32 @!p0 $0x1C0B  }
0x2a4: {  	[timem:s3], [sflag:s2] =	dma.local @!p0 [hbm:s0], s1  }
0x2a5: {  	s0 =	simm.s32 @!p0 $0xB  }
0x2a6: {  	_ =	swait.ge @!p0 [sflag:s0], s1  }
0x2a7: {  	s1 =	ssub.s32 @!p0 $0x0, s1;
	[sflag:s0] =	ssyncset.done @!p0 $0x0  }
0x2a8: {  	[sflag:s0] =	ssyncadd.s32 @!p0 s1  }
0x2a9: {  	[bflag:$0x3] =	sbarrier.arrive $0xFFFF  }
0x2aa: {  	_ =	shalt  }

</sc_bundles>
